<compile_context>
chip_gen: v7x
topology: tpu7x:2x2x1
jax: 0.10.2.dev20260603
libtpu: 0.0.44.dev20260713+nightly
codegen_flags: <defaults>
</compile_context>

<pallas_src>
import jax
import jax.numpy as jnp
from jax import lax
from jax.experimental import pallas as pl
from jax.experimental.pallas import tpu as pltpu
from jax.experimental.pallas import tpu_sc as plsc

T = 2048
D = 768
H = 512
E = 16
BLK = 256
NT = (T * 2 + E * BLK) // BLK
PAD_T = NT * BLK
NC, NS = 2, 16
NW = NC * NS
CHUNK = T // NW


HD = D // 2


def _pack_rows(y):
    ua = lax.bitcast_convert_type(y[:, :HD], jnp.uint32)
    ub = lax.bitcast_convert_type(y[:, HD:], jnp.uint32)
    ra = (ua + 0x7FFF + ((ua >> 16) & 1)) >> 16
    rb = (ub + 0x7FFF + ((ub >> 16) & 1)) >> 16
    return lax.bitcast_convert_type((rb << 16) | ra, jnp.float32)


def _unpack_rows(w):
    u = lax.bitcast_convert_type(w, jnp.uint32)
    lo = lax.bitcast_convert_type(u << 16, jnp.float32)
    hi = lax.bitcast_convert_type(u & jnp.uint32(0xFFFF0000), jnp.float32)
    return jnp.concatenate([lo, hi], axis=1)


def _cumsum_rows(a):
    d = 1
    while d < a.shape[0]:
        a = a + jnp.concatenate([jnp.zeros((d, a.shape[1]), a.dtype), a[:-d]], axis=0)
        d *= 2
    return a


def _cumsum_lanes(a):
    d = 1
    while d < a.shape[1]:
        a = a + jnp.concatenate([jnp.zeros((a.shape[0], d), a.dtype), a[:, :-d]], axis=1)
        d *= 2
    return a


def _router_body(xf_ref, wg_ref, eb_ref, pos0_ref, pos1_ref, w0_ref, w1_ref,
                 meta_ref, mv_ref, xq_ref):
    x = xf_ref[...]
    xq_ref[...] = _pack_rows(x)
    wg = wg_ref[...]

    st = lax.dot_general(wg, x, (((1,), (1,)), ((), ())),
                         preferred_element_type=jnp.float32)
    bt = st + eb_ref[...]
    idt = lax.broadcasted_iota(jnp.int32, (E, T), 0)

    scores = lax.dot_general(x, wg, (((1,), (1,)), ((), ())),
                             preferred_element_type=jnp.float32)
    idx = lax.broadcasted_iota(jnp.int32, (T, E), 1)
    v1 = jnp.max(scores, axis=1, keepdims=True)
    iu1 = jnp.min(jnp.where(scores == v1, idx, E), axis=1, keepdims=True)
    v2 = jnp.max(jnp.where(idx == iu1, -jnp.inf, scores), axis=1, keepdims=True)
    s1 = jax.nn.sigmoid(v1)
    s2 = jax.nn.sigmoid(v2)
    w0_ref[...] = jnp.broadcast_to(s1 / (s1 + s2), (T, 16))
    w1_ref[...] = jnp.broadcast_to(s2 / (s1 + s2), (T, 16))
    m1 = jnp.max(bt, axis=0, keepdims=True)
    i1 = jnp.min(jnp.where(bt == m1, idt, E), axis=0, keepdims=True)
    bt2 = jnp.where(idt == i1, -jnp.inf, bt)
    m2 = jnp.max(bt2, axis=0, keepdims=True)
    i2 = jnp.min(jnp.where(bt2 == m2, idt, E), axis=0, keepdims=True)

    oh0 = (idt == i1).astype(jnp.float32)
    oh1 = (idt == i2).astype(jnp.float32)
    c0 = _cumsum_lanes(oh0)
    c1 = _cumsum_lanes(oh1)
    rank0 = jnp.sum((c0 - oh0) * oh0, axis=0, keepdims=True)
    rank1 = jnp.sum((c1 - oh1) * oh1, axis=0, keepdims=True)
    counts0 = jnp.sum(oh0, axis=1, keepdims=True)
    counts1 = jnp.sum(oh1, axis=1, keepdims=True)
    counts = counts0 + counts1
    pc = jnp.ceil(counts * (1.0 / BLK)) * BLK
    gstart = _cumsum_rows(pc) - pc
    base0 = jnp.sum(gstart * oh0, axis=0, keepdims=True)
    base1 = jnp.sum((gstart + counts0) * oh1, axis=0, keepdims=True)
    pos0_ref[...] = (base0 + rank0).astype(jnp.int32).reshape(T)
    pos1_ref[...] = (base1 + rank1).astype(jnp.int32).reshape(T)

    total = jnp.sum(pc, axis=0, keepdims=True)
    ts = (lax.broadcasted_iota(jnp.int32, (1, NT), 1) * BLK).astype(jnp.float32)
    expert = jnp.sum((ts >= gstart).astype(jnp.int32), axis=0,
                     keepdims=True) - 1
    tile_i = lax.broadcasted_iota(jnp.int32, (1, NT), 1)
    active = (ts < total).astype(jnp.int32)
    ntiles = jnp.sum(active, axis=1, keepdims=True)
    clamp = jnp.minimum(tile_i, ntiles - 1)
    last_e = jnp.sum(jnp.where(tile_i == ntiles - 1, expert, 0),
                     axis=1, keepdims=True)
    expert = jnp.where(active == 1, expert, last_e)
    meta_ref[...] = jnp.concatenate([expert, active, clamp], axis=0)

    freq = counts * (1.0 / (T * 2))
    fmax = jnp.max(freq, axis=0, keepdims=True)
    fmean = jnp.sum(freq, axis=0, keepdims=True) * (1.0 / E)
    mv_ref[...] = (fmax - fmean) / fmean


def _router(xf, wg, eb):
    return pl.pallas_call(
        _router_body,
        out_shape=(
            jax.ShapeDtypeStruct((T,), jnp.int32),
            jax.ShapeDtypeStruct((T,), jnp.int32),
            jax.ShapeDtypeStruct((T, 16), jnp.float32),
            jax.ShapeDtypeStruct((T, 16), jnp.float32),
            jax.ShapeDtypeStruct((3, NT), jnp.int32),
            jax.ShapeDtypeStruct((1, 1), jnp.float32),
            jax.ShapeDtypeStruct((T, HD), jnp.float32),
        ),
    )(xf, wg, eb)


def _dispatch_body(xq_hbm, pos0_hbm, pos1_hbm, xs_hbm, rows_v, idx0_v, idx1_v,
                   sem0, sem1):
    wid = lax.axis_index("s") * NC + lax.axis_index("c")
    base = wid * CHUNK
    pltpu.sync_copy(xq_hbm.at[pl.ds(base, CHUNK)], rows_v)
    pltpu.sync_copy(pos0_hbm.at[pl.ds(base, CHUNK)], idx0_v)
    pltpu.sync_copy(pos1_hbm.at[pl.ds(base, CHUNK)], idx1_v)
    c0 = pltpu.async_copy(rows_v, xs_hbm.at[idx0_v], sem0)
    c1 = pltpu.async_copy(rows_v, xs_hbm.at[idx1_v], sem1)
    c0.wait()
    c1.wait()


def _dispatch(xq, pos0, pos1):
    mesh = plsc.VectorSubcoreMesh(core_axis_name="c", subcore_axis_name="s",
                                  num_cores=NC, num_subcores=NS)
    return pl.kernel(
        _dispatch_body,
        out_type=jax.ShapeDtypeStruct((PAD_T, HD), jnp.float32),
        mesh=mesh,
        scratch_types=[
            pltpu.VMEM((CHUNK, HD), jnp.float32),
            pltpu.VMEM((CHUNK,), jnp.int32),
            pltpu.VMEM((CHUNK,), jnp.int32),
            pltpu.SemaphoreType.DMA,
            pltpu.SemaphoreType.DMA,
        ],
    )(xq, pos0, pos1)


def _swiglu(x, w1, w2, w3):
    a = lax.dot_general(x, w1.astype(jnp.bfloat16), (((1,), (1,)), ((), ())),
                        preferred_element_type=jnp.float32)
    b = lax.dot_general(x, w3.astype(jnp.bfloat16), (((1,), (1,)), ((), ())),
                        preferred_element_type=jnp.float32)
    h = (jax.nn.silu(a) * b).astype(jnp.bfloat16)
    return lax.dot_general(h, w2.astype(jnp.bfloat16), (((1,), (1,)), ((), ())),
                           preferred_element_type=jnp.float32)


def _expert_body(meta_ref, xs_ref, w1_ref, w2_ref, w3_ref, ys_ref):
    i = pl.program_id(0)

    @pl.when(meta_ref[1, i] == 1)
    def _():
        x = _unpack_rows(xs_ref[...]).astype(jnp.bfloat16)
        ys_ref[...] = _pack_rows(_swiglu(x, w1_ref[0], w2_ref[0], w3_ref[0]))


def _expert_mlp(meta, xs, w1, w2, w3):
    grid_spec = pltpu.PrefetchScalarGridSpec(
        num_scalar_prefetch=1,
        grid=(NT,),
        in_specs=[
            pl.BlockSpec((BLK, HD), lambda i, m: (m[2, i], 0)),
            pl.BlockSpec((1, H, D), lambda i, m: (m[0, i], 0, 0)),
            pl.BlockSpec((1, D, H), lambda i, m: (m[0, i], 0, 0)),
            pl.BlockSpec((1, H, D), lambda i, m: (m[0, i], 0, 0)),
        ],
        out_specs=pl.BlockSpec((BLK, HD), lambda i, m: (m[2, i], 0)),
    )
    return pl.pallas_call(
        _expert_body,
        grid_spec=grid_spec,
        out_shape=jax.ShapeDtypeStruct((PAD_T, HD), jnp.float32),
        compiler_params=pltpu.CompilerParams(
            dimension_semantics=("arbitrary",)),
    )(meta, xs, w1, w2, w3)


def _shared_body(xq_ref, sw1_ref, sw2_ref, sw3_ref, out_ref):
    x = _unpack_rows(xq_ref[...]).astype(jnp.bfloat16)
    out_ref[...] = _pack_rows(_swiglu(x, sw1_ref[...], sw2_ref[...], sw3_ref[...]))


def _shared_mlp(xq, sw1, sw2, sw3):
    sblk = 512
    nblk = T // sblk
    return pl.pallas_call(
        _shared_body,
        grid=(nblk,),
        in_specs=[
            pl.BlockSpec((sblk, HD), lambda i: (i, 0)),
            pl.BlockSpec((H, D), lambda i: (0, 0)),
            pl.BlockSpec((D, H), lambda i: (0, 0)),
            pl.BlockSpec((H, D), lambda i: (0, 0)),
        ],
        out_specs=pl.BlockSpec((sblk, HD), lambda i: (i, 0)),
        out_shape=jax.ShapeDtypeStruct((T, HD), jnp.float32),
        compiler_params=pltpu.CompilerParams(
            dimension_semantics=("arbitrary",)),
    )(xq, sw1, sw2, sw3)


def _combine_body(ys_hbm, shared_hbm, pos0_hbm, pos1_hbm, w0_hbm, w1_hbm,
                  out_hbm, out_v, sh_v, g0_v, g1_v, idx0_v, idx1_v, w0_v, w1_v,
                  sem0, sem1):
    wid = lax.axis_index("s") * NC + lax.axis_index("c")
    base = wid * CHUNK
    pltpu.sync_copy(pos0_hbm.at[pl.ds(base, CHUNK)], idx0_v)
    pltpu.sync_copy(pos1_hbm.at[pl.ds(base, CHUNK)], idx1_v)
    c0 = pltpu.async_copy(ys_hbm.at[idx0_v], g0_v, sem0)
    c1 = pltpu.async_copy(ys_hbm.at[idx1_v], g1_v, sem1)
    pltpu.sync_copy(shared_hbm.at[pl.ds(base, CHUNK)], sh_v)
    pltpu.sync_copy(w0_hbm.at[pl.ds(base, CHUNK)], w0_v)
    pltpu.sync_copy(w1_hbm.at[pl.ds(base, CHUNK)], w1_v)
    c0.wait()
    c1.wait()

    hi_mask = jnp.full((16,), 0xFFFF0000, jnp.uint32)

    def unpk(u):
        return (plsc.bitcast(u << 16, jnp.float32),
                plsc.bitcast(u & hi_mask, jnp.float32))

    for half in range(2):
        hbase = half * (CHUNK // 2)

        @plsc.parallel_loop(0, CHUNK // 2)
        def row(i, hbase=hbase):
            r = hbase + i
            a = w0_v[r, :]
            b = w1_v[r, :]
            for j in range(HD // 16):
                col = j * 16
                lo0, hi0 = unpk(plsc.bitcast(g0_v[r, pl.ds(col, 16)], jnp.uint32))
                lo1, hi1 = unpk(plsc.bitcast(g1_v[r, pl.ds(col, 16)], jnp.uint32))
                los, his = unpk(plsc.bitcast(sh_v[r, pl.ds(col, 16)], jnp.uint32))
                out_v[i, pl.ds(col, 16)] = los + a * lo0 + b * lo1
                out_v[i, pl.ds(HD + col, 16)] = his + a * hi0 + b * hi1

        pltpu.sync_copy(out_v, out_hbm.at[pl.ds(base + hbase, CHUNK // 2)])


def _combine(ys, shared, pos0, pos1, w0, w1):
    mesh = plsc.VectorSubcoreMesh(core_axis_name="c", subcore_axis_name="s",
                                  num_cores=NC, num_subcores=NS)
    return pl.kernel(
        _combine_body,
        out_type=jax.ShapeDtypeStruct((T, D), jnp.float32),
        mesh=mesh,
        compiler_params=pltpu.CompilerParams(needs_layout_passes=False),
        scratch_types=[
            pltpu.VMEM((CHUNK // 2, D), jnp.float32),
            pltpu.VMEM((CHUNK, HD), jnp.float32),
            pltpu.VMEM((CHUNK, HD), jnp.float32),
            pltpu.VMEM((CHUNK, HD), jnp.float32),
            pltpu.VMEM((CHUNK,), jnp.int32),
            pltpu.VMEM((CHUNK,), jnp.int32),
            pltpu.VMEM((CHUNK, 16), jnp.float32),
            pltpu.VMEM((CHUNK, 16), jnp.float32),
            pltpu.SemaphoreType.DMA,
            pltpu.SemaphoreType.DMA,
        ],
    )(ys, shared, pos0, pos1, w0, w1)


def kernel(x, Wg, W1, W2, W3, SW1, SW2, SW3, e_bias):
    xf = x.reshape(T, D)
    pos0, pos1, w0, w1, meta, mv, xq = _router(xf, Wg, e_bias.reshape(E, 1))
    shared = _shared_mlp(xq, SW1[0], SW2[0], SW3[0])
    xs = _dispatch(xq, pos0, pos1)
    ys = _expert_mlp(meta, xs, W1, W2, W3)
    out = _combine(ys, shared, pos0, pos1, w0, w1)
    return out.reshape(1, T, D), jnp.float32(0.0), mv.reshape(())

# --- scband reference (transcript-rebuilt; emitter-appended) ---
"""Pipeline reference for scband-dsmo-e-43508018709051 (READ-ONLY COPY).

The authoritative reference and input builder live on the scoring server;
editing this copy changes nothing except your own understanding.
"""

import jax, jax.numpy as jnp
import numpy as np

DIM = 768
HIDDEN = 512
E = 16
TOPK = 2
SHARED = 1
B, S = 1, 2048


def _mlp(x, w1, w2, w3):
    # SwiGLU MLP: down( silu(gate(x)) * up(x) ), no bias
    return (jax.nn.silu(x @ w1.T) * (x @ w3.T)) @ w2.T


def setup_inputs(seed: int = 0) -> dict:
    key = jax.random.key(seed)
    ks = jax.random.split(key, 9)
    x = jax.random.normal(ks[0], (B, S, DIM), dtype=jnp.float32)
    Wg = jax.random.normal(ks[1], (E, DIM), dtype=jnp.float32) * (DIM ** -0.5)
    W1 = jax.random.normal(ks[2], (E, HIDDEN, DIM), dtype=jnp.float32) * (DIM ** -0.5)
    W2 = jax.random.normal(ks[3], (E, DIM, HIDDEN), dtype=jnp.float32) * (HIDDEN ** -0.5)
    W3 = jax.random.normal(ks[4], (E, HIDDEN, DIM), dtype=jnp.float32) * (DIM ** -0.5)
    SW1 = jax.random.normal(ks[5], (SHARED, HIDDEN, DIM), dtype=jnp.float32) * (DIM ** -0.5)
    SW2 = jax.random.normal(ks[6], (SHARED, DIM, HIDDEN), dtype=jnp.float32) * (HIDDEN ** -0.5)
    SW3 = jax.random.normal(ks[7], (SHARED, HIDDEN, DIM), dtype=jnp.float32) * (DIM ** -0.5)
    e_bias = jnp.zeros((E,), dtype=jnp.float32)
    return {"x": x, "Wg": Wg, "W1": W1, "W2": W2, "W3": W3,
            "SW1": SW1, "SW2": SW2, "SW3": SW3, "e_bias": e_bias}


def reference(x, Wg, W1, W2, W3, SW1, SW2, SW3, e_bias):
    b, s, d = x.shape
    # shared experts over full sequence
    shared = jnp.zeros_like(x)
    for i in range(SHARED):
        shared = shared + _mlp(x, SW1[i], SW2[i], SW3[i])
    xf = x.reshape(b * s, d)
    scores = xf @ Wg.T                                   # [T, E]
    _, expert_indices = jax.lax.top_k(scores + e_bias, TOPK)  # aux-free biased routing
    flat_idx = expert_indices.reshape(-1)                # [T*k]
    x_rep = jnp.repeat(xf, TOPK, axis=0)                 # repeat_interleave
    output = jnp.zeros_like(x_rep)
    # dense masked expert dispatch (math-identical to boolean scatter assign)
    for e in range(E):
        mask = (flat_idx == e).astype(x.dtype)[:, None]
        output = output + _mlp(x_rep, W1[e], W2[e], W3[e]) * mask
    router_probs, _ = jax.lax.top_k(scores, TOPK)        # note: unbiased scores, like torch code
    router_probs = jax.nn.sigmoid(router_probs)
    router_probs = router_probs / jnp.sum(router_probs, axis=-1, keepdims=True)
    output = output.reshape(router_probs.shape[0], router_probs.shape[1], -1)
    output = output * router_probs[..., None]
    output = output.sum(axis=1)
    out = shared + output.reshape(b, s, d)
    # maximal violation metric
    freq = jnp.bincount(flat_idx, length=E).astype(jnp.float32) / flat_idx.shape[0]
    mv = (freq.max() - freq.mean()) / freq.mean()
    return (out, jnp.float32(0.0), mv)

if __name__ == "__main__":
    import jax
    _d = setup_inputs()
    print(jax.jit(kernel)(*tuple(_d.values())))

</pallas_src>

<mosaic_0001>
#map = affine_map<(d0, d1) -> (0, 0)>
#map1 = affine_map<(d0, d1) -> (0)>
module attributes {stable_mosaic.version = 14 : i64} {
  func.func @_combine_body(%arg0: i32, %arg1: i32, %arg2: memref<8192x384xf32, #tpu.memory_space<hbm>>, %arg3: memref<2048x384xf32, #tpu.memory_space<hbm>>, %arg4: memref<2048xi32, #tpu.memory_space<hbm>>, %arg5: memref<2048xi32, #tpu.memory_space<hbm>>, %arg6: memref<2048x16xf32, #tpu.memory_space<hbm>>, %arg7: memref<2048x16xf32, #tpu.memory_space<hbm>>, %arg8: memref<2048x768xf32, #tpu.memory_space<hbm>>, %arg9: memref<32x768xf32, #tpu.memory_space<vmem>>, %arg10: memref<64x384xf32, #tpu.memory_space<vmem>>, %arg11: memref<64x384xf32, #tpu.memory_space<vmem>>, %arg12: memref<64x384xf32, #tpu.memory_space<vmem>>, %arg13: memref<64xi32, #tpu.memory_space<vmem>>, %arg14: memref<64xi32, #tpu.memory_space<vmem>>, %arg15: memref<64x16xf32, #tpu.memory_space<vmem>>, %arg16: memref<64x16xf32, #tpu.memory_space<vmem>>, %arg17: memref<!tpu.dma_semaphore, #tpu.memory_space<semaphore_mem>>, %arg18: memref<!tpu.dma_semaphore, #tpu.memory_space<semaphore_mem>>) attributes {dimension_semantics = [#tpu.dimension_semantics<core_parallel>, #tpu.dimension_semantics<subcore_parallel>], iteration_bounds = array<i64: 2, 16>, scalar_prefetch = 0 : i64, scratch_operands = 10 : i64, tpu.core_type = #tpu.core_type<sc_vector_subcore>, window_params = [{transform_indices = #map}, {transform_indices = #map}, {transform_indices = #map1}, {transform_indices = #map1}, {transform_indices = #map}, {transform_indices = #map}, {transform_indices = #map}]} {
    %mul3A = arith.constant 2 : i32
    %mul3A_0 = arith.muli %arg1, %mul3A : i32
    %add3A = arith.addi %mul3A_0, %arg0 : i32
    %mul3A_1 = arith.constant 64 : i32
    %mul3A_2 = arith.muli %add3A, %mul3A_1 : i32
    "tpu.region"() ({
      %run_scoped3A = tpu.sem_alloc : memref<!tpu.dma_semaphore, #tpu.memory_space<semaphore_mem>>
      %dma_start3A_23 = tpu.memref_slice %arg4[%mul3A_2] : memref<2048xi32, #tpu.memory_space<hbm>> -> memref<64xi32, #tpu.memory_space<hbm>>
      %dma_start3A_24 = tpu.memref_slice %arg4[%mul3A_2] : memref<2048xi32, #tpu.memory_space<hbm>> -> memref<64xi32, #tpu.memory_space<hbm>>
      tpu.enqueue_dma source(%dma_start3A_24 : memref<64xi32, #tpu.memory_space<hbm>>) target(%arg13 : memref<64xi32, #tpu.memory_space<vmem>>) target_semaphore(%run_scoped3A : memref<!tpu.dma_semaphore, #tpu.memory_space<semaphore_mem>>)
      %dma_wait3A_25 = tpu.memref_slice %arg4[%mul3A_2] : memref<2048xi32, #tpu.memory_space<hbm>> -> memref<64xi32, #tpu.memory_space<hbm>>
      %dma_wait3A_26 = tpu.memref_slice %arg4[%mul3A_2] : memref<2048xi32, #tpu.memory_space<hbm>> -> memref<64xi32, #tpu.memory_space<hbm>>
      tpu.wait_dma2 semaphore(%run_scoped3A : memref<!tpu.dma_semaphore, #tpu.memory_space<semaphore_mem>>) src(%dma_wait3A_26 : memref<64xi32, #tpu.memory_space<hbm>>) dst(%arg13 : memref<64xi32, #tpu.memory_space<vmem>>)
      tpu.yield
    }) : () -> ()
    "tpu.region"() ({
      %run_scoped3A = tpu.sem_alloc : memref<!tpu.dma_semaphore, #tpu.memory_space<semaphore_mem>>
      %dma_start3A_23 = tpu.memref_slice %arg5[%mul3A_2] : memref<2048xi32, #tpu.memory_space<hbm>> -> memref<64xi32, #tpu.memory_space<hbm>>
      %dma_start3A_24 = tpu.memref_slice %arg5[%mul3A_2] : memref<2048xi32, #tpu.memory_space<hbm>> -> memref<64xi32, #tpu.memory_space<hbm>>
      tpu.enqueue_dma source(%dma_start3A_24 : memref<64xi32, #tpu.memory_space<hbm>>) target(%arg14 : memref<64xi32, #tpu.memory_space<vmem>>) target_semaphore(%run_scoped3A : memref<!tpu.dma_semaphore, #tpu.memory_space<semaphore_mem>>)
      %dma_wait3A_25 = tpu.memref_slice %arg5[%mul3A_2] : memref<2048xi32, #tpu.memory_space<hbm>> -> memref<64xi32, #tpu.memory_space<hbm>>
      %dma_wait3A_26 = tpu.memref_slice %arg5[%mul3A_2] : memref<2048xi32, #tpu.memory_space<hbm>> -> memref<64xi32, #tpu.memory_space<hbm>>
      tpu.wait_dma2 semaphore(%run_scoped3A : memref<!tpu.dma_semaphore, #tpu.memory_space<semaphore_mem>>) src(%dma_wait3A_26 : memref<64xi32, #tpu.memory_space<hbm>>) dst(%arg14 : memref<64xi32, #tpu.memory_space<vmem>>)
      tpu.yield
    }) : () -> ()
    %dma_start3A = arith.constant 0 : i32
    %dma_start3A_3 = arith.constant 0 : i32
    %dma_start3A_4 = tpu.memref_slice %arg2[%dma_start3A, %dma_start3A_3] : memref<8192x384xf32, #tpu.memory_space<hbm>> -> memref<8192x384xf32, #tpu.memory_space<hbm>>
    tpu.enqueue_indirect_dma source(%dma_start3A_4 : memref<8192x384xf32, #tpu.memory_space<hbm>>) target(%arg11 : memref<64x384xf32, #tpu.memory_space<vmem>>) offsets(%arg13 : memref<64xi32, #tpu.memory_space<vmem>>) semaphore(%arg17 : memref<!tpu.dma_semaphore, #tpu.memory_space<semaphore_mem>>)
    %dma_start3A_5 = arith.constant 0 : i32
    %dma_start3A_6 = arith.constant 0 : i32
    %dma_start3A_7 = tpu.memref_slice %arg2[%dma_start3A_5, %dma_start3A_6] : memref<8192x384xf32, #tpu.memory_space<hbm>> -> memref<8192x384xf32, #tpu.memory_space<hbm>>
    tpu.enqueue_indirect_dma source(%dma_start3A_7 : memref<8192x384xf32, #tpu.memory_space<hbm>>) target(%arg12 : memref<64x384xf32, #tpu.memory_space<vmem>>) offsets(%arg14 : memref<64xi32, #tpu.memory_space<vmem>>) semaphore(%arg18 : memref<!tpu.dma_semaphore, #tpu.memory_space<semaphore_mem>>)
    "tpu.region"() ({
      %run_scoped3A = tpu.sem_alloc : memref<!tpu.dma_semaphore, #tpu.memory_space<semaphore_mem>>
      %dma_start3A_23 = arith.constant 0 : i32
      %dma_start3A_24 = tpu.memref_slice %arg3[%mul3A_2, %dma_start3A_23] : memref<2048x384xf32, #tpu.memory_space<hbm>> -> memref<64x384xf32, #tpu.memory_space<hbm>>
      %dma_start3A_25 = arith.constant 0 : i32
      %dma_start3A_26 = tpu.memref_slice %arg3[%mul3A_2, %dma_start3A_25] : memref<2048x384xf32, #tpu.memory_space<hbm>> -> memref<64x384xf32, #tpu.memory_space<hbm>>
      tpu.enqueue_dma source(%dma_start3A_26 : memref<64x384xf32, #tpu.memory_space<hbm>>) target(%arg10 : memref<64x384xf32, #tpu.memory_space<vmem>>) target_semaphore(%run_scoped3A : memref<!tpu.dma_semaphore, #tpu.memory_space<semaphore_mem>>)
      %dma_wait3A_27 = arith.constant 0 : i32
      %dma_wait3A_28 = tpu.memref_slice %arg3[%mul3A_2, %dma_wait3A_27] : memref<2048x384xf32, #tpu.memory_space<hbm>> -> memref<64x384xf32, #tpu.memory_space<hbm>>
      %dma_wait3A_29 = arith.constant 0 : i32
      %dma_wait3A_30 = tpu.memref_slice %arg3[%mul3A_2, %dma_wait3A_29] : memref<2048x384xf32, #tpu.memory_space<hbm>> -> memref<64x384xf32, #tpu.memory_space<hbm>>
      tpu.wait_dma2 semaphore(%run_scoped3A : memref<!tpu.dma_semaphore, #tpu.memory_space<semaphore_mem>>) src(%dma_wait3A_30 : memref<64x384xf32, #tpu.memory_space<hbm>>) dst(%arg10 : memref<64x384xf32, #tpu.memory_space<vmem>>)
      tpu.yield
    }) : () -> ()
    "tpu.region"() ({
      %run_scoped3A = tpu.sem_alloc : memref<!tpu.dma_semaphore, #tpu.memory_space<semaphore_mem>>
      %dma_start3A_23 = arith.constant 0 : i32
      %dma_start3A_24 = tpu.memref_slice %arg6[%mul3A_2, %dma_start3A_23] : memref<2048x16xf32, #tpu.memory_space<hbm>> -> memref<64x16xf32, #tpu.memory_space<hbm>>
      %dma_start3A_25 = arith.constant 0 : i32
      %dma_start3A_26 = tpu.memref_slice %arg6[%mul3A_2, %dma_start3A_25] : memref<2048x16xf32, #tpu.memory_space<hbm>> -> memref<64x16xf32, #tpu.memory_space<hbm>>
      tpu.enqueue_dma source(%dma_start3A_26 : memref<64x16xf32, #tpu.memory_space<hbm>>) target(%arg15 : memref<64x16xf32, #tpu.memory_space<vmem>>) target_semaphore(%run_scoped3A : memref<!tpu.dma_semaphore, #tpu.memory_space<semaphore_mem>>)
      %dma_wait3A_27 = arith.constant 0 : i32
      %dma_wait3A_28 = tpu.memref_slice %arg6[%mul3A_2, %dma_wait3A_27] : memref<2048x16xf32, #tpu.memory_space<hbm>> -> memref<64x16xf32, #tpu.memory_space<hbm>>
      %dma_wait3A_29 = arith.constant 0 : i32
      %dma_wait3A_30 = tpu.memref_slice %arg6[%mul3A_2, %dma_wait3A_29] : memref<2048x16xf32, #tpu.memory_space<hbm>> -> memref<64x16xf32, #tpu.memory_space<hbm>>
      tpu.wait_dma2 semaphore(%run_scoped3A : memref<!tpu.dma_semaphore, #tpu.memory_space<semaphore_mem>>) src(%dma_wait3A_30 : memref<64x16xf32, #tpu.memory_space<hbm>>) dst(%arg15 : memref<64x16xf32, #tpu.memory_space<vmem>>)
      tpu.yield
    }) : () -> ()
    "tpu.region"() ({
      %run_scoped3A = tpu.sem_alloc : memref<!tpu.dma_semaphore, #tpu.memory_space<semaphore_mem>>
      %dma_start3A_23 = arith.constant 0 : i32
      %dma_start3A_24 = tpu.memref_slice %arg7[%mul3A_2, %dma_start3A_23] : memref<2048x16xf32, #tpu.memory_space<hbm>> -> memref<64x16xf32, #tpu.memory_space<hbm>>
      %dma_start3A_25 = arith.constant 0 : i32
      %dma_start3A_26 = tpu.memref_slice %arg7[%mul3A_2, %dma_start3A_25] : memref<2048x16xf32, #tpu.memory_space<hbm>> -> memref<64x16xf32, #tpu.memory_space<hbm>>
      tpu.enqueue_dma source(%dma_start3A_26 : memref<64x16xf32, #tpu.memory_space<hbm>>) target(%arg16 : memref<64x16xf32, #tpu.memory_space<vmem>>) target_semaphore(%run_scoped3A : memref<!tpu.dma_semaphore, #tpu.memory_space<semaphore_mem>>)
      %dma_wait3A_27 = arith.constant 0 : i32
      %dma_wait3A_28 = tpu.memref_slice %arg7[%mul3A_2, %dma_wait3A_27] : memref<2048x16xf32, #tpu.memory_space<hbm>> -> memref<64x16xf32, #tpu.memory_space<hbm>>
      %dma_wait3A_29 = arith.constant 0 : i32
      %dma_wait3A_30 = tpu.memref_slice %arg7[%mul3A_2, %dma_wait3A_29] : memref<2048x16xf32, #tpu.memory_space<hbm>> -> memref<64x16xf32, #tpu.memory_space<hbm>>
      tpu.wait_dma2 semaphore(%run_scoped3A : memref<!tpu.dma_semaphore, #tpu.memory_space<semaphore_mem>>) src(%dma_wait3A_30 : memref<64x16xf32, #tpu.memory_space<hbm>>) dst(%arg16 : memref<64x16xf32, #tpu.memory_space<vmem>>)
      tpu.yield
    }) : () -> ()
    %dma_wait3A = arith.constant 0 : i32
    %dma_wait3A_8 = arith.constant 0 : i32
    %dma_wait3A_9 = tpu.memref_slice %arg2[%dma_wait3A, %dma_wait3A_8] : memref<8192x384xf32, #tpu.memory_space<hbm>> -> memref<8192x384xf32, #tpu.memory_space<hbm>>
    tpu.wait_indirect_dma semaphore(%arg17 : memref<!tpu.dma_semaphore, #tpu.memory_space<semaphore_mem>>) src(%dma_wait3A_9 : memref<8192x384xf32, #tpu.memory_space<hbm>>) dst(%arg11 : memref<64x384xf32, #tpu.memory_space<vmem>>)
    %dma_wait3A_10 = arith.constant 0 : i32
    %dma_wait3A_11 = arith.constant 0 : i32
    %dma_wait3A_12 = tpu.memref_slice %arg2[%dma_wait3A_10, %dma_wait3A_11] : memref<8192x384xf32, #tpu.memory_space<hbm>> -> memref<8192x384xf32, #tpu.memory_space<hbm>>
    tpu.wait_indirect_dma semaphore(%arg18 : memref<!tpu.dma_semaphore, #tpu.memory_space<semaphore_mem>>) src(%dma_wait3A_12 : memref<8192x384xf32, #tpu.memory_space<hbm>>) dst(%arg12 : memref<64x384xf32, #tpu.memory_space<vmem>>)
    %broadcast_in_dim3A = arith.constant -65536 : i32
    %broadcast_in_dim3A_13 = vector.broadcast %broadcast_in_dim3A : i32 to vector<16xi32>
    %parallel_loop3A = arith.constant 0 : i32
    %parallel_loop3A_14 = arith.constant 32 : i32
    %parallel_loop3A_15 = arith.constant 1 : i32
    scf.for %parallel_loop3A_23 = %parallel_loop3A to %parallel_loop3A_14 step %parallel_loop3A_15  : i32 {
      %parallel_loop3A_24 = arith.constant 0 : i32
      %parallel_loop3A_25 = arith.addi %parallel_loop3A_24, %parallel_loop3A_23 : i32
      %parallel_loop3A_26 = arith.index_cast %parallel_loop3A_25 : i32 to index
      %parallel_loop3A_27 = arith.constant 0 : index
      %parallel_loop3A_28 = tpu.vector_load %arg15[%parallel_loop3A_26, %parallel_loop3A_27] {strides = array<i32>} : memref<64x16xf32, #tpu.memory_space<vmem>>, vector<16xf32>,
      %parallel_loop3A_29 = arith.index_cast %parallel_loop3A_25 : i32 to index
      %parallel_loop3A_30 = arith.constant 0 : index
      %parallel_loop3A_31 = tpu.vector_load %arg16[%parallel_loop3A_29, %parallel_loop3A_30] {strides = array<i32>} : memref<64x16xf32, #tpu.memory_space<vmem>>, vector<16xf32>,
      %parallel_loop3A_32 = arith.index_cast %parallel_loop3A_25 : i32 to index
      %parallel_loop3A_33 = arith.constant 0 : index
      %parallel_loop3A_34 = tpu.vector_load %arg11[%parallel_loop3A_32, %parallel_loop3A_33] {strides = array<i32>} : memref<64x384xf32, #tpu.memory_space<vmem>>, vector<16xf32>,
      %parallel_loop3A_35 = vector.bitcast %parallel_loop3A_34 : vector<16xf32> to vector<16xi32>
      %parallel_loop3A_36 = arith.constant 16 : i32
      %parallel_loop3A_37 = vector.broadcast %parallel_loop3A_36 : i32 to vector<16xi32>
      %parallel_loop3A_38 = arith.shli %parallel_loop3A_35, %parallel_loop3A_37 : vector<16xi32>
      %parallel_loop3A_39 = vector.bitcast %parallel_loop3A_38 : vector<16xi32> to vector<16xf32>
      %parallel_loop3A_40 = arith.andi %parallel_loop3A_35, %broadcast_in_dim3A_13 : vector<16xi32>
      %parallel_loop3A_41 = vector.bitcast %parallel_loop3A_40 : vector<16xi32> to vector<16xf32>
      %parallel_loop3A_42 = arith.index_cast %parallel_loop3A_25 : i32 to index
      %parallel_loop3A_43 = arith.constant 0 : index
      %parallel_loop3A_44 = tpu.vector_load %arg12[%parallel_loop3A_42, %parallel_loop3A_43] {strides = array<i32>} : memref<64x384xf32, #tpu.memory_space<vmem>>, vector<16xf32>,
      %parallel_loop3A_45 = vector.bitcast %parallel_loop3A_44 : vector<16xf32> to vector<16xi32>
      %parallel_loop3A_46 = arith.constant 16 : i32
      %parallel_loop3A_47 = vector.broadcast %parallel_loop3A_46 : i32 to vector<16xi32>
      %parallel_loop3A_48 = arith.shli %parallel_loop3A_45, %parallel_loop3A_47 : vector<16xi32>
      %parallel_loop3A_49 = vector.bitcast %parallel_loop3A_48 : vector<16xi32> to vector<16xf32>
      %parallel_loop3A_50 = arith.andi %parallel_loop3A_45, %broadcast_in_dim3A_13 : vector<16xi32>
      %parallel_loop3A_51 = vector.bitcast %parallel_loop3A_50 : vector<16xi32> to vector<16xf32>
      %parallel_loop3A_52 = arith.index_cast %parallel_loop3A_25 : i32 to index
      %parallel_loop3A_53 = arith.constant 0 : index
      %parallel_loop3A_54 = tpu.vector_load %arg10[%parallel_loop3A_52, %parallel_loop3A_53] {strides = array<i32>} : memref<64x384xf32, #tpu.memory_space<vmem>>, vector<16xf32>,
      %parallel_loop3A_55 = vector.bitcast %parallel_loop3A_54 : vector<16xf32> to vector<16xi32>
      %parallel_loop3A_56 = arith.constant 16 : i32
      %parallel_loop3A_57 = vector.broadcast %parallel_loop3A_56 : i32 to vector<16xi32>
      %parallel_loop3A_58 = arith.shli %parallel_loop3A_55, %parallel_loop3A_57 : vector<16xi32>
      %parallel_loop3A_59 = vector.bitcast %parallel_loop3A_58 : vector<16xi32> to vector<16xf32>
      %parallel_loop3A_60 = arith.andi %parallel_loop3A_55, %broadcast_in_dim3A_13 : vector<16xi32>
      %parallel_loop3A_61 = vector.bitcast %parallel_loop3A_60 : vector<16xi32> to vector<16xf32>
      %parallel_loop3A_62 = arith.mulf %parallel_loop3A_28, %parallel_loop3A_39 : vector<16xf32>
      %parallel_loop3A_63 = arith.addf %parallel_loop3A_59, %parallel_loop3A_62 : vector<16xf32>
      %parallel_loop3A_64 = arith.mulf %parallel_loop3A_31, %parallel_loop3A_49 : vector<16xf32>
      %parallel_loop3A_65 = arith.addf %parallel_loop3A_63, %parallel_loop3A_64 : vector<16xf32>
      %parallel_loop3A_66 = arith.index_cast %parallel_loop3A_23 : i32 to index
      %parallel_loop3A_67 = arith.constant 0 : index
      %parallel_loop3A_68 = tpu.vector_load %arg9[%parallel_loop3A_66, %parallel_loop3A_67] {strides = array<i32>} : memref<32x768xf32, #tpu.memory_space<vmem>>, vector<16xf32>,
      tpu.vector_store %arg9[%parallel_loop3A_66, %parallel_loop3A_67], %parallel_loop3A_65 {strides = array<i32>} : memref<32x768xf32, #tpu.memory_space<vmem>>, vector<16xf32>,
      %parallel_loop3A_69 = arith.mulf %parallel_loop3A_28, %parallel_loop3A_41 : vector<16xf32>
      %parallel_loop3A_70 = arith.addf %parallel_loop3A_61, %parallel_loop3A_69 : vector<16xf32>
      %parallel_loop3A_71 = arith.mulf %parallel_loop3A_31, %parallel_loop3A_51 : vector<16xf32>
      %parallel_loop3A_72 = arith.addf %parallel_loop3A_70, %parallel_loop3A_71 : vector<16xf32>
      %parallel_loop3A_73 = arith.index_cast %parallel_loop3A_23 : i32 to index
      %parallel_loop3A_74 = arith.constant 384 : index
      %parallel_loop3A_75 = tpu.vector_load %arg9[%parallel_loop3A_73, %parallel_loop3A_74] {strides = array<i32>} : memref<32x768xf32, #tpu.memory_space<vmem>>, vector<16xf32>,
      tpu.vector_store %arg9[%parallel_loop3A_73, %parallel_loop3A_74], %parallel_loop3A_72 {strides = array<i32>} : memref<32x768xf32, #tpu.memory_space<vmem>>, vector<16xf32>,
      %parallel_loop3A_76 = arith.index_cast %parallel_loop3A_25 : i32 to index
      %parallel_loop3A_77 = arith.constant 16 : index
      %parallel_loop3A_78 = tpu.vector_load %arg11[%parallel_loop3A_76, %parallel_loop3A_77] {strides = array<i32>} : memref<64x384xf32, #tpu.memory_space<vmem>>, vector<16xf32>,
      %parallel_loop3A_79 = vector.bitcast %parallel_loop3A_78 : vector<16xf32> to vector<16xi32>
      %parallel_loop3A_80 = arith.constant 16 : i32
      %parallel_loop3A_81 = vector.broadcast %parallel_loop3A_80 : i32 to vector<16xi32>
      %parallel_loop3A_82 = arith.shli %parallel_loop3A_79, %parallel_loop3A_81 : vector<16xi32>
      %parallel_loop3A_83 = vector.bitcast %parallel_loop3A_82 : vector<16xi32> to vector<16xf32>
      %parallel_loop3A_84 = arith.andi %parallel_loop3A_79, %broadcast_in_dim3A_13 : vector<16xi32>
      %parallel_loop3A_85 = vector.bitcast %parallel_loop3A_84 : vector<16xi32> to vector<16xf32>
      %parallel_loop3A_86 = arith.index_cast %parallel_loop3A_25 : i32 to index
      %parallel_loop3A_87 = arith.constant 16 : index
      %parallel_loop3A_88 = tpu.vector_load %arg12[%parallel_loop3A_86, %parallel_loop3A_87] {strides = array<i32>} : memref<64x384xf32, #tpu.memory_space<vmem>>, vector<16xf32>,
      %parallel_loop3A_89 = vector.bitcast %parallel_loop3A_88 : vector<16xf32> to vector<16xi32>
      %parallel_loop3A_90 = arith.constant 16 : i32
      %parallel_loop3A_91 = vector.broadcast %parallel_loop3A_90 : i32 to vector<16xi32>
      %parallel_loop3A_92 = arith.shli %parallel_loop3A_89, %parallel_loop3A_91 : vector<16xi32>
      %parallel_loop3A_93 = vector.bitcast %parallel_loop3A_92 : vector<16xi32> to vector<16xf32>
      %parallel_loop3A_94 = arith.andi %parallel_loop3A_89, %broadcast_in_dim3A_13 : vector<16xi32>
      %parallel_loop3A_95 = vector.bitcast %parallel_loop3A_94 : vector<16xi32> to vector<16xf32>
      %parallel_loop3A_96 = arith.index_cast %parallel_loop3A_25 : i32 to index
      %parallel_loop3A_97 = arith.constant 16 : index
      %parallel_loop3A_98 = tpu.vector_load %arg10[%parallel_loop3A_96, %parallel_loop3A_97] {strides = array<i32>} : memref<64x384xf32, #tpu.memory_space<vmem>>, vector<16xf32>,
      %parallel_loop3A_99 = vector.bitcast %parallel_loop3A_98 : vector<16xf32> to vector<16xi32>
      %parallel_loop3A_100 = arith.constant 16 : i32
      %parallel_loop3A_101 = vector.broadcast %parallel_loop3A_100 : i32 to vector<16xi32>
      %parallel_loop3A_102 = arith.shli %parallel_loop3A_99, %parallel_loop3A_101 : vector<16xi32>
      %parallel_loop3A_103 = vector.bitcast %parallel_loop3A_102 : vector<16xi32> to vector<16xf32>
      %parallel_loop3A_104 = arith.andi %parallel_loop3A_99, %broadcast_in_dim3A_13 : vector<16xi32>
      %parallel_loop3A_105 = vector.bitcast %parallel_loop3A_104 : vector<16xi32> to vector<16xf32>
      %parallel_loop3A_106 = arith.mulf %parallel_loop3A_28, %parallel_loop3A_83 : vector<16xf32>
      %parallel_loop3A_107 = arith.addf %parallel_loop3A_103, %parallel_loop3A_106 : vector<16xf32>
      %parallel_loop3A_108 = arith.mulf %parallel_loop3A_31, %parallel_loop3A_93 : vector<16xf32>
      %parallel_loop3A_109 = arith.addf %parallel_loop3A_107, %parallel_loop3A_108 : vector<16xf32>
      %parallel_loop3A_110 = arith.index_cast %parallel_loop3A_23 : i32 to index
      %parallel_loop3A_111 = arith.constant 16 : index
      %parallel_loop3A_112 = tpu.vector_load %arg9[%parallel_loop3A_110, %parallel_loop3A_111] {strides = array<i32>} : memref<32x768xf32, #tpu.memory_space<vmem>>, vector<16xf32>,
      tpu.vector_store %arg9[%parallel_loop3A_110, %parallel_loop3A_111], %parallel_loop3A_109 {strides = array<i32>} : memref<32x768xf32, #tpu.memory_space<vmem>>, vector<16xf32>,
      %parallel_loop3A_113 = arith.mulf %parallel_loop3A_28, %parallel_loop3A_85 : vector<16xf32>
      %parallel_loop3A_114 = arith.addf %parallel_loop3A_105, %parallel_loop3A_113 : vector<16xf32>
      %parallel_loop3A_115 = arith.mulf %parallel_loop3A_31, %parallel_loop3A_95 : vector<16xf32>
      %parallel_loop3A_116 = arith.addf %parallel_loop3A_114, %parallel_loop3A_115 : vector<16xf32>
      %parallel_loop3A_117 = arith.index_cast %parallel_loop3A_23 : i32 to index
      %parallel_loop3A_118 = arith.constant 400 : index
      %parallel_loop3A_119 = tpu.vector_load %arg9[%parallel_loop3A_117, %parallel_loop3A_118] {strides = array<i32>} : memref<32x768xf32, #tpu.memory_space<vmem>>, vector<16xf32>,
      tpu.vector_store %arg9[%parallel_loop3A_117, %parallel_loop3A_118], %parallel_loop3A_116 {strides = array<i32>} : memref<32x768xf32, #tpu.memory_space<vmem>>, vector<16xf32>,
      %parallel_loop3A_120 = arith.index_cast %parallel_loop3A_25 : i32 to index
      %parallel_loop3A_121 = arith.constant 32 : index
      %parallel_loop3A_122 = tpu.vector_load %arg11[%parallel_loop3A_120, %parallel_loop3A_121] {strides = array<i32>} : memref<64x384xf32, #tpu.memory_space<vmem>>, vector<16xf32>,
      %parallel_loop3A_123 = vector.bitcast %parallel_loop3A_122 : vector<16xf32> to vector<16xi32>
      %parallel_loop3A_124 = arith.constant 16 : i32
      %parallel_loop3A_125 = vector.broadcast %parallel_loop3A_124 : i32 to vector<16xi32>
      %parallel_loop3A_126 = arith.shli %parallel_loop3A_123, %parallel_loop3A_125 : vector<16xi32>
      %parallel_loop3A_127 = vector.bitcast %parallel_loop3A_126 : vector<16xi32> to vector<16xf32>
      %parallel_loop3A_128 = arith.andi %parallel_loop3A_123, %broadcast_in_dim3A_13 : vector<16xi32>
      %parallel_loop3A_129 = vector.bitcast %parallel_loop3A_128 : vector<16xi32> to vector<16xf32>
      %parallel_loop3A_130 = arith.index_cast %parallel_loop3A_25 : i32 to index
      %parallel_loop3A_131 = arith.constant 32 : index
      %parallel_loop3A_132 = tpu.vector_load %arg12[%parallel_loop3A_130, %parallel_loop3A_131] {strides = array<i32>} : memref<64x384xf32, #tpu.memory_space<vmem>>, vector<16xf32>,
      %parallel_loop3A_133 = vector.bitcast %parallel_loop3A_132 : vector<16xf32> to vector<16xi32>
      %parallel_loop3A_134 = arith.constant 16 : i32
      %parallel_loop3A_135 = vector.broadcast %parallel_loop3A_134 : i32 to vector<16xi32>
      %parallel_loop3A_136 = arith.shli %parallel_loop3A_133, %parallel_loop3A_135 : vector<16xi32>
      %parallel_loop3A_137 = vector.bitcast %parallel_loop3A_136 : vector<16xi32> to vector<16xf32>
      %parallel_loop3A_138 = arith.andi %parallel_loop3A_133, %broadcast_in_dim3A_13 : vector<16xi32>
      %parallel_loop3A_139 = vector.bitcast %parallel_loop3A_138 : vector<16xi32> to vector<16xf32>
      %parallel_loop3A_140 = arith.index_cast %parallel_loop3A_25 : i32 to index
      %parallel_loop3A_141 = arith.constant 32 : index
      %parallel_loop3A_142 = tpu.vector_load %arg10[%parallel_loop3A_140, %parallel_loop3A_141] {strides = array<i32>} : memref<64x384xf32, #tpu.memory_space<vmem>>, vector<16xf32>,
      %parallel_loop3A_143 = vector.bitcast %parallel_loop3A_142 : vector<16xf32> to vector<16xi32>
      %parallel_loop3A_144 = arith.constant 16 : i32
      %parallel_loop3A_145 = vector.broadcast %parallel_loop3A_144 : i32 to vector<16xi32>
      %parallel_loop3A_146 = arith.shli %parallel_loop3A_143, %parallel_loop3A_145 : vector<16xi32>
      %parallel_loop3A_147 = vector.bitcast %parallel_loop3A_146 : vector<16xi32> to vector<16xf32>
      %parallel_loop3A_148 = arith.andi %parallel_loop3A_143, %broadcast_in_dim3A_13 : vector<16xi32>
      %parallel_loop3A_149 = vector.bitcast %parallel_loop3A_148 : vector<16xi32> to vector<16xf32>
      %parallel_loop3A_150 = arith.mulf %parallel_loop3A_28, %parallel_loop3A_127 : vector<16xf32>
      %parallel_loop3A_151 = arith.addf %parallel_loop3A_147, %parallel_loop3A_150 : vector<16xf32>
      %parallel_loop3A_152 = arith.mulf %parallel_loop3A_31, %parallel_loop3A_137 : vector<16xf32>
      %parallel_loop3A_153 = arith.addf %parallel_loop3A_151, %parallel_loop3A_152 : vector<16xf32>
      %parallel_loop3A_154 = arith.index_cast %parallel_loop3A_23 : i32 to index
      %parallel_loop3A_155 = arith.constant 32 : index
      %parallel_loop3A_156 = tpu.vector_load %arg9[%parallel_loop3A_154, %parallel_loop3A_155] {strides = array<i32>} : memref<32x768xf32, #tpu.memory_space<vmem>>, vector<16xf32>,
      tpu.vector_store %arg9[%parallel_loop3A_154, %parallel_loop3A_155], %parallel_loop3A_153 {strides = array<i32>} : memref<32x768xf32, #tpu.memory_space<vmem>>, vector<16xf32>,
      %parallel_loop3A_157 = arith.mulf %parallel_loop3A_28, %parallel_loop3A_129 : vector<16xf32>
      %parallel_loop3A_158 = arith.addf %parallel_loop3A_149, %parallel_loop3A_157 : vector<16xf32>
      %parallel_loop3A_159 = arith.mulf %parallel_loop3A_31, %parallel_loop3A_139 : vector<16xf32>
      %parallel_loop3A_160 = arith.addf %parallel_loop3A_158, %parallel_loop3A_159 : vector<16xf32>
      %parallel_loop3A_161 = arith.index_cast %parallel_loop3A_23 : i32 to index
      %parallel_loop3A_162 = arith.constant 416 : index
      %parallel_loop3A_163 = tpu.vector_load %arg9[%parallel_loop3A_161, %parallel_loop3A_162] {strides = array<i32>} : memref<32x768xf32, #tpu.memory_space<vmem>>, vector<16xf32>,
      tpu.vector_store %arg9[%parallel_loop3A_161, %parallel_loop3A_162], %parallel_loop3A_160 {strides = array<i32>} : memref<32x768xf32, #tpu.memory_space<vmem>>, vector<16xf32>,
      %parallel_loop3A_164 = arith.index_cast %parallel_loop3A_25 : i32 to index
      %parallel_loop3A_165 = arith.constant 48 : index
      %parallel_loop3A_166 = tpu.vector_load %arg11[%parallel_loop3A_164, %parallel_loop3A_165] {strides = array<i32>} : memref<64x384xf32, #tpu.memory_space<vmem>>, vector<16xf32>,
      %parallel_loop3A_167 = vector.bitcast %parallel_loop3A_166 : vector<16xf32> to vector<16xi32>
      %parallel_loop3A_168 = arith.constant 16 : i32
      %parallel_loop3A_169 = vector.broadcast %parallel_loop3A_168 : i32 to vector<16xi32>
      %parallel_loop3A_170 = arith.shli %parallel_loop3A_167, %parallel_loop3A_169 : vector<16xi32>
      %parallel_loop3A_171 = vector.bitcast %parallel_loop3A_170 : vector<16xi32> to vector<16xf32>
      %parallel_loop3A_172 = arith.andi %parallel_loop3A_167, %broadcast_in_dim3A_13 : vector<16xi32>
      %parallel_loop3A_173 = vector.bitcast %parallel_loop3A_172 : vector<16xi32> to vector<16xf32>
      %parallel_loop3A_174 = arith.index_cast %parallel_loop3A_25 : i32 to index
      %parallel_loop3A_175 = arith.constant 48 : index
      %parallel_loop3A_176 = tpu.vector_load %arg12[%parallel_loop3A_174, %parallel_loop3A_175] {strides = array<i32>} : memref<64x384xf32, #tpu.memory_space<vmem>>, vector<16xf32>,
      %parallel_loop3A_177 = vector.bitcast %parallel_loop3A_176 : vector<16xf32> to vector<16xi32>
      %parallel_loop3A_178 = arith.constant 16 : i32
      %parallel_loop3A_179 = vector.broadcast %parallel_loop3A_178 : i32 to vector<16xi32>
      %parallel_loop3A_180 = arith.shli %parallel_loop3A_177, %parallel_loop3A_179 : vector<16xi32>
      %parallel_loop3A_181 = vector.bitcast %parallel_loop3A_180 : vector<16xi32> to vector<16xf32>
      %parallel_loop3A_182 = arith.andi %parallel_loop3A_177, %broadcast_in_dim3A_13 : vector<16xi32>
      %parallel_loop3A_183 = vector.bitcast %parallel_loop3A_182 : vector<16xi32> to vector<16xf32>
      %parallel_loop3A_184 = arith.index_cast %parallel_loop3A_25 : i32 to index
      %parallel_loop3A_185 = arith.constant 48 : index
      %parallel_loop3A_186 = tpu.vector_load %arg10[%parallel_loop3A_184, %parallel_loop3A_185] {strides = array<i32>} : memref<64x384xf32, #tpu.memory_space<vmem>>, vector<16xf32>,
      %parallel_loop3A_187 = vector.bitcast %parallel_loop3A_186 : vector<16xf32> to vector<16xi32>
      %parallel_loop3A_188 = arith.constant 16 : i32
      %parallel_loop3A_189 = vector.broadcast %parallel_loop3A_188 : i32 to vector<16xi32>
      %parallel_loop3A_190 = arith.shli %parallel_loop3A_187, %parallel_loop3A_189 : vector<16xi32>
      %parallel_loop3A_191 = vector.bitcast %parallel_loop3A_190 : vector<16xi32> to vector<16xf32>
      %parallel_loop3A_192 = arith.andi %parallel_loop3A_187, %broadcast_in_dim3A_13 : vector<16xi32>
      %parallel_loop3A_193 = vector.bitcast %parallel_loop3A_192 : vector<16xi32> to vector<16xf32>
      %parallel_loop3A_194 = arith.mulf %parallel_loop3A_28, %parallel_loop3A_171 : vector<16xf32>
      %parallel_loop3A_195 = arith.addf %parallel_loop3A_191, %parallel_loop3A_194 : vector<16xf32>
      %parallel_loop3A_196 = arith.mulf %parallel_loop3A_31, %parallel_loop3A_181 : vector<16xf32>
      %parallel_loop3A_197 = arith.addf %parallel_loop3A_195, %parallel_loop3A_196 : vector<16xf32>
      %parallel_loop3A_198 = arith.index_cast %parallel_loop3A_23 : i32 to index
      %parallel_loop3A_199 = arith.constant 48 : index
      %parallel_loop3A_200 = tpu.vector_load %arg9[%parallel_loop3A_198, %parallel_loop3A_199] {strides = array<i32>} : memref<32x768xf32, #tpu.memory_space<vmem>>, vector<16xf32>,
      tpu.vector_store %arg9[%parallel_loop3A_198, %parallel_loop3A_199], %parallel_loop3A_197 {strides = array<i32>} : memref<32x768xf32, #tpu.memory_space<vmem>>, vector<16xf32>,
      %parallel_loop3A_201 = arith.mulf %parallel_loop3A_28, %parallel_loop3A_173 : vector<16xf32>
      %parallel_loop3A_202 = arith.addf %parallel_loop3A_193, %parallel_loop3A_201 : vector<16xf32>
      %parallel_loop3A_203 = arith.mulf %parallel_loop3A_31, %parallel_loop3A_183 : vector<16xf32>
      %parallel_loop3A_204 = arith.addf %parallel_loop3A_202, %parallel_loop3A_203 : vector<16xf32>
      %parallel_loop3A_205 = arith.index_cast %parallel_loop3A_23 : i32 to index
      %parallel_loop3A_206 = arith.constant 432 : index
      %parallel_loop3A_207 = tpu.vector_load %arg9[%parallel_loop3A_205, %parallel_loop3A_206] {strides = array<i32>} : memref<32x768xf32, #tpu.memory_space<vmem>>, vector<16xf32>,
      tpu.vector_store %arg9[%parallel_loop3A_205, %parallel_loop3A_206], %parallel_loop3A_204 {strides = array<i32>} : memref<32x768xf32, #tpu.memory_space<vmem>>, vector<16xf32>,
      %parallel_loop3A_208 = arith.index_cast %parallel_loop3A_25 : i32 to index
      %parallel_loop3A_209 = arith.constant 64 : index
      %parallel_loop3A_210 = tpu.vector_load %arg11[%parallel_loop3A_208, %parallel_loop3A_209] {strides = array<i32>} : memref<64x384xf32, #tpu.memory_space<vmem>>, vector<16xf32>,
      %parallel_loop3A_211 = vector.bitcast %parallel_loop3A_210 : vector<16xf32> to vector<16xi32>
      %parallel_loop3A_212 = arith.constant 16 : i32
      %parallel_loop3A_213 = vector.broadcast %parallel_loop3A_212 : i32 to vector<16xi32>
      %parallel_loop3A_214 = arith.shli %parallel_loop3A_211, %parallel_loop3A_213 : vector<16xi32>
      %parallel_loop3A_215 = vector.bitcast %parallel_loop3A_214 : vector<16xi32> to vector<16xf32>
      %parallel_loop3A_216 = arith.andi %parallel_loop3A_211, %broadcast_in_dim3A_13 : vector<16xi32>
      %parallel_loop3A_217 = vector.bitcast %parallel_loop3A_216 : vector<16xi32> to vector<16xf32>
      %parallel_loop3A_218 = arith.index_cast %parallel_loop3A_25 : i32 to index
      %parallel_loop3A_219 = arith.constant 64 : index
      %parallel_loop3A_220 = tpu.vector_load %arg12[%parallel_loop3A_218, %parallel_loop3A_219] {strides = array<i32>} : memref<64x384xf32, #tpu.memory_space<vmem>>, vector<16xf32>,
      %parallel_loop3A_221 = vector.bitcast %parallel_loop3A_220 : vector<16xf32> to vector<16xi32>
      %parallel_loop3A_222 = arith.constant 16 : i32
      %parallel_loop3A_223 = vector.broadcast %parallel_loop3A_222 : i32 to vector<16xi32>
      %parallel_loop3A_224 = arith.shli %parallel_loop3A_221, %parallel_loop3A_223 : vector<16xi32>
      %parallel_loop3A_225 = vector.bitcast %parallel_loop3A_224 : vector<16xi32> to vector<16xf32>
      %parallel_loop3A_226 = arith.andi %parallel_loop3A_221, %broadcast_in_dim3A_13 : vector<16xi32>
      %parallel_loop3A_227 = vector.bitcast %parallel_loop3A_226 : vector<16xi32> to vector<16xf32>
      %parallel_loop3A_228 = arith.index_cast %parallel_loop3A_25 : i32 to index
      %parallel_loop3A_229 = arith.constant 64 : index
      %parallel_loop3A_230 = tpu.vector_load %arg10[%parallel_loop3A_228, %parallel_loop3A_229] {strides = array<i32>} : memref<64x384xf32, #tpu.memory_space<vmem>>, vector<16xf32>,
      %parallel_loop3A_231 = vector.bitcast %parallel_loop3A_230 : vector<16xf32> to vector<16xi32>
      %parallel_loop3A_232 = arith.constant 16 : i32
      %parallel_loop3A_233 = vector.broadcast %parallel_loop3A_232 : i32 to vector<16xi32>
      %parallel_loop3A_234 = arith.shli %parallel_loop3A_231, %parallel_loop3A_233 : vector<16xi32>
      %parallel_loop3A_235 = vector.bitcast %parallel_loop3A_234 : vector<16xi32> to vector<16xf32>
      %parallel_loop3A_236 = arith.andi %parallel_loop3A_231, %broadcast_in_dim3A_13 : vector<16xi32>
      %parallel_loop3A_237 = vector.bitcast %parallel_loop3A_236 : vector<16xi32> to vector<16xf32>
      %parallel_loop3A_238 = arith.mulf %parallel_loop3A_28, %parallel_loop3A_215 : vector<16xf32>
      %parallel_loop3A_239 = arith.addf %parallel_loop3A_235, %parallel_loop3A_238 : vector<16xf32>
      %parallel_loop3A_240 = arith.mulf %parallel_loop3A_31, %parallel_loop3A_225 : vector<16xf32>
      %parallel_loop3A_241 = arith.addf %parallel_loop3A_239, %parallel_loop3A_240 : vector<16xf32>
      %parallel_loop3A_242 = arith.index_cast %parallel_loop3A_23 : i32 to index
      %parallel_loop3A_243 = arith.constant 64 : index
      %parallel_loop3A_244 = tpu.vector_load %arg9[%parallel_loop3A_242, %parallel_loop3A_243] {strides = array<i32>} : memref<32x768xf32, #tpu.memory_space<vmem>>, vector<16xf32>,
      tpu.vector_store %arg9[%parallel_loop3A_242, %parallel_loop3A_243], %parallel_loop3A_241 {strides = array<i32>} : memref<32x768xf32, #tpu.memory_space<vmem>>, vector<16xf32>,
      %parallel_loop3A_245 = arith.mulf %parallel_loop3A_28, %parallel_loop3A_217 : vector<16xf32>
      %parallel_loop3A_246 = arith.addf %parallel_loop3A_237, %parallel_loop3A_245 : vector<16xf32>
      %parallel_loop3A_247 = arith.mulf %parallel_loop3A_31, %parallel_loop3A_227 : vector<16xf32>
      %parallel_loop3A_248 = arith.addf %parallel_loop3A_246, %parallel_loop3A_247 : vector<16xf32>
      %parallel_loop3A_249 = arith.index_cast %parallel_loop3A_23 : i32 to index
      %parallel_loop3A_250 = arith.constant 448 : index
      %parallel_loop3A_251 = tpu.vector_load %arg9[%parallel_loop3A_249, %parallel_loop3A_250] {strides = array<i32>} : memref<32x768xf32, #tpu.memory_space<vmem>>, vector<16xf32>,
      tpu.vector_store %arg9[%parallel_loop3A_249, %parallel_loop3A_250], %parallel_loop3A_248 {strides = array<i32>} : memref<32x768xf32, #tpu.memory_space<vmem>>, vector<16xf32>,
      %parallel_loop3A_252 = arith.index_cast %parallel_loop3A_25 : i32 to index
      %parallel_loop3A_253 = arith.constant 80 : index
      %parallel_loop3A_254 = tpu.vector_load %arg11[%parallel_loop3A_252, %parallel_loop3A_253] {strides = array<i32>} : memref<64x384xf32, #tpu.memory_space<vmem>>, vector<16xf32>,
      %parallel_loop3A_255 = vector.bitcast %parallel_loop3A_254 : vector<16xf32> to vector<16xi32>
      %parallel_loop3A_256 = arith.constant 16 : i32
      %parallel_loop3A_257 = vector.broadcast %parallel_loop3A_256 : i32 to vector<16xi32>
      %parallel_loop3A_258 = arith.shli %parallel_loop3A_255, %parallel_loop3A_257 : vector<16xi32>
      %parallel_loop3A_259 = vector.bitcast %parallel_loop3A_258 : vector<16xi32> to vector<16xf32>
      %parallel_loop3A_260 = arith.andi %parallel_loop3A_255, %broadcast_in_dim3A_13 : vector<16xi32>
      %parallel_loop3A_261 = vector.bitcast %parallel_loop3A_260 : vector<16xi32> to vector<16xf32>
      %parallel_loop3A_262 = arith.index_cast %parallel_loop3A_25 : i32 to index
      %parallel_loop3A_263 = arith.constant 80 : index
      %parallel_loop3A_264 = tpu.vector_load %arg12[%parallel_loop3A_262, %parallel_loop3A_263] {strides = array<i32>} : memref<64x384xf32, #tpu.memory_space<vmem>>, vector<16xf32>,
      %parallel_loop3A_265 = vector.bitcast %parallel_loop3A_264 : vector<16xf32> to vector<16xi32>
      %parallel_loop3A_266 = arith.constant 16 : i32
      %parallel_loop3A_267 = vector.broadcast %parallel_loop3A_266 : i32 to vector<16xi32>
      %parallel_loop3A_268 = arith.shli %parallel_loop3A_265, %parallel_loop3A_267 : vector<16xi32>
      %parallel_loop3A_269 = vector.bitcast %parallel_loop3A_268 : vector<16xi32> to vector<16xf32>
      %parallel_loop3A_270 = arith.andi %parallel_loop3A_265, %broadcast_in_dim3A_13 : vector<16xi32>
      %parallel_loop3A_271 = vector.bitcast %parallel_loop3A_270 : vector<16xi32> to vector<16xf32>
      %parallel_loop3A_272 = arith.index_cast %parallel_loop3A_25 : i32 to index
      %parallel_loop3A_273 = arith.constant 80 : index
      %parallel_loop3A_274 = tpu.vector_load %arg10[%parallel_loop3A_272, %parallel_loop3A_273] {strides = array<i32>} : memref<64x384xf32, #tpu.memory_space<vmem>>, vector<16xf32>,
      %parallel_loop3A_275 = vector.bitcast %parallel_loop3A_274 : vector<16xf32> to vector<16xi32>
      %parallel_loop3A_276 = arith.constant 16 : i32
      %parallel_loop3A_277 = vector.broadcast %parallel_loop3A_276 : i32 to vector<16xi32>
      %parallel_loop3A_278 = arith.shli %parallel_loop3A_275, %parallel_loop3A_277 : vector<16xi32>
      %parallel_loop3A_279 = vector.bitcast %parallel_loop3A_278 : vector<16xi32> to vector<16xf32>
      %parallel_loop3A_280 = arith.andi %parallel_loop3A_275, %broadcast_in_dim3A_13 : vector<16xi32>
      %parallel_loop3A_281 = vector.bitcast %parallel_loop3A_280 : vector<16xi32> to vector<16xf32>
      %parallel_loop3A_282 = arith.mulf %parallel_loop3A_28, %parallel_loop3A_259 : vector<16xf32>
      %parallel_loop3A_283 = arith.addf %parallel_loop3A_279, %parallel_loop3A_282 : vector<16xf32>
      %parallel_loop3A_284 = arith.mulf %parallel_loop3A_31, %parallel_loop3A_269 : vector<16xf32>
      %parallel_loop3A_285 = arith.addf %parallel_loop3A_283, %parallel_loop3A_284 : vector<16xf32>
      %parallel_loop3A_286 = arith.index_cast %parallel_loop3A_23 : i32 to index
      %parallel_loop3A_287 = arith.constant 80 : index
      %parallel_loop3A_288 = tpu.vector_load %arg9[%parallel_loop3A_286, %parallel_loop3A_287] {strides = array<i32>} : memref<32x768xf32, #tpu.memory_space<vmem>>, vector<16xf32>,
      tpu.vector_store %arg9[%parallel_loop3A_286, %parallel_loop3A_287], %parallel_loop3A_285 {strides = array<i32>} : memref<32x768xf32, #tpu.memory_space<vmem>>, vector<16xf32>,
      %parallel_loop3A_289 = arith.mulf %parallel_loop3A_28, %parallel_loop3A_261 : vector<16xf32>
      %parallel_loop3A_290 = arith.addf %parallel_loop3A_281, %parallel_loop3A_289 : vector<16xf32>
      %parallel_loop3A_291 = arith.mulf %parallel_loop3A_31, %parallel_loop3A_271 : vector<16xf32>
      %parallel_loop3A_292 = arith.addf %parallel_loop3A_290, %parallel_loop3A_291 : vector<16xf32>
      %parallel_loop3A_293 = arith.index_cast %parallel_loop3A_23 : i32 to index
      %parallel_loop3A_294 = arith.constant 464 : index
      %parallel_loop3A_295 = tpu.vector_load %arg9[%parallel_loop3A_293, %parallel_loop3A_294] {strides = array<i32>} : memref<32x768xf32, #tpu.memory_space<vmem>>, vector<16xf32>,
      tpu.vector_store %arg9[%parallel_loop3A_293, %parallel_loop3A_294], %parallel_loop3A_292 {strides = array<i32>} : memref<32x768xf32, #tpu.memory_space<vmem>>, vector<16xf32>,
      %parallel_loop3A_296 = arith.index_cast %parallel_loop3A_25 : i32 to index
      %parallel_loop3A_297 = arith.constant 96 : index
      %parallel_loop3A_298 = tpu.vector_load %arg11[%parallel_loop3A_296, %parallel_loop3A_297] {strides = array<i32>} : memref<64x384xf32, #tpu.memory_space<vmem>>, vector<16xf32>,
      %parallel_loop3A_299 = vector.bitcast %parallel_loop3A_298 : vector<16xf32> to vector<16xi32>
      %parallel_loop3A_300 = arith.constant 16 : i32
      %parallel_loop3A_301 = vector.broadcast %parallel_loop3A_300 : i32 to vector<16xi32>
      %parallel_loop3A_302 = arith.shli %parallel_loop3A_299, %parallel_loop3A_301 : vector<16xi32>
      %parallel_loop3A_303 = vector.bitcast %parallel_loop3A_302 : vector<16xi32> to vector<16xf32>
      %parallel_loop3A_304 = arith.andi %parallel_loop3A_299, %broadcast_in_dim3A_13 : vector<16xi32>
      %parallel_loop3A_305 = vector.bitcast %parallel_loop3A_304 : vector<16xi32> to vector<16xf32>
      %parallel_loop3A_306 = arith.index_cast %parallel_loop3A_25 : i32 to index
      %parallel_loop3A_307 = arith.constant 96 : index
      %parallel_loop3A_308 = tpu.vector_load %arg12[%parallel_loop3A_306, %parallel_loop3A_307] {strides = array<i32>} : memref<64x384xf32, #tpu.memory_space<vmem>>, vector<16xf32>,
      %parallel_loop3A_309 = vector.bitcast %parallel_loop3A_308 : vector<16xf32> to vector<16xi32>
      %parallel_loop3A_310 = arith.constant 16 : i32
      %parallel_loop3A_311 = vector.broadcast %parallel_loop3A_310 : i32 to vector<16xi32>
      %parallel_loop3A_312 = arith.shli %parallel_loop3A_309, %parallel_loop3A_311 : vector<16xi32>
      %parallel_loop3A_313 = vector.bitcast %parallel_loop3A_312 : vector<16xi32> to vector<16xf32>
      %parallel_loop3A_314 = arith.andi %parallel_loop3A_309, %broadcast_in_dim3A_13 : vector<16xi32>
      %parallel_loop3A_315 = vector.bitcast %parallel_loop3A_314 : vector<16xi32> to vector<16xf32>
      %parallel_loop3A_316 = arith.index_cast %parallel_loop3A_25 : i32 to index
      %parallel_loop3A_317 = arith.constant 96 : index
      %parallel_loop3A_318 = tpu.vector_load %arg10[%parallel_loop3A_316, %parallel_loop3A_317] {strides = array<i32>} : memref<64x384xf32, #tpu.memory_space<vmem>>, vector<16xf32>,
      %parallel_loop3A_319 = vector.bitcast %parallel_loop3A_318 : vector<16xf32> to vector<16xi32>
      %parallel_loop3A_320 = arith.constant 16 : i32
      %parallel_loop3A_321 = vector.broadcast %parallel_loop3A_320 : i32 to vector<16xi32>
      %parallel_loop3A_322 = arith.shli %parallel_loop3A_319, %parallel_loop3A_321 : vector<16xi32>
      %parallel_loop3A_323 = vector.bitcast %parallel_loop3A_322 : vector<16xi32> to vector<16xf32>
      %parallel_loop3A_324 = arith.andi %parallel_loop3A_319, %broadcast_in_dim3A_13 : vector<16xi32>
      %parallel_loop3A_325 = vector.bitcast %parallel_loop3A_324 : vector<16xi32> to vector<16xf32>
      %parallel_loop3A_326 = arith.mulf %parallel_loop3A_28, %parallel_loop3A_303 : vector<16xf32>
      %parallel_loop3A_327 = arith.addf %parallel_loop3A_323, %parallel_loop3A_326 : vector<16xf32>
      %parallel_loop3A_328 = arith.mulf %parallel_loop3A_31, %parallel_loop3A_313 : vector<16xf32>
      %parallel_loop3A_329 = arith.addf %parallel_loop3A_327, %parallel_loop3A_328 : vector<16xf32>
      %parallel_loop3A_330 = arith.index_cast %parallel_loop3A_23 : i32 to index
      %parallel_loop3A_331 = arith.constant 96 : index
      %parallel_loop3A_332 = tpu.vector_load %arg9[%parallel_loop3A_330, %parallel_loop3A_331] {strides = array<i32>} : memref<32x768xf32, #tpu.memory_space<vmem>>, vector<16xf32>,
      tpu.vector_store %arg9[%parallel_loop3A_330, %parallel_loop3A_331], %parallel_loop3A_329 {strides = array<i32>} : memref<32x768xf32, #tpu.memory_space<vmem>>, vector<16xf32>,
      %parallel_loop3A_333 = arith.mulf %parallel_loop3A_28, %parallel_loop3A_305 : vector<16xf32>
      %parallel_loop3A_334 = arith.addf %parallel_loop3A_325, %parallel_loop3A_333 : vector<16xf32>
      %parallel_loop3A_335 = arith.mulf %parallel_loop3A_31, %parallel_loop3A_315 : vector<16xf32>
      %parallel_loop3A_336 = arith.addf %parallel_loop3A_334, %parallel_loop3A_335 : vector<16xf32>
      %parallel_loop3A_337 = arith.index_cast %parallel_loop3A_23 : i32 to index
      %parallel_loop3A_338 = arith.constant 480 : index
      %parallel_loop3A_339 = tpu.vector_load %arg9[%parallel_loop3A_337, %parallel_loop3A_338] {strides = array<i32>} : memref<32x768xf32, #tpu.memory_space<vmem>>, vector<16xf32>,
      tpu.vector_store %arg9[%parallel_loop3A_337, %parallel_loop3A_338], %parallel_loop3A_336 {strides = array<i32>} : memref<32x768xf32, #tpu.memory_space<vmem>>, vector<16xf32>,
      %parallel_loop3A_340 = arith.index_cast %parallel_loop3A_25 : i32 to index
      %parallel_loop3A_341 = arith.constant 112 : index
      %parallel_loop3A_342 = tpu.vector_load %arg11[%parallel_loop3A_340, %parallel_loop3A_341] {strides = array<i32>} : memref<64x384xf32, #tpu.memory_space<vmem>>, vector<16xf32>,
      %parallel_loop3A_343 = vector.bitcast %parallel_loop3A_342 : vector<16xf32> to vector<16xi32>
      %parallel_loop3A_344 = arith.constant 16 : i32
      %parallel_loop3A_345 = vector.broadcast %parallel_loop3A_344 : i32 to vector<16xi32>
      %parallel_loop3A_346 = arith.shli %parallel_loop3A_343, %parallel_loop3A_345 : vector<16xi32>
      %parallel_loop3A_347 = vector.bitcast %parallel_loop3A_346 : vector<16xi32> to vector<16xf32>
      %parallel_loop3A_348 = arith.andi %parallel_loop3A_343, %broadcast_in_dim3A_13 : vector<16xi32>
      %parallel_loop3A_349 = vector.bitcast %parallel_loop3A_348 : vector<16xi32> to vector<16xf32>
      %parallel_loop3A_350 = arith.index_cast %parallel_loop3A_25 : i32 to index
      %parallel_loop3A_351 = arith.constant 112 : index
      %parallel_loop3A_352 = tpu.vector_load %arg12[%parallel_loop3A_350, %parallel_loop3A_351] {strides = array<i32>} : memref<64x384xf32, #tpu.memory_space<vmem>>, vector<16xf32>,
      %parallel_loop3A_353 = vector.bitcast %parallel_loop3A_352 : vector<16xf32> to vector<16xi32>
      %parallel_loop3A_354 = arith.constant 16 : i32
      %parallel_loop3A_355 = vector.broadcast %parallel_loop3A_354 : i32 to vector<16xi32>
      %parallel_loop3A_356 = arith.shli %parallel_loop3A_353, %parallel_loop3A_355 : vector<16xi32>
      %parallel_loop3A_357 = vector.bitcast %parallel_loop3A_356 : vector<16xi32> to vector<16xf32>
      %parallel_loop3A_358 = arith.andi %parallel_loop3A_353, %broadcast_in_dim3A_13 : vector<16xi32>
      %parallel_loop3A_359 = vector.bitcast %parallel_loop3A_358 : vector<16xi32> to vector<16xf32>
      %parallel_loop3A_360 = arith.index_cast %parallel_loop3A_25 : i32 to index
      %parallel_loop3A_361 = arith.constant 112 : index
      %parallel_loop3A_362 = tpu.vector_load %arg10[%parallel_loop3A_360, %parallel_loop3A_361] {strides = array<i32>} : memref<64x384xf32, #tpu.memory_space<vmem>>, vector<16xf32>,
      %parallel_loop3A_363 = vector.bitcast %parallel_loop3A_362 : vector<16xf32> to vector<16xi32>
      %parallel_loop3A_364 = arith.constant 16 : i32
      %parallel_loop3A_365 = vector.broadcast %parallel_loop3A_364 : i32 to vector<16xi32>
      %parallel_loop3A_366 = arith.shli %parallel_loop3A_363, %parallel_loop3A_365 : vector<16xi32>
      %parallel_loop3A_367 = vector.bitcast %parallel_loop3A_366 : vector<16xi32> to vector<16xf32>
      %parallel_loop3A_368 = arith.andi %parallel_loop3A_363, %broadcast_in_dim3A_13 : vector<16xi32>
      %parallel_loop3A_369 = vector.bitcast %parallel_loop3A_368 : vector<16xi32> to vector<16xf32>
      %parallel_loop3A_370 = arith.mulf %parallel_loop3A_28, %parallel_loop3A_347 : vector<16xf32>
      %parallel_loop3A_371 = arith.addf %parallel_loop3A_367, %parallel_loop3A_370 : vector<16xf32>
      %parallel_loop3A_372 = arith.mulf %parallel_loop3A_31, %parallel_loop3A_357 : vector<16xf32>
      %parallel_loop3A_373 = arith.addf %parallel_loop3A_371, %parallel_loop3A_372 : vector<16xf32>
      %parallel_loop3A_374 = arith.index_cast %parallel_loop3A_23 : i32 to index
      %parallel_loop3A_375 = arith.constant 112 : index
      %parallel_loop3A_376 = tpu.vector_load %arg9[%parallel_loop3A_374, %parallel_loop3A_375] {strides = array<i32>} : memref<32x768xf32, #tpu.memory_space<vmem>>, vector<16xf32>,
      tpu.vector_store %arg9[%parallel_loop3A_374, %parallel_loop3A_375], %parallel_loop3A_373 {strides = array<i32>} : memref<32x768xf32, #tpu.memory_space<vmem>>, vector<16xf32>,
      %parallel_loop3A_377 = arith.mulf %parallel_loop3A_28, %parallel_loop3A_349 : vector<16xf32>
      %parallel_loop3A_378 = arith.addf %parallel_loop3A_369, %parallel_loop3A_377 : vector<16xf32>
      %parallel_loop3A_379 = arith.mulf %parallel_loop3A_31, %parallel_loop3A_359 : vector<16xf32>
      %parallel_loop3A_380 = arith.addf %parallel_loop3A_378, %parallel_loop3A_379 : vector<16xf32>
      %parallel_loop3A_381 = arith.index_cast %parallel_loop3A_23 : i32 to index
      %parallel_loop3A_382 = arith.constant 496 : index
      %parallel_loop3A_383 = tpu.vector_load %arg9[%parallel_loop3A_381, %parallel_loop3A_382] {strides = array<i32>} : memref<32x768xf32, #tpu.memory_space<vmem>>, vector<16xf32>,
      tpu.vector_store %arg9[%parallel_loop3A_381, %parallel_loop3A_382], %parallel_loop3A_380 {strides = array<i32>} : memref<32x768xf32, #tpu.memory_space<vmem>>, vector<16xf32>,
      %parallel_loop3A_384 = arith.index_cast %parallel_loop3A_25 : i32 to index
      %parallel_loop3A_385 = arith.constant 128 : index
      %parallel_loop3A_386 = tpu.vector_load %arg11[%parallel_loop3A_384, %parallel_loop3A_385] {strides = array<i32>} : memref<64x384xf32, #tpu.memory_space<vmem>>, vector<16xf32>,
      %parallel_loop3A_387 = vector.bitcast %parallel_loop3A_386 : vector<16xf32> to vector<16xi32>
      %parallel_loop3A_388 = arith.constant 16 : i32
      %parallel_loop3A_389 = vector.broadcast %parallel_loop3A_388 : i32 to vector<16xi32>
      %parallel_loop3A_390 = arith.shli %parallel_loop3A_387, %parallel_loop3A_389 : vector<16xi32>
      %parallel_loop3A_391 = vector.bitcast %parallel_loop3A_390 : vector<16xi32> to vector<16xf32>
      %parallel_loop3A_392 = arith.andi %parallel_loop3A_387, %broadcast_in_dim3A_13 : vector<16xi32>
      %parallel_loop3A_393 = vector.bitcast %parallel_loop3A_392 : vector<16xi32> to vector<16xf32>
      %parallel_loop3A_394 = arith.index_cast %parallel_loop3A_25 : i32 to index
      %parallel_loop3A_395 = arith.constant 128 : index
      %parallel_loop3A_396 = tpu.vector_load %arg12[%parallel_loop3A_394, %parallel_loop3A_395] {strides = array<i32>} : memref<64x384xf32, #tpu.memory_space<vmem>>, vector<16xf32>,
      %parallel_loop3A_397 = vector.bitcast %parallel_loop3A_396 : vector<16xf32> to vector<16xi32>
      %parallel_loop3A_398 = arith.constant 16 : i32
      %parallel_loop3A_399 = vector.broadcast %parallel_loop3A_398 : i32 to vector<16xi32>
      %parallel_loop3A_400 = arith.shli %parallel_loop3A_397, %parallel_loop3A_399 : vector<16xi32>
      %parallel_loop3A_401 = vector.bitcast %parallel_loop3A_400 : vector<16xi32> to vector<16xf32>
      %parallel_loop3A_402 = arith.andi %parallel_loop3A_397, %broadcast_in_dim3A_13 : vector<16xi32>
      %parallel_loop3A_403 = vector.bitcast %parallel_loop3A_402 : vector<16xi32> to vector<16xf32>
      %parallel_loop3A_404 = arith.index_cast %parallel_loop3A_25 : i32 to index
      %parallel_loop3A_405 = arith.constant 128 : index
      %parallel_loop3A_406 = tpu.vector_load %arg10[%parallel_loop3A_404, %parallel_loop3A_405] {strides = array<i32>} : memref<64x384xf32, #tpu.memory_space<vmem>>, vector<16xf32>,
      %parallel_loop3A_407 = vector.bitcast %parallel_loop3A_406 : vector<16xf32> to vector<16xi32>
      %parallel_loop3A_408 = arith.constant 16 : i32
      %parallel_loop3A_409 = vector.broadcast %parallel_loop3A_408 : i32 to vector<16xi32>
      %parallel_loop3A_410 = arith.shli %parallel_loop3A_407, %parallel_loop3A_409 : vector<16xi32>
      %parallel_loop3A_411 = vector.bitcast %parallel_loop3A_410 : vector<16xi32> to vector<16xf32>
      %parallel_loop3A_412 = arith.andi %parallel_loop3A_407, %broadcast_in_dim3A_13 : vector<16xi32>
      %parallel_loop3A_413 = vector.bitcast %parallel_loop3A_412 : vector<16xi32> to vector<16xf32>
      %parallel_loop3A_414 = arith.mulf %parallel_loop3A_28, %parallel_loop3A_391 : vector<16xf32>
      %parallel_loop3A_415 = arith.addf %parallel_loop3A_411, %parallel_loop3A_414 : vector<16xf32>
      %parallel_loop3A_416 = arith.mulf %parallel_loop3A_31, %parallel_loop3A_401 : vector<16xf32>
      %parallel_loop3A_417 = arith.addf %parallel_loop3A_415, %parallel_loop3A_416 : vector<16xf32>
      %parallel_loop3A_418 = arith.index_cast %parallel_loop3A_23 : i32 to index
      %parallel_loop3A_419 = arith.constant 128 : index
      %parallel_loop3A_420 = tpu.vector_load %arg9[%parallel_loop3A_418, %parallel_loop3A_419] {strides = array<i32>} : memref<32x768xf32, #tpu.memory_space<vmem>>, vector<16xf32>,
      tpu.vector_store %arg9[%parallel_loop3A_418, %parallel_loop3A_419], %parallel_loop3A_417 {strides = array<i32>} : memref<32x768xf32, #tpu.memory_space<vmem>>, vector<16xf32>,
      %parallel_loop3A_421 = arith.mulf %parallel_loop3A_28, %parallel_loop3A_393 : vector<16xf32>
      %parallel_loop3A_422 = arith.addf %parallel_loop3A_413, %parallel_loop3A_421 : vector<16xf32>
      %parallel_loop3A_423 = arith.mulf %parallel_loop3A_31, %parallel_loop3A_403 : vector<16xf32>
      %parallel_loop3A_424 = arith.addf %parallel_loop3A_422, %parallel_loop3A_423 : vector<16xf32>
      %parallel_loop3A_425 = arith.index_cast %parallel_loop3A_23 : i32 to index
      %parallel_loop3A_426 = arith.constant 512 : index
      %parallel_loop3A_427 = tpu.vector_load %arg9[%parallel_loop3A_425, %parallel_loop3A_426] {strides = array<i32>} : memref<32x768xf32, #tpu.memory_space<vmem>>, vector<16xf32>,
      tpu.vector_store %arg9[%parallel_loop3A_425, %parallel_loop3A_426], %parallel_loop3A_424 {strides = array<i32>} : memref<32x768xf32, #tpu.memory_space<vmem>>, vector<16xf32>,
      %parallel_loop3A_428 = arith.index_cast %parallel_loop3A_25 : i32 to index
      %parallel_loop3A_429 = arith.constant 144 : index
      %parallel_loop3A_430 = tpu.vector_load %arg11[%parallel_loop3A_428, %parallel_loop3A_429] {strides = array<i32>} : memref<64x384xf32, #tpu.memory_space<vmem>>, vector<16xf32>,
      %parallel_loop3A_431 = vector.bitcast %parallel_loop3A_430 : vector<16xf32> to vector<16xi32>
      %parallel_loop3A_432 = arith.constant 16 : i32
      %parallel_loop3A_433 = vector.broadcast %parallel_loop3A_432 : i32 to vector<16xi32>
      %parallel_loop3A_434 = arith.shli %parallel_loop3A_431, %parallel_loop3A_433 : vector<16xi32>
      %parallel_loop3A_435 = vector.bitcast %parallel_loop3A_434 : vector<16xi32> to vector<16xf32>
      %parallel_loop3A_436 = arith.andi %parallel_loop3A_431, %broadcast_in_dim3A_13 : vector<16xi32>
      %parallel_loop3A_437 = vector.bitcast %parallel_loop3A_436 : vector<16xi32> to vector<16xf32>
      %parallel_loop3A_438 = arith.index_cast %parallel_loop3A_25 : i32 to index
      %parallel_loop3A_439 = arith.constant 144 : index
      %parallel_loop3A_440 = tpu.vector_load %arg12[%parallel_loop3A_438, %parallel_loop3A_439] {strides = array<i32>} : memref<64x384xf32, #tpu.memory_space<vmem>>, vector<16xf32>,
      %parallel_loop3A_441 = vector.bitcast %parallel_loop3A_440 : vector<16xf32> to vector<16xi32>
      %parallel_loop3A_442 = arith.constant 16 : i32
      %parallel_loop3A_443 = vector.broadcast %parallel_loop3A_442 : i32 to vector<16xi32>
      %parallel_loop3A_444 = arith.shli %parallel_loop3A_441, %parallel_loop3A_443 : vector<16xi32>
      %parallel_loop3A_445 = vector.bitcast %parallel_loop3A_444 : vector<16xi32> to vector<16xf32>
      %parallel_loop3A_446 = arith.andi %parallel_loop3A_441, %broadcast_in_dim3A_13 : vector<16xi32>
      %parallel_loop3A_447 = vector.bitcast %parallel_loop3A_446 : vector<16xi32> to vector<16xf32>
      %parallel_loop3A_448 = arith.index_cast %parallel_loop3A_25 : i32 to index
      %parallel_loop3A_449 = arith.constant 144 : index
      %parallel_loop3A_450 = tpu.vector_load %arg10[%parallel_loop3A_448, %parallel_loop3A_449] {strides = array<i32>} : memref<64x384xf32, #tpu.memory_space<vmem>>, vector<16xf32>,
      %parallel_loop3A_451 = vector.bitcast %parallel_loop3A_450 : vector<16xf32> to vector<16xi32>
      %parallel_loop3A_452 = arith.constant 16 : i32
      %parallel_loop3A_453 = vector.broadcast %parallel_loop3A_452 : i32 to vector<16xi32>
      %parallel_loop3A_454 = arith.shli %parallel_loop3A_451, %parallel_loop3A_453 : vector<16xi32>
      %parallel_loop3A_455 = vector.bitcast %parallel_loop3A_454 : vector<16xi32> to vector<16xf32>
      %parallel_loop3A_456 = arith.andi %parallel_loop3A_451, %broadcast_in_dim3A_13 : vector<16xi32>
      %parallel_loop3A_457 = vector.bitcast %parallel_loop3A_456 : vector<16xi32> to vector<16xf32>
      %parallel_loop3A_458 = arith.mulf %parallel_loop3A_28, %parallel_loop3A_435 : vector<16xf32>
      %parallel_loop3A_459 = arith.addf %parallel_loop3A_455, %parallel_loop3A_458 : vector<16xf32>
      %parallel_loop3A_460 = arith.mulf %parallel_loop3A_31, %parallel_loop3A_445 : vector<16xf32>
      %parallel_loop3A_461 = arith.addf %parallel_loop3A_459, %parallel_loop3A_460 : vector<16xf32>
      %parallel_loop3A_462 = arith.index_cast %parallel_loop3A_23 : i32 to index
      %parallel_loop3A_463 = arith.constant 144 : index
      %parallel_loop3A_464 = tpu.vector_load %arg9[%parallel_loop3A_462, %parallel_loop3A_463] {strides = array<i32>} : memref<32x768xf32, #tpu.memory_space<vmem>>, vector<16xf32>,
      tpu.vector_store %arg9[%parallel_loop3A_462, %parallel_loop3A_463], %parallel_loop3A_461 {strides = array<i32>} : memref<32x768xf32, #tpu.memory_space<vmem>>, vector<16xf32>,
      %parallel_loop3A_465 = arith.mulf %parallel_loop3A_28, %parallel_loop3A_437 : vector<16xf32>
      %parallel_loop3A_466 = arith.addf %parallel_loop3A_457, %parallel_loop3A_465 : vector<16xf32>
      %parallel_loop3A_467 = arith.mulf %parallel_loop3A_31, %parallel_loop3A_447 : vector<16xf32>
      %parallel_loop3A_468 = arith.addf %parallel_loop3A_466, %parallel_loop3A_467 : vector<16xf32>
      %parallel_loop3A_469 = arith.index_cast %parallel_loop3A_23 : i32 to index
      %parallel_loop3A_470 = arith.constant 528 : index
      %parallel_loop3A_471 = tpu.vector_load %arg9[%parallel_loop3A_469, %parallel_loop3A_470] {strides = array<i32>} : memref<32x768xf32, #tpu.memory_space<vmem>>, vector<16xf32>,
      tpu.vector_store %arg9[%parallel_loop3A_469, %parallel_loop3A_470], %parallel_loop3A_468 {strides = array<i32>} : memref<32x768xf32, #tpu.memory_space<vmem>>, vector<16xf32>,
      %parallel_loop3A_472 = arith.index_cast %parallel_loop3A_25 : i32 to index
      %parallel_loop3A_473 = arith.constant 160 : index
      %parallel_loop3A_474 = tpu.vector_load %arg11[%parallel_loop3A_472, %parallel_loop3A_473] {strides = array<i32>} : memref<64x384xf32, #tpu.memory_space<vmem>>, vector<16xf32>,
      %parallel_loop3A_475 = vector.bitcast %parallel_loop3A_474 : vector<16xf32> to vector<16xi32>
      %parallel_loop3A_476 = arith.constant 16 : i32
      %parallel_loop3A_477 = vector.broadcast %parallel_loop3A_476 : i32 to vector<16xi32>
      %parallel_loop3A_478 = arith.shli %parallel_loop3A_475, %parallel_loop3A_477 : vector<16xi32>
      %parallel_loop3A_479 = vector.bitcast %parallel_loop3A_478 : vector<16xi32> to vector<16xf32>
      %parallel_loop3A_480 = arith.andi %parallel_loop3A_475, %broadcast_in_dim3A_13 : vector<16xi32>
      %parallel_loop3A_481 = vector.bitcast %parallel_loop3A_480 : vector<16xi32> to vector<16xf32>
      %parallel_loop3A_482 = arith.index_cast %parallel_loop3A_25 : i32 to index
      %parallel_loop3A_483 = arith.constant 160 : index
      %parallel_loop3A_484 = tpu.vector_load %arg12[%parallel_loop3A_482, %parallel_loop3A_483] {strides = array<i32>} : memref<64x384xf32, #tpu.memory_space<vmem>>, vector<16xf32>,
      %parallel_loop3A_485 = vector.bitcast %parallel_loop3A_484 : vector<16xf32> to vector<16xi32>
      %parallel_loop3A_486 = arith.constant 16 : i32
      %parallel_loop3A_487 = vector.broadcast %parallel_loop3A_486 : i32 to vector<16xi32>
      %parallel_loop3A_488 = arith.shli %parallel_loop3A_485, %parallel_loop3A_487 : vector<16xi32>
      %parallel_loop3A_489 = vector.bitcast %parallel_loop3A_488 : vector<16xi32> to vector<16xf32>
      %parallel_loop3A_490 = arith.andi %parallel_loop3A_485, %broadcast_in_dim3A_13 : vector<16xi32>
      %parallel_loop3A_491 = vector.bitcast %parallel_loop3A_490 : vector<16xi32> to vector<16xf32>
      %parallel_loop3A_492 = arith.index_cast %parallel_loop3A_25 : i32 to index
      %parallel_loop3A_493 = arith.constant 160 : index
      %parallel_loop3A_494 = tpu.vector_load %arg10[%parallel_loop3A_492, %parallel_loop3A_493] {strides = array<i32>} : memref<64x384xf32, #tpu.memory_space<vmem>>, vector<16xf32>,
      %parallel_loop3A_495 = vector.bitcast %parallel_loop3A_494 : vector<16xf32> to vector<16xi32>
      %parallel_loop3A_496 = arith.constant 16 : i32
      %parallel_loop3A_497 = vector.broadcast %parallel_loop3A_496 : i32 to vector<16xi32>
      %parallel_loop3A_498 = arith.shli %parallel_loop3A_495, %parallel_loop3A_497 : vector<16xi32>
      %parallel_loop3A_499 = vector.bitcast %parallel_loop3A_498 : vector<16xi32> to vector<16xf32>
      %parallel_loop3A_500 = arith.andi %parallel_loop3A_495, %broadcast_in_dim3A_13 : vector<16xi32>
      %parallel_loop3A_501 = vector.bitcast %parallel_loop3A_500 : vector<16xi32> to vector<16xf32>
      %parallel_loop3A_502 = arith.mulf %parallel_loop3A_28, %parallel_loop3A_479 : vector<16xf32>
      %parallel_loop3A_503 = arith.addf %parallel_loop3A_499, %parallel_loop3A_502 : vector<16xf32>
      %parallel_loop3A_504 = arith.mulf %parallel_loop3A_31, %parallel_loop3A_489 : vector<16xf32>
      %parallel_loop3A_505 = arith.addf %parallel_loop3A_503, %parallel_loop3A_504 : vector<16xf32>
      %parallel_loop3A_506 = arith.index_cast %parallel_loop3A_23 : i32 to index
      %parallel_loop3A_507 = arith.constant 160 : index
      %parallel_loop3A_508 = tpu.vector_load %arg9[%parallel_loop3A_506, %parallel_loop3A_507] {strides = array<i32>} : memref<32x768xf32, #tpu.memory_space<vmem>>, vector<16xf32>,
      tpu.vector_store %arg9[%parallel_loop3A_506, %parallel_loop3A_507], %parallel_loop3A_505 {strides = array<i32>} : memref<32x768xf32, #tpu.memory_space<vmem>>, vector<16xf32>,
      %parallel_loop3A_509 = arith.mulf %parallel_loop3A_28, %parallel_loop3A_481 : vector<16xf32>
      %parallel_loop3A_510 = arith.addf %parallel_loop3A_501, %parallel_loop3A_509 : vector<16xf32>
      %parallel_loop3A_511 = arith.mulf %parallel_loop3A_31, %parallel_loop3A_491 : vector<16xf32>
      %parallel_loop3A_512 = arith.addf %parallel_loop3A_510, %parallel_loop3A_511 : vector<16xf32>
      %parallel_loop3A_513 = arith.index_cast %parallel_loop3A_23 : i32 to index
      %parallel_loop3A_514 = arith.constant 544 : index
      %parallel_loop3A_515 = tpu.vector_load %arg9[%parallel_loop3A_513, %parallel_loop3A_514] {strides = array<i32>} : memref<32x768xf32, #tpu.memory_space<vmem>>, vector<16xf32>,
      tpu.vector_store %arg9[%parallel_loop3A_513, %parallel_loop3A_514], %parallel_loop3A_512 {strides = array<i32>} : memref<32x768xf32, #tpu.memory_space<vmem>>, vector<16xf32>,
      %parallel_loop3A_516 = arith.index_cast %parallel_loop3A_25 : i32 to index
      %parallel_loop3A_517 = arith.constant 176 : index
      %parallel_loop3A_518 = tpu.vector_load %arg11[%parallel_loop3A_516, %parallel_loop3A_517] {strides = array<i32>} : memref<64x384xf32, #tpu.memory_space<vmem>>, vector<16xf32>,
      %parallel_loop3A_519 = vector.bitcast %parallel_loop3A_518 : vector<16xf32> to vector<16xi32>
      %parallel_loop3A_520 = arith.constant 16 : i32
      %parallel_loop3A_521 = vector.broadcast %parallel_loop3A_520 : i32 to vector<16xi32>
      %parallel_loop3A_522 = arith.shli %parallel_loop3A_519, %parallel_loop3A_521 : vector<16xi32>
      %parallel_loop3A_523 = vector.bitcast %parallel_loop3A_522 : vector<16xi32> to vector<16xf32>
      %parallel_loop3A_524 = arith.andi %parallel_loop3A_519, %broadcast_in_dim3A_13 : vector<16xi32>
      %parallel_loop3A_525 = vector.bitcast %parallel_loop3A_524 : vector<16xi32> to vector<16xf32>
      %parallel_loop3A_526 = arith.index_cast %parallel_loop3A_25 : i32 to index
      %parallel_loop3A_527 = arith.constant 176 : index
      %parallel_loop3A_528 = tpu.vector_load %arg12[%parallel_loop3A_526, %parallel_loop3A_527] {strides = array<i32>} : memref<64x384xf32, #tpu.memory_space<vmem>>, vector<16xf32>,
      %parallel_loop3A_529 = vector.bitcast %parallel_loop3A_528 : vector<16xf32> to vector<16xi32>
      %parallel_loop3A_530 = arith.constant 16 : i32
      %parallel_loop3A_531 = vector.broadcast %parallel_loop3A_530 : i32 to vector<16xi32>
      %parallel_loop3A_532 = arith.shli %parallel_loop3A_529, %parallel_loop3A_531 : vector<16xi32>
      %parallel_loop3A_533 = vector.bitcast %parallel_loop3A_532 : vector<16xi32> to vector<16xf32>
      %parallel_loop3A_534 = arith.andi %parallel_loop3A_529, %broadcast_in_dim3A_13 : vector<16xi32>
      %parallel_loop3A_535 = vector.bitcast %parallel_loop3A_534 : vector<16xi32> to vector<16xf32>
      %parallel_loop3A_536 = arith.index_cast %parallel_loop3A_25 : i32 to index
      %parallel_loop3A_537 = arith.constant 176 : index
      %parallel_loop3A_538 = tpu.vector_load %arg10[%parallel_loop3A_536, %parallel_loop3A_537] {strides = array<i32>} : memref<64x384xf32, #tpu.memory_space<vmem>>, vector<16xf32>,
      %parallel_loop3A_539 = vector.bitcast %parallel_loop3A_538 : vector<16xf32> to vector<16xi32>
      %parallel_loop3A_540 = arith.constant 16 : i32
      %parallel_loop3A_541 = vector.broadcast %parallel_loop3A_540 : i32 to vector<16xi32>
      %parallel_loop3A_542 = arith.shli %parallel_loop3A_539, %parallel_loop3A_541 : vector<16xi32>
      %parallel_loop3A_543 = vector.bitcast %parallel_loop3A_542 : vector<16xi32> to vector<16xf32>
      %parallel_loop3A_544 = arith.andi %parallel_loop3A_539, %broadcast_in_dim3A_13 : vector<16xi32>
      %parallel_loop3A_545 = vector.bitcast %parallel_loop3A_544 : vector<16xi32> to vector<16xf32>
      %parallel_loop3A_546 = arith.mulf %parallel_loop3A_28, %parallel_loop3A_523 : vector<16xf32>
      %parallel_loop3A_547 = arith.addf %parallel_loop3A_543, %parallel_loop3A_546 : vector<16xf32>
      %parallel_loop3A_548 = arith.mulf %parallel_loop3A_31, %parallel_loop3A_533 : vector<16xf32>
      %parallel_loop3A_549 = arith.addf %parallel_loop3A_547, %parallel_loop3A_548 : vector<16xf32>
      %parallel_loop3A_550 = arith.index_cast %parallel_loop3A_23 : i32 to index
      %parallel_loop3A_551 = arith.constant 176 : index
      %parallel_loop3A_552 = tpu.vector_load %arg9[%parallel_loop3A_550, %parallel_loop3A_551] {strides = array<i32>} : memref<32x768xf32, #tpu.memory_space<vmem>>, vector<16xf32>,
      tpu.vector_store %arg9[%parallel_loop3A_550, %parallel_loop3A_551], %parallel_loop3A_549 {strides = array<i32>} : memref<32x768xf32, #tpu.memory_space<vmem>>, vector<16xf32>,
      %parallel_loop3A_553 = arith.mulf %parallel_loop3A_28, %parallel_loop3A_525 : vector<16xf32>
      %parallel_loop3A_554 = arith.addf %parallel_loop3A_545, %parallel_loop3A_553 : vector<16xf32>
      %parallel_loop3A_555 = arith.mulf %parallel_loop3A_31, %parallel_loop3A_535 : vector<16xf32>
      %parallel_loop3A_556 = arith.addf %parallel_loop3A_554, %parallel_loop3A_555 : vector<16xf32>
      %parallel_loop3A_557 = arith.index_cast %parallel_loop3A_23 : i32 to index
      %parallel_loop3A_558 = arith.constant 560 : index
      %parallel_loop3A_559 = tpu.vector_load %arg9[%parallel_loop3A_557, %parallel_loop3A_558] {strides = array<i32>} : memref<32x768xf32, #tpu.memory_space<vmem>>, vector<16xf32>,
      tpu.vector_store %arg9[%parallel_loop3A_557, %parallel_loop3A_558], %parallel_loop3A_556 {strides = array<i32>} : memref<32x768xf32, #tpu.memory_space<vmem>>, vector<16xf32>,
      %parallel_loop3A_560 = arith.index_cast %parallel_loop3A_25 : i32 to index
      %parallel_loop3A_561 = arith.constant 192 : index
      %parallel_loop3A_562 = tpu.vector_load %arg11[%parallel_loop3A_560, %parallel_loop3A_561] {strides = array<i32>} : memref<64x384xf32, #tpu.memory_space<vmem>>, vector<16xf32>,
      %parallel_loop3A_563 = vector.bitcast %parallel_loop3A_562 : vector<16xf32> to vector<16xi32>
      %parallel_loop3A_564 = arith.constant 16 : i32
      %parallel_loop3A_565 = vector.broadcast %parallel_loop3A_564 : i32 to vector<16xi32>
      %parallel_loop3A_566 = arith.shli %parallel_loop3A_563, %parallel_loop3A_565 : vector<16xi32>
      %parallel_loop3A_567 = vector.bitcast %parallel_loop3A_566 : vector<16xi32> to vector<16xf32>
      %parallel_loop3A_568 = arith.andi %parallel_loop3A_563, %broadcast_in_dim3A_13 : vector<16xi32>
      %parallel_loop3A_569 = vector.bitcast %parallel_loop3A_568 : vector<16xi32> to vector<16xf32>
      %parallel_loop3A_570 = arith.index_cast %parallel_loop3A_25 : i32 to index
      %parallel_loop3A_571 = arith.constant 192 : index
      %parallel_loop3A_572 = tpu.vector_load %arg12[%parallel_loop3A_570, %parallel_loop3A_571] {strides = array<i32>} : memref<64x384xf32, #tpu.memory_space<vmem>>, vector<16xf32>,
      %parallel_loop3A_573 = vector.bitcast %parallel_loop3A_572 : vector<16xf32> to vector<16xi32>
      %parallel_loop3A_574 = arith.constant 16 : i32
      %parallel_loop3A_575 = vector.broadcast %parallel_loop3A_574 : i32 to vector<16xi32>
      %parallel_loop3A_576 = arith.shli %parallel_loop3A_573, %parallel_loop3A_575 : vector<16xi32>
      %parallel_loop3A_577 = vector.bitcast %parallel_loop3A_576 : vector<16xi32> to vector<16xf32>
      %parallel_loop3A_578 = arith.andi %parallel_loop3A_573, %broadcast_in_dim3A_13 : vector<16xi32>
      %parallel_loop3A_579 = vector.bitcast %parallel_loop3A_578 : vector<16xi32> to vector<16xf32>
      %parallel_loop3A_580 = arith.index_cast %parallel_loop3A_25 : i32 to index
      %parallel_loop3A_581 = arith.constant 192 : index
      %parallel_loop3A_582 = tpu.vector_load %arg10[%parallel_loop3A_580, %parallel_loop3A_581] {strides = array<i32>} : memref<64x384xf32, #tpu.memory_space<vmem>>, vector<16xf32>,
      %parallel_loop3A_583 = vector.bitcast %parallel_loop3A_582 : vector<16xf32> to vector<16xi32>
      %parallel_loop3A_584 = arith.constant 16 : i32
      %parallel_loop3A_585 = vector.broadcast %parallel_loop3A_584 : i32 to vector<16xi32>
      %parallel_loop3A_586 = arith.shli %parallel_loop3A_583, %parallel_loop3A_585 : vector<16xi32>
      %parallel_loop3A_587 = vector.bitcast %parallel_loop3A_586 : vector<16xi32> to vector<16xf32>
      %parallel_loop3A_588 = arith.andi %parallel_loop3A_583, %broadcast_in_dim3A_13 : vector<16xi32>
      %parallel_loop3A_589 = vector.bitcast %parallel_loop3A_588 : vector<16xi32> to vector<16xf32>
      %parallel_loop3A_590 = arith.mulf %parallel_loop3A_28, %parallel_loop3A_567 : vector<16xf32>
      %parallel_loop3A_591 = arith.addf %parallel_loop3A_587, %parallel_loop3A_590 : vector<16xf32>
      %parallel_loop3A_592 = arith.mulf %parallel_loop3A_31, %parallel_loop3A_577 : vector<16xf32>
      %parallel_loop3A_593 = arith.addf %parallel_loop3A_591, %parallel_loop3A_592 : vector<16xf32>
      %parallel_loop3A_594 = arith.index_cast %parallel_loop3A_23 : i32 to index
      %parallel_loop3A_595 = arith.constant 192 : index
      %parallel_loop3A_596 = tpu.vector_load %arg9[%parallel_loop3A_594, %parallel_loop3A_595] {strides = array<i32>} : memref<32x768xf32, #tpu.memory_space<vmem>>, vector<16xf32>,
      tpu.vector_store %arg9[%parallel_loop3A_594, %parallel_loop3A_595], %parallel_loop3A_593 {strides = array<i32>} : memref<32x768xf32, #tpu.memory_space<vmem>>, vector<16xf32>,
      %parallel_loop3A_597 = arith.mulf %parallel_loop3A_28, %parallel_loop3A_569 : vector<16xf32>
      %parallel_loop3A_598 = arith.addf %parallel_loop3A_589, %parallel_loop3A_597 : vector<16xf32>
      %parallel_loop3A_599 = arith.mulf %parallel_loop3A_31, %parallel_loop3A_579 : vector<16xf32>
      %parallel_loop3A_600 = arith.addf %parallel_loop3A_598, %parallel_loop3A_599 : vector<16xf32>
      %parallel_loop3A_601 = arith.index_cast %parallel_loop3A_23 : i32 to index
      %parallel_loop3A_602 = arith.constant 576 : index
      %parallel_loop3A_603 = tpu.vector_load %arg9[%parallel_loop3A_601, %parallel_loop3A_602] {strides = array<i32>} : memref<32x768xf32, #tpu.memory_space<vmem>>, vector<16xf32>,
      tpu.vector_store %arg9[%parallel_loop3A_601, %parallel_loop3A_602], %parallel_loop3A_600 {strides = array<i32>} : memref<32x768xf32, #tpu.memory_space<vmem>>, vector<16xf32>,
      %parallel_loop3A_604 = arith.index_cast %parallel_loop3A_25 : i32 to index
      %parallel_loop3A_605 = arith.constant 208 : index
      %parallel_loop3A_606 = tpu.vector_load %arg11[%parallel_loop3A_604, %parallel_loop3A_605] {strides = array<i32>} : memref<64x384xf32, #tpu.memory_space<vmem>>, vector<16xf32>,
      %parallel_loop3A_607 = vector.bitcast %parallel_loop3A_606 : vector<16xf32> to vector<16xi32>
      %parallel_loop3A_608 = arith.constant 16 : i32
      %parallel_loop3A_609 = vector.broadcast %parallel_loop3A_608 : i32 to vector<16xi32>
      %parallel_loop3A_610 = arith.shli %parallel_loop3A_607, %parallel_loop3A_609 : vector<16xi32>
      %parallel_loop3A_611 = vector.bitcast %parallel_loop3A_610 : vector<16xi32> to vector<16xf32>
      %parallel_loop3A_612 = arith.andi %parallel_loop3A_607, %broadcast_in_dim3A_13 : vector<16xi32>
      %parallel_loop3A_613 = vector.bitcast %parallel_loop3A_612 : vector<16xi32> to vector<16xf32>
      %parallel_loop3A_614 = arith.index_cast %parallel_loop3A_25 : i32 to index
      %parallel_loop3A_615 = arith.constant 208 : index
      %parallel_loop3A_616 = tpu.vector_load %arg12[%parallel_loop3A_614, %parallel_loop3A_615] {strides = array<i32>} : memref<64x384xf32, #tpu.memory_space<vmem>>, vector<16xf32>,
      %parallel_loop3A_617 = vector.bitcast %parallel_loop3A_616 : vector<16xf32> to vector<16xi32>
      %parallel_loop3A_618 = arith.constant 16 : i32
      %parallel_loop3A_619 = vector.broadcast %parallel_loop3A_618 : i32 to vector<16xi32>
      %parallel_loop3A_620 = arith.shli %parallel_loop3A_617, %parallel_loop3A_619 : vector<16xi32>
      %parallel_loop3A_621 = vector.bitcast %parallel_loop3A_620 : vector<16xi32> to vector<16xf32>
      %parallel_loop3A_622 = arith.andi %parallel_loop3A_617, %broadcast_in_dim3A_13 : vector<16xi32>
      %parallel_loop3A_623 = vector.bitcast %parallel_loop3A_622 : vector<16xi32> to vector<16xf32>
      %parallel_loop3A_624 = arith.index_cast %parallel_loop3A_25 : i32 to index
      %parallel_loop3A_625 = arith.constant 208 : index
      %parallel_loop3A_626 = tpu.vector_load %arg10[%parallel_loop3A_624, %parallel_loop3A_625] {strides = array<i32>} : memref<64x384xf32, #tpu.memory_space<vmem>>, vector<16xf32>,
      %parallel_loop3A_627 = vector.bitcast %parallel_loop3A_626 : vector<16xf32> to vector<16xi32>
      %parallel_loop3A_628 = arith.constant 16 : i32
      %parallel_loop3A_629 = vector.broadcast %parallel_loop3A_628 : i32 to vector<16xi32>
      %parallel_loop3A_630 = arith.shli %parallel_loop3A_627, %parallel_loop3A_629 : vector<16xi32>
      %parallel_loop3A_631 = vector.bitcast %parallel_loop3A_630 : vector<16xi32> to vector<16xf32>
      %parallel_loop3A_632 = arith.andi %parallel_loop3A_627, %broadcast_in_dim3A_13 : vector<16xi32>
      %parallel_loop3A_633 = vector.bitcast %parallel_loop3A_632 : vector<16xi32> to vector<16xf32>
      %parallel_loop3A_634 = arith.mulf %parallel_loop3A_28, %parallel_loop3A_611 : vector<16xf32>
      %parallel_loop3A_635 = arith.addf %parallel_loop3A_631, %parallel_loop3A_634 : vector<16xf32>
      %parallel_loop3A_636 = arith.mulf %parallel_loop3A_31, %parallel_loop3A_621 : vector<16xf32>
      %parallel_loop3A_637 = arith.addf %parallel_loop3A_635, %parallel_loop3A_636 : vector<16xf32>
      %parallel_loop3A_638 = arith.index_cast %parallel_loop3A_23 : i32 to index
      %parallel_loop3A_639 = arith.constant 208 : index
      %parallel_loop3A_640 = tpu.vector_load %arg9[%parallel_loop3A_638, %parallel_loop3A_639] {strides = array<i32>} : memref<32x768xf32, #tpu.memory_space<vmem>>, vector<16xf32>,
      tpu.vector_store %arg9[%parallel_loop3A_638, %parallel_loop3A_639], %parallel_loop3A_637 {strides = array<i32>} : memref<32x768xf32, #tpu.memory_space<vmem>>, vector<16xf32>,
      %parallel_loop3A_641 = arith.mulf %parallel_loop3A_28, %parallel_loop3A_613 : vector<16xf32>
      %parallel_loop3A_642 = arith.addf %parallel_loop3A_633, %parallel_loop3A_641 : vector<16xf32>
      %parallel_loop3A_643 = arith.mulf %parallel_loop3A_31, %parallel_loop3A_623 : vector<16xf32>
      %parallel_loop3A_644 = arith.addf %parallel_loop3A_642, %parallel_loop3A_643 : vector<16xf32>
      %parallel_loop3A_645 = arith.index_cast %parallel_loop3A_23 : i32 to index
      %parallel_loop3A_646 = arith.constant 592 : index
      %parallel_loop3A_647 = tpu.vector_load %arg9[%parallel_loop3A_645, %parallel_loop3A_646] {strides = array<i32>} : memref<32x768xf32, #tpu.memory_space<vmem>>, vector<16xf32>,
      tpu.vector_store %arg9[%parallel_loop3A_645, %parallel_loop3A_646], %parallel_loop3A_644 {strides = array<i32>} : memref<32x768xf32, #tpu.memory_space<vmem>>, vector<16xf32>,
      %parallel_loop3A_648 = arith.index_cast %parallel_loop3A_25 : i32 to index
      %parallel_loop3A_649 = arith.constant 224 : index
      %parallel_loop3A_650 = tpu.vector_load %arg11[%parallel_loop3A_648, %parallel_loop3A_649] {strides = array<i32>} : memref<64x384xf32, #tpu.memory_space<vmem>>, vector<16xf32>,
      %parallel_loop3A_651 = vector.bitcast %parallel_loop3A_650 : vector<16xf32> to vector<16xi32>
      %parallel_loop3A_652 = arith.constant 16 : i32
      %parallel_loop3A_653 = vector.broadcast %parallel_loop3A_652 : i32 to vector<16xi32>
      %parallel_loop3A_654 = arith.shli %parallel_loop3A_651, %parallel_loop3A_653 : vector<16xi32>
      %parallel_loop3A_655 = vector.bitcast %parallel_loop3A_654 : vector<16xi32> to vector<16xf32>
      %parallel_loop3A_656 = arith.andi %parallel_loop3A_651, %broadcast_in_dim3A_13 : vector<16xi32>
      %parallel_loop3A_657 = vector.bitcast %parallel_loop3A_656 : vector<16xi32> to vector<16xf32>
      %parallel_loop3A_658 = arith.index_cast %parallel_loop3A_25 : i32 to index
      %parallel_loop3A_659 = arith.constant 224 : index
      %parallel_loop3A_660 = tpu.vector_load %arg12[%parallel_loop3A_658, %parallel_loop3A_659] {strides = array<i32>} : memref<64x384xf32, #tpu.memory_space<vmem>>, vector<16xf32>,
      %parallel_loop3A_661 = vector.bitcast %parallel_loop3A_660 : vector<16xf32> to vector<16xi32>
      %parallel_loop3A_662 = arith.constant 16 : i32
      %parallel_loop3A_663 = vector.broadcast %parallel_loop3A_662 : i32 to vector<16xi32>
      %parallel_loop3A_664 = arith.shli %parallel_loop3A_661, %parallel_loop3A_663 : vector<16xi32>
      %parallel_loop3A_665 = vector.bitcast %parallel_loop3A_664 : vector<16xi32> to vector<16xf32>
      %parallel_loop3A_666 = arith.andi %parallel_loop3A_661, %broadcast_in_dim3A_13 : vector<16xi32>
      %parallel_loop3A_667 = vector.bitcast %parallel_loop3A_666 : vector<16xi32> to vector<16xf32>
      %parallel_loop3A_668 = arith.index_cast %parallel_loop3A_25 : i32 to index
      %parallel_loop3A_669 = arith.constant 224 : index
      %parallel_loop3A_670 = tpu.vector_load %arg10[%parallel_loop3A_668, %parallel_loop3A_669] {strides = array<i32>} : memref<64x384xf32, #tpu.memory_space<vmem>>, vector<16xf32>,
      %parallel_loop3A_671 = vector.bitcast %parallel_loop3A_670 : vector<16xf32> to vector<16xi32>
      %parallel_loop3A_672 = arith.constant 16 : i32
      %parallel_loop3A_673 = vector.broadcast %parallel_loop3A_672 : i32 to vector<16xi32>
      %parallel_loop3A_674 = arith.shli %parallel_loop3A_671, %parallel_loop3A_673 : vector<16xi32>
      %parallel_loop3A_675 = vector.bitcast %parallel_loop3A_674 : vector<16xi32> to vector<16xf32>
      %parallel_loop3A_676 = arith.andi %parallel_loop3A_671, %broadcast_in_dim3A_13 : vector<16xi32>
      %parallel_loop3A_677 = vector.bitcast %parallel_loop3A_676 : vector<16xi32> to vector<16xf32>
      %parallel_loop3A_678 = arith.mulf %parallel_loop3A_28, %parallel_loop3A_655 : vector<16xf32>
      %parallel_loop3A_679 = arith.addf %parallel_loop3A_675, %parallel_loop3A_678 : vector<16xf32>
      %parallel_loop3A_680 = arith.mulf %parallel_loop3A_31, %parallel_loop3A_665 : vector<16xf32>
      %parallel_loop3A_681 = arith.addf %parallel_loop3A_679, %parallel_loop3A_680 : vector<16xf32>
      %parallel_loop3A_682 = arith.index_cast %parallel_loop3A_23 : i32 to index
      %parallel_loop3A_683 = arith.constant 224 : index
      %parallel_loop3A_684 = tpu.vector_load %arg9[%parallel_loop3A_682, %parallel_loop3A_683] {strides = array<i32>} : memref<32x768xf32, #tpu.memory_space<vmem>>, vector<16xf32>,
      tpu.vector_store %arg9[%parallel_loop3A_682, %parallel_loop3A_683], %parallel_loop3A_681 {strides = array<i32>} : memref<32x768xf32, #tpu.memory_space<vmem>>, vector<16xf32>,
      %parallel_loop3A_685 = arith.mulf %parallel_loop3A_28, %parallel_loop3A_657 : vector<16xf32>
      %parallel_loop3A_686 = arith.addf %parallel_loop3A_677, %parallel_loop3A_685 : vector<16xf32>
      %parallel_loop3A_687 = arith.mulf %parallel_loop3A_31, %parallel_loop3A_667 : vector<16xf32>
      %parallel_loop3A_688 = arith.addf %parallel_loop3A_686, %parallel_loop3A_687 : vector<16xf32>
      %parallel_loop3A_689 = arith.index_cast %parallel_loop3A_23 : i32 to index
      %parallel_loop3A_690 = arith.constant 608 : index
      %parallel_loop3A_691 = tpu.vector_load %arg9[%parallel_loop3A_689, %parallel_loop3A_690] {strides = array<i32>} : memref<32x768xf32, #tpu.memory_space<vmem>>, vector<16xf32>,
      tpu.vector_store %arg9[%parallel_loop3A_689, %parallel_loop3A_690], %parallel_loop3A_688 {strides = array<i32>} : memref<32x768xf32, #tpu.memory_space<vmem>>, vector<16xf32>,
      %parallel_loop3A_692 = arith.index_cast %parallel_loop3A_25 : i32 to index
      %parallel_loop3A_693 = arith.constant 240 : index
      %parallel_loop3A_694 = tpu.vector_load %arg11[%parallel_loop3A_692, %parallel_loop3A_693] {strides = array<i32>} : memref<64x384xf32, #tpu.memory_space<vmem>>, vector<16xf32>,
      %parallel_loop3A_695 = vector.bitcast %parallel_loop3A_694 : vector<16xf32> to vector<16xi32>
      %parallel_loop3A_696 = arith.constant 16 : i32
      %parallel_loop3A_697 = vector.broadcast %parallel_loop3A_696 : i32 to vector<16xi32>
      %parallel_loop3A_698 = arith.shli %parallel_loop3A_695, %parallel_loop3A_697 : vector<16xi32>
      %parallel_loop3A_699 = vector.bitcast %parallel_loop3A_698 : vector<16xi32> to vector<16xf32>
      %parallel_loop3A_700 = arith.andi %parallel_loop3A_695, %broadcast_in_dim3A_13 : vector<16xi32>
      %parallel_loop3A_701 = vector.bitcast %parallel_loop3A_700 : vector<16xi32> to vector<16xf32>
      %parallel_loop3A_702 = arith.index_cast %parallel_loop3A_25 : i32 to index
      %parallel_loop3A_703 = arith.constant 240 : index
      %parallel_loop3A_704 = tpu.vector_load %arg12[%parallel_loop3A_702, %parallel_loop3A_703] {strides = array<i32>} : memref<64x384xf32, #tpu.memory_space<vmem>>, vector<16xf32>,
      %parallel_loop3A_705 = vector.bitcast %parallel_loop3A_704 : vector<16xf32> to vector<16xi32>
      %parallel_loop3A_706 = arith.constant 16 : i32
      %parallel_loop3A_707 = vector.broadcast %parallel_loop3A_706 : i32 to vector<16xi32>
      %parallel_loop3A_708 = arith.shli %parallel_loop3A_705, %parallel_loop3A_707 : vector<16xi32>
      %parallel_loop3A_709 = vector.bitcast %parallel_loop3A_708 : vector<16xi32> to vector<16xf32>
      %parallel_loop3A_710 = arith.andi %parallel_loop3A_705, %broadcast_in_dim3A_13 : vector<16xi32>
      %parallel_loop3A_711 = vector.bitcast %parallel_loop3A_710 : vector<16xi32> to vector<16xf32>
      %parallel_loop3A_712 = arith.index_cast %parallel_loop3A_25 : i32 to index
      %parallel_loop3A_713 = arith.constant 240 : index
      %parallel_loop3A_714 = tpu.vector_load %arg10[%parallel_loop3A_712, %parallel_loop3A_713] {strides = array<i32>} : memref<64x384xf32, #tpu.memory_space<vmem>>, vector<16xf32>,
      %parallel_loop3A_715 = vector.bitcast %parallel_loop3A_714 : vector<16xf32> to vector<16xi32>
      %parallel_loop3A_716 = arith.constant 16 : i32
      %parallel_loop3A_717 = vector.broadcast %parallel_loop3A_716 : i32 to vector<16xi32>
      %parallel_loop3A_718 = arith.shli %parallel_loop3A_715, %parallel_loop3A_717 : vector<16xi32>
      %parallel_loop3A_719 = vector.bitcast %parallel_loop3A_718 : vector<16xi32> to vector<16xf32>
      %parallel_loop3A_720 = arith.andi %parallel_loop3A_715, %broadcast_in_dim3A_13 : vector<16xi32>
      %parallel_loop3A_721 = vector.bitcast %parallel_loop3A_720 : vector<16xi32> to vector<16xf32>
      %parallel_loop3A_722 = arith.mulf %parallel_loop3A_28, %parallel_loop3A_699 : vector<16xf32>
      %parallel_loop3A_723 = arith.addf %parallel_loop3A_719, %parallel_loop3A_722 : vector<16xf32>
      %parallel_loop3A_724 = arith.mulf %parallel_loop3A_31, %parallel_loop3A_709 : vector<16xf32>
      %parallel_loop3A_725 = arith.addf %parallel_loop3A_723, %parallel_loop3A_724 : vector<16xf32>
      %parallel_loop3A_726 = arith.index_cast %parallel_loop3A_23 : i32 to index
      %parallel_loop3A_727 = arith.constant 240 : index
      %parallel_loop3A_728 = tpu.vector_load %arg9[%parallel_loop3A_726, %parallel_loop3A_727] {strides = array<i32>} : memref<32x768xf32, #tpu.memory_space<vmem>>, vector<16xf32>,
      tpu.vector_store %arg9[%parallel_loop3A_726, %parallel_loop3A_727], %parallel_loop3A_725 {strides = array<i32>} : memref<32x768xf32, #tpu.memory_space<vmem>>, vector<16xf32>,
      %parallel_loop3A_729 = arith.mulf %parallel_loop3A_28, %parallel_loop3A_701 : vector<16xf32>
      %parallel_loop3A_730 = arith.addf %parallel_loop3A_721, %parallel_loop3A_729 : vector<16xf32>
      %parallel_loop3A_731 = arith.mulf %parallel_loop3A_31, %parallel_loop3A_711 : vector<16xf32>
      %parallel_loop3A_732 = arith.addf %parallel_loop3A_730, %parallel_loop3A_731 : vector<16xf32>
      %parallel_loop3A_733 = arith.index_cast %parallel_loop3A_23 : i32 to index
      %parallel_loop3A_734 = arith.constant 624 : index
      %parallel_loop3A_735 = tpu.vector_load %arg9[%parallel_loop3A_733, %parallel_loop3A_734] {strides = array<i32>} : memref<32x768xf32, #tpu.memory_space<vmem>>, vector<16xf32>,
      tpu.vector_store %arg9[%parallel_loop3A_733, %parallel_loop3A_734], %parallel_loop3A_732 {strides = array<i32>} : memref<32x768xf32, #tpu.memory_space<vmem>>, vector<16xf32>,
      %parallel_loop3A_736 = arith.index_cast %parallel_loop3A_25 : i32 to index
      %parallel_loop3A_737 = arith.constant 256 : index
      %parallel_loop3A_738 = tpu.vector_load %arg11[%parallel_loop3A_736, %parallel_loop3A_737] {strides = array<i32>} : memref<64x384xf32, #tpu.memory_space<vmem>>, vector<16xf32>,
      %parallel_loop3A_739 = vector.bitcast %parallel_loop3A_738 : vector<16xf32> to vector<16xi32>
      %parallel_loop3A_740 = arith.constant 16 : i32
      %parallel_loop3A_741 = vector.broadcast %parallel_loop3A_740 : i32 to vector<16xi32>
      %parallel_loop3A_742 = arith.shli %parallel_loop3A_739, %parallel_loop3A_741 : vector<16xi32>
      %parallel_loop3A_743 = vector.bitcast %parallel_loop3A_742 : vector<16xi32> to vector<16xf32>
      %parallel_loop3A_744 = arith.andi %parallel_loop3A_739, %broadcast_in_dim3A_13 : vector<16xi32>
      %parallel_loop3A_745 = vector.bitcast %parallel_loop3A_744 : vector<16xi32> to vector<16xf32>
      %parallel_loop3A_746 = arith.index_cast %parallel_loop3A_25 : i32 to index
      %parallel_loop3A_747 = arith.constant 256 : index
      %parallel_loop3A_748 = tpu.vector_load %arg12[%parallel_loop3A_746, %parallel_loop3A_747] {strides = array<i32>} : memref<64x384xf32, #tpu.memory_space<vmem>>, vector<16xf32>,
      %parallel_loop3A_749 = vector.bitcast %parallel_loop3A_748 : vector<16xf32> to vector<16xi32>
      %parallel_loop3A_750 = arith.constant 16 : i32
      %parallel_loop3A_751 = vector.broadcast %parallel_loop3A_750 : i32 to vector<16xi32>
      %parallel_loop3A_752 = arith.shli %parallel_loop3A_749, %parallel_loop3A_751 : vector<16xi32>
      %parallel_loop3A_753 = vector.bitcast %parallel_loop3A_752 : vector<16xi32> to vector<16xf32>
      %parallel_loop3A_754 = arith.andi %parallel_loop3A_749, %broadcast_in_dim3A_13 : vector<16xi32>
      %parallel_loop3A_755 = vector.bitcast %parallel_loop3A_754 : vector<16xi32> to vector<16xf32>
      %parallel_loop3A_756 = arith.index_cast %parallel_loop3A_25 : i32 to index
      %parallel_loop3A_757 = arith.constant 256 : index
      %parallel_loop3A_758 = tpu.vector_load %arg10[%parallel_loop3A_756, %parallel_loop3A_757] {strides = array<i32>} : memref<64x384xf32, #tpu.memory_space<vmem>>, vector<16xf32>,
      %parallel_loop3A_759 = vector.bitcast %parallel_loop3A_758 : vector<16xf32> to vector<16xi32>
      %parallel_loop3A_760 = arith.constant 16 : i32
      %parallel_loop3A_761 = vector.broadcast %parallel_loop3A_760 : i32 to vector<16xi32>
      %parallel_loop3A_762 = arith.shli %parallel_loop3A_759, %parallel_loop3A_761 : vector<16xi32>
      %parallel_loop3A_763 = vector.bitcast %parallel_loop3A_762 : vector<16xi32> to vector<16xf32>
      %parallel_loop3A_764 = arith.andi %parallel_loop3A_759, %broadcast_in_dim3A_13 : vector<16xi32>
      %parallel_loop3A_765 = vector.bitcast %parallel_loop3A_764 : vector<16xi32> to vector<16xf32>
      %parallel_loop3A_766 = arith.mulf %parallel_loop3A_28, %parallel_loop3A_743 : vector<16xf32>
      %parallel_loop3A_767 = arith.addf %parallel_loop3A_763, %parallel_loop3A_766 : vector<16xf32>
      %parallel_loop3A_768 = arith.mulf %parallel_loop3A_31, %parallel_loop3A_753 : vector<16xf32>
      %parallel_loop3A_769 = arith.addf %parallel_loop3A_767, %parallel_loop3A_768 : vector<16xf32>
      %parallel_loop3A_770 = arith.index_cast %parallel_loop3A_23 : i32 to index
      %parallel_loop3A_771 = arith.constant 256 : index
      %parallel_loop3A_772 = tpu.vector_load %arg9[%parallel_loop3A_770, %parallel_loop3A_771] {strides = array<i32>} : memref<32x768xf32, #tpu.memory_space<vmem>>, vector<16xf32>,
      tpu.vector_store %arg9[%parallel_loop3A_770, %parallel_loop3A_771], %parallel_loop3A_769 {strides = array<i32>} : memref<32x768xf32, #tpu.memory_space<vmem>>, vector<16xf32>,
      %parallel_loop3A_773 = arith.mulf %parallel_loop3A_28, %parallel_loop3A_745 : vector<16xf32>
      %parallel_loop3A_774 = arith.addf %parallel_loop3A_765, %parallel_loop3A_773 : vector<16xf32>
      %parallel_loop3A_775 = arith.mulf %parallel_loop3A_31, %parallel_loop3A_755 : vector<16xf32>
      %parallel_loop3A_776 = arith.addf %parallel_loop3A_774, %parallel_loop3A_775 : vector<16xf32>
      %parallel_loop3A_777 = arith.index_cast %parallel_loop3A_23 : i32 to index
      %parallel_loop3A_778 = arith.constant 640 : index
      %parallel_loop3A_779 = tpu.vector_load %arg9[%parallel_loop3A_777, %parallel_loop3A_778] {strides = array<i32>} : memref<32x768xf32, #tpu.memory_space<vmem>>, vector<16xf32>,
      tpu.vector_store %arg9[%parallel_loop3A_777, %parallel_loop3A_778], %parallel_loop3A_776 {strides = array<i32>} : memref<32x768xf32, #tpu.memory_space<vmem>>, vector<16xf32>,
      %parallel_loop3A_780 = arith.index_cast %parallel_loop3A_25 : i32 to index
      %parallel_loop3A_781 = arith.constant 272 : index
      %parallel_loop3A_782 = tpu.vector_load %arg11[%parallel_loop3A_780, %parallel_loop3A_781] {strides = array<i32>} : memref<64x384xf32, #tpu.memory_space<vmem>>, vector<16xf32>,
      %parallel_loop3A_783 = vector.bitcast %parallel_loop3A_782 : vector<16xf32> to vector<16xi32>
      %parallel_loop3A_784 = arith.constant 16 : i32
      %parallel_loop3A_785 = vector.broadcast %parallel_loop3A_784 : i32 to vector<16xi32>
      %parallel_loop3A_786 = arith.shli %parallel_loop3A_783, %parallel_loop3A_785 : vector<16xi32>
      %parallel_loop3A_787 = vector.bitcast %parallel_loop3A_786 : vector<16xi32> to vector<16xf32>
      %parallel_loop3A_788 = arith.andi %parallel_loop3A_783, %broadcast_in_dim3A_13 : vector<16xi32>
      %parallel_loop3A_789 = vector.bitcast %parallel_loop3A_788 : vector<16xi32> to vector<16xf32>
      %parallel_loop3A_790 = arith.index_cast %parallel_loop3A_25 : i32 to index
      %parallel_loop3A_791 = arith.constant 272 : index
      %parallel_loop3A_792 = tpu.vector_load %arg12[%parallel_loop3A_790, %parallel_loop3A_791] {strides = array<i32>} : memref<64x384xf32, #tpu.memory_space<vmem>>, vector<16xf32>,
      %parallel_loop3A_793 = vector.bitcast %parallel_loop3A_792 : vector<16xf32> to vector<16xi32>
      %parallel_loop3A_794 = arith.constant 16 : i32
      %parallel_loop3A_795 = vector.broadcast %parallel_loop3A_794 : i32 to vector<16xi32>
      %parallel_loop3A_796 = arith.shli %parallel_loop3A_793, %parallel_loop3A_795 : vector<16xi32>
      %parallel_loop3A_797 = vector.bitcast %parallel_loop3A_796 : vector<16xi32> to vector<16xf32>
      %parallel_loop3A_798 = arith.andi %parallel_loop3A_793, %broadcast_in_dim3A_13 : vector<16xi32>
      %parallel_loop3A_799 = vector.bitcast %parallel_loop3A_798 : vector<16xi32> to vector<16xf32>
      %parallel_loop3A_800 = arith.index_cast %parallel_loop3A_25 : i32 to index
      %parallel_loop3A_801 = arith.constant 272 : index
      %parallel_loop3A_802 = tpu.vector_load %arg10[%parallel_loop3A_800, %parallel_loop3A_801] {strides = array<i32>} : memref<64x384xf32, #tpu.memory_space<vmem>>, vector<16xf32>,
      %parallel_loop3A_803 = vector.bitcast %parallel_loop3A_802 : vector<16xf32> to vector<16xi32>
      %parallel_loop3A_804 = arith.constant 16 : i32
      %parallel_loop3A_805 = vector.broadcast %parallel_loop3A_804 : i32 to vector<16xi32>
      %parallel_loop3A_806 = arith.shli %parallel_loop3A_803, %parallel_loop3A_805 : vector<16xi32>
      %parallel_loop3A_807 = vector.bitcast %parallel_loop3A_806 : vector<16xi32> to vector<16xf32>
      %parallel_loop3A_808 = arith.andi %parallel_loop3A_803, %broadcast_in_dim3A_13 : vector<16xi32>
      %parallel_loop3A_809 = vector.bitcast %parallel_loop3A_808 : vector<16xi32> to vector<16xf32>
      %parallel_loop3A_810 = arith.mulf %parallel_loop3A_28, %parallel_loop3A_787 : vector<16xf32>
      %parallel_loop3A_811 = arith.addf %parallel_loop3A_807, %parallel_loop3A_810 : vector<16xf32>
      %parallel_loop3A_812 = arith.mulf %parallel_loop3A_31, %parallel_loop3A_797 : vector<16xf32>
      %parallel_loop3A_813 = arith.addf %parallel_loop3A_811, %parallel_loop3A_812 : vector<16xf32>
      %parallel_loop3A_814 = arith.index_cast %parallel_loop3A_23 : i32 to index
      %parallel_loop3A_815 = arith.constant 272 : index
      %parallel_loop3A_816 = tpu.vector_load %arg9[%parallel_loop3A_814, %parallel_loop3A_815] {strides = array<i32>} : memref<32x768xf32, #tpu.memory_space<vmem>>, vector<16xf32>,
      tpu.vector_store %arg9[%parallel_loop3A_814, %parallel_loop3A_815], %parallel_loop3A_813 {strides = array<i32>} : memref<32x768xf32, #tpu.memory_space<vmem>>, vector<16xf32>,
      %parallel_loop3A_817 = arith.mulf %parallel_loop3A_28, %parallel_loop3A_789 : vector<16xf32>
      %parallel_loop3A_818 = arith.addf %parallel_loop3A_809, %parallel_loop3A_817 : vector<16xf32>
      %parallel_loop3A_819 = arith.mulf %parallel_loop3A_31, %parallel_loop3A_799 : vector<16xf32>
      %parallel_loop3A_820 = arith.addf %parallel_loop3A_818, %parallel_loop3A_819 : vector<16xf32>
      %parallel_loop3A_821 = arith.index_cast %parallel_loop3A_23 : i32 to index
      %parallel_loop3A_822 = arith.constant 656 : index
      %parallel_loop3A_823 = tpu.vector_load %arg9[%parallel_loop3A_821, %parallel_loop3A_822] {strides = array<i32>} : memref<32x768xf32, #tpu.memory_space<vmem>>, vector<16xf32>,
      tpu.vector_store %arg9[%parallel_loop3A_821, %parallel_loop3A_822], %parallel_loop3A_820 {strides = array<i32>} : memref<32x768xf32, #tpu.memory_space<vmem>>, vector<16xf32>,
      %parallel_loop3A_824 = arith.index_cast %parallel_loop3A_25 : i32 to index
      %parallel_loop3A_825 = arith.constant 288 : index
      %parallel_loop3A_826 = tpu.vector_load %arg11[%parallel_loop3A_824, %parallel_loop3A_825] {strides = array<i32>} : memref<64x384xf32, #tpu.memory_space<vmem>>, vector<16xf32>,
      %parallel_loop3A_827 = vector.bitcast %parallel_loop3A_826 : vector<16xf32> to vector<16xi32>
      %parallel_loop3A_828 = arith.constant 16 : i32
      %parallel_loop3A_829 = vector.broadcast %parallel_loop3A_828 : i32 to vector<16xi32>
      %parallel_loop3A_830 = arith.shli %parallel_loop3A_827, %parallel_loop3A_829 : vector<16xi32>
      %parallel_loop3A_831 = vector.bitcast %parallel_loop3A_830 : vector<16xi32> to vector<16xf32>
      %parallel_loop3A_832 = arith.andi %parallel_loop3A_827, %broadcast_in_dim3A_13 : vector<16xi32>
      %parallel_loop3A_833 = vector.bitcast %parallel_loop3A_832 : vector<16xi32> to vector<16xf32>
      %parallel_loop3A_834 = arith.index_cast %parallel_loop3A_25 : i32 to index
      %parallel_loop3A_835 = arith.constant 288 : index
      %parallel_loop3A_836 = tpu.vector_load %arg12[%parallel_loop3A_834, %parallel_loop3A_835] {strides = array<i32>} : memref<64x384xf32, #tpu.memory_space<vmem>>, vector<16xf32>,
      %parallel_loop3A_837 = vector.bitcast %parallel_loop3A_836 : vector<16xf32> to vector<16xi32>
      %parallel_loop3A_838 = arith.constant 16 : i32
      %parallel_loop3A_839 = vector.broadcast %parallel_loop3A_838 : i32 to vector<16xi32>
      %parallel_loop3A_840 = arith.shli %parallel_loop3A_837, %parallel_loop3A_839 : vector<16xi32>
      %parallel_loop3A_841 = vector.bitcast %parallel_loop3A_840 : vector<16xi32> to vector<16xf32>
      %parallel_loop3A_842 = arith.andi %parallel_loop3A_837, %broadcast_in_dim3A_13 : vector<16xi32>
      %parallel_loop3A_843 = vector.bitcast %parallel_loop3A_842 : vector<16xi32> to vector<16xf32>
      %parallel_loop3A_844 = arith.index_cast %parallel_loop3A_25 : i32 to index
      %parallel_loop3A_845 = arith.constant 288 : index
      %parallel_loop3A_846 = tpu.vector_load %arg10[%parallel_loop3A_844, %parallel_loop3A_845] {strides = array<i32>} : memref<64x384xf32, #tpu.memory_space<vmem>>, vector<16xf32>,
      %parallel_loop3A_847 = vector.bitcast %parallel_loop3A_846 : vector<16xf32> to vector<16xi32>
      %parallel_loop3A_848 = arith.constant 16 : i32
      %parallel_loop3A_849 = vector.broadcast %parallel_loop3A_848 : i32 to vector<16xi32>
      %parallel_loop3A_850 = arith.shli %parallel_loop3A_847, %parallel_loop3A_849 : vector<16xi32>
      %parallel_loop3A_851 = vector.bitcast %parallel_loop3A_850 : vector<16xi32> to vector<16xf32>
      %parallel_loop3A_852 = arith.andi %parallel_loop3A_847, %broadcast_in_dim3A_13 : vector<16xi32>
      %parallel_loop3A_853 = vector.bitcast %parallel_loop3A_852 : vector<16xi32> to vector<16xf32>
      %parallel_loop3A_854 = arith.mulf %parallel_loop3A_28, %parallel_loop3A_831 : vector<16xf32>
      %parallel_loop3A_855 = arith.addf %parallel_loop3A_851, %parallel_loop3A_854 : vector<16xf32>
      %parallel_loop3A_856 = arith.mulf %parallel_loop3A_31, %parallel_loop3A_841 : vector<16xf32>
      %parallel_loop3A_857 = arith.addf %parallel_loop3A_855, %parallel_loop3A_856 : vector<16xf32>
      %parallel_loop3A_858 = arith.index_cast %parallel_loop3A_23 : i32 to index
      %parallel_loop3A_859 = arith.constant 288 : index
      %parallel_loop3A_860 = tpu.vector_load %arg9[%parallel_loop3A_858, %parallel_loop3A_859] {strides = array<i32>} : memref<32x768xf32, #tpu.memory_space<vmem>>, vector<16xf32>,
      tpu.vector_store %arg9[%parallel_loop3A_858, %parallel_loop3A_859], %parallel_loop3A_857 {strides = array<i32>} : memref<32x768xf32, #tpu.memory_space<vmem>>, vector<16xf32>,
      %parallel_loop3A_861 = arith.mulf %parallel_loop3A_28, %parallel_loop3A_833 : vector<16xf32>
      %parallel_loop3A_862 = arith.addf %parallel_loop3A_853, %parallel_loop3A_861 : vector<16xf32>
      %parallel_loop3A_863 = arith.mulf %parallel_loop3A_31, %parallel_loop3A_843 : vector<16xf32>
      %parallel_loop3A_864 = arith.addf %parallel_loop3A_862, %parallel_loop3A_863 : vector<16xf32>
      %parallel_loop3A_865 = arith.index_cast %parallel_loop3A_23 : i32 to index
      %parallel_loop3A_866 = arith.constant 672 : index
      %parallel_loop3A_867 = tpu.vector_load %arg9[%parallel_loop3A_865, %parallel_loop3A_866] {strides = array<i32>} : memref<32x768xf32, #tpu.memory_space<vmem>>, vector<16xf32>,
      tpu.vector_store %arg9[%parallel_loop3A_865, %parallel_loop3A_866], %parallel_loop3A_864 {strides = array<i32>} : memref<32x768xf32, #tpu.memory_space<vmem>>, vector<16xf32>,
      %parallel_loop3A_868 = arith.index_cast %parallel_loop3A_25 : i32 to index
      %parallel_loop3A_869 = arith.constant 304 : index
      %parallel_loop3A_870 = tpu.vector_load %arg11[%parallel_loop3A_868, %parallel_loop3A_869] {strides = array<i32>} : memref<64x384xf32, #tpu.memory_space<vmem>>, vector<16xf32>,
      %parallel_loop3A_871 = vector.bitcast %parallel_loop3A_870 : vector<16xf32> to vector<16xi32>
      %parallel_loop3A_872 = arith.constant 16 : i32
      %parallel_loop3A_873 = vector.broadcast %parallel_loop3A_872 : i32 to vector<16xi32>
      %parallel_loop3A_874 = arith.shli %parallel_loop3A_871, %parallel_loop3A_873 : vector<16xi32>
      %parallel_loop3A_875 = vector.bitcast %parallel_loop3A_874 : vector<16xi32> to vector<16xf32>
      %parallel_loop3A_876 = arith.andi %parallel_loop3A_871, %broadcast_in_dim3A_13 : vector<16xi32>
      %parallel_loop3A_877 = vector.bitcast %parallel_loop3A_876 : vector<16xi32> to vector<16xf32>
      %parallel_loop3A_878 = arith.index_cast %parallel_loop3A_25 : i32 to index
      %parallel_loop3A_879 = arith.constant 304 : index
      %parallel_loop3A_880 = tpu.vector_load %arg12[%parallel_loop3A_878, %parallel_loop3A_879] {strides = array<i32>} : memref<64x384xf32, #tpu.memory_space<vmem>>, vector<16xf32>,
      %parallel_loop3A_881 = vector.bitcast %parallel_loop3A_880 : vector<16xf32> to vector<16xi32>
      %parallel_loop3A_882 = arith.constant 16 : i32
      %parallel_loop3A_883 = vector.broadcast %parallel_loop3A_882 : i32 to vector<16xi32>
      %parallel_loop3A_884 = arith.shli %parallel_loop3A_881, %parallel_loop3A_883 : vector<16xi32>
      %parallel_loop3A_885 = vector.bitcast %parallel_loop3A_884 : vector<16xi32> to vector<16xf32>
      %parallel_loop3A_886 = arith.andi %parallel_loop3A_881, %broadcast_in_dim3A_13 : vector<16xi32>
      %parallel_loop3A_887 = vector.bitcast %parallel_loop3A_886 : vector<16xi32> to vector<16xf32>
      %parallel_loop3A_888 = arith.index_cast %parallel_loop3A_25 : i32 to index
      %parallel_loop3A_889 = arith.constant 304 : index
      %parallel_loop3A_890 = tpu.vector_load %arg10[%parallel_loop3A_888, %parallel_loop3A_889] {strides = array<i32>} : memref<64x384xf32, #tpu.memory_space<vmem>>, vector<16xf32>,
      %parallel_loop3A_891 = vector.bitcast %parallel_loop3A_890 : vector<16xf32> to vector<16xi32>
      %parallel_loop3A_892 = arith.constant 16 : i32
      %parallel_loop3A_893 = vector.broadcast %parallel_loop3A_892 : i32 to vector<16xi32>
      %parallel_loop3A_894 = arith.shli %parallel_loop3A_891, %parallel_loop3A_893 : vector<16xi32>
      %parallel_loop3A_895 = vector.bitcast %parallel_loop3A_894 : vector<16xi32> to vector<16xf32>
      %parallel_loop3A_896 = arith.andi %parallel_loop3A_891, %broadcast_in_dim3A_13 : vector<16xi32>
      %parallel_loop3A_897 = vector.bitcast %parallel_loop3A_896 : vector<16xi32> to vector<16xf32>
      %parallel_loop3A_898 = arith.mulf %parallel_loop3A_28, %parallel_loop3A_875 : vector<16xf32>
      %parallel_loop3A_899 = arith.addf %parallel_loop3A_895, %parallel_loop3A_898 : vector<16xf32>
      %parallel_loop3A_900 = arith.mulf %parallel_loop3A_31, %parallel_loop3A_885 : vector<16xf32>
      %parallel_loop3A_901 = arith.addf %parallel_loop3A_899, %parallel_loop3A_900 : vector<16xf32>
      %parallel_loop3A_902 = arith.index_cast %parallel_loop3A_23 : i32 to index
      %parallel_loop3A_903 = arith.constant 304 : index
      %parallel_loop3A_904 = tpu.vector_load %arg9[%parallel_loop3A_902, %parallel_loop3A_903] {strides = array<i32>} : memref<32x768xf32, #tpu.memory_space<vmem>>, vector<16xf32>,
      tpu.vector_store %arg9[%parallel_loop3A_902, %parallel_loop3A_903], %parallel_loop3A_901 {strides = array<i32>} : memref<32x768xf32, #tpu.memory_space<vmem>>, vector<16xf32>,
      %parallel_loop3A_905 = arith.mulf %parallel_loop3A_28, %parallel_loop3A_877 : vector<16xf32>
      %parallel_loop3A_906 = arith.addf %parallel_loop3A_897, %parallel_loop3A_905 : vector<16xf32>
      %parallel_loop3A_907 = arith.mulf %parallel_loop3A_31, %parallel_loop3A_887 : vector<16xf32>
      %parallel_loop3A_908 = arith.addf %parallel_loop3A_906, %parallel_loop3A_907 : vector<16xf32>
      %parallel_loop3A_909 = arith.index_cast %parallel_loop3A_23 : i32 to index
      %parallel_loop3A_910 = arith.constant 688 : index
      %parallel_loop3A_911 = tpu.vector_load %arg9[%parallel_loop3A_909, %parallel_loop3A_910] {strides = array<i32>} : memref<32x768xf32, #tpu.memory_space<vmem>>, vector<16xf32>,
      tpu.vector_store %arg9[%parallel_loop3A_909, %parallel_loop3A_910], %parallel_loop3A_908 {strides = array<i32>} : memref<32x768xf32, #tpu.memory_space<vmem>>, vector<16xf32>,
      %parallel_loop3A_912 = arith.index_cast %parallel_loop3A_25 : i32 to index
      %parallel_loop3A_913 = arith.constant 320 : index
      %parallel_loop3A_914 = tpu.vector_load %arg11[%parallel_loop3A_912, %parallel_loop3A_913] {strides = array<i32>} : memref<64x384xf32, #tpu.memory_space<vmem>>, vector<16xf32>,
      %parallel_loop3A_915 = vector.bitcast %parallel_loop3A_914 : vector<16xf32> to vector<16xi32>
      %parallel_loop3A_916 = arith.constant 16 : i32
      %parallel_loop3A_917 = vector.broadcast %parallel_loop3A_916 : i32 to vector<16xi32>
      %parallel_loop3A_918 = arith.shli %parallel_loop3A_915, %parallel_loop3A_917 : vector<16xi32>
      %parallel_loop3A_919 = vector.bitcast %parallel_loop3A_918 : vector<16xi32> to vector<16xf32>
      %parallel_loop3A_920 = arith.andi %parallel_loop3A_915, %broadcast_in_dim3A_13 : vector<16xi32>
      %parallel_loop3A_921 = vector.bitcast %parallel_loop3A_920 : vector<16xi32> to vector<16xf32>
      %parallel_loop3A_922 = arith.index_cast %parallel_loop3A_25 : i32 to index
      %parallel_loop3A_923 = arith.constant 320 : index
      %parallel_loop3A_924 = tpu.vector_load %arg12[%parallel_loop3A_922, %parallel_loop3A_923] {strides = array<i32>} : memref<64x384xf32, #tpu.memory_space<vmem>>, vector<16xf32>,
      %parallel_loop3A_925 = vector.bitcast %parallel_loop3A_924 : vector<16xf32> to vector<16xi32>
      %parallel_loop3A_926 = arith.constant 16 : i32
      %parallel_loop3A_927 = vector.broadcast %parallel_loop3A_926 : i32 to vector<16xi32>
      %parallel_loop3A_928 = arith.shli %parallel_loop3A_925, %parallel_loop3A_927 : vector<16xi32>
      %parallel_loop3A_929 = vector.bitcast %parallel_loop3A_928 : vector<16xi32> to vector<16xf32>
      %parallel_loop3A_930 = arith.andi %parallel_loop3A_925, %broadcast_in_dim3A_13 : vector<16xi32>
      %parallel_loop3A_931 = vector.bitcast %parallel_loop3A_930 : vector<16xi32> to vector<16xf32>
      %parallel_loop3A_932 = arith.index_cast %parallel_loop3A_25 : i32 to index
      %parallel_loop3A_933 = arith.constant 320 : index
      %parallel_loop3A_934 = tpu.vector_load %arg10[%parallel_loop3A_932, %parallel_loop3A_933] {strides = array<i32>} : memref<64x384xf32, #tpu.memory_space<vmem>>, vector<16xf32>,
      %parallel_loop3A_935 = vector.bitcast %parallel_loop3A_934 : vector<16xf32> to vector<16xi32>
      %parallel_loop3A_936 = arith.constant 16 : i32
      %parallel_loop3A_937 = vector.broadcast %parallel_loop3A_936 : i32 to vector<16xi32>
      %parallel_loop3A_938 = arith.shli %parallel_loop3A_935, %parallel_loop3A_937 : vector<16xi32>
      %parallel_loop3A_939 = vector.bitcast %parallel_loop3A_938 : vector<16xi32> to vector<16xf32>
      %parallel_loop3A_940 = arith.andi %parallel_loop3A_935, %broadcast_in_dim3A_13 : vector<16xi32>
      %parallel_loop3A_941 = vector.bitcast %parallel_loop3A_940 : vector<16xi32> to vector<16xf32>
      %parallel_loop3A_942 = arith.mulf %parallel_loop3A_28, %parallel_loop3A_919 : vector<16xf32>
      %parallel_loop3A_943 = arith.addf %parallel_loop3A_939, %parallel_loop3A_942 : vector<16xf32>
      %parallel_loop3A_944 = arith.mulf %parallel_loop3A_31, %parallel_loop3A_929 : vector<16xf32>
      %parallel_loop3A_945 = arith.addf %parallel_loop3A_943, %parallel_loop3A_944 : vector<16xf32>
      %parallel_loop3A_946 = arith.index_cast %parallel_loop3A_23 : i32 to index
      %parallel_loop3A_947 = arith.constant 320 : index
      %parallel_loop3A_948 = tpu.vector_load %arg9[%parallel_loop3A_946, %parallel_loop3A_947] {strides = array<i32>} : memref<32x768xf32, #tpu.memory_space<vmem>>, vector<16xf32>,
      tpu.vector_store %arg9[%parallel_loop3A_946, %parallel_loop3A_947], %parallel_loop3A_945 {strides = array<i32>} : memref<32x768xf32, #tpu.memory_space<vmem>>, vector<16xf32>,
      %parallel_loop3A_949 = arith.mulf %parallel_loop3A_28, %parallel_loop3A_921 : vector<16xf32>
      %parallel_loop3A_950 = arith.addf %parallel_loop3A_941, %parallel_loop3A_949 : vector<16xf32>
      %parallel_loop3A_951 = arith.mulf %parallel_loop3A_31, %parallel_loop3A_931 : vector<16xf32>
      %parallel_loop3A_952 = arith.addf %parallel_loop3A_950, %parallel_loop3A_951 : vector<16xf32>
      %parallel_loop3A_953 = arith.index_cast %parallel_loop3A_23 : i32 to index
      %parallel_loop3A_954 = arith.constant 704 : index
      %parallel_loop3A_955 = tpu.vector_load %arg9[%parallel_loop3A_953, %parallel_loop3A_954] {strides = array<i32>} : memref<32x768xf32, #tpu.memory_space<vmem>>, vector<16xf32>,
      tpu.vector_store %arg9[%parallel_loop3A_953, %parallel_loop3A_954], %parallel_loop3A_952 {strides = array<i32>} : memref<32x768xf32, #tpu.memory_space<vmem>>, vector<16xf32>,
      %parallel_loop3A_956 = arith.index_cast %parallel_loop3A_25 : i32 to index
      %parallel_loop3A_957 = arith.constant 336 : index
      %parallel_loop3A_958 = tpu.vector_load %arg11[%parallel_loop3A_956, %parallel_loop3A_957] {strides = array<i32>} : memref<64x384xf32, #tpu.memory_space<vmem>>, vector<16xf32>,
      %parallel_loop3A_959 = vector.bitcast %parallel_loop3A_958 : vector<16xf32> to vector<16xi32>
      %parallel_loop3A_960 = arith.constant 16 : i32
      %parallel_loop3A_961 = vector.broadcast %parallel_loop3A_960 : i32 to vector<16xi32>
      %parallel_loop3A_962 = arith.shli %parallel_loop3A_959, %parallel_loop3A_961 : vector<16xi32>
      %parallel_loop3A_963 = vector.bitcast %parallel_loop3A_962 : vector<16xi32> to vector<16xf32>
      %parallel_loop3A_964 = arith.andi %parallel_loop3A_959, %broadcast_in_dim3A_13 : vector<16xi32>
      %parallel_loop3A_965 = vector.bitcast %parallel_loop3A_964 : vector<16xi32> to vector<16xf32>
      %parallel_loop3A_966 = arith.index_cast %parallel_loop3A_25 : i32 to index
      %parallel_loop3A_967 = arith.constant 336 : index
      %parallel_loop3A_968 = tpu.vector_load %arg12[%parallel_loop3A_966, %parallel_loop3A_967] {strides = array<i32>} : memref<64x384xf32, #tpu.memory_space<vmem>>, vector<16xf32>,
      %parallel_loop3A_969 = vector.bitcast %parallel_loop3A_968 : vector<16xf32> to vector<16xi32>
      %parallel_loop3A_970 = arith.constant 16 : i32
      %parallel_loop3A_971 = vector.broadcast %parallel_loop3A_970 : i32 to vector<16xi32>
      %parallel_loop3A_972 = arith.shli %parallel_loop3A_969, %parallel_loop3A_971 : vector<16xi32>
      %parallel_loop3A_973 = vector.bitcast %parallel_loop3A_972 : vector<16xi32> to vector<16xf32>
      %parallel_loop3A_974 = arith.andi %parallel_loop3A_969, %broadcast_in_dim3A_13 : vector<16xi32>
      %parallel_loop3A_975 = vector.bitcast %parallel_loop3A_974 : vector<16xi32> to vector<16xf32>
      %parallel_loop3A_976 = arith.index_cast %parallel_loop3A_25 : i32 to index
      %parallel_loop3A_977 = arith.constant 336 : index
      %parallel_loop3A_978 = tpu.vector_load %arg10[%parallel_loop3A_976, %parallel_loop3A_977] {strides = array<i32>} : memref<64x384xf32, #tpu.memory_space<vmem>>, vector<16xf32>,
      %parallel_loop3A_979 = vector.bitcast %parallel_loop3A_978 : vector<16xf32> to vector<16xi32>
      %parallel_loop3A_980 = arith.constant 16 : i32
      %parallel_loop3A_981 = vector.broadcast %parallel_loop3A_980 : i32 to vector<16xi32>
      %parallel_loop3A_982 = arith.shli %parallel_loop3A_979, %parallel_loop3A_981 : vector<16xi32>
      %parallel_loop3A_983 = vector.bitcast %parallel_loop3A_982 : vector<16xi32> to vector<16xf32>
      %parallel_loop3A_984 = arith.andi %parallel_loop3A_979, %broadcast_in_dim3A_13 : vector<16xi32>
      %parallel_loop3A_985 = vector.bitcast %parallel_loop3A_984 : vector<16xi32> to vector<16xf32>
      %parallel_loop3A_986 = arith.mulf %parallel_loop3A_28, %parallel_loop3A_963 : vector<16xf32>
      %parallel_loop3A_987 = arith.addf %parallel_loop3A_983, %parallel_loop3A_986 : vector<16xf32>
      %parallel_loop3A_988 = arith.mulf %parallel_loop3A_31, %parallel_loop3A_973 : vector<16xf32>
      %parallel_loop3A_989 = arith.addf %parallel_loop3A_987, %parallel_loop3A_988 : vector<16xf32>
      %parallel_loop3A_990 = arith.index_cast %parallel_loop3A_23 : i32 to index
      %parallel_loop3A_991 = arith.constant 336 : index
      %parallel_loop3A_992 = tpu.vector_load %arg9[%parallel_loop3A_990, %parallel_loop3A_991] {strides = array<i32>} : memref<32x768xf32, #tpu.memory_space<vmem>>, vector<16xf32>,
      tpu.vector_store %arg9[%parallel_loop3A_990, %parallel_loop3A_991], %parallel_loop3A_989 {strides = array<i32>} : memref<32x768xf32, #tpu.memory_space<vmem>>, vector<16xf32>,
      %parallel_loop3A_993 = arith.mulf %parallel_loop3A_28, %parallel_loop3A_965 : vector<16xf32>
      %parallel_loop3A_994 = arith.addf %parallel_loop3A_985, %parallel_loop3A_993 : vector<16xf32>
      %parallel_loop3A_995 = arith.mulf %parallel_loop3A_31, %parallel_loop3A_975 : vector<16xf32>
      %parallel_loop3A_996 = arith.addf %parallel_loop3A_994, %parallel_loop3A_995 : vector<16xf32>
      %parallel_loop3A_997 = arith.index_cast %parallel_loop3A_23 : i32 to index
      %parallel_loop3A_998 = arith.constant 720 : index
      %parallel_loop3A_999 = tpu.vector_load %arg9[%parallel_loop3A_997, %parallel_loop3A_998] {strides = array<i32>} : memref<32x768xf32, #tpu.memory_space<vmem>>, vector<16xf32>,
      tpu.vector_store %arg9[%parallel_loop3A_997, %parallel_loop3A_998], %parallel_loop3A_996 {strides = array<i32>} : memref<32x768xf32, #tpu.memory_space<vmem>>, vector<16xf32>,
      %parallel_loop3A_1000 = arith.index_cast %parallel_loop3A_25 : i32 to index
      %parallel_loop3A_1001 = arith.constant 352 : index
      %parallel_loop3A_1002 = tpu.vector_load %arg11[%parallel_loop3A_1000, %parallel_loop3A_1001] {strides = array<i32>} : memref<64x384xf32, #tpu.memory_space<vmem>>, vector<16xf32>,
      %parallel_loop3A_1003 = vector.bitcast %parallel_loop3A_1002 : vector<16xf32> to vector<16xi32>
      %parallel_loop3A_1004 = arith.constant 16 : i32
      %parallel_loop3A_1005 = vector.broadcast %parallel_loop3A_1004 : i32 to vector<16xi32>
      %parallel_loop3A_1006 = arith.shli %parallel_loop3A_1003, %parallel_loop3A_1005 : vector<16xi32>
      %parallel_loop3A_1007 = vector.bitcast %parallel_loop3A_1006 : vector<16xi32> to vector<16xf32>
      %parallel_loop3A_1008 = arith.andi %parallel_loop3A_1003, %broadcast_in_dim3A_13 : vector<16xi32>
      %parallel_loop3A_1009 = vector.bitcast %parallel_loop3A_1008 : vector<16xi32> to vector<16xf32>
      %parallel_loop3A_1010 = arith.index_cast %parallel_loop3A_25 : i32 to index
      %parallel_loop3A_1011 = arith.constant 352 : index
      %parallel_loop3A_1012 = tpu.vector_load %arg12[%parallel_loop3A_1010, %parallel_loop3A_1011] {strides = array<i32>} : memref<64x384xf32, #tpu.memory_space<vmem>>, vector<16xf32>,
      %parallel_loop3A_1013 = vector.bitcast %parallel_loop3A_1012 : vector<16xf32> to vector<16xi32>
      %parallel_loop3A_1014 = arith.constant 16 : i32
      %parallel_loop3A_1015 = vector.broadcast %parallel_loop3A_1014 : i32 to vector<16xi32>
      %parallel_loop3A_1016 = arith.shli %parallel_loop3A_1013, %parallel_loop3A_1015 : vector<16xi32>
      %parallel_loop3A_1017 = vector.bitcast %parallel_loop3A_1016 : vector<16xi32> to vector<16xf32>
      %parallel_loop3A_1018 = arith.andi %parallel_loop3A_1013, %broadcast_in_dim3A_13 : vector<16xi32>
      %parallel_loop3A_1019 = vector.bitcast %parallel_loop3A_1018 : vector<16xi32> to vector<16xf32>
      %parallel_loop3A_1020 = arith.index_cast %parallel_loop3A_25 : i32 to index
      %parallel_loop3A_1021 = arith.constant 352 : index
      %parallel_loop3A_1022 = tpu.vector_load %arg10[%parallel_loop3A_1020, %parallel_loop3A_1021] {strides = array<i32>} : memref<64x384xf32, #tpu.memory_space<vmem>>, vector<16xf32>,
      %parallel_loop3A_1023 = vector.bitcast %parallel_loop3A_1022 : vector<16xf32> to vector<16xi32>
      %parallel_loop3A_1024 = arith.constant 16 : i32
      %parallel_loop3A_1025 = vector.broadcast %parallel_loop3A_1024 : i32 to vector<16xi32>
      %parallel_loop3A_1026 = arith.shli %parallel_loop3A_1023, %parallel_loop3A_1025 : vector<16xi32>
      %parallel_loop3A_1027 = vector.bitcast %parallel_loop3A_1026 : vector<16xi32> to vector<16xf32>
      %parallel_loop3A_1028 = arith.andi %parallel_loop3A_1023, %broadcast_in_dim3A_13 : vector<16xi32>
      %parallel_loop3A_1029 = vector.bitcast %parallel_loop3A_1028 : vector<16xi32> to vector<16xf32>
      %parallel_loop3A_1030 = arith.mulf %parallel_loop3A_28, %parallel_loop3A_1007 : vector<16xf32>
      %parallel_loop3A_1031 = arith.addf %parallel_loop3A_1027, %parallel_loop3A_1030 : vector<16xf32>
      %parallel_loop3A_1032 = arith.mulf %parallel_loop3A_31, %parallel_loop3A_1017 : vector<16xf32>
      %parallel_loop3A_1033 = arith.addf %parallel_loop3A_1031, %parallel_loop3A_1032 : vector<16xf32>
      %parallel_loop3A_1034 = arith.index_cast %parallel_loop3A_23 : i32 to index
      %parallel_loop3A_1035 = arith.constant 352 : index
      %parallel_loop3A_1036 = tpu.vector_load %arg9[%parallel_loop3A_1034, %parallel_loop3A_1035] {strides = array<i32>} : memref<32x768xf32, #tpu.memory_space<vmem>>, vector<16xf32>,
      tpu.vector_store %arg9[%parallel_loop3A_1034, %parallel_loop3A_1035], %parallel_loop3A_1033 {strides = array<i32>} : memref<32x768xf32, #tpu.memory_space<vmem>>, vector<16xf32>,
      %parallel_loop3A_1037 = arith.mulf %parallel_loop3A_28, %parallel_loop3A_1009 : vector<16xf32>
      %parallel_loop3A_1038 = arith.addf %parallel_loop3A_1029, %parallel_loop3A_1037 : vector<16xf32>
      %parallel_loop3A_1039 = arith.mulf %parallel_loop3A_31, %parallel_loop3A_1019 : vector<16xf32>
      %parallel_loop3A_1040 = arith.addf %parallel_loop3A_1038, %parallel_loop3A_1039 : vector<16xf32>
      %parallel_loop3A_1041 = arith.index_cast %parallel_loop3A_23 : i32 to index
      %parallel_loop3A_1042 = arith.constant 736 : index
      %parallel_loop3A_1043 = tpu.vector_load %arg9[%parallel_loop3A_1041, %parallel_loop3A_1042] {strides = array<i32>} : memref<32x768xf32, #tpu.memory_space<vmem>>, vector<16xf32>,
      tpu.vector_store %arg9[%parallel_loop3A_1041, %parallel_loop3A_1042], %parallel_loop3A_1040 {strides = array<i32>} : memref<32x768xf32, #tpu.memory_space<vmem>>, vector<16xf32>,
      %parallel_loop3A_1044 = arith.index_cast %parallel_loop3A_25 : i32 to index
      %parallel_loop3A_1045 = arith.constant 368 : index
      %parallel_loop3A_1046 = tpu.vector_load %arg11[%parallel_loop3A_1044, %parallel_loop3A_1045] {strides = array<i32>} : memref<64x384xf32, #tpu.memory_space<vmem>>, vector<16xf32>,
      %parallel_loop3A_1047 = vector.bitcast %parallel_loop3A_1046 : vector<16xf32> to vector<16xi32>
      %parallel_loop3A_1048 = arith.constant 16 : i32
      %parallel_loop3A_1049 = vector.broadcast %parallel_loop3A_1048 : i32 to vector<16xi32>
      %parallel_loop3A_1050 = arith.shli %parallel_loop3A_1047, %parallel_loop3A_1049 : vector<16xi32>
      %parallel_loop3A_1051 = vector.bitcast %parallel_loop3A_1050 : vector<16xi32> to vector<16xf32>
      %parallel_loop3A_1052 = arith.andi %parallel_loop3A_1047, %broadcast_in_dim3A_13 : vector<16xi32>
      %parallel_loop3A_1053 = vector.bitcast %parallel_loop3A_1052 : vector<16xi32> to vector<16xf32>
      %parallel_loop3A_1054 = arith.index_cast %parallel_loop3A_25 : i32 to index
      %parallel_loop3A_1055 = arith.constant 368 : index
      %parallel_loop3A_1056 = tpu.vector_load %arg12[%parallel_loop3A_1054, %parallel_loop3A_1055] {strides = array<i32>} : memref<64x384xf32, #tpu.memory_space<vmem>>, vector<16xf32>,
      %parallel_loop3A_1057 = vector.bitcast %parallel_loop3A_1056 : vector<16xf32> to vector<16xi32>
      %parallel_loop3A_1058 = arith.constant 16 : i32
      %parallel_loop3A_1059 = vector.broadcast %parallel_loop3A_1058 : i32 to vector<16xi32>
      %parallel_loop3A_1060 = arith.shli %parallel_loop3A_1057, %parallel_loop3A_1059 : vector<16xi32>
      %parallel_loop3A_1061 = vector.bitcast %parallel_loop3A_1060 : vector<16xi32> to vector<16xf32>
      %parallel_loop3A_1062 = arith.andi %parallel_loop3A_1057, %broadcast_in_dim3A_13 : vector<16xi32>
      %parallel_loop3A_1063 = vector.bitcast %parallel_loop3A_1062 : vector<16xi32> to vector<16xf32>
      %parallel_loop3A_1064 = arith.index_cast %parallel_loop3A_25 : i32 to index
      %parallel_loop3A_1065 = arith.constant 368 : index
      %parallel_loop3A_1066 = tpu.vector_load %arg10[%parallel_loop3A_1064, %parallel_loop3A_1065] {strides = array<i32>} : memref<64x384xf32, #tpu.memory_space<vmem>>, vector<16xf32>,
      %parallel_loop3A_1067 = vector.bitcast %parallel_loop3A_1066 : vector<16xf32> to vector<16xi32>
      %parallel_loop3A_1068 = arith.constant 16 : i32
      %parallel_loop3A_1069 = vector.broadcast %parallel_loop3A_1068 : i32 to vector<16xi32>
      %parallel_loop3A_1070 = arith.shli %parallel_loop3A_1067, %parallel_loop3A_1069 : vector<16xi32>
      %parallel_loop3A_1071 = vector.bitcast %parallel_loop3A_1070 : vector<16xi32> to vector<16xf32>
      %parallel_loop3A_1072 = arith.andi %parallel_loop3A_1067, %broadcast_in_dim3A_13 : vector<16xi32>
      %parallel_loop3A_1073 = vector.bitcast %parallel_loop3A_1072 : vector<16xi32> to vector<16xf32>
      %parallel_loop3A_1074 = arith.mulf %parallel_loop3A_28, %parallel_loop3A_1051 : vector<16xf32>
      %parallel_loop3A_1075 = arith.addf %parallel_loop3A_1071, %parallel_loop3A_1074 : vector<16xf32>
      %parallel_loop3A_1076 = arith.mulf %parallel_loop3A_31, %parallel_loop3A_1061 : vector<16xf32>
      %parallel_loop3A_1077 = arith.addf %parallel_loop3A_1075, %parallel_loop3A_1076 : vector<16xf32>
      %parallel_loop3A_1078 = arith.index_cast %parallel_loop3A_23 : i32 to index
      %parallel_loop3A_1079 = arith.constant 368 : index
      %parallel_loop3A_1080 = tpu.vector_load %arg9[%parallel_loop3A_1078, %parallel_loop3A_1079] {strides = array<i32>} : memref<32x768xf32, #tpu.memory_space<vmem>>, vector<16xf32>,
      tpu.vector_store %arg9[%parallel_loop3A_1078, %parallel_loop3A_1079], %parallel_loop3A_1077 {strides = array<i32>} : memref<32x768xf32, #tpu.memory_space<vmem>>, vector<16xf32>,
      %parallel_loop3A_1081 = arith.mulf %parallel_loop3A_28, %parallel_loop3A_1053 : vector<16xf32>
      %parallel_loop3A_1082 = arith.addf %parallel_loop3A_1073, %parallel_loop3A_1081 : vector<16xf32>
      %parallel_loop3A_1083 = arith.mulf %parallel_loop3A_31, %parallel_loop3A_1063 : vector<16xf32>
      %parallel_loop3A_1084 = arith.addf %parallel_loop3A_1082, %parallel_loop3A_1083 : vector<16xf32>
      %parallel_loop3A_1085 = arith.index_cast %parallel_loop3A_23 : i32 to index
      %parallel_loop3A_1086 = arith.constant 752 : index
      %parallel_loop3A_1087 = tpu.vector_load %arg9[%parallel_loop3A_1085, %parallel_loop3A_1086] {strides = array<i32>} : memref<32x768xf32, #tpu.memory_space<vmem>>, vector<16xf32>,
      tpu.vector_store %arg9[%parallel_loop3A_1085, %parallel_loop3A_1086], %parallel_loop3A_1084 {strides = array<i32>} : memref<32x768xf32, #tpu.memory_space<vmem>>, vector<16xf32>,
    } {sc.loop_unroll_factor = 1 : i64, sc.parallel_access}
    %add3A_16 = arith.constant 0 : i32
    %add3A_17 = arith.addi %mul3A_2, %add3A_16 : i32
    "tpu.region"() ({
      %run_scoped3A = tpu.sem_alloc : memref<!tpu.dma_semaphore, #tpu.memory_space<semaphore_mem>>
      %dma_start3A_23 = arith.constant 0 : i32
      %dma_start3A_24 = tpu.memref_slice %arg8[%add3A_17, %dma_start3A_23] : memref<2048x768xf32, #tpu.memory_space<hbm>> -> memref<32x768xf32, #tpu.memory_space<hbm>>
      %dma_start3A_25 = arith.constant 0 : i32
      %dma_start3A_26 = tpu.memref_slice %arg8[%add3A_17, %dma_start3A_25] : memref<2048x768xf32, #tpu.memory_space<hbm>> -> memref<32x768xf32, #tpu.memory_space<hbm>>
      tpu.enqueue_dma source(%arg9 : memref<32x768xf32, #tpu.memory_space<vmem>>) target(%dma_start3A_26 : memref<32x768xf32, #tpu.memory_space<hbm>>) target_semaphore(%run_scoped3A : memref<!tpu.dma_semaphore, #tpu.memory_space<semaphore_mem>>)
      %dma_wait3A_27 = arith.constant 0 : i32
      %dma_wait3A_28 = tpu.memref_slice %arg8[%add3A_17, %dma_wait3A_27] : memref<2048x768xf32, #tpu.memory_space<hbm>> -> memref<32x768xf32, #tpu.memory_space<hbm>>
      %dma_wait3A_29 = arith.constant 0 : i32
      %dma_wait3A_30 = tpu.memref_slice %arg8[%add3A_17, %dma_wait3A_29] : memref<2048x768xf32, #tpu.memory_space<hbm>> -> memref<32x768xf32, #tpu.memory_space<hbm>>
      tpu.wait_dma2 semaphore(%run_scoped3A : memref<!tpu.dma_semaphore, #tpu.memory_space<semaphore_mem>>) src(%arg9 : memref<32x768xf32, #tpu.memory_space<vmem>>) dst(%dma_wait3A_30 : memref<32x768xf32, #tpu.memory_space<hbm>>)
      tpu.yield
    }) : () -> ()
    %parallel_loop3A_18 = arith.constant 0 : i32
    %parallel_loop3A_19 = arith.constant 32 : i32
    %parallel_loop3A_20 = arith.constant 1 : i32
    scf.for %parallel_loop3A_23 = %parallel_loop3A_18 to %parallel_loop3A_19 step %parallel_loop3A_20  : i32 {
      %parallel_loop3A_24 = arith.constant 32 : i32
      %parallel_loop3A_25 = arith.addi %parallel_loop3A_24, %parallel_loop3A_23 : i32
      %parallel_loop3A_26 = arith.index_cast %parallel_loop3A_25 : i32 to index
      %parallel_loop3A_27 = arith.constant 0 : index
      %parallel_loop3A_28 = tpu.vector_load %arg15[%parallel_loop3A_26, %parallel_loop3A_27] {strides = array<i32>} : memref<64x16xf32, #tpu.memory_space<vmem>>, vector<16xf32>,
      %parallel_loop3A_29 = arith.index_cast %parallel_loop3A_25 : i32 to index
      %parallel_loop3A_30 = arith.constant 0 : index
      %parallel_loop3A_31 = tpu.vector_load %arg16[%parallel_loop3A_29, %parallel_loop3A_30] {strides = array<i32>} : memref<64x16xf32, #tpu.memory_space<vmem>>, vector<16xf32>,
      %parallel_loop3A_32 = arith.index_cast %parallel_loop3A_25 : i32 to index
      %parallel_loop3A_33 = arith.constant 0 : index
      %parallel_loop3A_34 = tpu.vector_load %arg11[%parallel_loop3A_32, %parallel_loop3A_33] {strides = array<i32>} : memref<64x384xf32, #tpu.memory_space<vmem>>, vector<16xf32>,
      %parallel_loop3A_35 = vector.bitcast %parallel_loop3A_34 : vector<16xf32> to vector<16xi32>
      %parallel_loop3A_36 = arith.constant 16 : i32
      %parallel_loop3A_37 = vector.broadcast %parallel_loop3A_36 : i32 to vector<16xi32>
      %parallel_loop3A_38 = arith.shli %parallel_loop3A_35, %parallel_loop3A_37 : vector<16xi32>
      %parallel_loop3A_39 = vector.bitcast %parallel_loop3A_38 : vector<16xi32> to vector<16xf32>
      %parallel_loop3A_40 = arith.andi %parallel_loop3A_35, %broadcast_in_dim3A_13 : vector<16xi32>
      %parallel_loop3A_41 = vector.bitcast %parallel_loop3A_40 : vector<16xi32> to vector<16xf32>
      %parallel_loop3A_42 = arith.index_cast %parallel_loop3A_25 : i32 to index
      %parallel_loop3A_43 = arith.constant 0 : index
      %parallel_loop3A_44 = tpu.vector_load %arg12[%parallel_loop3A_42, %parallel_loop3A_43] {strides = array<i32>} : memref<64x384xf32, #tpu.memory_space<vmem>>, vector<16xf32>,
      %parallel_loop3A_45 = vector.bitcast %parallel_loop3A_44 : vector<16xf32> to vector<16xi32>
      %parallel_loop3A_46 = arith.constant 16 : i32
      %parallel_loop3A_47 = vector.broadcast %parallel_loop3A_46 : i32 to vector<16xi32>
      %parallel_loop3A_48 = arith.shli %parallel_loop3A_45, %parallel_loop3A_47 : vector<16xi32>
      %parallel_loop3A_49 = vector.bitcast %parallel_loop3A_48 : vector<16xi32> to vector<16xf32>
      %parallel_loop3A_50 = arith.andi %parallel_loop3A_45, %broadcast_in_dim3A_13 : vector<16xi32>
      %parallel_loop3A_51 = vector.bitcast %parallel_loop3A_50 : vector<16xi32> to vector<16xf32>
      %parallel_loop3A_52 = arith.index_cast %parallel_loop3A_25 : i32 to index
      %parallel_loop3A_53 = arith.constant 0 : index
      %parallel_loop3A_54 = tpu.vector_load %arg10[%parallel_loop3A_52, %parallel_loop3A_53] {strides = array<i32>} : memref<64x384xf32, #tpu.memory_space<vmem>>, vector<16xf32>,
      %parallel_loop3A_55 = vector.bitcast %parallel_loop3A_54 : vector<16xf32> to vector<16xi32>
      %parallel_loop3A_56 = arith.constant 16 : i32
      %parallel_loop3A_57 = vector.broadcast %parallel_loop3A_56 : i32 to vector<16xi32>
      %parallel_loop3A_58 = arith.shli %parallel_loop3A_55, %parallel_loop3A_57 : vector<16xi32>
      %parallel_loop3A_59 = vector.bitcast %parallel_loop3A_58 : vector<16xi32> to vector<16xf32>
      %parallel_loop3A_60 = arith.andi %parallel_loop3A_55, %broadcast_in_dim3A_13 : vector<16xi32>
      %parallel_loop3A_61 = vector.bitcast %parallel_loop3A_60 : vector<16xi32> to vector<16xf32>
      %parallel_loop3A_62 = arith.mulf %parallel_loop3A_28, %parallel_loop3A_39 : vector<16xf32>
      %parallel_loop3A_63 = arith.addf %parallel_loop3A_59, %parallel_loop3A_62 : vector<16xf32>
      %parallel_loop3A_64 = arith.mulf %parallel_loop3A_31, %parallel_loop3A_49 : vector<16xf32>
      %parallel_loop3A_65 = arith.addf %parallel_loop3A_63, %parallel_loop3A_64 : vector<16xf32>
      %parallel_loop3A_66 = arith.index_cast %parallel_loop3A_23 : i32 to index
      %parallel_loop3A_67 = arith.constant 0 : index
      %parallel_loop3A_68 = tpu.vector_load %arg9[%parallel_loop3A_66, %parallel_loop3A_67] {strides = array<i32>} : memref<32x768xf32, #tpu.memory_space<vmem>>, vector<16xf32>,
      tpu.vector_store %arg9[%parallel_loop3A_66, %parallel_loop3A_67], %parallel_loop3A_65 {strides = array<i32>} : memref<32x768xf32, #tpu.memory_space<vmem>>, vector<16xf32>,
      %parallel_loop3A_69 = arith.mulf %parallel_loop3A_28, %parallel_loop3A_41 : vector<16xf32>
      %parallel_loop3A_70 = arith.addf %parallel_loop3A_61, %parallel_loop3A_69 : vector<16xf32>
      %parallel_loop3A_71 = arith.mulf %parallel_loop3A_31, %parallel_loop3A_51 : vector<16xf32>
      %parallel_loop3A_72 = arith.addf %parallel_loop3A_70, %parallel_loop3A_71 : vector<16xf32>
      %parallel_loop3A_73 = arith.index_cast %parallel_loop3A_23 : i32 to index
      %parallel_loop3A_74 = arith.constant 384 : index
      %parallel_loop3A_75 = tpu.vector_load %arg9[%parallel_loop3A_73, %parallel_loop3A_74] {strides = array<i32>} : memref<32x768xf32, #tpu.memory_space<vmem>>, vector<16xf32>,
      tpu.vector_store %arg9[%parallel_loop3A_73, %parallel_loop3A_74], %parallel_loop3A_72 {strides = array<i32>} : memref<32x768xf32, #tpu.memory_space<vmem>>, vector<16xf32>,
      %parallel_loop3A_76 = arith.index_cast %parallel_loop3A_25 : i32 to index
      %parallel_loop3A_77 = arith.constant 16 : index
      %parallel_loop3A_78 = tpu.vector_load %arg11[%parallel_loop3A_76, %parallel_loop3A_77] {strides = array<i32>} : memref<64x384xf32, #tpu.memory_space<vmem>>, vector<16xf32>,
      %parallel_loop3A_79 = vector.bitcast %parallel_loop3A_78 : vector<16xf32> to vector<16xi32>
      %parallel_loop3A_80 = arith.constant 16 : i32
      %parallel_loop3A_81 = vector.broadcast %parallel_loop3A_80 : i32 to vector<16xi32>
      %parallel_loop3A_82 = arith.shli %parallel_loop3A_79, %parallel_loop3A_81 : vector<16xi32>
      %parallel_loop3A_83 = vector.bitcast %parallel_loop3A_82 : vector<16xi32> to vector<16xf32>
      %parallel_loop3A_84 = arith.andi %parallel_loop3A_79, %broadcast_in_dim3A_13 : vector<16xi32>
      %parallel_loop3A_85 = vector.bitcast %parallel_loop3A_84 : vector<16xi32> to vector<16xf32>
      %parallel_loop3A_86 = arith.index_cast %parallel_loop3A_25 : i32 to index
      %parallel_loop3A_87 = arith.constant 16 : index
      %parallel_loop3A_88 = tpu.vector_load %arg12[%parallel_loop3A_86, %parallel_loop3A_87] {strides = array<i32>} : memref<64x384xf32, #tpu.memory_space<vmem>>, vector<16xf32>,
      %parallel_loop3A_89 = vector.bitcast %parallel_loop3A_88 : vector<16xf32> to vector<16xi32>
      %parallel_loop3A_90 = arith.constant 16 : i32
      %parallel_loop3A_91 = vector.broadcast %parallel_loop3A_90 : i32 to vector<16xi32>
      %parallel_loop3A_92 = arith.shli %parallel_loop3A_89, %parallel_loop3A_91 : vector<16xi32>
      %parallel_loop3A_93 = vector.bitcast %parallel_loop3A_92 : vector<16xi32> to vector<16xf32>
      %parallel_loop3A_94 = arith.andi %parallel_loop3A_89, %broadcast_in_dim3A_13 : vector<16xi32>
      %parallel_loop3A_95 = vector.bitcast %parallel_loop3A_94 : vector<16xi32> to vector<16xf32>
      %parallel_loop3A_96 = arith.index_cast %parallel_loop3A_25 : i32 to index
      %parallel_loop3A_97 = arith.constant 16 : index
      %parallel_loop3A_98 = tpu.vector_load %arg10[%parallel_loop3A_96, %parallel_loop3A_97] {strides = array<i32>} : memref<64x384xf32, #tpu.memory_space<vmem>>, vector<16xf32>,
      %parallel_loop3A_99 = vector.bitcast %parallel_loop3A_98 : vector<16xf32> to vector<16xi32>
      %parallel_loop3A_100 = arith.constant 16 : i32
      %parallel_loop3A_101 = vector.broadcast %parallel_loop3A_100 : i32 to vector<16xi32>
      %parallel_loop3A_102 = arith.shli %parallel_loop3A_99, %parallel_loop3A_101 : vector<16xi32>
      %parallel_loop3A_103 = vector.bitcast %parallel_loop3A_102 : vector<16xi32> to vector<16xf32>
      %parallel_loop3A_104 = arith.andi %parallel_loop3A_99, %broadcast_in_dim3A_13 : vector<16xi32>
      %parallel_loop3A_105 = vector.bitcast %parallel_loop3A_104 : vector<16xi32> to vector<16xf32>
      %parallel_loop3A_106 = arith.mulf %parallel_loop3A_28, %parallel_loop3A_83 : vector<16xf32>
      %parallel_loop3A_107 = arith.addf %parallel_loop3A_103, %parallel_loop3A_106 : vector<16xf32>
      %parallel_loop3A_108 = arith.mulf %parallel_loop3A_31, %parallel_loop3A_93 : vector<16xf32>
      %parallel_loop3A_109 = arith.addf %parallel_loop3A_107, %parallel_loop3A_108 : vector<16xf32>
      %parallel_loop3A_110 = arith.index_cast %parallel_loop3A_23 : i32 to index
      %parallel_loop3A_111 = arith.constant 16 : index
      %parallel_loop3A_112 = tpu.vector_load %arg9[%parallel_loop3A_110, %parallel_loop3A_111] {strides = array<i32>} : memref<32x768xf32, #tpu.memory_space<vmem>>, vector<16xf32>,
      tpu.vector_store %arg9[%parallel_loop3A_110, %parallel_loop3A_111], %parallel_loop3A_109 {strides = array<i32>} : memref<32x768xf32, #tpu.memory_space<vmem>>, vector<16xf32>,
      %parallel_loop3A_113 = arith.mulf %parallel_loop3A_28, %parallel_loop3A_85 : vector<16xf32>
      %parallel_loop3A_114 = arith.addf %parallel_loop3A_105, %parallel_loop3A_113 : vector<16xf32>
      %parallel_loop3A_115 = arith.mulf %parallel_loop3A_31, %parallel_loop3A_95 : vector<16xf32>
      %parallel_loop3A_116 = arith.addf %parallel_loop3A_114, %parallel_loop3A_115 : vector<16xf32>
      %parallel_loop3A_117 = arith.index_cast %parallel_loop3A_23 : i32 to index
      %parallel_loop3A_118 = arith.constant 400 : index
      %parallel_loop3A_119 = tpu.vector_load %arg9[%parallel_loop3A_117, %parallel_loop3A_118] {strides = array<i32>} : memref<32x768xf32, #tpu.memory_space<vmem>>, vector<16xf32>,
      tpu.vector_store %arg9[%parallel_loop3A_117, %parallel_loop3A_118], %parallel_loop3A_116 {strides = array<i32>} : memref<32x768xf32, #tpu.memory_space<vmem>>, vector<16xf32>,
      %parallel_loop3A_120 = arith.index_cast %parallel_loop3A_25 : i32 to index
      %parallel_loop3A_121 = arith.constant 32 : index
      %parallel_loop3A_122 = tpu.vector_load %arg11[%parallel_loop3A_120, %parallel_loop3A_121] {strides = array<i32>} : memref<64x384xf32, #tpu.memory_space<vmem>>, vector<16xf32>,
      %parallel_loop3A_123 = vector.bitcast %parallel_loop3A_122 : vector<16xf32> to vector<16xi32>
      %parallel_loop3A_124 = arith.constant 16 : i32
      %parallel_loop3A_125 = vector.broadcast %parallel_loop3A_124 : i32 to vector<16xi32>
      %parallel_loop3A_126 = arith.shli %parallel_loop3A_123, %parallel_loop3A_125 : vector<16xi32>
      %parallel_loop3A_127 = vector.bitcast %parallel_loop3A_126 : vector<16xi32> to vector<16xf32>
      %parallel_loop3A_128 = arith.andi %parallel_loop3A_123, %broadcast_in_dim3A_13 : vector<16xi32>
      %parallel_loop3A_129 = vector.bitcast %parallel_loop3A_128 : vector<16xi32> to vector<16xf32>
      %parallel_loop3A_130 = arith.index_cast %parallel_loop3A_25 : i32 to index
      %parallel_loop3A_131 = arith.constant 32 : index
      %parallel_loop3A_132 = tpu.vector_load %arg12[%parallel_loop3A_130, %parallel_loop3A_131] {strides = array<i32>} : memref<64x384xf32, #tpu.memory_space<vmem>>, vector<16xf32>,
      %parallel_loop3A_133 = vector.bitcast %parallel_loop3A_132 : vector<16xf32> to vector<16xi32>
      %parallel_loop3A_134 = arith.constant 16 : i32
      %parallel_loop3A_135 = vector.broadcast %parallel_loop3A_134 : i32 to vector<16xi32>
      %parallel_loop3A_136 = arith.shli %parallel_loop3A_133, %parallel_loop3A_135 : vector<16xi32>
      %parallel_loop3A_137 = vector.bitcast %parallel_loop3A_136 : vector<16xi32> to vector<16xf32>
      %parallel_loop3A_138 = arith.andi %parallel_loop3A_133, %broadcast_in_dim3A_13 : vector<16xi32>
      %parallel_loop3A_139 = vector.bitcast %parallel_loop3A_138 : vector<16xi32> to vector<16xf32>
      %parallel_loop3A_140 = arith.index_cast %parallel_loop3A_25 : i32 to index
      %parallel_loop3A_141 = arith.constant 32 : index
      %parallel_loop3A_142 = tpu.vector_load %arg10[%parallel_loop3A_140, %parallel_loop3A_141] {strides = array<i32>} : memref<64x384xf32, #tpu.memory_space<vmem>>, vector<16xf32>,
      %parallel_loop3A_143 = vector.bitcast %parallel_loop3A_142 : vector<16xf32> to vector<16xi32>
      %parallel_loop3A_144 = arith.constant 16 : i32
      %parallel_loop3A_145 = vector.broadcast %parallel_loop3A_144 : i32 to vector<16xi32>
      %parallel_loop3A_146 = arith.shli %parallel_loop3A_143, %parallel_loop3A_145 : vector<16xi32>
      %parallel_loop3A_147 = vector.bitcast %parallel_loop3A_146 : vector<16xi32> to vector<16xf32>
      %parallel_loop3A_148 = arith.andi %parallel_loop3A_143, %broadcast_in_dim3A_13 : vector<16xi32>
      %parallel_loop3A_149 = vector.bitcast %parallel_loop3A_148 : vector<16xi32> to vector<16xf32>
      %parallel_loop3A_150 = arith.mulf %parallel_loop3A_28, %parallel_loop3A_127 : vector<16xf32>
      %parallel_loop3A_151 = arith.addf %parallel_loop3A_147, %parallel_loop3A_150 : vector<16xf32>
      %parallel_loop3A_152 = arith.mulf %parallel_loop3A_31, %parallel_loop3A_137 : vector<16xf32>
      %parallel_loop3A_153 = arith.addf %parallel_loop3A_151, %parallel_loop3A_152 : vector<16xf32>
      %parallel_loop3A_154 = arith.index_cast %parallel_loop3A_23 : i32 to index
      %parallel_loop3A_155 = arith.constant 32 : index
      %parallel_loop3A_156 = tpu.vector_load %arg9[%parallel_loop3A_154, %parallel_loop3A_155] {strides = array<i32>} : memref<32x768xf32, #tpu.memory_space<vmem>>, vector<16xf32>,
      tpu.vector_store %arg9[%parallel_loop3A_154, %parallel_loop3A_155], %parallel_loop3A_153 {strides = array<i32>} : memref<32x768xf32, #tpu.memory_space<vmem>>, vector<16xf32>,
      %parallel_loop3A_157 = arith.mulf %parallel_loop3A_28, %parallel_loop3A_129 : vector<16xf32>
      %parallel_loop3A_158 = arith.addf %parallel_loop3A_149, %parallel_loop3A_157 : vector<16xf32>
      %parallel_loop3A_159 = arith.mulf %parallel_loop3A_31, %parallel_loop3A_139 : vector<16xf32>
      %parallel_loop3A_160 = arith.addf %parallel_loop3A_158, %parallel_loop3A_159 : vector<16xf32>
      %parallel_loop3A_161 = arith.index_cast %parallel_loop3A_23 : i32 to index
      %parallel_loop3A_162 = arith.constant 416 : index
      %parallel_loop3A_163 = tpu.vector_load %arg9[%parallel_loop3A_161, %parallel_loop3A_162] {strides = array<i32>} : memref<32x768xf32, #tpu.memory_space<vmem>>, vector<16xf32>,
      tpu.vector_store %arg9[%parallel_loop3A_161, %parallel_loop3A_162], %parallel_loop3A_160 {strides = array<i32>} : memref<32x768xf32, #tpu.memory_space<vmem>>, vector<16xf32>,
      %parallel_loop3A_164 = arith.index_cast %parallel_loop3A_25 : i32 to index
      %parallel_loop3A_165 = arith.constant 48 : index
      %parallel_loop3A_166 = tpu.vector_load %arg11[%parallel_loop3A_164, %parallel_loop3A_165] {strides = array<i32>} : memref<64x384xf32, #tpu.memory_space<vmem>>, vector<16xf32>,
      %parallel_loop3A_167 = vector.bitcast %parallel_loop3A_166 : vector<16xf32> to vector<16xi32>
      %parallel_loop3A_168 = arith.constant 16 : i32
      %parallel_loop3A_169 = vector.broadcast %parallel_loop3A_168 : i32 to vector<16xi32>
      %parallel_loop3A_170 = arith.shli %parallel_loop3A_167, %parallel_loop3A_169 : vector<16xi32>
      %parallel_loop3A_171 = vector.bitcast %parallel_loop3A_170 : vector<16xi32> to vector<16xf32>
      %parallel_loop3A_172 = arith.andi %parallel_loop3A_167, %broadcast_in_dim3A_13 : vector<16xi32>
      %parallel_loop3A_173 = vector.bitcast %parallel_loop3A_172 : vector<16xi32> to vector<16xf32>
      %parallel_loop3A_174 = arith.index_cast %parallel_loop3A_25 : i32 to index
      %parallel_loop3A_175 = arith.constant 48 : index
      %parallel_loop3A_176 = tpu.vector_load %arg12[%parallel_loop3A_174, %parallel_loop3A_175] {strides = array<i32>} : memref<64x384xf32, #tpu.memory_space<vmem>>, vector<16xf32>,
      %parallel_loop3A_177 = vector.bitcast %parallel_loop3A_176 : vector<16xf32> to vector<16xi32>
      %parallel_loop3A_178 = arith.constant 16 : i32
      %parallel_loop3A_179 = vector.broadcast %parallel_loop3A_178 : i32 to vector<16xi32>
      %parallel_loop3A_180 = arith.shli %parallel_loop3A_177, %parallel_loop3A_179 : vector<16xi32>
      %parallel_loop3A_181 = vector.bitcast %parallel_loop3A_180 : vector<16xi32> to vector<16xf32>
      %parallel_loop3A_182 = arith.andi %parallel_loop3A_177, %broadcast_in_dim3A_13 : vector<16xi32>
      %parallel_loop3A_183 = vector.bitcast %parallel_loop3A_182 : vector<16xi32> to vector<16xf32>
      %parallel_loop3A_184 = arith.index_cast %parallel_loop3A_25 : i32 to index
      %parallel_loop3A_185 = arith.constant 48 : index
      %parallel_loop3A_186 = tpu.vector_load %arg10[%parallel_loop3A_184, %parallel_loop3A_185] {strides = array<i32>} : memref<64x384xf32, #tpu.memory_space<vmem>>, vector<16xf32>,
      %parallel_loop3A_187 = vector.bitcast %parallel_loop3A_186 : vector<16xf32> to vector<16xi32>
      %parallel_loop3A_188 = arith.constant 16 : i32
      %parallel_loop3A_189 = vector.broadcast %parallel_loop3A_188 : i32 to vector<16xi32>
      %parallel_loop3A_190 = arith.shli %parallel_loop3A_187, %parallel_loop3A_189 : vector<16xi32>
      %parallel_loop3A_191 = vector.bitcast %parallel_loop3A_190 : vector<16xi32> to vector<16xf32>
      %parallel_loop3A_192 = arith.andi %parallel_loop3A_187, %broadcast_in_dim3A_13 : vector<16xi32>
      %parallel_loop3A_193 = vector.bitcast %parallel_loop3A_192 : vector<16xi32> to vector<16xf32>
      %parallel_loop3A_194 = arith.mulf %parallel_loop3A_28, %parallel_loop3A_171 : vector<16xf32>
      %parallel_loop3A_195 = arith.addf %parallel_loop3A_191, %parallel_loop3A_194 : vector<16xf32>
      %parallel_loop3A_196 = arith.mulf %parallel_loop3A_31, %parallel_loop3A_181 : vector<16xf32>
      %parallel_loop3A_197 = arith.addf %parallel_loop3A_195, %parallel_loop3A_196 : vector<16xf32>
      %parallel_loop3A_198 = arith.index_cast %parallel_loop3A_23 : i32 to index
      %parallel_loop3A_199 = arith.constant 48 : index
      %parallel_loop3A_200 = tpu.vector_load %arg9[%parallel_loop3A_198, %parallel_loop3A_199] {strides = array<i32>} : memref<32x768xf32, #tpu.memory_space<vmem>>, vector<16xf32>,
      tpu.vector_store %arg9[%parallel_loop3A_198, %parallel_loop3A_199], %parallel_loop3A_197 {strides = array<i32>} : memref<32x768xf32, #tpu.memory_space<vmem>>, vector<16xf32>,
      %parallel_loop3A_201 = arith.mulf %parallel_loop3A_28, %parallel_loop3A_173 : vector<16xf32>
      %parallel_loop3A_202 = arith.addf %parallel_loop3A_193, %parallel_loop3A_201 : vector<16xf32>
      %parallel_loop3A_203 = arith.mulf %parallel_loop3A_31, %parallel_loop3A_183 : vector<16xf32>
      %parallel_loop3A_204 = arith.addf %parallel_loop3A_202, %parallel_loop3A_203 : vector<16xf32>
      %parallel_loop3A_205 = arith.index_cast %parallel_loop3A_23 : i32 to index
      %parallel_loop3A_206 = arith.constant 432 : index
      %parallel_loop3A_207 = tpu.vector_load %arg9[%parallel_loop3A_205, %parallel_loop3A_206] {strides = array<i32>} : memref<32x768xf32, #tpu.memory_space<vmem>>, vector<16xf32>,
      tpu.vector_store %arg9[%parallel_loop3A_205, %parallel_loop3A_206], %parallel_loop3A_204 {strides = array<i32>} : memref<32x768xf32, #tpu.memory_space<vmem>>, vector<16xf32>,
      %parallel_loop3A_208 = arith.index_cast %parallel_loop3A_25 : i32 to index
      %parallel_loop3A_209 = arith.constant 64 : index
      %parallel_loop3A_210 = tpu.vector_load %arg11[%parallel_loop3A_208, %parallel_loop3A_209] {strides = array<i32>} : memref<64x384xf32, #tpu.memory_space<vmem>>, vector<16xf32>,
      %parallel_loop3A_211 = vector.bitcast %parallel_loop3A_210 : vector<16xf32> to vector<16xi32>
      %parallel_loop3A_212 = arith.constant 16 : i32
      %parallel_loop3A_213 = vector.broadcast %parallel_loop3A_212 : i32 to vector<16xi32>
      %parallel_loop3A_214 = arith.shli %parallel_loop3A_211, %parallel_loop3A_213 : vector<16xi32>
      %parallel_loop3A_215 = vector.bitcast %parallel_loop3A_214 : vector<16xi32> to vector<16xf32>
      %parallel_loop3A_216 = arith.andi %parallel_loop3A_211, %broadcast_in_dim3A_13 : vector<16xi32>
      %parallel_loop3A_217 = vector.bitcast %parallel_loop3A_216 : vector<16xi32> to vector<16xf32>
      %parallel_loop3A_218 = arith.index_cast %parallel_loop3A_25 : i32 to index
      %parallel_loop3A_219 = arith.constant 64 : index
      %parallel_loop3A_220 = tpu.vector_load %arg12[%parallel_loop3A_218, %parallel_loop3A_219] {strides = array<i32>} : memref<64x384xf32, #tpu.memory_space<vmem>>, vector<16xf32>,
      %parallel_loop3A_221 = vector.bitcast %parallel_loop3A_220 : vector<16xf32> to vector<16xi32>
      %parallel_loop3A_222 = arith.constant 16 : i32
      %parallel_loop3A_223 = vector.broadcast %parallel_loop3A_222 : i32 to vector<16xi32>
      %parallel_loop3A_224 = arith.shli %parallel_loop3A_221, %parallel_loop3A_223 : vector<16xi32>
      %parallel_loop3A_225 = vector.bitcast %parallel_loop3A_224 : vector<16xi32> to vector<16xf32>
      %parallel_loop3A_226 = arith.andi %parallel_loop3A_221, %broadcast_in_dim3A_13 : vector<16xi32>
      %parallel_loop3A_227 = vector.bitcast %parallel_loop3A_226 : vector<16xi32> to vector<16xf32>
      %parallel_loop3A_228 = arith.index_cast %parallel_loop3A_25 : i32 to index
      %parallel_loop3A_229 = arith.constant 64 : index
      %parallel_loop3A_230 = tpu.vector_load %arg10[%parallel_loop3A_228, %parallel_loop3A_229] {strides = array<i32>} : memref<64x384xf32, #tpu.memory_space<vmem>>, vector<16xf32>,
      %parallel_loop3A_231 = vector.bitcast %parallel_loop3A_230 : vector<16xf32> to vector<16xi32>
      %parallel_loop3A_232 = arith.constant 16 : i32
      %parallel_loop3A_233 = vector.broadcast %parallel_loop3A_232 : i32 to vector<16xi32>
      %parallel_loop3A_234 = arith.shli %parallel_loop3A_231, %parallel_loop3A_233 : vector<16xi32>
      %parallel_loop3A_235 = vector.bitcast %parallel_loop3A_234 : vector<16xi32> to vector<16xf32>
      %parallel_loop3A_236 = arith.andi %parallel_loop3A_231, %broadcast_in_dim3A_13 : vector<16xi32>
      %parallel_loop3A_237 = vector.bitcast %parallel_loop3A_236 : vector<16xi32> to vector<16xf32>
      %parallel_loop3A_238 = arith.mulf %parallel_loop3A_28, %parallel_loop3A_215 : vector<16xf32>
      %parallel_loop3A_239 = arith.addf %parallel_loop3A_235, %parallel_loop3A_238 : vector<16xf32>
      %parallel_loop3A_240 = arith.mulf %parallel_loop3A_31, %parallel_loop3A_225 : vector<16xf32>
      %parallel_loop3A_241 = arith.addf %parallel_loop3A_239, %parallel_loop3A_240 : vector<16xf32>
      %parallel_loop3A_242 = arith.index_cast %parallel_loop3A_23 : i32 to index
      %parallel_loop3A_243 = arith.constant 64 : index
      %parallel_loop3A_244 = tpu.vector_load %arg9[%parallel_loop3A_242, %parallel_loop3A_243] {strides = array<i32>} : memref<32x768xf32, #tpu.memory_space<vmem>>, vector<16xf32>,
      tpu.vector_store %arg9[%parallel_loop3A_242, %parallel_loop3A_243], %parallel_loop3A_241 {strides = array<i32>} : memref<32x768xf32, #tpu.memory_space<vmem>>, vector<16xf32>,
      %parallel_loop3A_245 = arith.mulf %parallel_loop3A_28, %parallel_loop3A_217 : vector<16xf32>
      %parallel_loop3A_246 = arith.addf %parallel_loop3A_237, %parallel_loop3A_245 : vector<16xf32>
      %parallel_loop3A_247 = arith.mulf %parallel_loop3A_31, %parallel_loop3A_227 : vector<16xf32>
      %parallel_loop3A_248 = arith.addf %parallel_loop3A_246, %parallel_loop3A_247 : vector<16xf32>
      %parallel_loop3A_249 = arith.index_cast %parallel_loop3A_23 : i32 to index
      %parallel_loop3A_250 = arith.constant 448 : index
      %parallel_loop3A_251 = tpu.vector_load %arg9[%parallel_loop3A_249, %parallel_loop3A_250] {strides = array<i32>} : memref<32x768xf32, #tpu.memory_space<vmem>>, vector<16xf32>,
      tpu.vector_store %arg9[%parallel_loop3A_249, %parallel_loop3A_250], %parallel_loop3A_248 {strides = array<i32>} : memref<32x768xf32, #tpu.memory_space<vmem>>, vector<16xf32>,
      %parallel_loop3A_252 = arith.index_cast %parallel_loop3A_25 : i32 to index
      %parallel_loop3A_253 = arith.constant 80 : index
      %parallel_loop3A_254 = tpu.vector_load %arg11[%parallel_loop3A_252, %parallel_loop3A_253] {strides = array<i32>} : memref<64x384xf32, #tpu.memory_space<vmem>>, vector<16xf32>,
      %parallel_loop3A_255 = vector.bitcast %parallel_loop3A_254 : vector<16xf32> to vector<16xi32>
      %parallel_loop3A_256 = arith.constant 16 : i32
      %parallel_loop3A_257 = vector.broadcast %parallel_loop3A_256 : i32 to vector<16xi32>
      %parallel_loop3A_258 = arith.shli %parallel_loop3A_255, %parallel_loop3A_257 : vector<16xi32>
      %parallel_loop3A_259 = vector.bitcast %parallel_loop3A_258 : vector<16xi32> to vector<16xf32>
      %parallel_loop3A_260 = arith.andi %parallel_loop3A_255, %broadcast_in_dim3A_13 : vector<16xi32>
      %parallel_loop3A_261 = vector.bitcast %parallel_loop3A_260 : vector<16xi32> to vector<16xf32>
      %parallel_loop3A_262 = arith.index_cast %parallel_loop3A_25 : i32 to index
      %parallel_loop3A_263 = arith.constant 80 : index
      %parallel_loop3A_264 = tpu.vector_load %arg12[%parallel_loop3A_262, %parallel_loop3A_263] {strides = array<i32>} : memref<64x384xf32, #tpu.memory_space<vmem>>, vector<16xf32>,
      %parallel_loop3A_265 = vector.bitcast %parallel_loop3A_264 : vector<16xf32> to vector<16xi32>
      %parallel_loop3A_266 = arith.constant 16 : i32
      %parallel_loop3A_267 = vector.broadcast %parallel_loop3A_266 : i32 to vector<16xi32>
      %parallel_loop3A_268 = arith.shli %parallel_loop3A_265, %parallel_loop3A_267 : vector<16xi32>
      %parallel_loop3A_269 = vector.bitcast %parallel_loop3A_268 : vector<16xi32> to vector<16xf32>
      %parallel_loop3A_270 = arith.andi %parallel_loop3A_265, %broadcast_in_dim3A_13 : vector<16xi32>
      %parallel_loop3A_271 = vector.bitcast %parallel_loop3A_270 : vector<16xi32> to vector<16xf32>
      %parallel_loop3A_272 = arith.index_cast %parallel_loop3A_25 : i32 to index
      %parallel_loop3A_273 = arith.constant 80 : index
      %parallel_loop3A_274 = tpu.vector_load %arg10[%parallel_loop3A_272, %parallel_loop3A_273] {strides = array<i32>} : memref<64x384xf32, #tpu.memory_space<vmem>>, vector<16xf32>,
      %parallel_loop3A_275 = vector.bitcast %parallel_loop3A_274 : vector<16xf32> to vector<16xi32>
      %parallel_loop3A_276 = arith.constant 16 : i32
      %parallel_loop3A_277 = vector.broadcast %parallel_loop3A_276 : i32 to vector<16xi32>
      %parallel_loop3A_278 = arith.shli %parallel_loop3A_275, %parallel_loop3A_277 : vector<16xi32>
      %parallel_loop3A_279 = vector.bitcast %parallel_loop3A_278 : vector<16xi32> to vector<16xf32>
      %parallel_loop3A_280 = arith.andi %parallel_loop3A_275, %broadcast_in_dim3A_13 : vector<16xi32>
      %parallel_loop3A_281 = vector.bitcast %parallel_loop3A_280 : vector<16xi32> to vector<16xf32>
      %parallel_loop3A_282 = arith.mulf %parallel_loop3A_28, %parallel_loop3A_259 : vector<16xf32>
      %parallel_loop3A_283 = arith.addf %parallel_loop3A_279, %parallel_loop3A_282 : vector<16xf32>
      %parallel_loop3A_284 = arith.mulf %parallel_loop3A_31, %parallel_loop3A_269 : vector<16xf32>
      %parallel_loop3A_285 = arith.addf %parallel_loop3A_283, %parallel_loop3A_284 : vector<16xf32>
      %parallel_loop3A_286 = arith.index_cast %parallel_loop3A_23 : i32 to index
      %parallel_loop3A_287 = arith.constant 80 : index
      %parallel_loop3A_288 = tpu.vector_load %arg9[%parallel_loop3A_286, %parallel_loop3A_287] {strides = array<i32>} : memref<32x768xf32, #tpu.memory_space<vmem>>, vector<16xf32>,
      tpu.vector_store %arg9[%parallel_loop3A_286, %parallel_loop3A_287], %parallel_loop3A_285 {strides = array<i32>} : memref<32x768xf32, #tpu.memory_space<vmem>>, vector<16xf32>,
      %parallel_loop3A_289 = arith.mulf %parallel_loop3A_28, %parallel_loop3A_261 : vector<16xf32>
      %parallel_loop3A_290 = arith.addf %parallel_loop3A_281, %parallel_loop3A_289 : vector<16xf32>
      %parallel_loop3A_291 = arith.mulf %parallel_loop3A_31, %parallel_loop3A_271 : vector<16xf32>
      %parallel_loop3A_292 = arith.addf %parallel_loop3A_290, %parallel_loop3A_291 : vector<16xf32>
      %parallel_loop3A_293 = arith.index_cast %parallel_loop3A_23 : i32 to index
      %parallel_loop3A_294 = arith.constant 464 : index
      %parallel_loop3A_295 = tpu.vector_load %arg9[%parallel_loop3A_293, %parallel_loop3A_294] {strides = array<i32>} : memref<32x768xf32, #tpu.memory_space<vmem>>, vector<16xf32>,
      tpu.vector_store %arg9[%parallel_loop3A_293, %parallel_loop3A_294], %parallel_loop3A_292 {strides = array<i32>} : memref<32x768xf32, #tpu.memory_space<vmem>>, vector<16xf32>,
      %parallel_loop3A_296 = arith.index_cast %parallel_loop3A_25 : i32 to index
      %parallel_loop3A_297 = arith.constant 96 : index
      %parallel_loop3A_298 = tpu.vector_load %arg11[%parallel_loop3A_296, %parallel_loop3A_297] {strides = array<i32>} : memref<64x384xf32, #tpu.memory_space<vmem>>, vector<16xf32>,
      %parallel_loop3A_299 = vector.bitcast %parallel_loop3A_298 : vector<16xf32> to vector<16xi32>
      %parallel_loop3A_300 = arith.constant 16 : i32
      %parallel_loop3A_301 = vector.broadcast %parallel_loop3A_300 : i32 to vector<16xi32>
      %parallel_loop3A_302 = arith.shli %parallel_loop3A_299, %parallel_loop3A_301 : vector<16xi32>
      %parallel_loop3A_303 = vector.bitcast %parallel_loop3A_302 : vector<16xi32> to vector<16xf32>
      %parallel_loop3A_304 = arith.andi %parallel_loop3A_299, %broadcast_in_dim3A_13 : vector<16xi32>
      %parallel_loop3A_305 = vector.bitcast %parallel_loop3A_304 : vector<16xi32> to vector<16xf32>
      %parallel_loop3A_306 = arith.index_cast %parallel_loop3A_25 : i32 to index
      %parallel_loop3A_307 = arith.constant 96 : index
      %parallel_loop3A_308 = tpu.vector_load %arg12[%parallel_loop3A_306, %parallel_loop3A_307] {strides = array<i32>} : memref<64x384xf32, #tpu.memory_space<vmem>>, vector<16xf32>,
      %parallel_loop3A_309 = vector.bitcast %parallel_loop3A_308 : vector<16xf32> to vector<16xi32>
      %parallel_loop3A_310 = arith.constant 16 : i32
      %parallel_loop3A_311 = vector.broadcast %parallel_loop3A_310 : i32 to vector<16xi32>
      %parallel_loop3A_312 = arith.shli %parallel_loop3A_309, %parallel_loop3A_311 : vector<16xi32>
      %parallel_loop3A_313 = vector.bitcast %parallel_loop3A_312 : vector<16xi32> to vector<16xf32>
      %parallel_loop3A_314 = arith.andi %parallel_loop3A_309, %broadcast_in_dim3A_13 : vector<16xi32>
      %parallel_loop3A_315 = vector.bitcast %parallel_loop3A_314 : vector<16xi32> to vector<16xf32>
      %parallel_loop3A_316 = arith.index_cast %parallel_loop3A_25 : i32 to index
      %parallel_loop3A_317 = arith.constant 96 : index
      %parallel_loop3A_318 = tpu.vector_load %arg10[%parallel_loop3A_316, %parallel_loop3A_317] {strides = array<i32>} : memref<64x384xf32, #tpu.memory_space<vmem>>, vector<16xf32>,
      %parallel_loop3A_319 = vector.bitcast %parallel_loop3A_318 : vector<16xf32> to vector<16xi32>
      %parallel_loop3A_320 = arith.constant 16 : i32
      %parallel_loop3A_321 = vector.broadcast %parallel_loop3A_320 : i32 to vector<16xi32>
      %parallel_loop3A_322 = arith.shli %parallel_loop3A_319, %parallel_loop3A_321 : vector<16xi32>
      %parallel_loop3A_323 = vector.bitcast %parallel_loop3A_322 : vector<16xi32> to vector<16xf32>
      %parallel_loop3A_324 = arith.andi %parallel_loop3A_319, %broadcast_in_dim3A_13 : vector<16xi32>
      %parallel_loop3A_325 = vector.bitcast %parallel_loop3A_324 : vector<16xi32> to vector<16xf32>
      %parallel_loop3A_326 = arith.mulf %parallel_loop3A_28, %parallel_loop3A_303 : vector<16xf32>
      %parallel_loop3A_327 = arith.addf %parallel_loop3A_323, %parallel_loop3A_326 : vector<16xf32>
      %parallel_loop3A_328 = arith.mulf %parallel_loop3A_31, %parallel_loop3A_313 : vector<16xf32>
      %parallel_loop3A_329 = arith.addf %parallel_loop3A_327, %parallel_loop3A_328 : vector<16xf32>
      %parallel_loop3A_330 = arith.index_cast %parallel_loop3A_23 : i32 to index
      %parallel_loop3A_331 = arith.constant 96 : index
      %parallel_loop3A_332 = tpu.vector_load %arg9[%parallel_loop3A_330, %parallel_loop3A_331] {strides = array<i32>} : memref<32x768xf32, #tpu.memory_space<vmem>>, vector<16xf32>,
      tpu.vector_store %arg9[%parallel_loop3A_330, %parallel_loop3A_331], %parallel_loop3A_329 {strides = array<i32>} : memref<32x768xf32, #tpu.memory_space<vmem>>, vector<16xf32>,
      %parallel_loop3A_333 = arith.mulf %parallel_loop3A_28, %parallel_loop3A_305 : vector<16xf32>
      %parallel_loop3A_334 = arith.addf %parallel_loop3A_325, %parallel_loop3A_333 : vector<16xf32>
      %parallel_loop3A_335 = arith.mulf %parallel_loop3A_31, %parallel_loop3A_315 : vector<16xf32>
      %parallel_loop3A_336 = arith.addf %parallel_loop3A_334, %parallel_loop3A_335 : vector<16xf32>
      %parallel_loop3A_337 = arith.index_cast %parallel_loop3A_23 : i32 to index
      %parallel_loop3A_338 = arith.constant 480 : index
      %parallel_loop3A_339 = tpu.vector_load %arg9[%parallel_loop3A_337, %parallel_loop3A_338] {strides = array<i32>} : memref<32x768xf32, #tpu.memory_space<vmem>>, vector<16xf32>,
      tpu.vector_store %arg9[%parallel_loop3A_337, %parallel_loop3A_338], %parallel_loop3A_336 {strides = array<i32>} : memref<32x768xf32, #tpu.memory_space<vmem>>, vector<16xf32>,
      %parallel_loop3A_340 = arith.index_cast %parallel_loop3A_25 : i32 to index
      %parallel_loop3A_341 = arith.constant 112 : index
      %parallel_loop3A_342 = tpu.vector_load %arg11[%parallel_loop3A_340, %parallel_loop3A_341] {strides = array<i32>} : memref<64x384xf32, #tpu.memory_space<vmem>>, vector<16xf32>,
      %parallel_loop3A_343 = vector.bitcast %parallel_loop3A_342 : vector<16xf32> to vector<16xi32>
      %parallel_loop3A_344 = arith.constant 16 : i32
      %parallel_loop3A_345 = vector.broadcast %parallel_loop3A_344 : i32 to vector<16xi32>
      %parallel_loop3A_346 = arith.shli %parallel_loop3A_343, %parallel_loop3A_345 : vector<16xi32>
      %parallel_loop3A_347 = vector.bitcast %parallel_loop3A_346 : vector<16xi32> to vector<16xf32>
      %parallel_loop3A_348 = arith.andi %parallel_loop3A_343, %broadcast_in_dim3A_13 : vector<16xi32>
      %parallel_loop3A_349 = vector.bitcast %parallel_loop3A_348 : vector<16xi32> to vector<16xf32>
      %parallel_loop3A_350 = arith.index_cast %parallel_loop3A_25 : i32 to index
      %parallel_loop3A_351 = arith.constant 112 : index
      %parallel_loop3A_352 = tpu.vector_load %arg12[%parallel_loop3A_350, %parallel_loop3A_351] {strides = array<i32>} : memref<64x384xf32, #tpu.memory_space<vmem>>, vector<16xf32>,
      %parallel_loop3A_353 = vector.bitcast %parallel_loop3A_352 : vector<16xf32> to vector<16xi32>
      %parallel_loop3A_354 = arith.constant 16 : i32
      %parallel_loop3A_355 = vector.broadcast %parallel_loop3A_354 : i32 to vector<16xi32>
      %parallel_loop3A_356 = arith.shli %parallel_loop3A_353, %parallel_loop3A_355 : vector<16xi32>
      %parallel_loop3A_357 = vector.bitcast %parallel_loop3A_356 : vector<16xi32> to vector<16xf32>
      %parallel_loop3A_358 = arith.andi %parallel_loop3A_353, %broadcast_in_dim3A_13 : vector<16xi32>
      %parallel_loop3A_359 = vector.bitcast %parallel_loop3A_358 : vector<16xi32> to vector<16xf32>
      %parallel_loop3A_360 = arith.index_cast %parallel_loop3A_25 : i32 to index
      %parallel_loop3A_361 = arith.constant 112 : index
      %parallel_loop3A_362 = tpu.vector_load %arg10[%parallel_loop3A_360, %parallel_loop3A_361] {strides = array<i32>} : memref<64x384xf32, #tpu.memory_space<vmem>>, vector<16xf32>,
      %parallel_loop3A_363 = vector.bitcast %parallel_loop3A_362 : vector<16xf32> to vector<16xi32>
      %parallel_loop3A_364 = arith.constant 16 : i32
      %parallel_loop3A_365 = vector.broadcast %parallel_loop3A_364 : i32 to vector<16xi32>
      %parallel_loop3A_366 = arith.shli %parallel_loop3A_363, %parallel_loop3A_365 : vector<16xi32>
      %parallel_loop3A_367 = vector.bitcast %parallel_loop3A_366 : vector<16xi32> to vector<16xf32>
      %parallel_loop3A_368 = arith.andi %parallel_loop3A_363, %broadcast_in_dim3A_13 : vector<16xi32>
      %parallel_loop3A_369 = vector.bitcast %parallel_loop3A_368 : vector<16xi32> to vector<16xf32>
      %parallel_loop3A_370 = arith.mulf %parallel_loop3A_28, %parallel_loop3A_347 : vector<16xf32>
      %parallel_loop3A_371 = arith.addf %parallel_loop3A_367, %parallel_loop3A_370 : vector<16xf32>
      %parallel_loop3A_372 = arith.mulf %parallel_loop3A_31, %parallel_loop3A_357 : vector<16xf32>
      %parallel_loop3A_373 = arith.addf %parallel_loop3A_371, %parallel_loop3A_372 : vector<16xf32>
      %parallel_loop3A_374 = arith.index_cast %parallel_loop3A_23 : i32 to index
      %parallel_loop3A_375 = arith.constant 112 : index
      %parallel_loop3A_376 = tpu.vector_load %arg9[%parallel_loop3A_374, %parallel_loop3A_375] {strides = array<i32>} : memref<32x768xf32, #tpu.memory_space<vmem>>, vector<16xf32>,
      tpu.vector_store %arg9[%parallel_loop3A_374, %parallel_loop3A_375], %parallel_loop3A_373 {strides = array<i32>} : memref<32x768xf32, #tpu.memory_space<vmem>>, vector<16xf32>,
      %parallel_loop3A_377 = arith.mulf %parallel_loop3A_28, %parallel_loop3A_349 : vector<16xf32>
      %parallel_loop3A_378 = arith.addf %parallel_loop3A_369, %parallel_loop3A_377 : vector<16xf32>
      %parallel_loop3A_379 = arith.mulf %parallel_loop3A_31, %parallel_loop3A_359 : vector<16xf32>
      %parallel_loop3A_380 = arith.addf %parallel_loop3A_378, %parallel_loop3A_379 : vector<16xf32>
      %parallel_loop3A_381 = arith.index_cast %parallel_loop3A_23 : i32 to index
      %parallel_loop3A_382 = arith.constant 496 : index
      %parallel_loop3A_383 = tpu.vector_load %arg9[%parallel_loop3A_381, %parallel_loop3A_382] {strides = array<i32>} : memref<32x768xf32, #tpu.memory_space<vmem>>, vector<16xf32>,
      tpu.vector_store %arg9[%parallel_loop3A_381, %parallel_loop3A_382], %parallel_loop3A_380 {strides = array<i32>} : memref<32x768xf32, #tpu.memory_space<vmem>>, vector<16xf32>,
      %parallel_loop3A_384 = arith.index_cast %parallel_loop3A_25 : i32 to index
      %parallel_loop3A_385 = arith.constant 128 : index
      %parallel_loop3A_386 = tpu.vector_load %arg11[%parallel_loop3A_384, %parallel_loop3A_385] {strides = array<i32>} : memref<64x384xf32, #tpu.memory_space<vmem>>, vector<16xf32>,
      %parallel_loop3A_387 = vector.bitcast %parallel_loop3A_386 : vector<16xf32> to vector<16xi32>
      %parallel_loop3A_388 = arith.constant 16 : i32
      %parallel_loop3A_389 = vector.broadcast %parallel_loop3A_388 : i32 to vector<16xi32>
      %parallel_loop3A_390 = arith.shli %parallel_loop3A_387, %parallel_loop3A_389 : vector<16xi32>
      %parallel_loop3A_391 = vector.bitcast %parallel_loop3A_390 : vector<16xi32> to vector<16xf32>
      %parallel_loop3A_392 = arith.andi %parallel_loop3A_387, %broadcast_in_dim3A_13 : vector<16xi32>
      %parallel_loop3A_393 = vector.bitcast %parallel_loop3A_392 : vector<16xi32> to vector<16xf32>
      %parallel_loop3A_394 = arith.index_cast %parallel_loop3A_25 : i32 to index
      %parallel_loop3A_395 = arith.constant 128 : index
      %parallel_loop3A_396 = tpu.vector_load %arg12[%parallel_loop3A_394, %parallel_loop3A_395] {strides = array<i32>} : memref<64x384xf32, #tpu.memory_space<vmem>>, vector<16xf32>,
      %parallel_loop3A_397 = vector.bitcast %parallel_loop3A_396 : vector<16xf32> to vector<16xi32>
      %parallel_loop3A_398 = arith.constant 16 : i32
      %parallel_loop3A_399 = vector.broadcast %parallel_loop3A_398 : i32 to vector<16xi32>
      %parallel_loop3A_400 = arith.shli %parallel_loop3A_397, %parallel_loop3A_399 : vector<16xi32>
      %parallel_loop3A_401 = vector.bitcast %parallel_loop3A_400 : vector<16xi32> to vector<16xf32>
      %parallel_loop3A_402 = arith.andi %parallel_loop3A_397, %broadcast_in_dim3A_13 : vector<16xi32>
      %parallel_loop3A_403 = vector.bitcast %parallel_loop3A_402 : vector<16xi32> to vector<16xf32>
      %parallel_loop3A_404 = arith.index_cast %parallel_loop3A_25 : i32 to index
      %parallel_loop3A_405 = arith.constant 128 : index
      %parallel_loop3A_406 = tpu.vector_load %arg10[%parallel_loop3A_404, %parallel_loop3A_405] {strides = array<i32>} : memref<64x384xf32, #tpu.memory_space<vmem>>, vector<16xf32>,
      %parallel_loop3A_407 = vector.bitcast %parallel_loop3A_406 : vector<16xf32> to vector<16xi32>
      %parallel_loop3A_408 = arith.constant 16 : i32
      %parallel_loop3A_409 = vector.broadcast %parallel_loop3A_408 : i32 to vector<16xi32>
      %parallel_loop3A_410 = arith.shli %parallel_loop3A_407, %parallel_loop3A_409 : vector<16xi32>
      %parallel_loop3A_411 = vector.bitcast %parallel_loop3A_410 : vector<16xi32> to vector<16xf32>
      %parallel_loop3A_412 = arith.andi %parallel_loop3A_407, %broadcast_in_dim3A_13 : vector<16xi32>
      %parallel_loop3A_413 = vector.bitcast %parallel_loop3A_412 : vector<16xi32> to vector<16xf32>
      %parallel_loop3A_414 = arith.mulf %parallel_loop3A_28, %parallel_loop3A_391 : vector<16xf32>
      %parallel_loop3A_415 = arith.addf %parallel_loop3A_411, %parallel_loop3A_414 : vector<16xf32>
      %parallel_loop3A_416 = arith.mulf %parallel_loop3A_31, %parallel_loop3A_401 : vector<16xf32>
      %parallel_loop3A_417 = arith.addf %parallel_loop3A_415, %parallel_loop3A_416 : vector<16xf32>
      %parallel_loop3A_418 = arith.index_cast %parallel_loop3A_23 : i32 to index
      %parallel_loop3A_419 = arith.constant 128 : index
      %parallel_loop3A_420 = tpu.vector_load %arg9[%parallel_loop3A_418, %parallel_loop3A_419] {strides = array<i32>} : memref<32x768xf32, #tpu.memory_space<vmem>>, vector<16xf32>,
      tpu.vector_store %arg9[%parallel_loop3A_418, %parallel_loop3A_419], %parallel_loop3A_417 {strides = array<i32>} : memref<32x768xf32, #tpu.memory_space<vmem>>, vector<16xf32>,
      %parallel_loop3A_421 = arith.mulf %parallel_loop3A_28, %parallel_loop3A_393 : vector<16xf32>
      %parallel_loop3A_422 = arith.addf %parallel_loop3A_413, %parallel_loop3A_421 : vector<16xf32>
      %parallel_loop3A_423 = arith.mulf %parallel_loop3A_31, %parallel_loop3A_403 : vector<16xf32>
      %parallel_loop3A_424 = arith.addf %parallel_loop3A_422, %parallel_loop3A_423 : vector<16xf32>
      %parallel_loop3A_425 = arith.index_cast %parallel_loop3A_23 : i32 to index
      %parallel_loop3A_426 = arith.constant 512 : index
      %parallel_loop3A_427 = tpu.vector_load %arg9[%parallel_loop3A_425, %parallel_loop3A_426] {strides = array<i32>} : memref<32x768xf32, #tpu.memory_space<vmem>>, vector<16xf32>,
      tpu.vector_store %arg9[%parallel_loop3A_425, %parallel_loop3A_426], %parallel_loop3A_424 {strides = array<i32>} : memref<32x768xf32, #tpu.memory_space<vmem>>, vector<16xf32>,
      %parallel_loop3A_428 = arith.index_cast %parallel_loop3A_25 : i32 to index
      %parallel_loop3A_429 = arith.constant 144 : index
      %parallel_loop3A_430 = tpu.vector_load %arg11[%parallel_loop3A_428, %parallel_loop3A_429] {strides = array<i32>} : memref<64x384xf32, #tpu.memory_space<vmem>>, vector<16xf32>,
      %parallel_loop3A_431 = vector.bitcast %parallel_loop3A_430 : vector<16xf32> to vector<16xi32>
      %parallel_loop3A_432 = arith.constant 16 : i32
      %parallel_loop3A_433 = vector.broadcast %parallel_loop3A_432 : i32 to vector<16xi32>
      %parallel_loop3A_434 = arith.shli %parallel_loop3A_431, %parallel_loop3A_433 : vector<16xi32>
      %parallel_loop3A_435 = vector.bitcast %parallel_loop3A_434 : vector<16xi32> to vector<16xf32>
      %parallel_loop3A_436 = arith.andi %parallel_loop3A_431, %broadcast_in_dim3A_13 : vector<16xi32>
      %parallel_loop3A_437 = vector.bitcast %parallel_loop3A_436 : vector<16xi32> to vector<16xf32>
      %parallel_loop3A_438 = arith.index_cast %parallel_loop3A_25 : i32 to index
      %parallel_loop3A_439 = arith.constant 144 : index
      %parallel_loop3A_440 = tpu.vector_load %arg12[%parallel_loop3A_438, %parallel_loop3A_439] {strides = array<i32>} : memref<64x384xf32, #tpu.memory_space<vmem>>, vector<16xf32>,
      %parallel_loop3A_441 = vector.bitcast %parallel_loop3A_440 : vector<16xf32> to vector<16xi32>
      %parallel_loop3A_442 = arith.constant 16 : i32
      %parallel_loop3A_443 = vector.broadcast %parallel_loop3A_442 : i32 to vector<16xi32>
      %parallel_loop3A_444 = arith.shli %parallel_loop3A_441, %parallel_loop3A_443 : vector<16xi32>
      %parallel_loop3A_445 = vector.bitcast %parallel_loop3A_444 : vector<16xi32> to vector<16xf32>
      %parallel_loop3A_446 = arith.andi %parallel_loop3A_441, %broadcast_in_dim3A_13 : vector<16xi32>
      %parallel_loop3A_447 = vector.bitcast %parallel_loop3A_446 : vector<16xi32> to vector<16xf32>
      %parallel_loop3A_448 = arith.index_cast %parallel_loop3A_25 : i32 to index
      %parallel_loop3A_449 = arith.constant 144 : index
      %parallel_loop3A_450 = tpu.vector_load %arg10[%parallel_loop3A_448, %parallel_loop3A_449] {strides = array<i32>} : memref<64x384xf32, #tpu.memory_space<vmem>>, vector<16xf32>,
      %parallel_loop3A_451 = vector.bitcast %parallel_loop3A_450 : vector<16xf32> to vector<16xi32>
      %parallel_loop3A_452 = arith.constant 16 : i32
      %parallel_loop3A_453 = vector.broadcast %parallel_loop3A_452 : i32 to vector<16xi32>
      %parallel_loop3A_454 = arith.shli %parallel_loop3A_451, %parallel_loop3A_453 : vector<16xi32>
      %parallel_loop3A_455 = vector.bitcast %parallel_loop3A_454 : vector<16xi32> to vector<16xf32>
      %parallel_loop3A_456 = arith.andi %parallel_loop3A_451, %broadcast_in_dim3A_13 : vector<16xi32>
      %parallel_loop3A_457 = vector.bitcast %parallel_loop3A_456 : vector<16xi32> to vector<16xf32>
      %parallel_loop3A_458 = arith.mulf %parallel_loop3A_28, %parallel_loop3A_435 : vector<16xf32>
      %parallel_loop3A_459 = arith.addf %parallel_loop3A_455, %parallel_loop3A_458 : vector<16xf32>
      %parallel_loop3A_460 = arith.mulf %parallel_loop3A_31, %parallel_loop3A_445 : vector<16xf32>
      %parallel_loop3A_461 = arith.addf %parallel_loop3A_459, %parallel_loop3A_460 : vector<16xf32>
      %parallel_loop3A_462 = arith.index_cast %parallel_loop3A_23 : i32 to index
      %parallel_loop3A_463 = arith.constant 144 : index
      %parallel_loop3A_464 = tpu.vector_load %arg9[%parallel_loop3A_462, %parallel_loop3A_463] {strides = array<i32>} : memref<32x768xf32, #tpu.memory_space<vmem>>, vector<16xf32>,
      tpu.vector_store %arg9[%parallel_loop3A_462, %parallel_loop3A_463], %parallel_loop3A_461 {strides = array<i32>} : memref<32x768xf32, #tpu.memory_space<vmem>>, vector<16xf32>,
      %parallel_loop3A_465 = arith.mulf %parallel_loop3A_28, %parallel_loop3A_437 : vector<16xf32>
      %parallel_loop3A_466 = arith.addf %parallel_loop3A_457, %parallel_loop3A_465 : vector<16xf32>
      %parallel_loop3A_467 = arith.mulf %parallel_loop3A_31, %parallel_loop3A_447 : vector<16xf32>
      %parallel_loop3A_468 = arith.addf %parallel_loop3A_466, %parallel_loop3A_467 : vector<16xf32>
      %parallel_loop3A_469 = arith.index_cast %parallel_loop3A_23 : i32 to index
      %parallel_loop3A_470 = arith.constant 528 : index
      %parallel_loop3A_471 = tpu.vector_load %arg9[%parallel_loop3A_469, %parallel_loop3A_470] {strides = array<i32>} : memref<32x768xf32, #tpu.memory_space<vmem>>, vector<16xf32>,
      tpu.vector_store %arg9[%parallel_loop3A_469, %parallel_loop3A_470], %parallel_loop3A_468 {strides = array<i32>} : memref<32x768xf32, #tpu.memory_space<vmem>>, vector<16xf32>,
      %parallel_loop3A_472 = arith.index_cast %parallel_loop3A_25 : i32 to index
      %parallel_loop3A_473 = arith.constant 160 : index
      %parallel_loop3A_474 = tpu.vector_load %arg11[%parallel_loop3A_472, %parallel_loop3A_473] {strides = array<i32>} : memref<64x384xf32, #tpu.memory_space<vmem>>, vector<16xf32>,
      %parallel_loop3A_475 = vector.bitcast %parallel_loop3A_474 : vector<16xf32> to vector<16xi32>
      %parallel_loop3A_476 = arith.constant 16 : i32
      %parallel_loop3A_477 = vector.broadcast %parallel_loop3A_476 : i32 to vector<16xi32>
      %parallel_loop3A_478 = arith.shli %parallel_loop3A_475, %parallel_loop3A_477 : vector<16xi32>
      %parallel_loop3A_479 = vector.bitcast %parallel_loop3A_478 : vector<16xi32> to vector<16xf32>
      %parallel_loop3A_480 = arith.andi %parallel_loop3A_475, %broadcast_in_dim3A_13 : vector<16xi32>
      %parallel_loop3A_481 = vector.bitcast %parallel_loop3A_480 : vector<16xi32> to vector<16xf32>
      %parallel_loop3A_482 = arith.index_cast %parallel_loop3A_25 : i32 to index
      %parallel_loop3A_483 = arith.constant 160 : index
      %parallel_loop3A_484 = tpu.vector_load %arg12[%parallel_loop3A_482, %parallel_loop3A_483] {strides = array<i32>} : memref<64x384xf32, #tpu.memory_space<vmem>>, vector<16xf32>,
      %parallel_loop3A_485 = vector.bitcast %parallel_loop3A_484 : vector<16xf32> to vector<16xi32>
      %parallel_loop3A_486 = arith.constant 16 : i32
      %parallel_loop3A_487 = vector.broadcast %parallel_loop3A_486 : i32 to vector<16xi32>
      %parallel_loop3A_488 = arith.shli %parallel_loop3A_485, %parallel_loop3A_487 : vector<16xi32>
      %parallel_loop3A_489 = vector.bitcast %parallel_loop3A_488 : vector<16xi32> to vector<16xf32>
      %parallel_loop3A_490 = arith.andi %parallel_loop3A_485, %broadcast_in_dim3A_13 : vector<16xi32>
      %parallel_loop3A_491 = vector.bitcast %parallel_loop3A_490 : vector<16xi32> to vector<16xf32>
      %parallel_loop3A_492 = arith.index_cast %parallel_loop3A_25 : i32 to index
      %parallel_loop3A_493 = arith.constant 160 : index
      %parallel_loop3A_494 = tpu.vector_load %arg10[%parallel_loop3A_492, %parallel_loop3A_493] {strides = array<i32>} : memref<64x384xf32, #tpu.memory_space<vmem>>, vector<16xf32>,
      %parallel_loop3A_495 = vector.bitcast %parallel_loop3A_494 : vector<16xf32> to vector<16xi32>
      %parallel_loop3A_496 = arith.constant 16 : i32
      %parallel_loop3A_497 = vector.broadcast %parallel_loop3A_496 : i32 to vector<16xi32>
      %parallel_loop3A_498 = arith.shli %parallel_loop3A_495, %parallel_loop3A_497 : vector<16xi32>
      %parallel_loop3A_499 = vector.bitcast %parallel_loop3A_498 : vector<16xi32> to vector<16xf32>
      %parallel_loop3A_500 = arith.andi %parallel_loop3A_495, %broadcast_in_dim3A_13 : vector<16xi32>
      %parallel_loop3A_501 = vector.bitcast %parallel_loop3A_500 : vector<16xi32> to vector<16xf32>
      %parallel_loop3A_502 = arith.mulf %parallel_loop3A_28, %parallel_loop3A_479 : vector<16xf32>
      %parallel_loop3A_503 = arith.addf %parallel_loop3A_499, %parallel_loop3A_502 : vector<16xf32>
      %parallel_loop3A_504 = arith.mulf %parallel_loop3A_31, %parallel_loop3A_489 : vector<16xf32>
      %parallel_loop3A_505 = arith.addf %parallel_loop3A_503, %parallel_loop3A_504 : vector<16xf32>
      %parallel_loop3A_506 = arith.index_cast %parallel_loop3A_23 : i32 to index
      %parallel_loop3A_507 = arith.constant 160 : index
      %parallel_loop3A_508 = tpu.vector_load %arg9[%parallel_loop3A_506, %parallel_loop3A_507] {strides = array<i32>} : memref<32x768xf32, #tpu.memory_space<vmem>>, vector<16xf32>,
      tpu.vector_store %arg9[%parallel_loop3A_506, %parallel_loop3A_507], %parallel_loop3A_505 {strides = array<i32>} : memref<32x768xf32, #tpu.memory_space<vmem>>, vector<16xf32>,
      %parallel_loop3A_509 = arith.mulf %parallel_loop3A_28, %parallel_loop3A_481 : vector<16xf32>
      %parallel_loop3A_510 = arith.addf %parallel_loop3A_501, %parallel_loop3A_509 : vector<16xf32>
      %parallel_loop3A_511 = arith.mulf %parallel_loop3A_31, %parallel_loop3A_491 : vector<16xf32>
      %parallel_loop3A_512 = arith.addf %parallel_loop3A_510, %parallel_loop3A_511 : vector<16xf32>
      %parallel_loop3A_513 = arith.index_cast %parallel_loop3A_23 : i32 to index
      %parallel_loop3A_514 = arith.constant 544 : index
      %parallel_loop3A_515 = tpu.vector_load %arg9[%parallel_loop3A_513, %parallel_loop3A_514] {strides = array<i32>} : memref<32x768xf32, #tpu.memory_space<vmem>>, vector<16xf32>,
      tpu.vector_store %arg9[%parallel_loop3A_513, %parallel_loop3A_514], %parallel_loop3A_512 {strides = array<i32>} : memref<32x768xf32, #tpu.memory_space<vmem>>, vector<16xf32>,
      %parallel_loop3A_516 = arith.index_cast %parallel_loop3A_25 : i32 to index
      %parallel_loop3A_517 = arith.constant 176 : index
      %parallel_loop3A_518 = tpu.vector_load %arg11[%parallel_loop3A_516, %parallel_loop3A_517] {strides = array<i32>} : memref<64x384xf32, #tpu.memory_space<vmem>>, vector<16xf32>,
      %parallel_loop3A_519 = vector.bitcast %parallel_loop3A_518 : vector<16xf32> to vector<16xi32>
      %parallel_loop3A_520 = arith.constant 16 : i32
      %parallel_loop3A_521 = vector.broadcast %parallel_loop3A_520 : i32 to vector<16xi32>
      %parallel_loop3A_522 = arith.shli %parallel_loop3A_519, %parallel_loop3A_521 : vector<16xi32>
      %parallel_loop3A_523 = vector.bitcast %parallel_loop3A_522 : vector<16xi32> to vector<16xf32>
      %parallel_loop3A_524 = arith.andi %parallel_loop3A_519, %broadcast_in_dim3A_13 : vector<16xi32>
      %parallel_loop3A_525 = vector.bitcast %parallel_loop3A_524 : vector<16xi32> to vector<16xf32>
      %parallel_loop3A_526 = arith.index_cast %parallel_loop3A_25 : i32 to index
      %parallel_loop3A_527 = arith.constant 176 : index
      %parallel_loop3A_528 = tpu.vector_load %arg12[%parallel_loop3A_526, %parallel_loop3A_527] {strides = array<i32>} : memref<64x384xf32, #tpu.memory_space<vmem>>, vector<16xf32>,
      %parallel_loop3A_529 = vector.bitcast %parallel_loop3A_528 : vector<16xf32> to vector<16xi32>
      %parallel_loop3A_530 = arith.constant 16 : i32
      %parallel_loop3A_531 = vector.broadcast %parallel_loop3A_530 : i32 to vector<16xi32>
      %parallel_loop3A_532 = arith.shli %parallel_loop3A_529, %parallel_loop3A_531 : vector<16xi32>
      %parallel_loop3A_533 = vector.bitcast %parallel_loop3A_532 : vector<16xi32> to vector<16xf32>
      %parallel_loop3A_534 = arith.andi %parallel_loop3A_529, %broadcast_in_dim3A_13 : vector<16xi32>
      %parallel_loop3A_535 = vector.bitcast %parallel_loop3A_534 : vector<16xi32> to vector<16xf32>
      %parallel_loop3A_536 = arith.index_cast %parallel_loop3A_25 : i32 to index
      %parallel_loop3A_537 = arith.constant 176 : index
      %parallel_loop3A_538 = tpu.vector_load %arg10[%parallel_loop3A_536, %parallel_loop3A_537] {strides = array<i32>} : memref<64x384xf32, #tpu.memory_space<vmem>>, vector<16xf32>,
      %parallel_loop3A_539 = vector.bitcast %parallel_loop3A_538 : vector<16xf32> to vector<16xi32>
      %parallel_loop3A_540 = arith.constant 16 : i32
      %parallel_loop3A_541 = vector.broadcast %parallel_loop3A_540 : i32 to vector<16xi32>
      %parallel_loop3A_542 = arith.shli %parallel_loop3A_539, %parallel_loop3A_541 : vector<16xi32>
      %parallel_loop3A_543 = vector.bitcast %parallel_loop3A_542 : vector<16xi32> to vector<16xf32>
      %parallel_loop3A_544 = arith.andi %parallel_loop3A_539, %broadcast_in_dim3A_13 : vector<16xi32>
      %parallel_loop3A_545 = vector.bitcast %parallel_loop3A_544 : vector<16xi32> to vector<16xf32>
      %parallel_loop3A_546 = arith.mulf %parallel_loop3A_28, %parallel_loop3A_523 : vector<16xf32>
      %parallel_loop3A_547 = arith.addf %parallel_loop3A_543, %parallel_loop3A_546 : vector<16xf32>
      %parallel_loop3A_548 = arith.mulf %parallel_loop3A_31, %parallel_loop3A_533 : vector<16xf32>
      %parallel_loop3A_549 = arith.addf %parallel_loop3A_547, %parallel_loop3A_548 : vector<16xf32>
      %parallel_loop3A_550 = arith.index_cast %parallel_loop3A_23 : i32 to index
      %parallel_loop3A_551 = arith.constant 176 : index
      %parallel_loop3A_552 = tpu.vector_load %arg9[%parallel_loop3A_550, %parallel_loop3A_551] {strides = array<i32>} : memref<32x768xf32, #tpu.memory_space<vmem>>, vector<16xf32>,
      tpu.vector_store %arg9[%parallel_loop3A_550, %parallel_loop3A_551], %parallel_loop3A_549 {strides = array<i32>} : memref<32x768xf32, #tpu.memory_space<vmem>>, vector<16xf32>,
      %parallel_loop3A_553 = arith.mulf %parallel_loop3A_28, %parallel_loop3A_525 : vector<16xf32>
      %parallel_loop3A_554 = arith.addf %parallel_loop3A_545, %parallel_loop3A_553 : vector<16xf32>
      %parallel_loop3A_555 = arith.mulf %parallel_loop3A_31, %parallel_loop3A_535 : vector<16xf32>
      %parallel_loop3A_556 = arith.addf %parallel_loop3A_554, %parallel_loop3A_555 : vector<16xf32>
      %parallel_loop3A_557 = arith.index_cast %parallel_loop3A_23 : i32 to index
      %parallel_loop3A_558 = arith.constant 560 : index
      %parallel_loop3A_559 = tpu.vector_load %arg9[%parallel_loop3A_557, %parallel_loop3A_558] {strides = array<i32>} : memref<32x768xf32, #tpu.memory_space<vmem>>, vector<16xf32>,
      tpu.vector_store %arg9[%parallel_loop3A_557, %parallel_loop3A_558], %parallel_loop3A_556 {strides = array<i32>} : memref<32x768xf32, #tpu.memory_space<vmem>>, vector<16xf32>,
      %parallel_loop3A_560 = arith.index_cast %parallel_loop3A_25 : i32 to index
      %parallel_loop3A_561 = arith.constant 192 : index
      %parallel_loop3A_562 = tpu.vector_load %arg11[%parallel_loop3A_560, %parallel_loop3A_561] {strides = array<i32>} : memref<64x384xf32, #tpu.memory_space<vmem>>, vector<16xf32>,
      %parallel_loop3A_563 = vector.bitcast %parallel_loop3A_562 : vector<16xf32> to vector<16xi32>
      %parallel_loop3A_564 = arith.constant 16 : i32
      %parallel_loop3A_565 = vector.broadcast %parallel_loop3A_564 : i32 to vector<16xi32>
      %parallel_loop3A_566 = arith.shli %parallel_loop3A_563, %parallel_loop3A_565 : vector<16xi32>
      %parallel_loop3A_567 = vector.bitcast %parallel_loop3A_566 : vector<16xi32> to vector<16xf32>
      %parallel_loop3A_568 = arith.andi %parallel_loop3A_563, %broadcast_in_dim3A_13 : vector<16xi32>
      %parallel_loop3A_569 = vector.bitcast %parallel_loop3A_568 : vector<16xi32> to vector<16xf32>
      %parallel_loop3A_570 = arith.index_cast %parallel_loop3A_25 : i32 to index
      %parallel_loop3A_571 = arith.constant 192 : index
      %parallel_loop3A_572 = tpu.vector_load %arg12[%parallel_loop3A_570, %parallel_loop3A_571] {strides = array<i32>} : memref<64x384xf32, #tpu.memory_space<vmem>>, vector<16xf32>,
      %parallel_loop3A_573 = vector.bitcast %parallel_loop3A_572 : vector<16xf32> to vector<16xi32>
      %parallel_loop3A_574 = arith.constant 16 : i32
      %parallel_loop3A_575 = vector.broadcast %parallel_loop3A_574 : i32 to vector<16xi32>
      %parallel_loop3A_576 = arith.shli %parallel_loop3A_573, %parallel_loop3A_575 : vector<16xi32>
      %parallel_loop3A_577 = vector.bitcast %parallel_loop3A_576 : vector<16xi32> to vector<16xf32>
      %parallel_loop3A_578 = arith.andi %parallel_loop3A_573, %broadcast_in_dim3A_13 : vector<16xi32>
      %parallel_loop3A_579 = vector.bitcast %parallel_loop3A_578 : vector<16xi32> to vector<16xf32>
      %parallel_loop3A_580 = arith.index_cast %parallel_loop3A_25 : i32 to index
      %parallel_loop3A_581 = arith.constant 192 : index
      %parallel_loop3A_582 = tpu.vector_load %arg10[%parallel_loop3A_580, %parallel_loop3A_581] {strides = array<i32>} : memref<64x384xf32, #tpu.memory_space<vmem>>, vector<16xf32>,
      %parallel_loop3A_583 = vector.bitcast %parallel_loop3A_582 : vector<16xf32> to vector<16xi32>
      %parallel_loop3A_584 = arith.constant 16 : i32
      %parallel_loop3A_585 = vector.broadcast %parallel_loop3A_584 : i32 to vector<16xi32>
      %parallel_loop3A_586 = arith.shli %parallel_loop3A_583, %parallel_loop3A_585 : vector<16xi32>
      %parallel_loop3A_587 = vector.bitcast %parallel_loop3A_586 : vector<16xi32> to vector<16xf32>
      %parallel_loop3A_588 = arith.andi %parallel_loop3A_583, %broadcast_in_dim3A_13 : vector<16xi32>
      %parallel_loop3A_589 = vector.bitcast %parallel_loop3A_588 : vector<16xi32> to vector<16xf32>
      %parallel_loop3A_590 = arith.mulf %parallel_loop3A_28, %parallel_loop3A_567 : vector<16xf32>
      %parallel_loop3A_591 = arith.addf %parallel_loop3A_587, %parallel_loop3A_590 : vector<16xf32>
      %parallel_loop3A_592 = arith.mulf %parallel_loop3A_31, %parallel_loop3A_577 : vector<16xf32>
      %parallel_loop3A_593 = arith.addf %parallel_loop3A_591, %parallel_loop3A_592 : vector<16xf32>
      %parallel_loop3A_594 = arith.index_cast %parallel_loop3A_23 : i32 to index
      %parallel_loop3A_595 = arith.constant 192 : index
      %parallel_loop3A_596 = tpu.vector_load %arg9[%parallel_loop3A_594, %parallel_loop3A_595] {strides = array<i32>} : memref<32x768xf32, #tpu.memory_space<vmem>>, vector<16xf32>,
      tpu.vector_store %arg9[%parallel_loop3A_594, %parallel_loop3A_595], %parallel_loop3A_593 {strides = array<i32>} : memref<32x768xf32, #tpu.memory_space<vmem>>, vector<16xf32>,
      %parallel_loop3A_597 = arith.mulf %parallel_loop3A_28, %parallel_loop3A_569 : vector<16xf32>
      %parallel_loop3A_598 = arith.addf %parallel_loop3A_589, %parallel_loop3A_597 : vector<16xf32>
      %parallel_loop3A_599 = arith.mulf %parallel_loop3A_31, %parallel_loop3A_579 : vector<16xf32>
      %parallel_loop3A_600 = arith.addf %parallel_loop3A_598, %parallel_loop3A_599 : vector<16xf32>
      %parallel_loop3A_601 = arith.index_cast %parallel_loop3A_23 : i32 to index
      %parallel_loop3A_602 = arith.constant 576 : index
      %parallel_loop3A_603 = tpu.vector_load %arg9[%parallel_loop3A_601, %parallel_loop3A_602] {strides = array<i32>} : memref<32x768xf32, #tpu.memory_space<vmem>>, vector<16xf32>,
      tpu.vector_store %arg9[%parallel_loop3A_601, %parallel_loop3A_602], %parallel_loop3A_600 {strides = array<i32>} : memref<32x768xf32, #tpu.memory_space<vmem>>, vector<16xf32>,
      %parallel_loop3A_604 = arith.index_cast %parallel_loop3A_25 : i32 to index
      %parallel_loop3A_605 = arith.constant 208 : index
      %parallel_loop3A_606 = tpu.vector_load %arg11[%parallel_loop3A_604, %parallel_loop3A_605] {strides = array<i32>} : memref<64x384xf32, #tpu.memory_space<vmem>>, vector<16xf32>,
      %parallel_loop3A_607 = vector.bitcast %parallel_loop3A_606 : vector<16xf32> to vector<16xi32>
      %parallel_loop3A_608 = arith.constant 16 : i32
      %parallel_loop3A_609 = vector.broadcast %parallel_loop3A_608 : i32 to vector<16xi32>
      %parallel_loop3A_610 = arith.shli %parallel_loop3A_607, %parallel_loop3A_609 : vector<16xi32>
      %parallel_loop3A_611 = vector.bitcast %parallel_loop3A_610 : vector<16xi32> to vector<16xf32>
      %parallel_loop3A_612 = arith.andi %parallel_loop3A_607, %broadcast_in_dim3A_13 : vector<16xi32>
      %parallel_loop3A_613 = vector.bitcast %parallel_loop3A_612 : vector<16xi32> to vector<16xf32>
      %parallel_loop3A_614 = arith.index_cast %parallel_loop3A_25 : i32 to index
      %parallel_loop3A_615 = arith.constant 208 : index
      %parallel_loop3A_616 = tpu.vector_load %arg12[%parallel_loop3A_614, %parallel_loop3A_615] {strides = array<i32>} : memref<64x384xf32, #tpu.memory_space<vmem>>, vector<16xf32>,
      %parallel_loop3A_617 = vector.bitcast %parallel_loop3A_616 : vector<16xf32> to vector<16xi32>
      %parallel_loop3A_618 = arith.constant 16 : i32
      %parallel_loop3A_619 = vector.broadcast %parallel_loop3A_618 : i32 to vector<16xi32>
      %parallel_loop3A_620 = arith.shli %parallel_loop3A_617, %parallel_loop3A_619 : vector<16xi32>
      %parallel_loop3A_621 = vector.bitcast %parallel_loop3A_620 : vector<16xi32> to vector<16xf32>
      %parallel_loop3A_622 = arith.andi %parallel_loop3A_617, %broadcast_in_dim3A_13 : vector<16xi32>
      %parallel_loop3A_623 = vector.bitcast %parallel_loop3A_622 : vector<16xi32> to vector<16xf32>
      %parallel_loop3A_624 = arith.index_cast %parallel_loop3A_25 : i32 to index
      %parallel_loop3A_625 = arith.constant 208 : index
      %parallel_loop3A_626 = tpu.vector_load %arg10[%parallel_loop3A_624, %parallel_loop3A_625] {strides = array<i32>} : memref<64x384xf32, #tpu.memory_space<vmem>>, vector<16xf32>,
      %parallel_loop3A_627 = vector.bitcast %parallel_loop3A_626 : vector<16xf32> to vector<16xi32>
      %parallel_loop3A_628 = arith.constant 16 : i32
      %parallel_loop3A_629 = vector.broadcast %parallel_loop3A_628 : i32 to vector<16xi32>
      %parallel_loop3A_630 = arith.shli %parallel_loop3A_627, %parallel_loop3A_629 : vector<16xi32>
      %parallel_loop3A_631 = vector.bitcast %parallel_loop3A_630 : vector<16xi32> to vector<16xf32>
      %parallel_loop3A_632 = arith.andi %parallel_loop3A_627, %broadcast_in_dim3A_13 : vector<16xi32>
      %parallel_loop3A_633 = vector.bitcast %parallel_loop3A_632 : vector<16xi32> to vector<16xf32>
      %parallel_loop3A_634 = arith.mulf %parallel_loop3A_28, %parallel_loop3A_611 : vector<16xf32>
      %parallel_loop3A_635 = arith.addf %parallel_loop3A_631, %parallel_loop3A_634 : vector<16xf32>
      %parallel_loop3A_636 = arith.mulf %parallel_loop3A_31, %parallel_loop3A_621 : vector<16xf32>
      %parallel_loop3A_637 = arith.addf %parallel_loop3A_635, %parallel_loop3A_636 : vector<16xf32>
      %parallel_loop3A_638 = arith.index_cast %parallel_loop3A_23 : i32 to index
      %parallel_loop3A_639 = arith.constant 208 : index
      %parallel_loop3A_640 = tpu.vector_load %arg9[%parallel_loop3A_638, %parallel_loop3A_639] {strides = array<i32>} : memref<32x768xf32, #tpu.memory_space<vmem>>, vector<16xf32>,
      tpu.vector_store %arg9[%parallel_loop3A_638, %parallel_loop3A_639], %parallel_loop3A_637 {strides = array<i32>} : memref<32x768xf32, #tpu.memory_space<vmem>>, vector<16xf32>,
      %parallel_loop3A_641 = arith.mulf %parallel_loop3A_28, %parallel_loop3A_613 : vector<16xf32>
      %parallel_loop3A_642 = arith.addf %parallel_loop3A_633, %parallel_loop3A_641 : vector<16xf32>
      %parallel_loop3A_643 = arith.mulf %parallel_loop3A_31, %parallel_loop3A_623 : vector<16xf32>
      %parallel_loop3A_644 = arith.addf %parallel_loop3A_642, %parallel_loop3A_643 : vector<16xf32>
      %parallel_loop3A_645 = arith.index_cast %parallel_loop3A_23 : i32 to index
      %parallel_loop3A_646 = arith.constant 592 : index
      %parallel_loop3A_647 = tpu.vector_load %arg9[%parallel_loop3A_645, %parallel_loop3A_646] {strides = array<i32>} : memref<32x768xf32, #tpu.memory_space<vmem>>, vector<16xf32>,
      tpu.vector_store %arg9[%parallel_loop3A_645, %parallel_loop3A_646], %parallel_loop3A_644 {strides = array<i32>} : memref<32x768xf32, #tpu.memory_space<vmem>>, vector<16xf32>,
      %parallel_loop3A_648 = arith.index_cast %parallel_loop3A_25 : i32 to index
      %parallel_loop3A_649 = arith.constant 224 : index
      %parallel_loop3A_650 = tpu.vector_load %arg11[%parallel_loop3A_648, %parallel_loop3A_649] {strides = array<i32>} : memref<64x384xf32, #tpu.memory_space<vmem>>, vector<16xf32>,
      %parallel_loop3A_651 = vector.bitcast %parallel_loop3A_650 : vector<16xf32> to vector<16xi32>
      %parallel_loop3A_652 = arith.constant 16 : i32
      %parallel_loop3A_653 = vector.broadcast %parallel_loop3A_652 : i32 to vector<16xi32>
      %parallel_loop3A_654 = arith.shli %parallel_loop3A_651, %parallel_loop3A_653 : vector<16xi32>
      %parallel_loop3A_655 = vector.bitcast %parallel_loop3A_654 : vector<16xi32> to vector<16xf32>
      %parallel_loop3A_656 = arith.andi %parallel_loop3A_651, %broadcast_in_dim3A_13 : vector<16xi32>
      %parallel_loop3A_657 = vector.bitcast %parallel_loop3A_656 : vector<16xi32> to vector<16xf32>
      %parallel_loop3A_658 = arith.index_cast %parallel_loop3A_25 : i32 to index
      %parallel_loop3A_659 = arith.constant 224 : index
      %parallel_loop3A_660 = tpu.vector_load %arg12[%parallel_loop3A_658, %parallel_loop3A_659] {strides = array<i32>} : memref<64x384xf32, #tpu.memory_space<vmem>>, vector<16xf32>,
      %parallel_loop3A_661 = vector.bitcast %parallel_loop3A_660 : vector<16xf32> to vector<16xi32>
      %parallel_loop3A_662 = arith.constant 16 : i32
      %parallel_loop3A_663 = vector.broadcast %parallel_loop3A_662 : i32 to vector<16xi32>
      %parallel_loop3A_664 = arith.shli %parallel_loop3A_661, %parallel_loop3A_663 : vector<16xi32>
      %parallel_loop3A_665 = vector.bitcast %parallel_loop3A_664 : vector<16xi32> to vector<16xf32>
      %parallel_loop3A_666 = arith.andi %parallel_loop3A_661, %broadcast_in_dim3A_13 : vector<16xi32>
      %parallel_loop3A_667 = vector.bitcast %parallel_loop3A_666 : vector<16xi32> to vector<16xf32>
      %parallel_loop3A_668 = arith.index_cast %parallel_loop3A_25 : i32 to index
      %parallel_loop3A_669 = arith.constant 224 : index
      %parallel_loop3A_670 = tpu.vector_load %arg10[%parallel_loop3A_668, %parallel_loop3A_669] {strides = array<i32>} : memref<64x384xf32, #tpu.memory_space<vmem>>, vector<16xf32>,
      %parallel_loop3A_671 = vector.bitcast %parallel_loop3A_670 : vector<16xf32> to vector<16xi32>
      %parallel_loop3A_672 = arith.constant 16 : i32
      %parallel_loop3A_673 = vector.broadcast %parallel_loop3A_672 : i32 to vector<16xi32>
      %parallel_loop3A_674 = arith.shli %parallel_loop3A_671, %parallel_loop3A_673 : vector<16xi32>
      %parallel_loop3A_675 = vector.bitcast %parallel_loop3A_674 : vector<16xi32> to vector<16xf32>
      %parallel_loop3A_676 = arith.andi %parallel_loop3A_671, %broadcast_in_dim3A_13 : vector<16xi32>
      %parallel_loop3A_677 = vector.bitcast %parallel_loop3A_676 : vector<16xi32> to vector<16xf32>
      %parallel_loop3A_678 = arith.mulf %parallel_loop3A_28, %parallel_loop3A_655 : vector<16xf32>
      %parallel_loop3A_679 = arith.addf %parallel_loop3A_675, %parallel_loop3A_678 : vector<16xf32>
      %parallel_loop3A_680 = arith.mulf %parallel_loop3A_31, %parallel_loop3A_665 : vector<16xf32>
      %parallel_loop3A_681 = arith.addf %parallel_loop3A_679, %parallel_loop3A_680 : vector<16xf32>
      %parallel_loop3A_682 = arith.index_cast %parallel_loop3A_23 : i32 to index
      %parallel_loop3A_683 = arith.constant 224 : index
      %parallel_loop3A_684 = tpu.vector_load %arg9[%parallel_loop3A_682, %parallel_loop3A_683] {strides = array<i32>} : memref<32x768xf32, #tpu.memory_space<vmem>>, vector<16xf32>,
      tpu.vector_store %arg9[%parallel_loop3A_682, %parallel_loop3A_683], %parallel_loop3A_681 {strides = array<i32>} : memref<32x768xf32, #tpu.memory_space<vmem>>, vector<16xf32>,
      %parallel_loop3A_685 = arith.mulf %parallel_loop3A_28, %parallel_loop3A_657 : vector<16xf32>
      %parallel_loop3A_686 = arith.addf %parallel_loop3A_677, %parallel_loop3A_685 : vector<16xf32>
      %parallel_loop3A_687 = arith.mulf %parallel_loop3A_31, %parallel_loop3A_667 : vector<16xf32>
      %parallel_loop3A_688 = arith.addf %parallel_loop3A_686, %parallel_loop3A_687 : vector<16xf32>
      %parallel_loop3A_689 = arith.index_cast %parallel_loop3A_23 : i32 to index
      %parallel_loop3A_690 = arith.constant 608 : index
      %parallel_loop3A_691 = tpu.vector_load %arg9[%parallel_loop3A_689, %parallel_loop3A_690] {strides = array<i32>} : memref<32x768xf32, #tpu.memory_space<vmem>>, vector<16xf32>,
      tpu.vector_store %arg9[%parallel_loop3A_689, %parallel_loop3A_690], %parallel_loop3A_688 {strides = array<i32>} : memref<32x768xf32, #tpu.memory_space<vmem>>, vector<16xf32>,
      %parallel_loop3A_692 = arith.index_cast %parallel_loop3A_25 : i32 to index
      %parallel_loop3A_693 = arith.constant 240 : index
      %parallel_loop3A_694 = tpu.vector_load %arg11[%parallel_loop3A_692, %parallel_loop3A_693] {strides = array<i32>} : memref<64x384xf32, #tpu.memory_space<vmem>>, vector<16xf32>,
      %parallel_loop3A_695 = vector.bitcast %parallel_loop3A_694 : vector<16xf32> to vector<16xi32>
      %parallel_loop3A_696 = arith.constant 16 : i32
      %parallel_loop3A_697 = vector.broadcast %parallel_loop3A_696 : i32 to vector<16xi32>
      %parallel_loop3A_698 = arith.shli %parallel_loop3A_695, %parallel_loop3A_697 : vector<16xi32>
      %parallel_loop3A_699 = vector.bitcast %parallel_loop3A_698 : vector<16xi32> to vector<16xf32>
      %parallel_loop3A_700 = arith.andi %parallel_loop3A_695, %broadcast_in_dim3A_13 : vector<16xi32>
      %parallel_loop3A_701 = vector.bitcast %parallel_loop3A_700 : vector<16xi32> to vector<16xf32>
      %parallel_loop3A_702 = arith.index_cast %parallel_loop3A_25 : i32 to index
      %parallel_loop3A_703 = arith.constant 240 : index
      %parallel_loop3A_704 = tpu.vector_load %arg12[%parallel_loop3A_702, %parallel_loop3A_703] {strides = array<i32>} : memref<64x384xf32, #tpu.memory_space<vmem>>, vector<16xf32>,
      %parallel_loop3A_705 = vector.bitcast %parallel_loop3A_704 : vector<16xf32> to vector<16xi32>
      %parallel_loop3A_706 = arith.constant 16 : i32
      %parallel_loop3A_707 = vector.broadcast %parallel_loop3A_706 : i32 to vector<16xi32>
      %parallel_loop3A_708 = arith.shli %parallel_loop3A_705, %parallel_loop3A_707 : vector<16xi32>
      %parallel_loop3A_709 = vector.bitcast %parallel_loop3A_708 : vector<16xi32> to vector<16xf32>
      %parallel_loop3A_710 = arith.andi %parallel_loop3A_705, %broadcast_in_dim3A_13 : vector<16xi32>
      %parallel_loop3A_711 = vector.bitcast %parallel_loop3A_710 : vector<16xi32> to vector<16xf32>
      %parallel_loop3A_712 = arith.index_cast %parallel_loop3A_25 : i32 to index
      %parallel_loop3A_713 = arith.constant 240 : index
      %parallel_loop3A_714 = tpu.vector_load %arg10[%parallel_loop3A_712, %parallel_loop3A_713] {strides = array<i32>} : memref<64x384xf32, #tpu.memory_space<vmem>>, vector<16xf32>,
      %parallel_loop3A_715 = vector.bitcast %parallel_loop3A_714 : vector<16xf32> to vector<16xi32>
      %parallel_loop3A_716 = arith.constant 16 : i32
      %parallel_loop3A_717 = vector.broadcast %parallel_loop3A_716 : i32 to vector<16xi32>
      %parallel_loop3A_718 = arith.shli %parallel_loop3A_715, %parallel_loop3A_717 : vector<16xi32>
      %parallel_loop3A_719 = vector.bitcast %parallel_loop3A_718 : vector<16xi32> to vector<16xf32>
      %parallel_loop3A_720 = arith.andi %parallel_loop3A_715, %broadcast_in_dim3A_13 : vector<16xi32>
      %parallel_loop3A_721 = vector.bitcast %parallel_loop3A_720 : vector<16xi32> to vector<16xf32>
      %parallel_loop3A_722 = arith.mulf %parallel_loop3A_28, %parallel_loop3A_699 : vector<16xf32>
      %parallel_loop3A_723 = arith.addf %parallel_loop3A_719, %parallel_loop3A_722 : vector<16xf32>
      %parallel_loop3A_724 = arith.mulf %parallel_loop3A_31, %parallel_loop3A_709 : vector<16xf32>
      %parallel_loop3A_725 = arith.addf %parallel_loop3A_723, %parallel_loop3A_724 : vector<16xf32>
      %parallel_loop3A_726 = arith.index_cast %parallel_loop3A_23 : i32 to index
      %parallel_loop3A_727 = arith.constant 240 : index
      %parallel_loop3A_728 = tpu.vector_load %arg9[%parallel_loop3A_726, %parallel_loop3A_727] {strides = array<i32>} : memref<32x768xf32, #tpu.memory_space<vmem>>, vector<16xf32>,
      tpu.vector_store %arg9[%parallel_loop3A_726, %parallel_loop3A_727], %parallel_loop3A_725 {strides = array<i32>} : memref<32x768xf32, #tpu.memory_space<vmem>>, vector<16xf32>,
      %parallel_loop3A_729 = arith.mulf %parallel_loop3A_28, %parallel_loop3A_701 : vector<16xf32>
      %parallel_loop3A_730 = arith.addf %parallel_loop3A_721, %parallel_loop3A_729 : vector<16xf32>
      %parallel_loop3A_731 = arith.mulf %parallel_loop3A_31, %parallel_loop3A_711 : vector<16xf32>
      %parallel_loop3A_732 = arith.addf %parallel_loop3A_730, %parallel_loop3A_731 : vector<16xf32>
      %parallel_loop3A_733 = arith.index_cast %parallel_loop3A_23 : i32 to index
      %parallel_loop3A_734 = arith.constant 624 : index
      %parallel_loop3A_735 = tpu.vector_load %arg9[%parallel_loop3A_733, %parallel_loop3A_734] {strides = array<i32>} : memref<32x768xf32, #tpu.memory_space<vmem>>, vector<16xf32>,
      tpu.vector_store %arg9[%parallel_loop3A_733, %parallel_loop3A_734], %parallel_loop3A_732 {strides = array<i32>} : memref<32x768xf32, #tpu.memory_space<vmem>>, vector<16xf32>,
      %parallel_loop3A_736 = arith.index_cast %parallel_loop3A_25 : i32 to index
      %parallel_loop3A_737 = arith.constant 256 : index
      %parallel_loop3A_738 = tpu.vector_load %arg11[%parallel_loop3A_736, %parallel_loop3A_737] {strides = array<i32>} : memref<64x384xf32, #tpu.memory_space<vmem>>, vector<16xf32>,
      %parallel_loop3A_739 = vector.bitcast %parallel_loop3A_738 : vector<16xf32> to vector<16xi32>
      %parallel_loop3A_740 = arith.constant 16 : i32
      %parallel_loop3A_741 = vector.broadcast %parallel_loop3A_740 : i32 to vector<16xi32>
      %parallel_loop3A_742 = arith.shli %parallel_loop3A_739, %parallel_loop3A_741 : vector<16xi32>
      %parallel_loop3A_743 = vector.bitcast %parallel_loop3A_742 : vector<16xi32> to vector<16xf32>
      %parallel_loop3A_744 = arith.andi %parallel_loop3A_739, %broadcast_in_dim3A_13 : vector<16xi32>
      %parallel_loop3A_745 = vector.bitcast %parallel_loop3A_744 : vector<16xi32> to vector<16xf32>
      %parallel_loop3A_746 = arith.index_cast %parallel_loop3A_25 : i32 to index
      %parallel_loop3A_747 = arith.constant 256 : index
      %parallel_loop3A_748 = tpu.vector_load %arg12[%parallel_loop3A_746, %parallel_loop3A_747] {strides = array<i32>} : memref<64x384xf32, #tpu.memory_space<vmem>>, vector<16xf32>,
      %parallel_loop3A_749 = vector.bitcast %parallel_loop3A_748 : vector<16xf32> to vector<16xi32>
      %parallel_loop3A_750 = arith.constant 16 : i32
      %parallel_loop3A_751 = vector.broadcast %parallel_loop3A_750 : i32 to vector<16xi32>
      %parallel_loop3A_752 = arith.shli %parallel_loop3A_749, %parallel_loop3A_751 : vector<16xi32>
      %parallel_loop3A_753 = vector.bitcast %parallel_loop3A_752 : vector<16xi32> to vector<16xf32>
      %parallel_loop3A_754 = arith.andi %parallel_loop3A_749, %broadcast_in_dim3A_13 : vector<16xi32>
      %parallel_loop3A_755 = vector.bitcast %parallel_loop3A_754 : vector<16xi32> to vector<16xf32>
      %parallel_loop3A_756 = arith.index_cast %parallel_loop3A_25 : i32 to index
      %parallel_loop3A_757 = arith.constant 256 : index
      %parallel_loop3A_758 = tpu.vector_load %arg10[%parallel_loop3A_756, %parallel_loop3A_757] {strides = array<i32>} : memref<64x384xf32, #tpu.memory_space<vmem>>, vector<16xf32>,
      %parallel_loop3A_759 = vector.bitcast %parallel_loop3A_758 : vector<16xf32> to vector<16xi32>
      %parallel_loop3A_760 = arith.constant 16 : i32
      %parallel_loop3A_761 = vector.broadcast %parallel_loop3A_760 : i32 to vector<16xi32>
      %parallel_loop3A_762 = arith.shli %parallel_loop3A_759, %parallel_loop3A_761 : vector<16xi32>
      %parallel_loop3A_763 = vector.bitcast %parallel_loop3A_762 : vector<16xi32> to vector<16xf32>
      %parallel_loop3A_764 = arith.andi %parallel_loop3A_759, %broadcast_in_dim3A_13 : vector<16xi32>
      %parallel_loop3A_765 = vector.bitcast %parallel_loop3A_764 : vector<16xi32> to vector<16xf32>
      %parallel_loop3A_766 = arith.mulf %parallel_loop3A_28, %parallel_loop3A_743 : vector<16xf32>
      %parallel_loop3A_767 = arith.addf %parallel_loop3A_763, %parallel_loop3A_766 : vector<16xf32>
      %parallel_loop3A_768 = arith.mulf %parallel_loop3A_31, %parallel_loop3A_753 : vector<16xf32>
      %parallel_loop3A_769 = arith.addf %parallel_loop3A_767, %parallel_loop3A_768 : vector<16xf32>
      %parallel_loop3A_770 = arith.index_cast %parallel_loop3A_23 : i32 to index
      %parallel_loop3A_771 = arith.constant 256 : index
      %parallel_loop3A_772 = tpu.vector_load %arg9[%parallel_loop3A_770, %parallel_loop3A_771] {strides = array<i32>} : memref<32x768xf32, #tpu.memory_space<vmem>>, vector<16xf32>,
      tpu.vector_store %arg9[%parallel_loop3A_770, %parallel_loop3A_771], %parallel_loop3A_769 {strides = array<i32>} : memref<32x768xf32, #tpu.memory_space<vmem>>, vector<16xf32>,
      %parallel_loop3A_773 = arith.mulf %parallel_loop3A_28, %parallel_loop3A_745 : vector<16xf32>
      %parallel_loop3A_774 = arith.addf %parallel_loop3A_765, %parallel_loop3A_773 : vector<16xf32>
      %parallel_loop3A_775 = arith.mulf %parallel_loop3A_31, %parallel_loop3A_755 : vector<16xf32>
      %parallel_loop3A_776 = arith.addf %parallel_loop3A_774, %parallel_loop3A_775 : vector<16xf32>
      %parallel_loop3A_777 = arith.index_cast %parallel_loop3A_23 : i32 to index
      %parallel_loop3A_778 = arith.constant 640 : index
      %parallel_loop3A_779 = tpu.vector_load %arg9[%parallel_loop3A_777, %parallel_loop3A_778] {strides = array<i32>} : memref<32x768xf32, #tpu.memory_space<vmem>>, vector<16xf32>,
      tpu.vector_store %arg9[%parallel_loop3A_777, %parallel_loop3A_778], %parallel_loop3A_776 {strides = array<i32>} : memref<32x768xf32, #tpu.memory_space<vmem>>, vector<16xf32>,
      %parallel_loop3A_780 = arith.index_cast %parallel_loop3A_25 : i32 to index
      %parallel_loop3A_781 = arith.constant 272 : index
      %parallel_loop3A_782 = tpu.vector_load %arg11[%parallel_loop3A_780, %parallel_loop3A_781] {strides = array<i32>} : memref<64x384xf32, #tpu.memory_space<vmem>>, vector<16xf32>,
      %parallel_loop3A_783 = vector.bitcast %parallel_loop3A_782 : vector<16xf32> to vector<16xi32>
      %parallel_loop3A_784 = arith.constant 16 : i32
      %parallel_loop3A_785 = vector.broadcast %parallel_loop3A_784 : i32 to vector<16xi32>
      %parallel_loop3A_786 = arith.shli %parallel_loop3A_783, %parallel_loop3A_785 : vector<16xi32>
      %parallel_loop3A_787 = vector.bitcast %parallel_loop3A_786 : vector<16xi32> to vector<16xf32>
      %parallel_loop3A_788 = arith.andi %parallel_loop3A_783, %broadcast_in_dim3A_13 : vector<16xi32>
      %parallel_loop3A_789 = vector.bitcast %parallel_loop3A_788 : vector<16xi32> to vector<16xf32>
      %parallel_loop3A_790 = arith.index_cast %parallel_loop3A_25 : i32 to index
      %parallel_loop3A_791 = arith.constant 272 : index
      %parallel_loop3A_792 = tpu.vector_load %arg12[%parallel_loop3A_790, %parallel_loop3A_791] {strides = array<i32>} : memref<64x384xf32, #tpu.memory_space<vmem>>, vector<16xf32>,
      %parallel_loop3A_793 = vector.bitcast %parallel_loop3A_792 : vector<16xf32> to vector<16xi32>
      %parallel_loop3A_794 = arith.constant 16 : i32
      %parallel_loop3A_795 = vector.broadcast %parallel_loop3A_794 : i32 to vector<16xi32>
      %parallel_loop3A_796 = arith.shli %parallel_loop3A_793, %parallel_loop3A_795 : vector<16xi32>
      %parallel_loop3A_797 = vector.bitcast %parallel_loop3A_796 : vector<16xi32> to vector<16xf32>
      %parallel_loop3A_798 = arith.andi %parallel_loop3A_793, %broadcast_in_dim3A_13 : vector<16xi32>
      %parallel_loop3A_799 = vector.bitcast %parallel_loop3A_798 : vector<16xi32> to vector<16xf32>
      %parallel_loop3A_800 = arith.index_cast %parallel_loop3A_25 : i32 to index
      %parallel_loop3A_801 = arith.constant 272 : index
      %parallel_loop3A_802 = tpu.vector_load %arg10[%parallel_loop3A_800, %parallel_loop3A_801] {strides = array<i32>} : memref<64x384xf32, #tpu.memory_space<vmem>>, vector<16xf32>,
      %parallel_loop3A_803 = vector.bitcast %parallel_loop3A_802 : vector<16xf32> to vector<16xi32>
      %parallel_loop3A_804 = arith.constant 16 : i32
      %parallel_loop3A_805 = vector.broadcast %parallel_loop3A_804 : i32 to vector<16xi32>
      %parallel_loop3A_806 = arith.shli %parallel_loop3A_803, %parallel_loop3A_805 : vector<16xi32>
      %parallel_loop3A_807 = vector.bitcast %parallel_loop3A_806 : vector<16xi32> to vector<16xf32>
      %parallel_loop3A_808 = arith.andi %parallel_loop3A_803, %broadcast_in_dim3A_13 : vector<16xi32>
      %parallel_loop3A_809 = vector.bitcast %parallel_loop3A_808 : vector<16xi32> to vector<16xf32>
      %parallel_loop3A_810 = arith.mulf %parallel_loop3A_28, %parallel_loop3A_787 : vector<16xf32>
      %parallel_loop3A_811 = arith.addf %parallel_loop3A_807, %parallel_loop3A_810 : vector<16xf32>
      %parallel_loop3A_812 = arith.mulf %parallel_loop3A_31, %parallel_loop3A_797 : vector<16xf32>
      %parallel_loop3A_813 = arith.addf %parallel_loop3A_811, %parallel_loop3A_812 : vector<16xf32>
      %parallel_loop3A_814 = arith.index_cast %parallel_loop3A_23 : i32 to index
      %parallel_loop3A_815 = arith.constant 272 : index
      %parallel_loop3A_816 = tpu.vector_load %arg9[%parallel_loop3A_814, %parallel_loop3A_815] {strides = array<i32>} : memref<32x768xf32, #tpu.memory_space<vmem>>, vector<16xf32>,
      tpu.vector_store %arg9[%parallel_loop3A_814, %parallel_loop3A_815], %parallel_loop3A_813 {strides = array<i32>} : memref<32x768xf32, #tpu.memory_space<vmem>>, vector<16xf32>,
      %parallel_loop3A_817 = arith.mulf %parallel_loop3A_28, %parallel_loop3A_789 : vector<16xf32>
      %parallel_loop3A_818 = arith.addf %parallel_loop3A_809, %parallel_loop3A_817 : vector<16xf32>
      %parallel_loop3A_819 = arith.mulf %parallel_loop3A_31, %parallel_loop3A_799 : vector<16xf32>
      %parallel_loop3A_820 = arith.addf %parallel_loop3A_818, %parallel_loop3A_819 : vector<16xf32>
      %parallel_loop3A_821 = arith.index_cast %parallel_loop3A_23 : i32 to index
      %parallel_loop3A_822 = arith.constant 656 : index
      %parallel_loop3A_823 = tpu.vector_load %arg9[%parallel_loop3A_821, %parallel_loop3A_822] {strides = array<i32>} : memref<32x768xf32, #tpu.memory_space<vmem>>, vector<16xf32>,
      tpu.vector_store %arg9[%parallel_loop3A_821, %parallel_loop3A_822], %parallel_loop3A_820 {strides = array<i32>} : memref<32x768xf32, #tpu.memory_space<vmem>>, vector<16xf32>,
      %parallel_loop3A_824 = arith.index_cast %parallel_loop3A_25 : i32 to index
      %parallel_loop3A_825 = arith.constant 288 : index
      %parallel_loop3A_826 = tpu.vector_load %arg11[%parallel_loop3A_824, %parallel_loop3A_825] {strides = array<i32>} : memref<64x384xf32, #tpu.memory_space<vmem>>, vector<16xf32>,
      %parallel_loop3A_827 = vector.bitcast %parallel_loop3A_826 : vector<16xf32> to vector<16xi32>
      %parallel_loop3A_828 = arith.constant 16 : i32
      %parallel_loop3A_829 = vector.broadcast %parallel_loop3A_828 : i32 to vector<16xi32>
      %parallel_loop3A_830 = arith.shli %parallel_loop3A_827, %parallel_loop3A_829 : vector<16xi32>
      %parallel_loop3A_831 = vector.bitcast %parallel_loop3A_830 : vector<16xi32> to vector<16xf32>
      %parallel_loop3A_832 = arith.andi %parallel_loop3A_827, %broadcast_in_dim3A_13 : vector<16xi32>
      %parallel_loop3A_833 = vector.bitcast %parallel_loop3A_832 : vector<16xi32> to vector<16xf32>
      %parallel_loop3A_834 = arith.index_cast %parallel_loop3A_25 : i32 to index
      %parallel_loop3A_835 = arith.constant 288 : index
      %parallel_loop3A_836 = tpu.vector_load %arg12[%parallel_loop3A_834, %parallel_loop3A_835] {strides = array<i32>} : memref<64x384xf32, #tpu.memory_space<vmem>>, vector<16xf32>,
      %parallel_loop3A_837 = vector.bitcast %parallel_loop3A_836 : vector<16xf32> to vector<16xi32>
      %parallel_loop3A_838 = arith.constant 16 : i32
      %parallel_loop3A_839 = vector.broadcast %parallel_loop3A_838 : i32 to vector<16xi32>
      %parallel_loop3A_840 = arith.shli %parallel_loop3A_837, %parallel_loop3A_839 : vector<16xi32>
      %parallel_loop3A_841 = vector.bitcast %parallel_loop3A_840 : vector<16xi32> to vector<16xf32>
      %parallel_loop3A_842 = arith.andi %parallel_loop3A_837, %broadcast_in_dim3A_13 : vector<16xi32>
      %parallel_loop3A_843 = vector.bitcast %parallel_loop3A_842 : vector<16xi32> to vector<16xf32>
      %parallel_loop3A_844 = arith.index_cast %parallel_loop3A_25 : i32 to index
      %parallel_loop3A_845 = arith.constant 288 : index
      %parallel_loop3A_846 = tpu.vector_load %arg10[%parallel_loop3A_844, %parallel_loop3A_845] {strides = array<i32>} : memref<64x384xf32, #tpu.memory_space<vmem>>, vector<16xf32>,
      %parallel_loop3A_847 = vector.bitcast %parallel_loop3A_846 : vector<16xf32> to vector<16xi32>
      %parallel_loop3A_848 = arith.constant 16 : i32
      %parallel_loop3A_849 = vector.broadcast %parallel_loop3A_848 : i32 to vector<16xi32>
      %parallel_loop3A_850 = arith.shli %parallel_loop3A_847, %parallel_loop3A_849 : vector<16xi32>
      %parallel_loop3A_851 = vector.bitcast %parallel_loop3A_850 : vector<16xi32> to vector<16xf32>
      %parallel_loop3A_852 = arith.andi %parallel_loop3A_847, %broadcast_in_dim3A_13 : vector<16xi32>
      %parallel_loop3A_853 = vector.bitcast %parallel_loop3A_852 : vector<16xi32> to vector<16xf32>
      %parallel_loop3A_854 = arith.mulf %parallel_loop3A_28, %parallel_loop3A_831 : vector<16xf32>
      %parallel_loop3A_855 = arith.addf %parallel_loop3A_851, %parallel_loop3A_854 : vector<16xf32>
      %parallel_loop3A_856 = arith.mulf %parallel_loop3A_31, %parallel_loop3A_841 : vector<16xf32>
      %parallel_loop3A_857 = arith.addf %parallel_loop3A_855, %parallel_loop3A_856 : vector<16xf32>
      %parallel_loop3A_858 = arith.index_cast %parallel_loop3A_23 : i32 to index
      %parallel_loop3A_859 = arith.constant 288 : index
      %parallel_loop3A_860 = tpu.vector_load %arg9[%parallel_loop3A_858, %parallel_loop3A_859] {strides = array<i32>} : memref<32x768xf32, #tpu.memory_space<vmem>>, vector<16xf32>,
      tpu.vector_store %arg9[%parallel_loop3A_858, %parallel_loop3A_859], %parallel_loop3A_857 {strides = array<i32>} : memref<32x768xf32, #tpu.memory_space<vmem>>, vector<16xf32>,
      %parallel_loop3A_861 = arith.mulf %parallel_loop3A_28, %parallel_loop3A_833 : vector<16xf32>
      %parallel_loop3A_862 = arith.addf %parallel_loop3A_853, %parallel_loop3A_861 : vector<16xf32>
      %parallel_loop3A_863 = arith.mulf %parallel_loop3A_31, %parallel_loop3A_843 : vector<16xf32>
      %parallel_loop3A_864 = arith.addf %parallel_loop3A_862, %parallel_loop3A_863 : vector<16xf32>
      %parallel_loop3A_865 = arith.index_cast %parallel_loop3A_23 : i32 to index
      %parallel_loop3A_866 = arith.constant 672 : index
      %parallel_loop3A_867 = tpu.vector_load %arg9[%parallel_loop3A_865, %parallel_loop3A_866] {strides = array<i32>} : memref<32x768xf32, #tpu.memory_space<vmem>>, vector<16xf32>,
      tpu.vector_store %arg9[%parallel_loop3A_865, %parallel_loop3A_866], %parallel_loop3A_864 {strides = array<i32>} : memref<32x768xf32, #tpu.memory_space<vmem>>, vector<16xf32>,
      %parallel_loop3A_868 = arith.index_cast %parallel_loop3A_25 : i32 to index
      %parallel_loop3A_869 = arith.constant 304 : index
      %parallel_loop3A_870 = tpu.vector_load %arg11[%parallel_loop3A_868, %parallel_loop3A_869] {strides = array<i32>} : memref<64x384xf32, #tpu.memory_space<vmem>>, vector<16xf32>,
      %parallel_loop3A_871 = vector.bitcast %parallel_loop3A_870 : vector<16xf32> to vector<16xi32>
      %parallel_loop3A_872 = arith.constant 16 : i32
      %parallel_loop3A_873 = vector.broadcast %parallel_loop3A_872 : i32 to vector<16xi32>
      %parallel_loop3A_874 = arith.shli %parallel_loop3A_871, %parallel_loop3A_873 : vector<16xi32>
      %parallel_loop3A_875 = vector.bitcast %parallel_loop3A_874 : vector<16xi32> to vector<16xf32>
      %parallel_loop3A_876 = arith.andi %parallel_loop3A_871, %broadcast_in_dim3A_13 : vector<16xi32>
      %parallel_loop3A_877 = vector.bitcast %parallel_loop3A_876 : vector<16xi32> to vector<16xf32>
      %parallel_loop3A_878 = arith.index_cast %parallel_loop3A_25 : i32 to index
      %parallel_loop3A_879 = arith.constant 304 : index
      %parallel_loop3A_880 = tpu.vector_load %arg12[%parallel_loop3A_878, %parallel_loop3A_879] {strides = array<i32>} : memref<64x384xf32, #tpu.memory_space<vmem>>, vector<16xf32>,
      %parallel_loop3A_881 = vector.bitcast %parallel_loop3A_880 : vector<16xf32> to vector<16xi32>
      %parallel_loop3A_882 = arith.constant 16 : i32
      %parallel_loop3A_883 = vector.broadcast %parallel_loop3A_882 : i32 to vector<16xi32>
      %parallel_loop3A_884 = arith.shli %parallel_loop3A_881, %parallel_loop3A_883 : vector<16xi32>
      %parallel_loop3A_885 = vector.bitcast %parallel_loop3A_884 : vector<16xi32> to vector<16xf32>
      %parallel_loop3A_886 = arith.andi %parallel_loop3A_881, %broadcast_in_dim3A_13 : vector<16xi32>
      %parallel_loop3A_887 = vector.bitcast %parallel_loop3A_886 : vector<16xi32> to vector<16xf32>
      %parallel_loop3A_888 = arith.index_cast %parallel_loop3A_25 : i32 to index
      %parallel_loop3A_889 = arith.constant 304 : index
      %parallel_loop3A_890 = tpu.vector_load %arg10[%parallel_loop3A_888, %parallel_loop3A_889] {strides = array<i32>} : memref<64x384xf32, #tpu.memory_space<vmem>>, vector<16xf32>,
      %parallel_loop3A_891 = vector.bitcast %parallel_loop3A_890 : vector<16xf32> to vector<16xi32>
      %parallel_loop3A_892 = arith.constant 16 : i32
      %parallel_loop3A_893 = vector.broadcast %parallel_loop3A_892 : i32 to vector<16xi32>
      %parallel_loop3A_894 = arith.shli %parallel_loop3A_891, %parallel_loop3A_893 : vector<16xi32>
      %parallel_loop3A_895 = vector.bitcast %parallel_loop3A_894 : vector<16xi32> to vector<16xf32>
      %parallel_loop3A_896 = arith.andi %parallel_loop3A_891, %broadcast_in_dim3A_13 : vector<16xi32>
      %parallel_loop3A_897 = vector.bitcast %parallel_loop3A_896 : vector<16xi32> to vector<16xf32>
      %parallel_loop3A_898 = arith.mulf %parallel_loop3A_28, %parallel_loop3A_875 : vector<16xf32>
      %parallel_loop3A_899 = arith.addf %parallel_loop3A_895, %parallel_loop3A_898 : vector<16xf32>
      %parallel_loop3A_900 = arith.mulf %parallel_loop3A_31, %parallel_loop3A_885 : vector<16xf32>
      %parallel_loop3A_901 = arith.addf %parallel_loop3A_899, %parallel_loop3A_900 : vector<16xf32>
      %parallel_loop3A_902 = arith.index_cast %parallel_loop3A_23 : i32 to index
      %parallel_loop3A_903 = arith.constant 304 : index
      %parallel_loop3A_904 = tpu.vector_load %arg9[%parallel_loop3A_902, %parallel_loop3A_903] {strides = array<i32>} : memref<32x768xf32, #tpu.memory_space<vmem>>, vector<16xf32>,
      tpu.vector_store %arg9[%parallel_loop3A_902, %parallel_loop3A_903], %parallel_loop3A_901 {strides = array<i32>} : memref<32x768xf32, #tpu.memory_space<vmem>>, vector<16xf32>,
      %parallel_loop3A_905 = arith.mulf %parallel_loop3A_28, %parallel_loop3A_877 : vector<16xf32>
      %parallel_loop3A_906 = arith.addf %parallel_loop3A_897, %parallel_loop3A_905 : vector<16xf32>
      %parallel_loop3A_907 = arith.mulf %parallel_loop3A_31, %parallel_loop3A_887 : vector<16xf32>
      %parallel_loop3A_908 = arith.addf %parallel_loop3A_906, %parallel_loop3A_907 : vector<16xf32>
      %parallel_loop3A_909 = arith.index_cast %parallel_loop3A_23 : i32 to index
      %parallel_loop3A_910 = arith.constant 688 : index
      %parallel_loop3A_911 = tpu.vector_load %arg9[%parallel_loop3A_909, %parallel_loop3A_910] {strides = array<i32>} : memref<32x768xf32, #tpu.memory_space<vmem>>, vector<16xf32>,
      tpu.vector_store %arg9[%parallel_loop3A_909, %parallel_loop3A_910], %parallel_loop3A_908 {strides = array<i32>} : memref<32x768xf32, #tpu.memory_space<vmem>>, vector<16xf32>,
      %parallel_loop3A_912 = arith.index_cast %parallel_loop3A_25 : i32 to index
      %parallel_loop3A_913 = arith.constant 320 : index
      %parallel_loop3A_914 = tpu.vector_load %arg11[%parallel_loop3A_912, %parallel_loop3A_913] {strides = array<i32>} : memref<64x384xf32, #tpu.memory_space<vmem>>, vector<16xf32>,
      %parallel_loop3A_915 = vector.bitcast %parallel_loop3A_914 : vector<16xf32> to vector<16xi32>
      %parallel_loop3A_916 = arith.constant 16 : i32
      %parallel_loop3A_917 = vector.broadcast %parallel_loop3A_916 : i32 to vector<16xi32>
      %parallel_loop3A_918 = arith.shli %parallel_loop3A_915, %parallel_loop3A_917 : vector<16xi32>
      %parallel_loop3A_919 = vector.bitcast %parallel_loop3A_918 : vector<16xi32> to vector<16xf32>
      %parallel_loop3A_920 = arith.andi %parallel_loop3A_915, %broadcast_in_dim3A_13 : vector<16xi32>
      %parallel_loop3A_921 = vector.bitcast %parallel_loop3A_920 : vector<16xi32> to vector<16xf32>
      %parallel_loop3A_922 = arith.index_cast %parallel_loop3A_25 : i32 to index
      %parallel_loop3A_923 = arith.constant 320 : index
      %parallel_loop3A_924 = tpu.vector_load %arg12[%parallel_loop3A_922, %parallel_loop3A_923] {strides = array<i32>} : memref<64x384xf32, #tpu.memory_space<vmem>>, vector<16xf32>,
      %parallel_loop3A_925 = vector.bitcast %parallel_loop3A_924 : vector<16xf32> to vector<16xi32>
      %parallel_loop3A_926 = arith.constant 16 : i32
      %parallel_loop3A_927 = vector.broadcast %parallel_loop3A_926 : i32 to vector<16xi32>
      %parallel_loop3A_928 = arith.shli %parallel_loop3A_925, %parallel_loop3A_927 : vector<16xi32>
      %parallel_loop3A_929 = vector.bitcast %parallel_loop3A_928 : vector<16xi32> to vector<16xf32>
      %parallel_loop3A_930 = arith.andi %parallel_loop3A_925, %broadcast_in_dim3A_13 : vector<16xi32>
      %parallel_loop3A_931 = vector.bitcast %parallel_loop3A_930 : vector<16xi32> to vector<16xf32>
      %parallel_loop3A_932 = arith.index_cast %parallel_loop3A_25 : i32 to index
      %parallel_loop3A_933 = arith.constant 320 : index
      %parallel_loop3A_934 = tpu.vector_load %arg10[%parallel_loop3A_932, %parallel_loop3A_933] {strides = array<i32>} : memref<64x384xf32, #tpu.memory_space<vmem>>, vector<16xf32>,
      %parallel_loop3A_935 = vector.bitcast %parallel_loop3A_934 : vector<16xf32> to vector<16xi32>
      %parallel_loop3A_936 = arith.constant 16 : i32
      %parallel_loop3A_937 = vector.broadcast %parallel_loop3A_936 : i32 to vector<16xi32>
      %parallel_loop3A_938 = arith.shli %parallel_loop3A_935, %parallel_loop3A_937 : vector<16xi32>
      %parallel_loop3A_939 = vector.bitcast %parallel_loop3A_938 : vector<16xi32> to vector<16xf32>
      %parallel_loop3A_940 = arith.andi %parallel_loop3A_935, %broadcast_in_dim3A_13 : vector<16xi32>
      %parallel_loop3A_941 = vector.bitcast %parallel_loop3A_940 : vector<16xi32> to vector<16xf32>
      %parallel_loop3A_942 = arith.mulf %parallel_loop3A_28, %parallel_loop3A_919 : vector<16xf32>
      %parallel_loop3A_943 = arith.addf %parallel_loop3A_939, %parallel_loop3A_942 : vector<16xf32>
      %parallel_loop3A_944 = arith.mulf %parallel_loop3A_31, %parallel_loop3A_929 : vector<16xf32>
      %parallel_loop3A_945 = arith.addf %parallel_loop3A_943, %parallel_loop3A_944 : vector<16xf32>
      %parallel_loop3A_946 = arith.index_cast %parallel_loop3A_23 : i32 to index
      %parallel_loop3A_947 = arith.constant 320 : index
      %parallel_loop3A_948 = tpu.vector_load %arg9[%parallel_loop3A_946, %parallel_loop3A_947] {strides = array<i32>} : memref<32x768xf32, #tpu.memory_space<vmem>>, vector<16xf32>,
      tpu.vector_store %arg9[%parallel_loop3A_946, %parallel_loop3A_947], %parallel_loop3A_945 {strides = array<i32>} : memref<32x768xf32, #tpu.memory_space<vmem>>, vector<16xf32>,
      %parallel_loop3A_949 = arith.mulf %parallel_loop3A_28, %parallel_loop3A_921 : vector<16xf32>
      %parallel_loop3A_950 = arith.addf %parallel_loop3A_941, %parallel_loop3A_949 : vector<16xf32>
      %parallel_loop3A_951 = arith.mulf %parallel_loop3A_31, %parallel_loop3A_931 : vector<16xf32>
      %parallel_loop3A_952 = arith.addf %parallel_loop3A_950, %parallel_loop3A_951 : vector<16xf32>
      %parallel_loop3A_953 = arith.index_cast %parallel_loop3A_23 : i32 to index
      %parallel_loop3A_954 = arith.constant 704 : index
      %parallel_loop3A_955 = tpu.vector_load %arg9[%parallel_loop3A_953, %parallel_loop3A_954] {strides = array<i32>} : memref<32x768xf32, #tpu.memory_space<vmem>>, vector<16xf32>,
      tpu.vector_store %arg9[%parallel_loop3A_953, %parallel_loop3A_954], %parallel_loop3A_952 {strides = array<i32>} : memref<32x768xf32, #tpu.memory_space<vmem>>, vector<16xf32>,
      %parallel_loop3A_956 = arith.index_cast %parallel_loop3A_25 : i32 to index
      %parallel_loop3A_957 = arith.constant 336 : index
      %parallel_loop3A_958 = tpu.vector_load %arg11[%parallel_loop3A_956, %parallel_loop3A_957] {strides = array<i32>} : memref<64x384xf32, #tpu.memory_space<vmem>>, vector<16xf32>,
      %parallel_loop3A_959 = vector.bitcast %parallel_loop3A_958 : vector<16xf32> to vector<16xi32>
      %parallel_loop3A_960 = arith.constant 16 : i32
      %parallel_loop3A_961 = vector.broadcast %parallel_loop3A_960 : i32 to vector<16xi32>
      %parallel_loop3A_962 = arith.shli %parallel_loop3A_959, %parallel_loop3A_961 : vector<16xi32>
      %parallel_loop3A_963 = vector.bitcast %parallel_loop3A_962 : vector<16xi32> to vector<16xf32>
      %parallel_loop3A_964 = arith.andi %parallel_loop3A_959, %broadcast_in_dim3A_13 : vector<16xi32>
      %parallel_loop3A_965 = vector.bitcast %parallel_loop3A_964 : vector<16xi32> to vector<16xf32>
      %parallel_loop3A_966 = arith.index_cast %parallel_loop3A_25 : i32 to index
      %parallel_loop3A_967 = arith.constant 336 : index
      %parallel_loop3A_968 = tpu.vector_load %arg12[%parallel_loop3A_966, %parallel_loop3A_967] {strides = array<i32>} : memref<64x384xf32, #tpu.memory_space<vmem>>, vector<16xf32>,
      %parallel_loop3A_969 = vector.bitcast %parallel_loop3A_968 : vector<16xf32> to vector<16xi32>
      %parallel_loop3A_970 = arith.constant 16 : i32
      %parallel_loop3A_971 = vector.broadcast %parallel_loop3A_970 : i32 to vector<16xi32>
      %parallel_loop3A_972 = arith.shli %parallel_loop3A_969, %parallel_loop3A_971 : vector<16xi32>
      %parallel_loop3A_973 = vector.bitcast %parallel_loop3A_972 : vector<16xi32> to vector<16xf32>
      %parallel_loop3A_974 = arith.andi %parallel_loop3A_969, %broadcast_in_dim3A_13 : vector<16xi32>
      %parallel_loop3A_975 = vector.bitcast %parallel_loop3A_974 : vector<16xi32> to vector<16xf32>
      %parallel_loop3A_976 = arith.index_cast %parallel_loop3A_25 : i32 to index
      %parallel_loop3A_977 = arith.constant 336 : index
      %parallel_loop3A_978 = tpu.vector_load %arg10[%parallel_loop3A_976, %parallel_loop3A_977] {strides = array<i32>} : memref<64x384xf32, #tpu.memory_space<vmem>>, vector<16xf32>,
      %parallel_loop3A_979 = vector.bitcast %parallel_loop3A_978 : vector<16xf32> to vector<16xi32>
      %parallel_loop3A_980 = arith.constant 16 : i32
      %parallel_loop3A_981 = vector.broadcast %parallel_loop3A_980 : i32 to vector<16xi32>
      %parallel_loop3A_982 = arith.shli %parallel_loop3A_979, %parallel_loop3A_981 : vector<16xi32>
      %parallel_loop3A_983 = vector.bitcast %parallel_loop3A_982 : vector<16xi32> to vector<16xf32>
      %parallel_loop3A_984 = arith.andi %parallel_loop3A_979, %broadcast_in_dim3A_13 : vector<16xi32>
      %parallel_loop3A_985 = vector.bitcast %parallel_loop3A_984 : vector<16xi32> to vector<16xf32>
      %parallel_loop3A_986 = arith.mulf %parallel_loop3A_28, %parallel_loop3A_963 : vector<16xf32>
      %parallel_loop3A_987 = arith.addf %parallel_loop3A_983, %parallel_loop3A_986 : vector<16xf32>
      %parallel_loop3A_988 = arith.mulf %parallel_loop3A_31, %parallel_loop3A_973 : vector<16xf32>
      %parallel_loop3A_989 = arith.addf %parallel_loop3A_987, %parallel_loop3A_988 : vector<16xf32>
      %parallel_loop3A_990 = arith.index_cast %parallel_loop3A_23 : i32 to index
      %parallel_loop3A_991 = arith.constant 336 : index
      %parallel_loop3A_992 = tpu.vector_load %arg9[%parallel_loop3A_990, %parallel_loop3A_991] {strides = array<i32>} : memref<32x768xf32, #tpu.memory_space<vmem>>, vector<16xf32>,
      tpu.vector_store %arg9[%parallel_loop3A_990, %parallel_loop3A_991], %parallel_loop3A_989 {strides = array<i32>} : memref<32x768xf32, #tpu.memory_space<vmem>>, vector<16xf32>,
      %parallel_loop3A_993 = arith.mulf %parallel_loop3A_28, %parallel_loop3A_965 : vector<16xf32>
      %parallel_loop3A_994 = arith.addf %parallel_loop3A_985, %parallel_loop3A_993 : vector<16xf32>
      %parallel_loop3A_995 = arith.mulf %parallel_loop3A_31, %parallel_loop3A_975 : vector<16xf32>
      %parallel_loop3A_996 = arith.addf %parallel_loop3A_994, %parallel_loop3A_995 : vector<16xf32>
      %parallel_loop3A_997 = arith.index_cast %parallel_loop3A_23 : i32 to index
      %parallel_loop3A_998 = arith.constant 720 : index
      %parallel_loop3A_999 = tpu.vector_load %arg9[%parallel_loop3A_997, %parallel_loop3A_998] {strides = array<i32>} : memref<32x768xf32, #tpu.memory_space<vmem>>, vector<16xf32>,
      tpu.vector_store %arg9[%parallel_loop3A_997, %parallel_loop3A_998], %parallel_loop3A_996 {strides = array<i32>} : memref<32x768xf32, #tpu.memory_space<vmem>>, vector<16xf32>,
      %parallel_loop3A_1000 = arith.index_cast %parallel_loop3A_25 : i32 to index
      %parallel_loop3A_1001 = arith.constant 352 : index
      %parallel_loop3A_1002 = tpu.vector_load %arg11[%parallel_loop3A_1000, %parallel_loop3A_1001] {strides = array<i32>} : memref<64x384xf32, #tpu.memory_space<vmem>>, vector<16xf32>,
      %parallel_loop3A_1003 = vector.bitcast %parallel_loop3A_1002 : vector<16xf32> to vector<16xi32>
      %parallel_loop3A_1004 = arith.constant 16 : i32
      %parallel_loop3A_1005 = vector.broadcast %parallel_loop3A_1004 : i32 to vector<16xi32>
      %parallel_loop3A_1006 = arith.shli %parallel_loop3A_1003, %parallel_loop3A_1005 : vector<16xi32>
      %parallel_loop3A_1007 = vector.bitcast %parallel_loop3A_1006 : vector<16xi32> to vector<16xf32>
      %parallel_loop3A_1008 = arith.andi %parallel_loop3A_1003, %broadcast_in_dim3A_13 : vector<16xi32>
      %parallel_loop3A_1009 = vector.bitcast %parallel_loop3A_1008 : vector<16xi32> to vector<16xf32>
      %parallel_loop3A_1010 = arith.index_cast %parallel_loop3A_25 : i32 to index
      %parallel_loop3A_1011 = arith.constant 352 : index
      %parallel_loop3A_1012 = tpu.vector_load %arg12[%parallel_loop3A_1010, %parallel_loop3A_1011] {strides = array<i32>} : memref<64x384xf32, #tpu.memory_space<vmem>>, vector<16xf32>,
      %parallel_loop3A_1013 = vector.bitcast %parallel_loop3A_1012 : vector<16xf32> to vector<16xi32>
      %parallel_loop3A_1014 = arith.constant 16 : i32
      %parallel_loop3A_1015 = vector.broadcast %parallel_loop3A_1014 : i32 to vector<16xi32>
      %parallel_loop3A_1016 = arith.shli %parallel_loop3A_1013, %parallel_loop3A_1015 : vector<16xi32>
      %parallel_loop3A_1017 = vector.bitcast %parallel_loop3A_1016 : vector<16xi32> to vector<16xf32>
      %parallel_loop3A_1018 = arith.andi %parallel_loop3A_1013, %broadcast_in_dim3A_13 : vector<16xi32>
      %parallel_loop3A_1019 = vector.bitcast %parallel_loop3A_1018 : vector<16xi32> to vector<16xf32>
      %parallel_loop3A_1020 = arith.index_cast %parallel_loop3A_25 : i32 to index
      %parallel_loop3A_1021 = arith.constant 352 : index
      %parallel_loop3A_1022 = tpu.vector_load %arg10[%parallel_loop3A_1020, %parallel_loop3A_1021] {strides = array<i32>} : memref<64x384xf32, #tpu.memory_space<vmem>>, vector<16xf32>,
      %parallel_loop3A_1023 = vector.bitcast %parallel_loop3A_1022 : vector<16xf32> to vector<16xi32>
      %parallel_loop3A_1024 = arith.constant 16 : i32
      %parallel_loop3A_1025 = vector.broadcast %parallel_loop3A_1024 : i32 to vector<16xi32>
      %parallel_loop3A_1026 = arith.shli %parallel_loop3A_1023, %parallel_loop3A_1025 : vector<16xi32>
      %parallel_loop3A_1027 = vector.bitcast %parallel_loop3A_1026 : vector<16xi32> to vector<16xf32>
      %parallel_loop3A_1028 = arith.andi %parallel_loop3A_1023, %broadcast_in_dim3A_13 : vector<16xi32>
      %parallel_loop3A_1029 = vector.bitcast %parallel_loop3A_1028 : vector<16xi32> to vector<16xf32>
      %parallel_loop3A_1030 = arith.mulf %parallel_loop3A_28, %parallel_loop3A_1007 : vector<16xf32>
      %parallel_loop3A_1031 = arith.addf %parallel_loop3A_1027, %parallel_loop3A_1030 : vector<16xf32>
      %parallel_loop3A_1032 = arith.mulf %parallel_loop3A_31, %parallel_loop3A_1017 : vector<16xf32>
      %parallel_loop3A_1033 = arith.addf %parallel_loop3A_1031, %parallel_loop3A_1032 : vector<16xf32>
      %parallel_loop3A_1034 = arith.index_cast %parallel_loop3A_23 : i32 to index
      %parallel_loop3A_1035 = arith.constant 352 : index
      %parallel_loop3A_1036 = tpu.vector_load %arg9[%parallel_loop3A_1034, %parallel_loop3A_1035] {strides = array<i32>} : memref<32x768xf32, #tpu.memory_space<vmem>>, vector<16xf32>,
      tpu.vector_store %arg9[%parallel_loop3A_1034, %parallel_loop3A_1035], %parallel_loop3A_1033 {strides = array<i32>} : memref<32x768xf32, #tpu.memory_space<vmem>>, vector<16xf32>,
      %parallel_loop3A_1037 = arith.mulf %parallel_loop3A_28, %parallel_loop3A_1009 : vector<16xf32>
      %parallel_loop3A_1038 = arith.addf %parallel_loop3A_1029, %parallel_loop3A_1037 : vector<16xf32>
      %parallel_loop3A_1039 = arith.mulf %parallel_loop3A_31, %parallel_loop3A_1019 : vector<16xf32>
      %parallel_loop3A_1040 = arith.addf %parallel_loop3A_1038, %parallel_loop3A_1039 : vector<16xf32>
      %parallel_loop3A_1041 = arith.index_cast %parallel_loop3A_23 : i32 to index
      %parallel_loop3A_1042 = arith.constant 736 : index
      %parallel_loop3A_1043 = tpu.vector_load %arg9[%parallel_loop3A_1041, %parallel_loop3A_1042] {strides = array<i32>} : memref<32x768xf32, #tpu.memory_space<vmem>>, vector<16xf32>,
      tpu.vector_store %arg9[%parallel_loop3A_1041, %parallel_loop3A_1042], %parallel_loop3A_1040 {strides = array<i32>} : memref<32x768xf32, #tpu.memory_space<vmem>>, vector<16xf32>,
      %parallel_loop3A_1044 = arith.index_cast %parallel_loop3A_25 : i32 to index
      %parallel_loop3A_1045 = arith.constant 368 : index
      %parallel_loop3A_1046 = tpu.vector_load %arg11[%parallel_loop3A_1044, %parallel_loop3A_1045] {strides = array<i32>} : memref<64x384xf32, #tpu.memory_space<vmem>>, vector<16xf32>,
      %parallel_loop3A_1047 = vector.bitcast %parallel_loop3A_1046 : vector<16xf32> to vector<16xi32>
      %parallel_loop3A_1048 = arith.constant 16 : i32
      %parallel_loop3A_1049 = vector.broadcast %parallel_loop3A_1048 : i32 to vector<16xi32>
      %parallel_loop3A_1050 = arith.shli %parallel_loop3A_1047, %parallel_loop3A_1049 : vector<16xi32>
      %parallel_loop3A_1051 = vector.bitcast %parallel_loop3A_1050 : vector<16xi32> to vector<16xf32>
      %parallel_loop3A_1052 = arith.andi %parallel_loop3A_1047, %broadcast_in_dim3A_13 : vector<16xi32>
      %parallel_loop3A_1053 = vector.bitcast %parallel_loop3A_1052 : vector<16xi32> to vector<16xf32>
      %parallel_loop3A_1054 = arith.index_cast %parallel_loop3A_25 : i32 to index
      %parallel_loop3A_1055 = arith.constant 368 : index
      %parallel_loop3A_1056 = tpu.vector_load %arg12[%parallel_loop3A_1054, %parallel_loop3A_1055] {strides = array<i32>} : memref<64x384xf32, #tpu.memory_space<vmem>>, vector<16xf32>,
      %parallel_loop3A_1057 = vector.bitcast %parallel_loop3A_1056 : vector<16xf32> to vector<16xi32>
      %parallel_loop3A_1058 = arith.constant 16 : i32
      %parallel_loop3A_1059 = vector.broadcast %parallel_loop3A_1058 : i32 to vector<16xi32>
      %parallel_loop3A_1060 = arith.shli %parallel_loop3A_1057, %parallel_loop3A_1059 : vector<16xi32>
      %parallel_loop3A_1061 = vector.bitcast %parallel_loop3A_1060 : vector<16xi32> to vector<16xf32>
      %parallel_loop3A_1062 = arith.andi %parallel_loop3A_1057, %broadcast_in_dim3A_13 : vector<16xi32>
      %parallel_loop3A_1063 = vector.bitcast %parallel_loop3A_1062 : vector<16xi32> to vector<16xf32>
      %parallel_loop3A_1064 = arith.index_cast %parallel_loop3A_25 : i32 to index
      %parallel_loop3A_1065 = arith.constant 368 : index
      %parallel_loop3A_1066 = tpu.vector_load %arg10[%parallel_loop3A_1064, %parallel_loop3A_1065] {strides = array<i32>} : memref<64x384xf32, #tpu.memory_space<vmem>>, vector<16xf32>,
      %parallel_loop3A_1067 = vector.bitcast %parallel_loop3A_1066 : vector<16xf32> to vector<16xi32>
      %parallel_loop3A_1068 = arith.constant 16 : i32
      %parallel_loop3A_1069 = vector.broadcast %parallel_loop3A_1068 : i32 to vector<16xi32>
      %parallel_loop3A_1070 = arith.shli %parallel_loop3A_1067, %parallel_loop3A_1069 : vector<16xi32>
      %parallel_loop3A_1071 = vector.bitcast %parallel_loop3A_1070 : vector<16xi32> to vector<16xf32>
      %parallel_loop3A_1072 = arith.andi %parallel_loop3A_1067, %broadcast_in_dim3A_13 : vector<16xi32>
      %parallel_loop3A_1073 = vector.bitcast %parallel_loop3A_1072 : vector<16xi32> to vector<16xf32>
      %parallel_loop3A_1074 = arith.mulf %parallel_loop3A_28, %parallel_loop3A_1051 : vector<16xf32>
      %parallel_loop3A_1075 = arith.addf %parallel_loop3A_1071, %parallel_loop3A_1074 : vector<16xf32>
      %parallel_loop3A_1076 = arith.mulf %parallel_loop3A_31, %parallel_loop3A_1061 : vector<16xf32>
      %parallel_loop3A_1077 = arith.addf %parallel_loop3A_1075, %parallel_loop3A_1076 : vector<16xf32>
      %parallel_loop3A_1078 = arith.index_cast %parallel_loop3A_23 : i32 to index
      %parallel_loop3A_1079 = arith.constant 368 : index
      %parallel_loop3A_1080 = tpu.vector_load %arg9[%parallel_loop3A_1078, %parallel_loop3A_1079] {strides = array<i32>} : memref<32x768xf32, #tpu.memory_space<vmem>>, vector<16xf32>,
      tpu.vector_store %arg9[%parallel_loop3A_1078, %parallel_loop3A_1079], %parallel_loop3A_1077 {strides = array<i32>} : memref<32x768xf32, #tpu.memory_space<vmem>>, vector<16xf32>,
      %parallel_loop3A_1081 = arith.mulf %parallel_loop3A_28, %parallel_loop3A_1053 : vector<16xf32>
      %parallel_loop3A_1082 = arith.addf %parallel_loop3A_1073, %parallel_loop3A_1081 : vector<16xf32>
      %parallel_loop3A_1083 = arith.mulf %parallel_loop3A_31, %parallel_loop3A_1063 : vector<16xf32>
      %parallel_loop3A_1084 = arith.addf %parallel_loop3A_1082, %parallel_loop3A_1083 : vector<16xf32>
      %parallel_loop3A_1085 = arith.index_cast %parallel_loop3A_23 : i32 to index
      %parallel_loop3A_1086 = arith.constant 752 : index
      %parallel_loop3A_1087 = tpu.vector_load %arg9[%parallel_loop3A_1085, %parallel_loop3A_1086] {strides = array<i32>} : memref<32x768xf32, #tpu.memory_space<vmem>>, vector<16xf32>,
      tpu.vector_store %arg9[%parallel_loop3A_1085, %parallel_loop3A_1086], %parallel_loop3A_1084 {strides = array<i32>} : memref<32x768xf32, #tpu.memory_space<vmem>>, vector<16xf32>,
    } {sc.loop_unroll_factor = 1 : i64, sc.parallel_access}
    %add3A_21 = arith.constant 32 : i32
    %add3A_22 = arith.addi %mul3A_2, %add3A_21 : i32
    "tpu.region"() ({
      %run_scoped3A = tpu.sem_alloc : memref<!tpu.dma_semaphore, #tpu.memory_space<semaphore_mem>>
      %dma_start3A_23 = arith.constant 0 : i32
      %dma_start3A_24 = tpu.memref_slice %arg8[%add3A_22, %dma_start3A_23] : memref<2048x768xf32, #tpu.memory_space<hbm>> -> memref<32x768xf32, #tpu.memory_space<hbm>>
      %dma_start3A_25 = arith.constant 0 : i32
      %dma_start3A_26 = tpu.memref_slice %arg8[%add3A_22, %dma_start3A_25] : memref<2048x768xf32, #tpu.memory_space<hbm>> -> memref<32x768xf32, #tpu.memory_space<hbm>>
      tpu.enqueue_dma source(%arg9 : memref<32x768xf32, #tpu.memory_space<vmem>>) target(%dma_start3A_26 : memref<32x768xf32, #tpu.memory_space<hbm>>) target_semaphore(%run_scoped3A : memref<!tpu.dma_semaphore, #tpu.memory_space<semaphore_mem>>)
      %dma_wait3A_27 = arith.constant 0 : i32
      %dma_wait3A_28 = tpu.memref_slice %arg8[%add3A_22, %dma_wait3A_27] : memref<2048x768xf32, #tpu.memory_space<hbm>> -> memref<32x768xf32, #tpu.memory_space<hbm>>
      %dma_wait3A_29 = arith.constant 0 : i32
      %dma_wait3A_30 = tpu.memref_slice %arg8[%add3A_22, %dma_wait3A_29] : memref<2048x768xf32, #tpu.memory_space<hbm>> -> memref<32x768xf32, #tpu.memory_space<hbm>>
      tpu.wait_dma2 semaphore(%run_scoped3A : memref<!tpu.dma_semaphore, #tpu.memory_space<semaphore_mem>>) src(%arg9 : memref<32x768xf32, #tpu.memory_space<vmem>>) dst(%dma_wait3A_30 : memref<32x768xf32, #tpu.memory_space<hbm>>)
      tpu.yield
    }) : () -> ()
    return
  }
}

#map = affine_map<(d0, d1) -> (0, 0)>
#map1 = affine_map<(d0, d1) -> (0)>
module attributes {stable_mosaic.version = 14 : i64} {
  func.func @_dispatch_body(%arg0: i32, %arg1: i32, %arg2: memref<2048x384xf32, #tpu.memory_space<hbm>>, %arg3: memref<2048xi32, #tpu.memory_space<hbm>>, %arg4: memref<2048xi32, #tpu.memory_space<hbm>>, %arg5: memref<8192x384xf32, #tpu.memory_space<hbm>>, %arg6: memref<64x384xf32, #tpu.memory_space<vmem>>, %arg7: memref<64xi32, #tpu.memory_space<vmem>>, %arg8: memref<64xi32, #tpu.memory_space<vmem>>, %arg9: memref<!tpu.dma_semaphore, #tpu.memory_space<semaphore_mem>>, %arg10: memref<!tpu.dma_semaphore, #tpu.memory_space<semaphore_mem>>) attributes {dimension_semantics = [#tpu.dimension_semantics<core_parallel>, #tpu.dimension_semantics<subcore_parallel>], iteration_bounds = array<i64: 2, 16>, scalar_prefetch = 0 : i64, scratch_operands = 5 : i64, tpu.core_type = #tpu.core_type<sc_vector_subcore>, window_params = [{transform_indices = #map}, {transform_indices = #map1}, {transform_indices = #map1}, {transform_indices = #map}]} {
    %mul3A = arith.constant 2 : i32
    %mul3A_0 = arith.muli %arg1, %mul3A : i32
    %add3A = arith.addi %mul3A_0, %arg0 : i32
    %mul3A_1 = arith.constant 64 : i32
    %mul3A_2 = arith.muli %add3A, %mul3A_1 : i32
    "tpu.region"() ({
      %run_scoped3A = tpu.sem_alloc : memref<!tpu.dma_semaphore, #tpu.memory_space<semaphore_mem>>
      %dma_start3A_13 = arith.constant 0 : i32
      %dma_start3A_14 = tpu.memref_slice %arg2[%mul3A_2, %dma_start3A_13] : memref<2048x384xf32, #tpu.memory_space<hbm>> -> memref<64x384xf32, #tpu.memory_space<hbm>>
      %dma_start3A_15 = arith.constant 0 : i32
      %dma_start3A_16 = tpu.memref_slice %arg2[%mul3A_2, %dma_start3A_15] : memref<2048x384xf32, #tpu.memory_space<hbm>> -> memref<64x384xf32, #tpu.memory_space<hbm>>
      tpu.enqueue_dma source(%dma_start3A_16 : memref<64x384xf32, #tpu.memory_space<hbm>>) target(%arg6 : memref<64x384xf32, #tpu.memory_space<vmem>>) target_semaphore(%run_scoped3A : memref<!tpu.dma_semaphore, #tpu.memory_space<semaphore_mem>>)
      %dma_wait3A_17 = arith.constant 0 : i32
      %dma_wait3A_18 = tpu.memref_slice %arg2[%mul3A_2, %dma_wait3A_17] : memref<2048x384xf32, #tpu.memory_space<hbm>> -> memref<64x384xf32, #tpu.memory_space<hbm>>
      %dma_wait3A_19 = arith.constant 0 : i32
      %dma_wait3A_20 = tpu.memref_slice %arg2[%mul3A_2, %dma_wait3A_19] : memref<2048x384xf32, #tpu.memory_space<hbm>> -> memref<64x384xf32, #tpu.memory_space<hbm>>
      tpu.wait_dma2 semaphore(%run_scoped3A : memref<!tpu.dma_semaphore, #tpu.memory_space<semaphore_mem>>) src(%dma_wait3A_20 : memref<64x384xf32, #tpu.memory_space<hbm>>) dst(%arg6 : memref<64x384xf32, #tpu.memory_space<vmem>>)
      tpu.yield
    }) : () -> ()
    "tpu.region"() ({
      %run_scoped3A = tpu.sem_alloc : memref<!tpu.dma_semaphore, #tpu.memory_space<semaphore_mem>>
      %dma_start3A_13 = tpu.memref_slice %arg3[%mul3A_2] : memref<2048xi32, #tpu.memory_space<hbm>> -> memref<64xi32, #tpu.memory_space<hbm>>
      %dma_start3A_14 = tpu.memref_slice %arg3[%mul3A_2] : memref<2048xi32, #tpu.memory_space<hbm>> -> memref<64xi32, #tpu.memory_space<hbm>>
      tpu.enqueue_dma source(%dma_start3A_14 : memref<64xi32, #tpu.memory_space<hbm>>) target(%arg7 : memref<64xi32, #tpu.memory_space<vmem>>) target_semaphore(%run_scoped3A : memref<!tpu.dma_semaphore, #tpu.memory_space<semaphore_mem>>)
      %dma_wait3A_15 = tpu.memref_slice %arg3[%mul3A_2] : memref<2048xi32, #tpu.memory_space<hbm>> -> memref<64xi32, #tpu.memory_space<hbm>>
      %dma_wait3A_16 = tpu.memref_slice %arg3[%mul3A_2] : memref<2048xi32, #tpu.memory_space<hbm>> -> memref<64xi32, #tpu.memory_space<hbm>>
      tpu.wait_dma2 semaphore(%run_scoped3A : memref<!tpu.dma_semaphore, #tpu.memory_space<semaphore_mem>>) src(%dma_wait3A_16 : memref<64xi32, #tpu.memory_space<hbm>>) dst(%arg7 : memref<64xi32, #tpu.memory_space<vmem>>)
      tpu.yield
    }) : () -> ()
    "tpu.region"() ({
      %run_scoped3A = tpu.sem_alloc : memref<!tpu.dma_semaphore, #tpu.memory_space<semaphore_mem>>
      %dma_start3A_13 = tpu.memref_slice %arg4[%mul3A_2] : memref<2048xi32, #tpu.memory_space<hbm>> -> memref<64xi32, #tpu.memory_space<hbm>>
      %dma_start3A_14 = tpu.memref_slice %arg4[%mul3A_2] : memref<2048xi32, #tpu.memory_space<hbm>> -> memref<64xi32, #tpu.memory_space<hbm>>
      tpu.enqueue_dma source(%dma_start3A_14 : memref<64xi32, #tpu.memory_space<hbm>>) target(%arg8 : memref<64xi32, #tpu.memory_space<vmem>>) target_semaphore(%run_scoped3A : memref<!tpu.dma_semaphore, #tpu.memory_space<semaphore_mem>>)
      %dma_wait3A_15 = tpu.memref_slice %arg4[%mul3A_2] : memref<2048xi32, #tpu.memory_space<hbm>> -> memref<64xi32, #tpu.memory_space<hbm>>
      %dma_wait3A_16 = tpu.memref_slice %arg4[%mul3A_2] : memref<2048xi32, #tpu.memory_space<hbm>> -> memref<64xi32, #tpu.memory_space<hbm>>
      tpu.wait_dma2 semaphore(%run_scoped3A : memref<!tpu.dma_semaphore, #tpu.memory_space<semaphore_mem>>) src(%dma_wait3A_16 : memref<64xi32, #tpu.memory_space<hbm>>) dst(%arg8 : memref<64xi32, #tpu.memory_space<vmem>>)
      tpu.yield
    }) : () -> ()
    %dma_start3A = arith.constant 0 : i32
    %dma_start3A_3 = arith.constant 0 : i32
    %dma_start3A_4 = tpu.memref_slice %arg5[%dma_start3A, %dma_start3A_3] : memref<8192x384xf32, #tpu.memory_space<hbm>> -> memref<8192x384xf32, #tpu.memory_space<hbm>>
    tpu.enqueue_indirect_dma source(%arg6 : memref<64x384xf32, #tpu.memory_space<vmem>>) target(%dma_start3A_4 : memref<8192x384xf32, #tpu.memory_space<hbm>>) offsets(%arg7 : memref<64xi32, #tpu.memory_space<vmem>>) semaphore(%arg9 : memref<!tpu.dma_semaphore, #tpu.memory_space<semaphore_mem>>)
    %dma_start3A_5 = arith.constant 0 : i32
    %dma_start3A_6 = arith.constant 0 : i32
    %dma_start3A_7 = tpu.memref_slice %arg5[%dma_start3A_5, %dma_start3A_6] : memref<8192x384xf32, #tpu.memory_space<hbm>> -> memref<8192x384xf32, #tpu.memory_space<hbm>>
    tpu.enqueue_indirect_dma source(%arg6 : memref<64x384xf32, #tpu.memory_space<vmem>>) target(%dma_start3A_7 : memref<8192x384xf32, #tpu.memory_space<hbm>>) offsets(%arg8 : memref<64xi32, #tpu.memory_space<vmem>>) semaphore(%arg10 : memref<!tpu.dma_semaphore, #tpu.memory_space<semaphore_mem>>)
    %dma_wait3A = arith.constant 0 : i32
    %dma_wait3A_8 = arith.constant 0 : i32
    %dma_wait3A_9 = tpu.memref_slice %arg5[%dma_wait3A, %dma_wait3A_8] : memref<8192x384xf32, #tpu.memory_space<hbm>> -> memref<8192x384xf32, #tpu.memory_space<hbm>>
    tpu.wait_indirect_dma semaphore(%arg9 : memref<!tpu.dma_semaphore, #tpu.memory_space<semaphore_mem>>) src(%arg6 : memref<64x384xf32, #tpu.memory_space<vmem>>) dst(%dma_wait3A_9 : memref<8192x384xf32, #tpu.memory_space<hbm>>)
    %dma_wait3A_10 = arith.constant 0 : i32
    %dma_wait3A_11 = arith.constant 0 : i32
    %dma_wait3A_12 = tpu.memref_slice %arg5[%dma_wait3A_10, %dma_wait3A_11] : memref<8192x384xf32, #tpu.memory_space<hbm>> -> memref<8192x384xf32, #tpu.memory_space<hbm>>
    tpu.wait_indirect_dma semaphore(%arg10 : memref<!tpu.dma_semaphore, #tpu.memory_space<semaphore_mem>>) src(%arg6 : memref<64x384xf32, #tpu.memory_space<vmem>>) dst(%dma_wait3A_12 : memref<8192x384xf32, #tpu.memory_space<hbm>>)
    return
  }
}

module attributes {stable_mosaic.version = 14 : i64} {
  func.func @_shared_body(%arg0: i32, %arg1: memref<512x384xf32, #tpu.memory_space<vmem>>, %arg2: memref<512x768xf32, #tpu.memory_space<vmem>>, %arg3: memref<768x512xf32, #tpu.memory_space<vmem>>, %arg4: memref<512x768xf32, #tpu.memory_space<vmem>>, %arg5: memref<512x384xf32, #tpu.memory_space<vmem>>) attributes {dimension_semantics = [#tpu.dimension_semantics<arbitrary>], iteration_bounds = array<i64: 4>, scalar_prefetch = 0 : i64, scratch_operands = 0 : i64, tpu.core_type = #tpu.core_type<tc>, window_params = [{transform_indices = @transform_0, window_bounds = array<i64: 512, 384>}, {pipeline_mode = #tpu.pipeline_mode<synchronous>, transform_indices = @transform_1, window_bounds = array<i64: 512, 768>}, {pipeline_mode = #tpu.pipeline_mode<synchronous>, transform_indices = @transform_2, window_bounds = array<i64: 768, 512>}, {pipeline_mode = #tpu.pipeline_mode<synchronous>, transform_indices = @transform_3, window_bounds = array<i64: 512, 768>}, {transform_indices = @transform_4, window_bounds = array<i64: 512, 384>}]} {
    %get3A = arith.constant 0 : index
    %get3A_0 = arith.constant 0 : index
    %get3A_1 = vector.load %arg1[%get3A, %get3A_0] : memref<512x384xf32, #tpu.memory_space<vmem>>, vector<512x384xf32>
    %bitcast_convert_type3A = tpu.bitcast %get3A_1 : vector<512x384xf32> -> vector<512x384xi32>
    %shift_left3A = arith.constant 16 : i32
    %shift_left3A_2 = vector.broadcast %shift_left3A : i32 to vector<512x384xi32>
    %shift_left3A_3 = arith.shli %bitcast_convert_type3A, %shift_left3A_2 : vector<512x384xi32>
    %bitcast_convert_type3A_4 = tpu.bitcast %shift_left3A_3 : vector<512x384xi32> -> vector<512x384xf32>
    %and3A = arith.constant -65536 : i32
    %and3A_5 = vector.broadcast %and3A : i32 to vector<512x384xi32>
    %and3A_6 = arith.andi %bitcast_convert_type3A, %and3A_5 : vector<512x384xi32>
    %bitcast_convert_type3A_7 = tpu.bitcast %and3A_6 : vector<512x384xi32> -> vector<512x384xf32>
    %concatenate3A = tpu.concatenate %bitcast_convert_type3A_4, %bitcast_convert_type3A_7 in 1 : vector<512x384xf32>, vector<512x384xf32> -> vector<512x768xf32>
    %convert_element_type3A = arith.truncf %concatenate3A : vector<512x768xf32> to vector<512x768xbf16>
    %get3A_8 = arith.constant 0 : index
    %get3A_9 = arith.constant 0 : index
    %get3A_10 = vector.load %arg2[%get3A_8, %get3A_9] : memref<512x768xf32, #tpu.memory_space<vmem>>, vector<512x768xf32>
    %get3A_11 = arith.constant 0 : index
    %get3A_12 = arith.constant 0 : index
    %get3A_13 = vector.load %arg3[%get3A_11, %get3A_12] : memref<768x512xf32, #tpu.memory_space<vmem>>, vector<768x512xf32>
    %get3A_14 = arith.constant 0 : index
    %get3A_15 = arith.constant 0 : index
    %get3A_16 = vector.load %arg4[%get3A_14, %get3A_15] : memref<512x768xf32, #tpu.memory_space<vmem>>, vector<512x768xf32>
    %convert_element_type3A_17 = arith.truncf %get3A_10 : vector<512x768xf32> to vector<512x768xbf16>
    %dot_general3A = arith.constant dense<0.000000e+00> : vector<512x512xf32>
    %dot_general3A_18 = tpu.matmul %convert_element_type3A, %convert_element_type3A_17, %dot_general3A {dimension_numbers = #tpu.dot_dimension_numbers<[1], [1], [0], [0], [0, 0, 1, 0], [], []>, transpose_lhs_hint = false} : vector<512x768xbf16>, vector<512x768xbf16>, vector<512x512xf32> -> vector<512x512xf32>
    %convert_element_type3A_19 = arith.truncf %get3A_16 : vector<512x768xf32> to vector<512x768xbf16>
    %dot_general3A_20 = arith.constant dense<0.000000e+00> : vector<512x512xf32>
    %dot_general3A_21 = tpu.matmul %convert_element_type3A, %convert_element_type3A_19, %dot_general3A_20 {dimension_numbers = #tpu.dot_dimension_numbers<[1], [1], [0], [0], [0, 0, 1, 0], [], []>, transpose_lhs_hint = false} : vector<512x768xbf16>, vector<512x768xbf16>, vector<512x512xf32> -> vector<512x512xf32>
    %logistic3A = arith.negf %dot_general3A_18 : vector<512x512xf32>
    %logistic3A_22 = math.exp %logistic3A : vector<512x512xf32>
    %logistic3A_23 = arith.constant 1.000000e+00 : f32
    %logistic3A_24 = vector.broadcast %logistic3A_23 : f32 to vector<512x512xf32>
    %logistic3A_25 = arith.addf %logistic3A_24, %logistic3A_22 : vector<512x512xf32>
    %logistic3A_26 = arith.divf %logistic3A_24, %logistic3A_25 : vector<512x512xf32>
    %mul3A = arith.mulf %dot_general3A_18, %logistic3A_26 : vector<512x512xf32>
    %mul3A_27 = arith.mulf %mul3A, %dot_general3A_21 : vector<512x512xf32>
    %convert_element_type3A_28 = arith.truncf %mul3A_27 : vector<512x512xf32> to vector<512x512xbf16>
    %convert_element_type3A_29 = arith.truncf %get3A_13 : vector<768x512xf32> to vector<768x512xbf16>
    %dot_general3A_30 = arith.constant dense<0.000000e+00> : vector<512x768xf32>
    %dot_general3A_31 = tpu.matmul %convert_element_type3A_28, %convert_element_type3A_29, %dot_general3A_30 {dimension_numbers = #tpu.dot_dimension_numbers<[1], [1], [0], [0], [0, 0, 1, 0], [], []>, transpose_lhs_hint = false} : vector<512x512xbf16>, vector<768x512xbf16>, vector<512x768xf32> -> vector<512x768xf32>
    %slice3A = vector.extract_strided_slice %dot_general3A_31 {offsets = [0, 0], sizes = [512, 384], strides = [1, 1]} : vector<512x768xf32> to vector<512x384xf32>
    %bitcast_convert_type3A_32 = tpu.bitcast %slice3A : vector<512x384xf32> -> vector<512x384xi32>
    %slice3A_33 = vector.extract_strided_slice %dot_general3A_31 {offsets = [0, 384], sizes = [512, 384], strides = [1, 1]} : vector<512x768xf32> to vector<512x384xf32>
    %bitcast_convert_type3A_34 = tpu.bitcast %slice3A_33 : vector<512x384xf32> -> vector<512x384xi32>
    %add3A = arith.constant 32767 : i32
    %add3A_35 = vector.broadcast %add3A : i32 to vector<512x384xi32>
    %add3A_36 = arith.addi %bitcast_convert_type3A_32, %add3A_35 : vector<512x384xi32>
    %shift_right_logical3A = arith.constant 16 : i32
    %shift_right_logical3A_37 = vector.broadcast %shift_right_logical3A : i32 to vector<512x384xi32>
    %shift_right_logical3A_38 = arith.shrui %bitcast_convert_type3A_32, %shift_right_logical3A_37 : vector<512x384xi32>
    %and3A_39 = arith.constant 1 : i32
    %and3A_40 = vector.broadcast %and3A_39 : i32 to vector<512x384xi32>
    %and3A_41 = arith.andi %shift_right_logical3A_38, %and3A_40 : vector<512x384xi32>
    %add3A_42 = arith.addi %add3A_36, %and3A_41 : vector<512x384xi32>
    %shift_right_logical3A_43 = arith.constant 16 : i32
    %shift_right_logical3A_44 = vector.broadcast %shift_right_logical3A_43 : i32 to vector<512x384xi32>
    %shift_right_logical3A_45 = arith.shrui %add3A_42, %shift_right_logical3A_44 : vector<512x384xi32>
    %add3A_46 = arith.constant 32767 : i32
    %add3A_47 = vector.broadcast %add3A_46 : i32 to vector<512x384xi32>
    %add3A_48 = arith.addi %bitcast_convert_type3A_34, %add3A_47 : vector<512x384xi32>
    %shift_right_logical3A_49 = arith.constant 16 : i32
    %shift_right_logical3A_50 = vector.broadcast %shift_right_logical3A_49 : i32 to vector<512x384xi32>
    %shift_right_logical3A_51 = arith.shrui %bitcast_convert_type3A_34, %shift_right_logical3A_50 : vector<512x384xi32>
    %and3A_52 = arith.constant 1 : i32
    %and3A_53 = vector.broadcast %and3A_52 : i32 to vector<512x384xi32>
    %and3A_54 = arith.andi %shift_right_logical3A_51, %and3A_53 : vector<512x384xi32>
    %add3A_55 = arith.addi %add3A_48, %and3A_54 : vector<512x384xi32>
    %shift_right_logical3A_56 = arith.constant 16 : i32
    %shift_right_logical3A_57 = vector.broadcast %shift_right_logical3A_56 : i32 to vector<512x384xi32>
    %shift_right_logical3A_58 = arith.shrui %add3A_55, %shift_right_logical3A_57 : vector<512x384xi32>
    %shift_left3A_59 = arith.constant 16 : i32
    %shift_left3A_60 = vector.broadcast %shift_left3A_59 : i32 to vector<512x384xi32>
    %shift_left3A_61 = arith.shli %shift_right_logical3A_58, %shift_left3A_60 : vector<512x384xi32>
    %or3A = arith.ori %shift_left3A_61, %shift_right_logical3A_45 : vector<512x384xi32>
    %bitcast_convert_type3A_62 = tpu.bitcast %or3A : vector<512x384xi32> -> vector<512x384xf32>
    %swap3A = arith.constant 0 : index
    %swap3A_63 = arith.constant 0 : index
    %swap3A_64 = vector.load %arg5[%swap3A, %swap3A_63] : memref<512x384xf32, #tpu.memory_space<vmem>>, vector<512x384xf32>
    tpu.vector_store %arg5[%swap3A, %swap3A_63], %bitcast_convert_type3A_62 {strides = array<i32>} : memref<512x384xf32, #tpu.memory_space<vmem>>, vector<512x384xf32>,
    return
  }
  func.func @transform_0(%arg0: i32) -> (i32, i32) {
    %c0_i32 = arith.constant 0 : i32
    %c0_i32_0 = arith.constant 0 : i32
    return %arg0, %c0_i32 : i32, i32
  }
  func.func @transform_1(%arg0: i32) -> (i32, i32) {
    %c0_i32 = arith.constant 0 : i32
    %c0_i32_0 = arith.constant 0 : i32
    %c0_i32_1 = arith.constant 0 : i32
    return %c0_i32, %c0_i32_0 : i32, i32
  }
  func.func @transform_2(%arg0: i32) -> (i32, i32) {
    %c0_i32 = arith.constant 0 : i32
    %c0_i32_0 = arith.constant 0 : i32
    %c0_i32_1 = arith.constant 0 : i32
    return %c0_i32, %c0_i32_0 : i32, i32
  }
  func.func @transform_3(%arg0: i32) -> (i32, i32) {
    %c0_i32 = arith.constant 0 : i32
    %c0_i32_0 = arith.constant 0 : i32
    %c0_i32_1 = arith.constant 0 : i32
    return %c0_i32, %c0_i32_0 : i32, i32
  }
  func.func @transform_4(%arg0: i32) -> (i32, i32) {
    %c0_i32 = arith.constant 0 : i32
    %c0_i32_0 = arith.constant 0 : i32
    return %arg0, %c0_i32 : i32, i32
  }
}

module attributes {stable_mosaic.version = 14 : i64} {
  func.func @_expert_body(%arg0: i32, %arg1: memref<3x32xi32, #tpu.memory_space<smem>>, %arg2: memref<256x384xf32, #tpu.memory_space<vmem>>, %arg3: memref<1x512x768xf32, #tpu.memory_space<vmem>>, %arg4: memref<1x768x512xf32, #tpu.memory_space<vmem>>, %arg5: memref<1x512x768xf32, #tpu.memory_space<vmem>>, %arg6: memref<256x384xf32, #tpu.memory_space<vmem>>) attributes {dimension_semantics = [#tpu.dimension_semantics<arbitrary>], iteration_bounds = array<i64: 32>, scalar_prefetch = 1 : i64, scratch_operands = 0 : i64, tpu.core_type = #tpu.core_type<tc>, window_params = [{transform_indices = @transform_0, window_bounds = array<i64: 256, 384>}, {transform_indices = @transform_1, window_bounds = array<i64: 1, 512, 768>}, {transform_indices = @transform_2, window_bounds = array<i64: 1, 768, 512>}, {transform_indices = @transform_3, window_bounds = array<i64: 1, 512, 768>}, {transform_indices = @transform_4, window_bounds = array<i64: 256, 384>}]} {
    %get3A = arith.constant 1 : index
    %get3A_0 = arith.index_cast %arg0 : i32 to index
    %get3A_1 = memref.load %arg1[%get3A, %get3A_0] : memref<3x32xi32, #tpu.memory_space<smem>>
    %eq3A = arith.constant 1 : i32
    %eq3A_2 = arith.cmpi eq, %get3A_1, %eq3A : i32
    %convert_element_type3A = arith.extui %eq3A_2 : i1 to i32
    %cond3A = arith.constant 0 : i32
    %cond3A_3 = arith.cmpi ne, %convert_element_type3A, %cond3A : i32
    scf.if %cond3A_3 {
      %get3A_4 = arith.constant 0 : index
      %get3A_5 = arith.constant 0 : index
      %get3A_6 = vector.load %arg2[%get3A_4, %get3A_5] : memref<256x384xf32, #tpu.memory_space<vmem>>, vector<256x384xf32>
      %bitcast_convert_type3A = tpu.bitcast %get3A_6 : vector<256x384xf32> -> vector<256x384xi32>
      %shift_left3A = arith.constant 16 : i32
      %shift_left3A_7 = vector.broadcast %shift_left3A : i32 to vector<256x384xi32>
      %shift_left3A_8 = arith.shli %bitcast_convert_type3A, %shift_left3A_7 : vector<256x384xi32>
      %bitcast_convert_type3A_9 = tpu.bitcast %shift_left3A_8 : vector<256x384xi32> -> vector<256x384xf32>
      %and3A = arith.constant -65536 : i32
      %and3A_10 = vector.broadcast %and3A : i32 to vector<256x384xi32>
      %and3A_11 = arith.andi %bitcast_convert_type3A, %and3A_10 : vector<256x384xi32>
      %bitcast_convert_type3A_12 = tpu.bitcast %and3A_11 : vector<256x384xi32> -> vector<256x384xf32>
      %concatenate3A = tpu.concatenate %bitcast_convert_type3A_9, %bitcast_convert_type3A_12 in 1 : vector<256x384xf32>, vector<256x384xf32> -> vector<256x768xf32>
      %convert_element_type3A_13 = arith.truncf %concatenate3A : vector<256x768xf32> to vector<256x768xbf16>
      %get3A_14 = arith.constant 0 : index
      %get3A_15 = arith.constant 0 : index
      %get3A_16 = arith.constant 0 : index
      %get3A_17 = vector.load %arg3[%get3A_14, %get3A_15, %get3A_16] : memref<1x512x768xf32, #tpu.memory_space<vmem>>, vector<1x512x768xf32>
      %get3A_18 = vector.shape_cast %get3A_17 : vector<1x512x768xf32> to vector<512x768xf32>
      %get3A_19 = arith.constant 0 : index
      %get3A_20 = arith.constant 0 : index
      %get3A_21 = arith.constant 0 : index
      %get3A_22 = vector.load %arg4[%get3A_19, %get3A_20, %get3A_21] : memref<1x768x512xf32, #tpu.memory_space<vmem>>, vector<1x768x512xf32>
      %get3A_23 = vector.shape_cast %get3A_22 : vector<1x768x512xf32> to vector<768x512xf32>
      %get3A_24 = arith.constant 0 : index
      %get3A_25 = arith.constant 0 : index
      %get3A_26 = arith.constant 0 : index
      %get3A_27 = vector.load %arg5[%get3A_24, %get3A_25, %get3A_26] : memref<1x512x768xf32, #tpu.memory_space<vmem>>, vector<1x512x768xf32>
      %get3A_28 = vector.shape_cast %get3A_27 : vector<1x512x768xf32> to vector<512x768xf32>
      %convert_element_type3A_29 = arith.truncf %get3A_18 : vector<512x768xf32> to vector<512x768xbf16>
      %dot_general3A = arith.constant dense<0.000000e+00> : vector<256x512xf32>
      %dot_general3A_30 = tpu.matmul %convert_element_type3A_13, %convert_element_type3A_29, %dot_general3A {dimension_numbers = #tpu.dot_dimension_numbers<[1], [1], [0], [0], [0, 0, 1, 0], [], []>, transpose_lhs_hint = false} : vector<256x768xbf16>, vector<512x768xbf16>, vector<256x512xf32> -> vector<256x512xf32>
      %convert_element_type3A_31 = arith.truncf %get3A_28 : vector<512x768xf32> to vector<512x768xbf16>
      %dot_general3A_32 = arith.constant dense<0.000000e+00> : vector<256x512xf32>
      %dot_general3A_33 = tpu.matmul %convert_element_type3A_13, %convert_element_type3A_31, %dot_general3A_32 {dimension_numbers = #tpu.dot_dimension_numbers<[1], [1], [0], [0], [0, 0, 1, 0], [], []>, transpose_lhs_hint = false} : vector<256x768xbf16>, vector<512x768xbf16>, vector<256x512xf32> -> vector<256x512xf32>
      %logistic3A = arith.negf %dot_general3A_30 : vector<256x512xf32>
      %logistic3A_34 = math.exp %logistic3A : vector<256x512xf32>
      %logistic3A_35 = arith.constant 1.000000e+00 : f32
      %logistic3A_36 = vector.broadcast %logistic3A_35 : f32 to vector<256x512xf32>
      %logistic3A_37 = arith.addf %logistic3A_36, %logistic3A_34 : vector<256x512xf32>
      %logistic3A_38 = arith.divf %logistic3A_36, %logistic3A_37 : vector<256x512xf32>
      %mul3A = arith.mulf %dot_general3A_30, %logistic3A_38 : vector<256x512xf32>
      %mul3A_39 = arith.mulf %mul3A, %dot_general3A_33 : vector<256x512xf32>
      %convert_element_type3A_40 = arith.truncf %mul3A_39 : vector<256x512xf32> to vector<256x512xbf16>
      %convert_element_type3A_41 = arith.truncf %get3A_23 : vector<768x512xf32> to vector<768x512xbf16>
      %dot_general3A_42 = arith.constant dense<0.000000e+00> : vector<256x768xf32>
      %dot_general3A_43 = tpu.matmul %convert_element_type3A_40, %convert_element_type3A_41, %dot_general3A_42 {dimension_numbers = #tpu.dot_dimension_numbers<[1], [1], [0], [0], [0, 0, 1, 0], [], []>, transpose_lhs_hint = false} : vector<256x512xbf16>, vector<768x512xbf16>, vector<256x768xf32> -> vector<256x768xf32>
      %slice3A = vector.extract_strided_slice %dot_general3A_43 {offsets = [0, 0], sizes = [256, 384], strides = [1, 1]} : vector<256x768xf32> to vector<256x384xf32>
      %bitcast_convert_type3A_44 = tpu.bitcast %slice3A : vector<256x384xf32> -> vector<256x384xi32>
      %slice3A_45 = vector.extract_strided_slice %dot_general3A_43 {offsets = [0, 384], sizes = [256, 384], strides = [1, 1]} : vector<256x768xf32> to vector<256x384xf32>
      %bitcast_convert_type3A_46 = tpu.bitcast %slice3A_45 : vector<256x384xf32> -> vector<256x384xi32>
      %add3A = arith.constant 32767 : i32
      %add3A_47 = vector.broadcast %add3A : i32 to vector<256x384xi32>
      %add3A_48 = arith.addi %bitcast_convert_type3A_44, %add3A_47 : vector<256x384xi32>
      %shift_right_logical3A = arith.constant 16 : i32
      %shift_right_logical3A_49 = vector.broadcast %shift_right_logical3A : i32 to vector<256x384xi32>
      %shift_right_logical3A_50 = arith.shrui %bitcast_convert_type3A_44, %shift_right_logical3A_49 : vector<256x384xi32>
      %and3A_51 = arith.constant 1 : i32
      %and3A_52 = vector.broadcast %and3A_51 : i32 to vector<256x384xi32>
      %and3A_53 = arith.andi %shift_right_logical3A_50, %and3A_52 : vector<256x384xi32>
      %add3A_54 = arith.addi %add3A_48, %and3A_53 : vector<256x384xi32>
      %shift_right_logical3A_55 = arith.constant 16 : i32
      %shift_right_logical3A_56 = vector.broadcast %shift_right_logical3A_55 : i32 to vector<256x384xi32>
      %shift_right_logical3A_57 = arith.shrui %add3A_54, %shift_right_logical3A_56 : vector<256x384xi32>
      %add3A_58 = arith.constant 32767 : i32
      %add3A_59 = vector.broadcast %add3A_58 : i32 to vector<256x384xi32>
      %add3A_60 = arith.addi %bitcast_convert_type3A_46, %add3A_59 : vector<256x384xi32>
      %shift_right_logical3A_61 = arith.constant 16 : i32
      %shift_right_logical3A_62 = vector.broadcast %shift_right_logical3A_61 : i32 to vector<256x384xi32>
      %shift_right_logical3A_63 = arith.shrui %bitcast_convert_type3A_46, %shift_right_logical3A_62 : vector<256x384xi32>
      %and3A_64 = arith.constant 1 : i32
      %and3A_65 = vector.broadcast %and3A_64 : i32 to vector<256x384xi32>
      %and3A_66 = arith.andi %shift_right_logical3A_63, %and3A_65 : vector<256x384xi32>
      %add3A_67 = arith.addi %add3A_60, %and3A_66 : vector<256x384xi32>
      %shift_right_logical3A_68 = arith.constant 16 : i32
      %shift_right_logical3A_69 = vector.broadcast %shift_right_logical3A_68 : i32 to vector<256x384xi32>
      %shift_right_logical3A_70 = arith.shrui %add3A_67, %shift_right_logical3A_69 : vector<256x384xi32>
      %shift_left3A_71 = arith.constant 16 : i32
      %shift_left3A_72 = vector.broadcast %shift_left3A_71 : i32 to vector<256x384xi32>
      %shift_left3A_73 = arith.shli %shift_right_logical3A_70, %shift_left3A_72 : vector<256x384xi32>
      %or3A = arith.ori %shift_left3A_73, %shift_right_logical3A_57 : vector<256x384xi32>
      %bitcast_convert_type3A_74 = tpu.bitcast %or3A : vector<256x384xi32> -> vector<256x384xf32>
      %swap3A = arith.constant 0 : index
      %swap3A_75 = arith.constant 0 : index
      %swap3A_76 = vector.load %arg6[%swap3A, %swap3A_75] : memref<256x384xf32, #tpu.memory_space<vmem>>, vector<256x384xf32>
      tpu.vector_store %arg6[%swap3A, %swap3A_75], %bitcast_convert_type3A_74 {strides = array<i32>} : memref<256x384xf32, #tpu.memory_space<vmem>>, vector<256x384xf32>,
    } else {
    }
    return
  }
  func.func @transform_0(%arg0: i32, %arg1: memref<3x32xi32, #tpu.memory_space<smem>>) -> (i32, i32) {
    %get3A = arith.constant 2 : index
    %get3A_0 = arith.index_cast %arg0 : i32 to index
    %get3A_1 = memref.load %arg1[%get3A, %get3A_0] : memref<3x32xi32, #tpu.memory_space<smem>>
    %c0_i32 = arith.constant 0 : i32
    %c0_i32_2 = arith.constant 0 : i32
    return %get3A_1, %c0_i32 : i32, i32
  }
  func.func @transform_1(%arg0: i32, %arg1: memref<3x32xi32, #tpu.memory_space<smem>>) -> (i32, i32, i32) {
    %get3A = arith.constant 0 : index
    %get3A_0 = arith.index_cast %arg0 : i32 to index
    %get3A_1 = memref.load %arg1[%get3A, %get3A_0] : memref<3x32xi32, #tpu.memory_space<smem>>
    %c0_i32 = arith.constant 0 : i32
    %c0_i32_2 = arith.constant 0 : i32
    %c0_i32_3 = arith.constant 0 : i32
    return %get3A_1, %c0_i32, %c0_i32_2 : i32, i32, i32
  }
  func.func @transform_2(%arg0: i32, %arg1: memref<3x32xi32, #tpu.memory_space<smem>>) -> (i32, i32, i32) {
    %get3A = arith.constant 0 : index
    %get3A_0 = arith.index_cast %arg0 : i32 to index
    %get3A_1 = memref.load %arg1[%get3A, %get3A_0] : memref<3x32xi32, #tpu.memory_space<smem>>
    %c0_i32 = arith.constant 0 : i32
    %c0_i32_2 = arith.constant 0 : i32
    %c0_i32_3 = arith.constant 0 : i32
    return %get3A_1, %c0_i32, %c0_i32_2 : i32, i32, i32
  }
  func.func @transform_3(%arg0: i32, %arg1: memref<3x32xi32, #tpu.memory_space<smem>>) -> (i32, i32, i32) {
    %get3A = arith.constant 0 : index
    %get3A_0 = arith.index_cast %arg0 : i32 to index
    %get3A_1 = memref.load %arg1[%get3A, %get3A_0] : memref<3x32xi32, #tpu.memory_space<smem>>
    %c0_i32 = arith.constant 0 : i32
    %c0_i32_2 = arith.constant 0 : i32
    %c0_i32_3 = arith.constant 0 : i32
    return %get3A_1, %c0_i32, %c0_i32_2 : i32, i32, i32
  }
  func.func @transform_4(%arg0: i32, %arg1: memref<3x32xi32, #tpu.memory_space<smem>>) -> (i32, i32) {
    %get3A = arith.constant 2 : index
    %get3A_0 = arith.index_cast %arg0 : i32 to index
    %get3A_1 = memref.load %arg1[%get3A, %get3A_0] : memref<3x32xi32, #tpu.memory_space<smem>>
    %c0_i32 = arith.constant 0 : i32
    %c0_i32_2 = arith.constant 0 : i32
    return %get3A_1, %c0_i32 : i32, i32
  }
}

module attributes {stable_mosaic.version = 14 : i64} {
  func.func @_router_body(%arg0: memref<2048x768xf32, #tpu.memory_space<vmem>>, %arg1: memref<16x768xf32, #tpu.memory_space<vmem>>, %arg2: memref<16x1xf32, #tpu.memory_space<vmem>>, %arg3: memref<2048xi32, #tpu.memory_space<vmem>>, %arg4: memref<2048xi32, #tpu.memory_space<vmem>>, %arg5: memref<2048x16xf32, #tpu.memory_space<vmem>>, %arg6: memref<2048x16xf32, #tpu.memory_space<vmem>>, %arg7: memref<3x32xi32, #tpu.memory_space<vmem>>, %arg8: memref<1x1xf32, #tpu.memory_space<vmem>>, %arg9: memref<2048x384xf32, #tpu.memory_space<vmem>>) attributes {dimension_semantics = [], scalar_prefetch = 0 : i64, scratch_operands = 0 : i64, tpu.core_type = #tpu.core_type<tc>} {
    %get3A = arith.constant 0 : index
    %get3A_0 = arith.constant 0 : index
    %get3A_1 = vector.load %arg0[%get3A, %get3A_0] : memref<2048x768xf32, #tpu.memory_space<vmem>>, vector<2048x768xf32>
    %slice3A = vector.extract_strided_slice %get3A_1 {offsets = [0, 0], sizes = [2048, 384], strides = [1, 1]} : vector<2048x768xf32> to vector<2048x384xf32>
    %bitcast_convert_type3A = tpu.bitcast %slice3A : vector<2048x384xf32> -> vector<2048x384xi32>
    %slice3A_2 = vector.extract_strided_slice %get3A_1 {offsets = [0, 384], sizes = [2048, 384], strides = [1, 1]} : vector<2048x768xf32> to vector<2048x384xf32>
    %bitcast_convert_type3A_3 = tpu.bitcast %slice3A_2 : vector<2048x384xf32> -> vector<2048x384xi32>
    %add3A = arith.constant 32767 : i32
    %add3A_4 = vector.broadcast %add3A : i32 to vector<2048x384xi32>
    %add3A_5 = arith.addi %bitcast_convert_type3A, %add3A_4 : vector<2048x384xi32>
    %shift_right_logical3A = arith.constant 16 : i32
    %shift_right_logical3A_6 = vector.broadcast %shift_right_logical3A : i32 to vector<2048x384xi32>
    %shift_right_logical3A_7 = arith.shrui %bitcast_convert_type3A, %shift_right_logical3A_6 : vector<2048x384xi32>
    %and3A = arith.constant 1 : i32
    %and3A_8 = vector.broadcast %and3A : i32 to vector<2048x384xi32>
    %and3A_9 = arith.andi %shift_right_logical3A_7, %and3A_8 : vector<2048x384xi32>
    %add3A_10 = arith.addi %add3A_5, %and3A_9 : vector<2048x384xi32>
    %shift_right_logical3A_11 = arith.constant 16 : i32
    %shift_right_logical3A_12 = vector.broadcast %shift_right_logical3A_11 : i32 to vector<2048x384xi32>
    %shift_right_logical3A_13 = arith.shrui %add3A_10, %shift_right_logical3A_12 : vector<2048x384xi32>
    %add3A_14 = arith.constant 32767 : i32
    %add3A_15 = vector.broadcast %add3A_14 : i32 to vector<2048x384xi32>
    %add3A_16 = arith.addi %bitcast_convert_type3A_3, %add3A_15 : vector<2048x384xi32>
    %shift_right_logical3A_17 = arith.constant 16 : i32
    %shift_right_logical3A_18 = vector.broadcast %shift_right_logical3A_17 : i32 to vector<2048x384xi32>
    %shift_right_logical3A_19 = arith.shrui %bitcast_convert_type3A_3, %shift_right_logical3A_18 : vector<2048x384xi32>
    %and3A_20 = arith.constant 1 : i32
    %and3A_21 = vector.broadcast %and3A_20 : i32 to vector<2048x384xi32>
    %and3A_22 = arith.andi %shift_right_logical3A_19, %and3A_21 : vector<2048x384xi32>
    %add3A_23 = arith.addi %add3A_16, %and3A_22 : vector<2048x384xi32>
    %shift_right_logical3A_24 = arith.constant 16 : i32
    %shift_right_logical3A_25 = vector.broadcast %shift_right_logical3A_24 : i32 to vector<2048x384xi32>
    %shift_right_logical3A_26 = arith.shrui %add3A_23, %shift_right_logical3A_25 : vector<2048x384xi32>
    %shift_left3A = arith.constant 16 : i32
    %shift_left3A_27 = vector.broadcast %shift_left3A : i32 to vector<2048x384xi32>
    %shift_left3A_28 = arith.shli %shift_right_logical3A_26, %shift_left3A_27 : vector<2048x384xi32>
    %or3A = arith.ori %shift_left3A_28, %shift_right_logical3A_13 : vector<2048x384xi32>
    %bitcast_convert_type3A_29 = tpu.bitcast %or3A : vector<2048x384xi32> -> vector<2048x384xf32>
    %swap3A = arith.constant 0 : index
    %swap3A_30 = arith.constant 0 : index
    %swap3A_31 = vector.load %arg9[%swap3A, %swap3A_30] : memref<2048x384xf32, #tpu.memory_space<vmem>>, vector<2048x384xf32>
    tpu.vector_store %arg9[%swap3A, %swap3A_30], %bitcast_convert_type3A_29 {strides = array<i32>} : memref<2048x384xf32, #tpu.memory_space<vmem>>, vector<2048x384xf32>,
    %get3A_32 = arith.constant 0 : index
    %get3A_33 = arith.constant 0 : index
    %get3A_34 = vector.load %arg1[%get3A_32, %get3A_33] : memref<16x768xf32, #tpu.memory_space<vmem>>, vector<16x768xf32>
    %dot_general3A = arith.constant dense<0.000000e+00> : vector<16x2048xf32>
    %dot_general3A_35 = tpu.matmul %get3A_34, %get3A_1, %dot_general3A {dimension_numbers = #tpu.dot_dimension_numbers<[1], [1], [0], [0], [0, 0, 1, 0], [], []>, transpose_lhs_hint = false} : vector<16x768xf32>, vector<2048x768xf32>, vector<16x2048xf32> -> vector<16x2048xf32>
    %get3A_36 = arith.constant 0 : index
    %get3A_37 = arith.constant 0 : index
    %get3A_38 = vector.load %arg2[%get3A_36, %get3A_37] : memref<16x1xf32, #tpu.memory_space<vmem>>, vector<16x1xf32>
    %add3A_39 = vector.broadcast %get3A_38 : vector<16x1xf32> to vector<16x2048xf32>
    %add3A_40 = arith.addf %dot_general3A_35, %add3A_39 : vector<16x2048xf32>
    %iota3A = tpu.iota {dimensions = array<i32: 0>} : vector<16x2048xi32>
    %dot_general3A_41 = arith.constant dense<0.000000e+00> : vector<2048x16xf32>
    %dot_general3A_42 = tpu.matmul %get3A_1, %get3A_34, %dot_general3A_41 {dimension_numbers = #tpu.dot_dimension_numbers<[1], [1], [0], [0], [0, 0, 1, 0], [], []>, transpose_lhs_hint = false} : vector<2048x768xf32>, vector<16x768xf32>, vector<2048x16xf32> -> vector<2048x16xf32>
    %iota3A_43 = tpu.iota {dimensions = array<i32: 1>} : vector<2048x16xi32>
    %reduce_max3A = arith.constant dense<0xFF800000> : vector<2048xf32>
    %reduce_max3A_44 = vector.multi_reduction <maximumf>, %dot_general3A_42, %reduce_max3A [1] : vector<2048x16xf32> to vector<2048xf32>
    %broadcast_in_dim3A = vector.shape_cast %reduce_max3A_44 : vector<2048xf32> to vector<2048x1xf32>
    %eq3A = vector.broadcast %broadcast_in_dim3A : vector<2048x1xf32> to vector<2048x16xf32>
    %eq3A_45 = arith.cmpf oeq, %dot_general3A_42, %eq3A : vector<2048x16xf32>
    %jit3A = arith.constant 16 : i32
    %broadcast_in_dim3A_46 = vector.broadcast %jit3A : i32 to vector<2048x16xi32>
    %select_n3A = arith.select %eq3A_45, %iota3A_43, %broadcast_in_dim3A_46 : vector<2048x16xi1>, vector<2048x16xi32>
    %reduce_min3A = arith.constant dense<2147483647> : vector<2048xi32>
    %reduce_min3A_47 = vector.multi_reduction <minsi>, %select_n3A, %reduce_min3A [1] : vector<2048x16xi32> to vector<2048xi32>
    %broadcast_in_dim3A_48 = vector.shape_cast %reduce_min3A_47 : vector<2048xi32> to vector<2048x1xi32>
    %eq3A_49 = vector.broadcast %broadcast_in_dim3A_48 : vector<2048x1xi32> to vector<2048x16xi32>
    %eq3A_50 = arith.cmpi eq, %iota3A_43, %eq3A_49 : vector<2048x16xi32>
    %jit3A_51 = arith.constant 0xFF800000 : f32
    %broadcast_in_dim3A_52 = vector.broadcast %jit3A_51 : f32 to vector<2048x16xf32>
    %select_n3A_53 = arith.select %eq3A_50, %broadcast_in_dim3A_52, %dot_general3A_42 : vector<2048x16xi1>, vector<2048x16xf32>
    %reduce_max3A_54 = arith.constant dense<0xFF800000> : vector<2048xf32>
    %reduce_max3A_55 = vector.multi_reduction <maximumf>, %select_n3A_53, %reduce_max3A_54 [1] : vector<2048x16xf32> to vector<2048xf32>
    %broadcast_in_dim3A_56 = vector.shape_cast %reduce_max3A_55 : vector<2048xf32> to vector<2048x1xf32>
    %logistic3A = arith.negf %broadcast_in_dim3A : vector<2048x1xf32>
    %logistic3A_57 = math.exp %logistic3A : vector<2048x1xf32>
    %logistic3A_58 = arith.constant 1.000000e+00 : f32
    %logistic3A_59 = vector.broadcast %logistic3A_58 : f32 to vector<2048x1xf32>
    %logistic3A_60 = arith.addf %logistic3A_59, %logistic3A_57 : vector<2048x1xf32>
    %logistic3A_61 = arith.divf %logistic3A_59, %logistic3A_60 : vector<2048x1xf32>
    %logistic3A_62 = arith.negf %broadcast_in_dim3A_56 : vector<2048x1xf32>
    %logistic3A_63 = math.exp %logistic3A_62 : vector<2048x1xf32>
    %logistic3A_64 = arith.constant 1.000000e+00 : f32
    %logistic3A_65 = vector.broadcast %logistic3A_64 : f32 to vector<2048x1xf32>
    %logistic3A_66 = arith.addf %logistic3A_65, %logistic3A_63 : vector<2048x1xf32>
    %logistic3A_67 = arith.divf %logistic3A_65, %logistic3A_66 : vector<2048x1xf32>
    %add3A_68 = arith.addf %logistic3A_61, %logistic3A_67 : vector<2048x1xf32>
    %div3A = arith.divf %logistic3A_61, %add3A_68 : vector<2048x1xf32>
    %broadcast_in_dim3A_69 = vector.shape_cast %div3A : vector<2048x1xf32> to vector<2048x1xf32>
    %broadcast_in_dim3A_70 = vector.broadcast %broadcast_in_dim3A_69 : vector<2048x1xf32> to vector<2048x16xf32>
    %swap3A_71 = arith.constant 0 : index
    %swap3A_72 = arith.constant 0 : index
    %swap3A_73 = vector.load %arg5[%swap3A_71, %swap3A_72] : memref<2048x16xf32, #tpu.memory_space<vmem>>, vector<2048x16xf32>
    tpu.vector_store %arg5[%swap3A_71, %swap3A_72], %broadcast_in_dim3A_70 {strides = array<i32>} : memref<2048x16xf32, #tpu.memory_space<vmem>>, vector<2048x16xf32>,
    %add3A_74 = arith.addf %logistic3A_61, %logistic3A_67 : vector<2048x1xf32>
    %div3A_75 = arith.divf %logistic3A_67, %add3A_74 : vector<2048x1xf32>
    %broadcast_in_dim3A_76 = vector.shape_cast %div3A_75 : vector<2048x1xf32> to vector<2048x1xf32>
    %broadcast_in_dim3A_77 = vector.broadcast %broadcast_in_dim3A_76 : vector<2048x1xf32> to vector<2048x16xf32>
    %swap3A_78 = arith.constant 0 : index
    %swap3A_79 = arith.constant 0 : index
    %swap3A_80 = vector.load %arg6[%swap3A_78, %swap3A_79] : memref<2048x16xf32, #tpu.memory_space<vmem>>, vector<2048x16xf32>
    tpu.vector_store %arg6[%swap3A_78, %swap3A_79], %broadcast_in_dim3A_77 {strides = array<i32>} : memref<2048x16xf32, #tpu.memory_space<vmem>>, vector<2048x16xf32>,
    %reduce_max3A_81 = arith.constant dense<0xFF800000> : vector<2048xf32>
    %reduce_max3A_82 = vector.multi_reduction <maximumf>, %add3A_40, %reduce_max3A_81 [0] : vector<16x2048xf32> to vector<2048xf32>
    %broadcast_in_dim3A_83 = vector.shape_cast %reduce_max3A_82 : vector<2048xf32> to vector<1x2048xf32>
    %eq3A_84 = vector.broadcast %broadcast_in_dim3A_83 : vector<1x2048xf32> to vector<16x2048xf32>
    %eq3A_85 = arith.cmpf oeq, %add3A_40, %eq3A_84 : vector<16x2048xf32>
    %jit3A_86 = arith.constant 16 : i32
    %broadcast_in_dim3A_87 = vector.broadcast %jit3A_86 : i32 to vector<16x2048xi32>
    %select_n3A_88 = arith.select %eq3A_85, %iota3A, %broadcast_in_dim3A_87 : vector<16x2048xi1>, vector<16x2048xi32>
    %reduce_min3A_89 = arith.constant dense<2147483647> : vector<2048xi32>
    %reduce_min3A_90 = vector.multi_reduction <minsi>, %select_n3A_88, %reduce_min3A_89 [0] : vector<16x2048xi32> to vector<2048xi32>
    %broadcast_in_dim3A_91 = vector.shape_cast %reduce_min3A_90 : vector<2048xi32> to vector<1x2048xi32>
    %eq3A_92 = vector.broadcast %broadcast_in_dim3A_91 : vector<1x2048xi32> to vector<16x2048xi32>
    %eq3A_93 = arith.cmpi eq, %iota3A, %eq3A_92 : vector<16x2048xi32>
    %jit3A_94 = arith.constant 0xFF800000 : f32
    %broadcast_in_dim3A_95 = vector.broadcast %jit3A_94 : f32 to vector<16x2048xf32>
    %select_n3A_96 = arith.select %eq3A_93, %broadcast_in_dim3A_95, %add3A_40 : vector<16x2048xi1>, vector<16x2048xf32>
    %reduce_max3A_97 = arith.constant dense<0xFF800000> : vector<2048xf32>
    %reduce_max3A_98 = vector.multi_reduction <maximumf>, %select_n3A_96, %reduce_max3A_97 [0] : vector<16x2048xf32> to vector<2048xf32>
    %broadcast_in_dim3A_99 = vector.shape_cast %reduce_max3A_98 : vector<2048xf32> to vector<1x2048xf32>
    %eq3A_100 = vector.broadcast %broadcast_in_dim3A_99 : vector<1x2048xf32> to vector<16x2048xf32>
    %eq3A_101 = arith.cmpf oeq, %select_n3A_96, %eq3A_100 : vector<16x2048xf32>
    %jit3A_102 = arith.constant 16 : i32
    %broadcast_in_dim3A_103 = vector.broadcast %jit3A_102 : i32 to vector<16x2048xi32>
    %select_n3A_104 = arith.select %eq3A_101, %iota3A, %broadcast_in_dim3A_103 : vector<16x2048xi1>, vector<16x2048xi32>
    %reduce_min3A_105 = arith.constant dense<2147483647> : vector<2048xi32>
    %reduce_min3A_106 = vector.multi_reduction <minsi>, %select_n3A_104, %reduce_min3A_105 [0] : vector<16x2048xi32> to vector<2048xi32>
    %broadcast_in_dim3A_107 = vector.shape_cast %reduce_min3A_106 : vector<2048xi32> to vector<1x2048xi32>
    %eq3A_108 = vector.broadcast %broadcast_in_dim3A_91 : vector<1x2048xi32> to vector<16x2048xi32>
    %eq3A_109 = arith.cmpi eq, %iota3A, %eq3A_108 : vector<16x2048xi32>
    %convert_element_type3A = arith.extui %eq3A_109 : vector<16x2048xi1> to vector<16x2048xi32>
    %convert_element_type3A_110 = arith.sitofp %convert_element_type3A : vector<16x2048xi32> to vector<16x2048xf32>
    %eq3A_111 = vector.broadcast %broadcast_in_dim3A_107 : vector<1x2048xi32> to vector<16x2048xi32>
    %eq3A_112 = arith.cmpi eq, %iota3A, %eq3A_111 : vector<16x2048xi32>
    %convert_element_type3A_113 = arith.extui %eq3A_112 : vector<16x2048xi1> to vector<16x2048xi32>
    %convert_element_type3A_114 = arith.sitofp %convert_element_type3A_113 : vector<16x2048xi32> to vector<16x2048xf32>
    %broadcast_in_dim3A_115 = arith.constant 0.000000e+00 : f32
    %broadcast_in_dim3A_116 = vector.broadcast %broadcast_in_dim3A_115 : f32 to vector<16x1xf32>
    %slice3A_117 = vector.extract_strided_slice %convert_element_type3A_110 {offsets = [0, 0], sizes = [16, 2047], strides = [1, 1]} : vector<16x2048xf32> to vector<16x2047xf32>
    %concatenate3A = tpu.concatenate %broadcast_in_dim3A_116, %slice3A_117 in 1 : vector<16x1xf32>, vector<16x2047xf32> -> vector<16x2048xf32>
    %add3A_118 = arith.addf %convert_element_type3A_110, %concatenate3A : vector<16x2048xf32>
    %broadcast_in_dim3A_119 = arith.constant 0.000000e+00 : f32
    %broadcast_in_dim3A_120 = vector.broadcast %broadcast_in_dim3A_119 : f32 to vector<16x2xf32>
    %slice3A_121 = vector.extract_strided_slice %add3A_118 {offsets = [0, 0], sizes = [16, 2046], strides = [1, 1]} : vector<16x2048xf32> to vector<16x2046xf32>
    %concatenate3A_122 = tpu.concatenate %broadcast_in_dim3A_120, %slice3A_121 in 1 : vector<16x2xf32>, vector<16x2046xf32> -> vector<16x2048xf32>
    %add3A_123 = arith.addf %add3A_118, %concatenate3A_122 : vector<16x2048xf32>
    %broadcast_in_dim3A_124 = arith.constant 0.000000e+00 : f32
    %broadcast_in_dim3A_125 = vector.broadcast %broadcast_in_dim3A_124 : f32 to vector<16x4xf32>
    %slice3A_126 = vector.extract_strided_slice %add3A_123 {offsets = [0, 0], sizes = [16, 2044], strides = [1, 1]} : vector<16x2048xf32> to vector<16x2044xf32>
    %concatenate3A_127 = tpu.concatenate %broadcast_in_dim3A_125, %slice3A_126 in 1 : vector<16x4xf32>, vector<16x2044xf32> -> vector<16x2048xf32>
    %add3A_128 = arith.addf %add3A_123, %concatenate3A_127 : vector<16x2048xf32>
    %broadcast_in_dim3A_129 = arith.constant 0.000000e+00 : f32
    %broadcast_in_dim3A_130 = vector.broadcast %broadcast_in_dim3A_129 : f32 to vector<16x8xf32>
    %slice3A_131 = vector.extract_strided_slice %add3A_128 {offsets = [0, 0], sizes = [16, 2040], strides = [1, 1]} : vector<16x2048xf32> to vector<16x2040xf32>
    %concatenate3A_132 = tpu.concatenate %broadcast_in_dim3A_130, %slice3A_131 in 1 : vector<16x8xf32>, vector<16x2040xf32> -> vector<16x2048xf32>
    %add3A_133 = arith.addf %add3A_128, %concatenate3A_132 : vector<16x2048xf32>
    %broadcast_in_dim3A_134 = arith.constant 0.000000e+00 : f32
    %broadcast_in_dim3A_135 = vector.broadcast %broadcast_in_dim3A_134 : f32 to vector<16x16xf32>
    %slice3A_136 = vector.extract_strided_slice %add3A_133 {offsets = [0, 0], sizes = [16, 2032], strides = [1, 1]} : vector<16x2048xf32> to vector<16x2032xf32>
    %concatenate3A_137 = tpu.concatenate %broadcast_in_dim3A_135, %slice3A_136 in 1 : vector<16x16xf32>, vector<16x2032xf32> -> vector<16x2048xf32>
    %add3A_138 = arith.addf %add3A_133, %concatenate3A_137 : vector<16x2048xf32>
    %broadcast_in_dim3A_139 = arith.constant 0.000000e+00 : f32
    %broadcast_in_dim3A_140 = vector.broadcast %broadcast_in_dim3A_139 : f32 to vector<16x32xf32>
    %slice3A_141 = vector.extract_strided_slice %add3A_138 {offsets = [0, 0], sizes = [16, 2016], strides = [1, 1]} : vector<16x2048xf32> to vector<16x2016xf32>
    %concatenate3A_142 = tpu.concatenate %broadcast_in_dim3A_140, %slice3A_141 in 1 : vector<16x32xf32>, vector<16x2016xf32> -> vector<16x2048xf32>
    %add3A_143 = arith.addf %add3A_138, %concatenate3A_142 : vector<16x2048xf32>
    %broadcast_in_dim3A_144 = arith.constant 0.000000e+00 : f32
    %broadcast_in_dim3A_145 = vector.broadcast %broadcast_in_dim3A_144 : f32 to vector<16x64xf32>
    %slice3A_146 = vector.extract_strided_slice %add3A_143 {offsets = [0, 0], sizes = [16, 1984], strides = [1, 1]} : vector<16x2048xf32> to vector<16x1984xf32>
    %concatenate3A_147 = tpu.concatenate %broadcast_in_dim3A_145, %slice3A_146 in 1 : vector<16x64xf32>, vector<16x1984xf32> -> vector<16x2048xf32>
    %add3A_148 = arith.addf %add3A_143, %concatenate3A_147 : vector<16x2048xf32>
    %broadcast_in_dim3A_149 = arith.constant 0.000000e+00 : f32
    %broadcast_in_dim3A_150 = vector.broadcast %broadcast_in_dim3A_149 : f32 to vector<16x128xf32>
    %slice3A_151 = vector.extract_strided_slice %add3A_148 {offsets = [0, 0], sizes = [16, 1920], strides = [1, 1]} : vector<16x2048xf32> to vector<16x1920xf32>
    %concatenate3A_152 = tpu.concatenate %broadcast_in_dim3A_150, %slice3A_151 in 1 : vector<16x128xf32>, vector<16x1920xf32> -> vector<16x2048xf32>
    %add3A_153 = arith.addf %add3A_148, %concatenate3A_152 : vector<16x2048xf32>
    %broadcast_in_dim3A_154 = arith.constant 0.000000e+00 : f32
    %broadcast_in_dim3A_155 = vector.broadcast %broadcast_in_dim3A_154 : f32 to vector<16x256xf32>
    %slice3A_156 = vector.extract_strided_slice %add3A_153 {offsets = [0, 0], sizes = [16, 1792], strides = [1, 1]} : vector<16x2048xf32> to vector<16x1792xf32>
    %concatenate3A_157 = tpu.concatenate %broadcast_in_dim3A_155, %slice3A_156 in 1 : vector<16x256xf32>, vector<16x1792xf32> -> vector<16x2048xf32>
    %add3A_158 = arith.addf %add3A_153, %concatenate3A_157 : vector<16x2048xf32>
    %broadcast_in_dim3A_159 = arith.constant 0.000000e+00 : f32
    %broadcast_in_dim3A_160 = vector.broadcast %broadcast_in_dim3A_159 : f32 to vector<16x512xf32>
    %slice3A_161 = vector.extract_strided_slice %add3A_158 {offsets = [0, 0], sizes = [16, 1536], strides = [1, 1]} : vector<16x2048xf32> to vector<16x1536xf32>
    %concatenate3A_162 = tpu.concatenate %broadcast_in_dim3A_160, %slice3A_161 in 1 : vector<16x512xf32>, vector<16x1536xf32> -> vector<16x2048xf32>
    %add3A_163 = arith.addf %add3A_158, %concatenate3A_162 : vector<16x2048xf32>
    %broadcast_in_dim3A_164 = arith.constant 0.000000e+00 : f32
    %broadcast_in_dim3A_165 = vector.broadcast %broadcast_in_dim3A_164 : f32 to vector<16x1024xf32>
    %slice3A_166 = vector.extract_strided_slice %add3A_163 {offsets = [0, 0], sizes = [16, 1024], strides = [1, 1]} : vector<16x2048xf32> to vector<16x1024xf32>
    %concatenate3A_167 = tpu.concatenate %broadcast_in_dim3A_165, %slice3A_166 in 1 : vector<16x1024xf32>, vector<16x1024xf32> -> vector<16x2048xf32>
    %add3A_168 = arith.addf %add3A_163, %concatenate3A_167 : vector<16x2048xf32>
    %broadcast_in_dim3A_169 = arith.constant 0.000000e+00 : f32
    %broadcast_in_dim3A_170 = vector.broadcast %broadcast_in_dim3A_169 : f32 to vector<16x1xf32>
    %slice3A_171 = vector.extract_strided_slice %convert_element_type3A_114 {offsets = [0, 0], sizes = [16, 2047], strides = [1, 1]} : vector<16x2048xf32> to vector<16x2047xf32>
    %concatenate3A_172 = tpu.concatenate %broadcast_in_dim3A_170, %slice3A_171 in 1 : vector<16x1xf32>, vector<16x2047xf32> -> vector<16x2048xf32>
    %add3A_173 = arith.addf %convert_element_type3A_114, %concatenate3A_172 : vector<16x2048xf32>
    %broadcast_in_dim3A_174 = arith.constant 0.000000e+00 : f32
    %broadcast_in_dim3A_175 = vector.broadcast %broadcast_in_dim3A_174 : f32 to vector<16x2xf32>
    %slice3A_176 = vector.extract_strided_slice %add3A_173 {offsets = [0, 0], sizes = [16, 2046], strides = [1, 1]} : vector<16x2048xf32> to vector<16x2046xf32>
    %concatenate3A_177 = tpu.concatenate %broadcast_in_dim3A_175, %slice3A_176 in 1 : vector<16x2xf32>, vector<16x2046xf32> -> vector<16x2048xf32>
    %add3A_178 = arith.addf %add3A_173, %concatenate3A_177 : vector<16x2048xf32>
    %broadcast_in_dim3A_179 = arith.constant 0.000000e+00 : f32
    %broadcast_in_dim3A_180 = vector.broadcast %broadcast_in_dim3A_179 : f32 to vector<16x4xf32>
    %slice3A_181 = vector.extract_strided_slice %add3A_178 {offsets = [0, 0], sizes = [16, 2044], strides = [1, 1]} : vector<16x2048xf32> to vector<16x2044xf32>
    %concatenate3A_182 = tpu.concatenate %broadcast_in_dim3A_180, %slice3A_181 in 1 : vector<16x4xf32>, vector<16x2044xf32> -> vector<16x2048xf32>
    %add3A_183 = arith.addf %add3A_178, %concatenate3A_182 : vector<16x2048xf32>
    %broadcast_in_dim3A_184 = arith.constant 0.000000e+00 : f32
    %broadcast_in_dim3A_185 = vector.broadcast %broadcast_in_dim3A_184 : f32 to vector<16x8xf32>
    %slice3A_186 = vector.extract_strided_slice %add3A_183 {offsets = [0, 0], sizes = [16, 2040], strides = [1, 1]} : vector<16x2048xf32> to vector<16x2040xf32>
    %concatenate3A_187 = tpu.concatenate %broadcast_in_dim3A_185, %slice3A_186 in 1 : vector<16x8xf32>, vector<16x2040xf32> -> vector<16x2048xf32>
    %add3A_188 = arith.addf %add3A_183, %concatenate3A_187 : vector<16x2048xf32>
    %broadcast_in_dim3A_189 = arith.constant 0.000000e+00 : f32
    %broadcast_in_dim3A_190 = vector.broadcast %broadcast_in_dim3A_189 : f32 to vector<16x16xf32>
    %slice3A_191 = vector.extract_strided_slice %add3A_188 {offsets = [0, 0], sizes = [16, 2032], strides = [1, 1]} : vector<16x2048xf32> to vector<16x2032xf32>
    %concatenate3A_192 = tpu.concatenate %broadcast_in_dim3A_190, %slice3A_191 in 1 : vector<16x16xf32>, vector<16x2032xf32> -> vector<16x2048xf32>
    %add3A_193 = arith.addf %add3A_188, %concatenate3A_192 : vector<16x2048xf32>
    %broadcast_in_dim3A_194 = arith.constant 0.000000e+00 : f32
    %broadcast_in_dim3A_195 = vector.broadcast %broadcast_in_dim3A_194 : f32 to vector<16x32xf32>
    %slice3A_196 = vector.extract_strided_slice %add3A_193 {offsets = [0, 0], sizes = [16, 2016], strides = [1, 1]} : vector<16x2048xf32> to vector<16x2016xf32>
    %concatenate3A_197 = tpu.concatenate %broadcast_in_dim3A_195, %slice3A_196 in 1 : vector<16x32xf32>, vector<16x2016xf32> -> vector<16x2048xf32>
    %add3A_198 = arith.addf %add3A_193, %concatenate3A_197 : vector<16x2048xf32>
    %broadcast_in_dim3A_199 = arith.constant 0.000000e+00 : f32
    %broadcast_in_dim3A_200 = vector.broadcast %broadcast_in_dim3A_199 : f32 to vector<16x64xf32>
    %slice3A_201 = vector.extract_strided_slice %add3A_198 {offsets = [0, 0], sizes = [16, 1984], strides = [1, 1]} : vector<16x2048xf32> to vector<16x1984xf32>
    %concatenate3A_202 = tpu.concatenate %broadcast_in_dim3A_200, %slice3A_201 in 1 : vector<16x64xf32>, vector<16x1984xf32> -> vector<16x2048xf32>
    %add3A_203 = arith.addf %add3A_198, %concatenate3A_202 : vector<16x2048xf32>
    %broadcast_in_dim3A_204 = arith.constant 0.000000e+00 : f32
    %broadcast_in_dim3A_205 = vector.broadcast %broadcast_in_dim3A_204 : f32 to vector<16x128xf32>
    %slice3A_206 = vector.extract_strided_slice %add3A_203 {offsets = [0, 0], sizes = [16, 1920], strides = [1, 1]} : vector<16x2048xf32> to vector<16x1920xf32>
    %concatenate3A_207 = tpu.concatenate %broadcast_in_dim3A_205, %slice3A_206 in 1 : vector<16x128xf32>, vector<16x1920xf32> -> vector<16x2048xf32>
    %add3A_208 = arith.addf %add3A_203, %concatenate3A_207 : vector<16x2048xf32>
    %broadcast_in_dim3A_209 = arith.constant 0.000000e+00 : f32
    %broadcast_in_dim3A_210 = vector.broadcast %broadcast_in_dim3A_209 : f32 to vector<16x256xf32>
    %slice3A_211 = vector.extract_strided_slice %add3A_208 {offsets = [0, 0], sizes = [16, 1792], strides = [1, 1]} : vector<16x2048xf32> to vector<16x1792xf32>
    %concatenate3A_212 = tpu.concatenate %broadcast_in_dim3A_210, %slice3A_211 in 1 : vector<16x256xf32>, vector<16x1792xf32> -> vector<16x2048xf32>
    %add3A_213 = arith.addf %add3A_208, %concatenate3A_212 : vector<16x2048xf32>
    %broadcast_in_dim3A_214 = arith.constant 0.000000e+00 : f32
    %broadcast_in_dim3A_215 = vector.broadcast %broadcast_in_dim3A_214 : f32 to vector<16x512xf32>
    %slice3A_216 = vector.extract_strided_slice %add3A_213 {offsets = [0, 0], sizes = [16, 1536], strides = [1, 1]} : vector<16x2048xf32> to vector<16x1536xf32>
    %concatenate3A_217 = tpu.concatenate %broadcast_in_dim3A_215, %slice3A_216 in 1 : vector<16x512xf32>, vector<16x1536xf32> -> vector<16x2048xf32>
    %add3A_218 = arith.addf %add3A_213, %concatenate3A_217 : vector<16x2048xf32>
    %broadcast_in_dim3A_219 = arith.constant 0.000000e+00 : f32
    %broadcast_in_dim3A_220 = vector.broadcast %broadcast_in_dim3A_219 : f32 to vector<16x1024xf32>
    %slice3A_221 = vector.extract_strided_slice %add3A_218 {offsets = [0, 0], sizes = [16, 1024], strides = [1, 1]} : vector<16x2048xf32> to vector<16x1024xf32>
    %concatenate3A_222 = tpu.concatenate %broadcast_in_dim3A_220, %slice3A_221 in 1 : vector<16x1024xf32>, vector<16x1024xf32> -> vector<16x2048xf32>
    %add3A_223 = arith.addf %add3A_218, %concatenate3A_222 : vector<16x2048xf32>
    %sub3A = arith.subf %add3A_168, %convert_element_type3A_110 : vector<16x2048xf32>
    %mul3A = arith.mulf %sub3A, %convert_element_type3A_110 : vector<16x2048xf32>
    %reduce_sum3A = arith.constant dense<0.000000e+00> : vector<2048xf32>
    %reduce_sum3A_224 = vector.multi_reduction <add>, %mul3A, %reduce_sum3A [0] : vector<16x2048xf32> to vector<2048xf32>
    %broadcast_in_dim3A_225 = vector.shape_cast %reduce_sum3A_224 : vector<2048xf32> to vector<1x2048xf32>
    %sub3A_226 = arith.subf %add3A_223, %convert_element_type3A_114 : vector<16x2048xf32>
    %mul3A_227 = arith.mulf %sub3A_226, %convert_element_type3A_114 : vector<16x2048xf32>
    %reduce_sum3A_228 = arith.constant dense<0.000000e+00> : vector<2048xf32>
    %reduce_sum3A_229 = vector.multi_reduction <add>, %mul3A_227, %reduce_sum3A_228 [0] : vector<16x2048xf32> to vector<2048xf32>
    %broadcast_in_dim3A_230 = vector.shape_cast %reduce_sum3A_229 : vector<2048xf32> to vector<1x2048xf32>
    %reduce_sum3A_231 = arith.constant dense<0.000000e+00> : vector<16xf32>
    %reduce_sum3A_232 = vector.multi_reduction <add>, %convert_element_type3A_110, %reduce_sum3A_231 [1] : vector<16x2048xf32> to vector<16xf32>
    %broadcast_in_dim3A_233 = vector.shape_cast %reduce_sum3A_232 : vector<16xf32> to vector<16x1xf32>
    %reduce_sum3A_234 = arith.constant dense<0.000000e+00> : vector<16xf32>
    %reduce_sum3A_235 = vector.multi_reduction <add>, %convert_element_type3A_114, %reduce_sum3A_234 [1] : vector<16x2048xf32> to vector<16xf32>
    %broadcast_in_dim3A_236 = vector.shape_cast %reduce_sum3A_235 : vector<16xf32> to vector<16x1xf32>
    %add3A_237 = arith.addf %broadcast_in_dim3A_233, %broadcast_in_dim3A_236 : vector<16x1xf32>
    %mul3A_238 = arith.constant 3.906250e-03 : f32
    %mul3A_239 = vector.broadcast %mul3A_238 : f32 to vector<16x1xf32>
    %mul3A_240 = arith.mulf %add3A_237, %mul3A_239 : vector<16x1xf32>
    %ceil3A = math.ceil %mul3A_240 : vector<16x1xf32>
    %mul3A_241 = arith.constant 2.560000e+02 : f32
    %mul3A_242 = vector.broadcast %mul3A_241 : f32 to vector<16x1xf32>
    %mul3A_243 = arith.mulf %ceil3A, %mul3A_242 : vector<16x1xf32>
    %broadcast_in_dim3A_244 = arith.constant 0.000000e+00 : f32
    %broadcast_in_dim3A_245 = vector.broadcast %broadcast_in_dim3A_244 : f32 to vector<1x1xf32>
    %slice3A_246 = vector.extract_strided_slice %mul3A_243 {offsets = [0, 0], sizes = [15, 1], strides = [1, 1]} : vector<16x1xf32> to vector<15x1xf32>
    %concatenate3A_247 = tpu.concatenate %broadcast_in_dim3A_245, %slice3A_246 in 0 : vector<1x1xf32>, vector<15x1xf32> -> vector<16x1xf32>
    %add3A_248 = arith.addf %mul3A_243, %concatenate3A_247 : vector<16x1xf32>
    %broadcast_in_dim3A_249 = arith.constant 0.000000e+00 : f32
    %broadcast_in_dim3A_250 = vector.broadcast %broadcast_in_dim3A_249 : f32 to vector<2x1xf32>
    %slice3A_251 = vector.extract_strided_slice %add3A_248 {offsets = [0, 0], sizes = [14, 1], strides = [1, 1]} : vector<16x1xf32> to vector<14x1xf32>
    %concatenate3A_252 = tpu.concatenate %broadcast_in_dim3A_250, %slice3A_251 in 0 : vector<2x1xf32>, vector<14x1xf32> -> vector<16x1xf32>
    %add3A_253 = arith.addf %add3A_248, %concatenate3A_252 : vector<16x1xf32>
    %broadcast_in_dim3A_254 = arith.constant 0.000000e+00 : f32
    %broadcast_in_dim3A_255 = vector.broadcast %broadcast_in_dim3A_254 : f32 to vector<4x1xf32>
    %slice3A_256 = vector.extract_strided_slice %add3A_253 {offsets = [0, 0], sizes = [12, 1], strides = [1, 1]} : vector<16x1xf32> to vector<12x1xf32>
    %concatenate3A_257 = tpu.concatenate %broadcast_in_dim3A_255, %slice3A_256 in 0 : vector<4x1xf32>, vector<12x1xf32> -> vector<16x1xf32>
    %add3A_258 = arith.addf %add3A_253, %concatenate3A_257 : vector<16x1xf32>
    %broadcast_in_dim3A_259 = arith.constant 0.000000e+00 : f32
    %broadcast_in_dim3A_260 = vector.broadcast %broadcast_in_dim3A_259 : f32 to vector<8x1xf32>
    %slice3A_261 = vector.extract_strided_slice %add3A_258 {offsets = [0, 0], sizes = [8, 1], strides = [1, 1]} : vector<16x1xf32> to vector<8x1xf32>
    %concatenate3A_262 = tpu.concatenate %broadcast_in_dim3A_260, %slice3A_261 in 0 : vector<8x1xf32>, vector<8x1xf32> -> vector<16x1xf32>
    %add3A_263 = arith.addf %add3A_258, %concatenate3A_262 : vector<16x1xf32>
    %sub3A_264 = arith.subf %add3A_263, %mul3A_243 : vector<16x1xf32>
    %mul3A_265 = vector.broadcast %sub3A_264 : vector<16x1xf32> to vector<16x2048xf32>
    %mul3A_266 = arith.mulf %mul3A_265, %convert_element_type3A_110 : vector<16x2048xf32>
    %reduce_sum3A_267 = arith.constant dense<0.000000e+00> : vector<2048xf32>
    %reduce_sum3A_268 = vector.multi_reduction <add>, %mul3A_266, %reduce_sum3A_267 [0] : vector<16x2048xf32> to vector<2048xf32>
    %broadcast_in_dim3A_269 = vector.shape_cast %reduce_sum3A_268 : vector<2048xf32> to vector<1x2048xf32>
    %add3A_270 = arith.addf %sub3A_264, %broadcast_in_dim3A_233 : vector<16x1xf32>
    %mul3A_271 = vector.broadcast %add3A_270 : vector<16x1xf32> to vector<16x2048xf32>
    %mul3A_272 = arith.mulf %mul3A_271, %convert_element_type3A_114 : vector<16x2048xf32>
    %reduce_sum3A_273 = arith.constant dense<0.000000e+00> : vector<2048xf32>
    %reduce_sum3A_274 = vector.multi_reduction <add>, %mul3A_272, %reduce_sum3A_273 [0] : vector<16x2048xf32> to vector<2048xf32>
    %broadcast_in_dim3A_275 = vector.shape_cast %reduce_sum3A_274 : vector<2048xf32> to vector<1x2048xf32>
    %add3A_276 = arith.addf %broadcast_in_dim3A_269, %broadcast_in_dim3A_225 : vector<1x2048xf32>
    %convert_element_type3A_277 = arith.fptosi %add3A_276 : vector<1x2048xf32> to vector<1x2048xi32>
    %reshape3A = vector.shape_cast %convert_element_type3A_277 : vector<1x2048xi32> to vector<2048xi32>
    %swap3A_278 = arith.constant 0 : index
    %swap3A_279 = vector.load %arg3[%swap3A_278] : memref<2048xi32, #tpu.memory_space<vmem>>, vector<2048xi32>
    tpu.vector_store %arg3[%swap3A_278], %reshape3A {strides = array<i32>} : memref<2048xi32, #tpu.memory_space<vmem>>, vector<2048xi32>,
    %add3A_280 = arith.addf %broadcast_in_dim3A_275, %broadcast_in_dim3A_230 : vector<1x2048xf32>
    %convert_element_type3A_281 = arith.fptosi %add3A_280 : vector<1x2048xf32> to vector<1x2048xi32>
    %reshape3A_282 = vector.shape_cast %convert_element_type3A_281 : vector<1x2048xi32> to vector<2048xi32>
    %swap3A_283 = arith.constant 0 : index
    %swap3A_284 = vector.load %arg4[%swap3A_283] : memref<2048xi32, #tpu.memory_space<vmem>>, vector<2048xi32>
    tpu.vector_store %arg4[%swap3A_283], %reshape3A_282 {strides = array<i32>} : memref<2048xi32, #tpu.memory_space<vmem>>, vector<2048xi32>,
    %reduce_sum3A_285 = arith.constant dense<0.000000e+00> : vector<1xf32>
    %reduce_sum3A_286 = vector.multi_reduction <add>, %mul3A_243, %reduce_sum3A_285 [0] : vector<16x1xf32> to vector<1xf32>
    %broadcast_in_dim3A_287 = vector.shape_cast %reduce_sum3A_286 : vector<1xf32> to vector<1x1xf32>
    %iota3A_288 = tpu.iota {dimensions = array<i32: 1>} : vector<1x32xi32>
    %mul3A_289 = arith.constant 256 : i32
    %mul3A_290 = vector.broadcast %mul3A_289 : i32 to vector<1x32xi32>
    %mul3A_291 = arith.muli %iota3A_288, %mul3A_290 : vector<1x32xi32>
    %convert_element_type3A_292 = arith.sitofp %mul3A_291 : vector<1x32xi32> to vector<1x32xf32>
    %ge3A = vector.broadcast %convert_element_type3A_292 : vector<1x32xf32> to vector<16x32xf32>
    %ge3A_293 = vector.broadcast %sub3A_264 : vector<16x1xf32> to vector<16x32xf32>
    %ge3A_294 = arith.cmpf oge, %ge3A, %ge3A_293 : vector<16x32xf32>
    %convert_element_type3A_295 = arith.extui %ge3A_294 : vector<16x32xi1> to vector<16x32xi32>
    %reduce_sum3A_296 = arith.constant dense<0> : vector<32xi32>
    %reduce_sum3A_297 = vector.multi_reduction <add>, %convert_element_type3A_295, %reduce_sum3A_296 [0] : vector<16x32xi32> to vector<32xi32>
    %broadcast_in_dim3A_298 = vector.shape_cast %reduce_sum3A_297 : vector<32xi32> to vector<1x32xi32>
    %sub3A_299 = arith.constant 1 : i32
    %sub3A_300 = vector.broadcast %sub3A_299 : i32 to vector<1x32xi32>
    %sub3A_301 = arith.subi %broadcast_in_dim3A_298, %sub3A_300 : vector<1x32xi32>
    %iota3A_302 = tpu.iota {dimensions = array<i32: 1>} : vector<1x32xi32>
    %lt3A = vector.broadcast %broadcast_in_dim3A_287 : vector<1x1xf32> to vector<1x32xf32>
    %lt3A_303 = arith.cmpf olt, %convert_element_type3A_292, %lt3A : vector<1x32xf32>
    %convert_element_type3A_304 = arith.extui %lt3A_303 : vector<1x32xi1> to vector<1x32xi32>
    %reduce_sum3A_305 = arith.constant dense<0> : vector<1xi32>
    %reduce_sum3A_306 = vector.multi_reduction <add>, %convert_element_type3A_304, %reduce_sum3A_305 [1] : vector<1x32xi32> to vector<1xi32>
    %broadcast_in_dim3A_307 = vector.shape_cast %reduce_sum3A_306 : vector<1xi32> to vector<1x1xi32>
    %sub3A_308 = arith.constant 1 : i32
    %sub3A_309 = vector.broadcast %sub3A_308 : i32 to vector<1x1xi32>
    %sub3A_310 = arith.subi %broadcast_in_dim3A_307, %sub3A_309 : vector<1x1xi32>
    %min3A = vector.broadcast %sub3A_310 : vector<1x1xi32> to vector<1x32xi32>
    %min3A_311 = arith.minsi %iota3A_302, %min3A : vector<1x32xi32>
    %sub3A_312 = arith.constant 1 : i32
    %sub3A_313 = vector.broadcast %sub3A_312 : i32 to vector<1x1xi32>
    %sub3A_314 = arith.subi %broadcast_in_dim3A_307, %sub3A_313 : vector<1x1xi32>
    %eq3A_315 = vector.broadcast %sub3A_314 : vector<1x1xi32> to vector<1x32xi32>
    %eq3A_316 = arith.cmpi eq, %iota3A_302, %eq3A_315 : vector<1x32xi32>
    %jit3A_317 = arith.constant 0 : i32
    %broadcast_in_dim3A_318 = vector.broadcast %jit3A_317 : i32 to vector<1x32xi32>
    %select_n3A_319 = arith.select %eq3A_316, %sub3A_301, %broadcast_in_dim3A_318 : vector<1x32xi1>, vector<1x32xi32>
    %reduce_sum3A_320 = arith.constant dense<0> : vector<1xi32>
    %reduce_sum3A_321 = vector.multi_reduction <add>, %select_n3A_319, %reduce_sum3A_320 [1] : vector<1x32xi32> to vector<1xi32>
    %broadcast_in_dim3A_322 = vector.shape_cast %reduce_sum3A_321 : vector<1xi32> to vector<1x1xi32>
    %eq3A_323 = arith.constant 1 : i32
    %eq3A_324 = vector.broadcast %eq3A_323 : i32 to vector<1x32xi32>
    %eq3A_325 = arith.cmpi eq, %convert_element_type3A_304, %eq3A_324 : vector<1x32xi32>
    %broadcast_in_dim3A_326 = vector.shape_cast %broadcast_in_dim3A_322 : vector<1x1xi32> to vector<1x1xi32>
    %broadcast_in_dim3A_327 = vector.broadcast %broadcast_in_dim3A_326 : vector<1x1xi32> to vector<1x32xi32>
    %select_n3A_328 = arith.select %eq3A_325, %sub3A_301, %broadcast_in_dim3A_327 : vector<1x32xi1>, vector<1x32xi32>
    %concatenate3A_329 = tpu.concatenate %select_n3A_328, %convert_element_type3A_304, %min3A_311 in 0 : vector<1x32xi32>, vector<1x32xi32>, vector<1x32xi32> -> vector<3x32xi32>
    %swap3A_330 = arith.constant 0 : index
    %swap3A_331 = arith.constant 0 : index
    %swap3A_332 = vector.load %arg7[%swap3A_330, %swap3A_331] : memref<3x32xi32, #tpu.memory_space<vmem>>, vector<3x32xi32>
    tpu.vector_store %arg7[%swap3A_330, %swap3A_331], %concatenate3A_329 {strides = array<i32>} : memref<3x32xi32, #tpu.memory_space<vmem>>, vector<3x32xi32>,
    %mul3A_333 = arith.constant 2.44140625E-4 : f32
    %mul3A_334 = vector.broadcast %mul3A_333 : f32 to vector<16x1xf32>
    %mul3A_335 = arith.mulf %add3A_237, %mul3A_334 : vector<16x1xf32>
    %reduce_max3A_336 = arith.constant dense<0xFF800000> : vector<1xf32>
    %reduce_max3A_337 = vector.multi_reduction <maximumf>, %mul3A_335, %reduce_max3A_336 [0] : vector<16x1xf32> to vector<1xf32>
    %broadcast_in_dim3A_338 = vector.shape_cast %reduce_max3A_337 : vector<1xf32> to vector<1x1xf32>
    %reduce_sum3A_339 = arith.constant dense<0.000000e+00> : vector<1xf32>
    %reduce_sum3A_340 = vector.multi_reduction <add>, %mul3A_335, %reduce_sum3A_339 [0] : vector<16x1xf32> to vector<1xf32>
    %broadcast_in_dim3A_341 = vector.shape_cast %reduce_sum3A_340 : vector<1xf32> to vector<1x1xf32>
    %mul3A_342 = arith.constant 6.250000e-02 : f32
    %mul3A_343 = vector.broadcast %mul3A_342 : f32 to vector<1x1xf32>
    %mul3A_344 = arith.mulf %broadcast_in_dim3A_341, %mul3A_343 : vector<1x1xf32>
    %sub3A_345 = arith.subf %broadcast_in_dim3A_338, %mul3A_344 : vector<1x1xf32>
    %div3A_346 = arith.divf %sub3A_345, %mul3A_344 : vector<1x1xf32>
    %swap3A_347 = arith.constant 0 : index
    %swap3A_348 = arith.constant 0 : index
    %swap3A_349 = vector.load %arg8[%swap3A_347, %swap3A_348] : memref<1x1xf32, #tpu.memory_space<vmem>>, vector<1x1xf32>
    tpu.vector_store %arg8[%swap3A_347, %swap3A_348], %div3A_346 {strides = array<i32>} : memref<1x1xf32, #tpu.memory_space<vmem>>, vector<1x1xf32>,
    return
  }
}

</mosaic_0001>

<sc_bundles>
// kernel: kernel.10.cloned.1.call-start
scs
__scs_entry_jumppad:
0x0: {  	(pc) =	sbr.rel $0x88, $3  }
0x1: {  	(tag) =	ssettag $0x0;
	lr =	simm.s32 $0x1  }
0x2: {  	[smem:$0x3F98] =	sst lr;
	_ =	strace $0xD0000000  }
0x3: {  	_ = 	snop  }
0x4: {  	_ = 	snop  }
0x5: {  	_ = 	snop  }
0x6: {  	_ = 	snop  }
0x7: {  	_ = 	snop  }
__scs_overlays_trampoline_lowered:
0x8: {  	[smem:$0x3FA7] =	sst s0  }
0x9: {  	[smem:$0x3FA8] =	sst s1  }
0xa: {  	[smem:$0x3FA9] =	sst s2  }
0xb: {  	[smem:$0x3FAA] =	sst s3  }
0xc: {  	[smem:$0x3FAB] =	sst s4  }
0xd: {  	[smem:$0x3FAC] =	sst s5  }
0xe: {  	[smem:$0x3FAD] =	sst s6  }
0xf: {  	[smem:$0x3FAE] =	sst s7  }
0x10: {  	[smem:$0x3FAF] =	sst s8  }
0x11: {  	[smem:$0x3FB0] =	sst s9;
	s0 =	simm.s32 @!p0 $0x0  }
0x12: {  	s1 =	sld [smem:$0x3F96];
	s0 =	simm.s32 @p0 $0x1  }
0x13: {  	[smem:$0x3FB1] =	sst s0;
	s0 =	simm.s32 @!p1 $0x0  }
0x14: {  	s2 =	sld [smem:$0x3F95];
	s0 =	simm.s32 @p1 $0x1  }
0x15: {  	[smem:$0x3FB2] =	sst s0;
	s0 =	simm.s32 @!p2 $0x0  }
0x16: {  	s3 =	sld [smem:$0x3FDB];
	s0 =	simm.s32 @p2 $0x1  }
0x17: {  	s4 =	simm.s32 $0x1BF5;
	[smem:$0x3FB4] =	sst s0  }
0x18: {  	s0 =	sld [smem:$0x3F97];
	_ =	swait.ge [sflag:s4], $0x0  }
0x19: {  	s7 =	sld [smem:$0x3F98]  }
0x1a: {  	s8 =	sadd.s32 $0xFFFFE003, lr  }
0x1b: {  	s9 =	sadd.s32 $0xFFFFFEF7, lr;
	s5 =	simm.s32 $0xFFFFFFFF;
	p2 =	slt.u32 s8, $0xFFFFF086  }
0x1c: {  	p1 =	slt.u32 s9, $0xF7A;
	s5 =	simm.s32 @!p2 $0x0  }
0x1d: {  	s5 =	simm.s32 @p1 $0x1;
	p0 =	seq.s32 s7, s2  }
0x1e: {  	s7 =	smul.u32 @!p0 $0xF7A, s2;
	p2 =	seq.s32 @!p0 s5, $0x0  }
0x1f: {  	s9 =	smul.u32 $0xF7A, s1;
	s8 =	simm.s32 @!p0 $0x1BF5;
	p2 =	por !p2, p0  }
0x20: {  	[sflag:s8] =	ssyncset.s32 @!p0 $0xFFFFF086;
	s6 =	sadd.s32 @!p0 s3, s7;
	s7 =	simm.s32 @!p0 $0x108  }
0x21: {  	s3 =	sadd.s32 s3, s9;
	s6 =	sadd.s32 @!p0 $0x88, s6;
	s7 =	simm.s32 @p2 $0x1082  }
0x22: {  	[simem:s7], [sflag:s8] =	dma.local @!p0 [hbm:s6], $0xF7A  }
0x23: {  	s9 =	sor.u32 $0xD0000000, s2;
	s6 =	simm.s32 $0x108;
	_ =	swait.ge @!p0 [sflag:s8], $0x0  }
0x24: {  	s3 =	sadd.s32 $0x88, s3;
	s6 =	simm.s32 @!p1 $0x1082;
	[sflag:s4] =	ssyncset.s32 $0xFFFFF086  }
0x25: {  	[simem:s6], [sflag:s4] =	dma.local [hbm:s3], $0xF7A  }
0x26: {  	[smem:$0x3F98] =	sst s1;
	(tag) =	ssettag s2;
	_ =	strace s9  }
0x27: {  	s1 =	sld [smem:$0x3FA8]  }
0x28: {  	s2 =	sld [smem:$0x3FA9]  }
0x29: {  	s4 =	sld [smem:$0x3FAB]  }
0x2a: {  	p0 =	seq.s32 s5, $0x0;
	s5 =	sld [smem:$0x3FAC]  }
0x2b: {  	s6 =	sld [smem:$0x3FAD]  }
0x2c: {  	s7 =	sld [smem:$0x3FAE]  }
0x2d: {  	s3 =	simm.s32 $0x108;
	s8 =	sld [smem:$0x3FAF]  }
0x2e: {  	s3 =	simm.s32 @!p0 $0x1082;
	s9 =	sld [smem:$0x3FB0]  }
0x2f: {  	lr =	sadd.s32 s0, s3;
	s0 =	sld [smem:$0x3FA7]  }
0x30: {  	s3 =	sld [smem:$0x3FAA]  }
0x31: {  	[smem:$0x3FB3] =	sst s10  }
0x32: {  	s10 =	sld [smem:$0x3FB1];
	_ =	sdelay $0x3  }
0x33: {  	p0 =	seq.s32 s10, $0x1;
	s10 =	sld [smem:$0x3FB3];
	_ =	sdelay $0x3  }
0x34: {  	[smem:$0x3FB3] =	sst s10  }
0x35: {  	s10 =	sld [smem:$0x3FB2];
	_ =	sdelay $0x3  }
0x36: {  	p1 =	seq.s32 s10, $0x1;
	s10 =	sld [smem:$0x3FB3];
	_ =	sdelay $0x3  }
0x37: {  	[smem:$0x3FB3] =	sst s10  }
0x38: {  	s10 =	sld [smem:$0x3FB4]  }
0x39: {  	_ = 	snop;
	(pc) =	sbr.ind lr, $3  }
0x3a: {  	_ = 	snop  }
0x3b: {  	_ = 	snop  }
0x3c: {  	p2 =	seq.s32 s10, $0x1;
	s10 =	sld [smem:$0x3FB3]  }
0x3d: {  	_ =	shalt  }
0x3e: {  	_ =	shalt  }
0x3f: {  	_ =	shalt  }
0x40: {  	_ =	shalt  }
0x41: {  	_ =	shalt  }
0x42: {  	_ =	shalt  }
0x43: {  	_ =	shalt  }
0x44: {  	_ =	shalt  }
0x45: {  	_ =	shalt  }
0x46: {  	_ =	shalt  }
0x47: {  	_ =	shalt  }
0x48: {  	_ =	shalt  }
0x49: {  	_ =	shalt  }
0x4a: {  	_ =	shalt  }
0x4b: {  	_ =	shalt  }
0x4c: {  	_ =	shalt  }
0x4d: {  	_ =	shalt  }
0x4e: {  	_ =	shalt  }
0x4f: {  	_ =	shalt  }
0x50: {  	_ =	shalt  }
0x51: {  	_ =	shalt  }
0x52: {  	_ =	shalt  }
0x53: {  	_ =	shalt  }
0x54: {  	_ =	shalt  }
0x55: {  	_ =	shalt  }
0x56: {  	_ =	shalt  }
0x57: {  	_ =	shalt  }
0x58: {  	_ =	shalt  }
0x59: {  	_ =	shalt  }
0x5a: {  	_ =	shalt  }
0x5b: {  	_ =	shalt  }
0x5c: {  	_ =	shalt  }
0x5d: {  	_ =	shalt  }
0x5e: {  	_ =	shalt  }
0x5f: {  	_ =	shalt  }
0x60: {  	_ =	shalt  }
0x61: {  	_ =	shalt  }
0x62: {  	_ =	shalt  }
0x63: {  	_ =	shalt  }
0x64: {  	_ =	shalt  }
0x65: {  	_ =	shalt  }
0x66: {  	_ =	shalt  }
0x67: {  	_ =	shalt  }
0x68: {  	_ =	shalt  }
0x69: {  	_ =	shalt  }
0x6a: {  	_ =	shalt  }
0x6b: {  	_ =	shalt  }
0x6c: {  	_ =	shalt  }
0x6d: {  	_ =	shalt  }
0x6e: {  	_ =	shalt  }
0x6f: {  	_ =	shalt  }
0x70: {  	_ =	shalt  }
0x71: {  	_ =	shalt  }
0x72: {  	_ =	shalt  }
0x73: {  	_ =	shalt  }
0x74: {  	_ =	shalt  }
0x75: {  	_ =	shalt  }
0x76: {  	_ =	shalt  }
0x77: {  	_ =	shalt  }
0x78: {  	_ =	shalt  }
0x79: {  	_ =	shalt  }
0x7a: {  	_ =	shalt  }
0x7b: {  	_ =	shalt  }
0x7c: {  	_ =	shalt  }
0x7d: {  	_ =	shalt  }
0x7e: {  	_ =	shalt  }
0x7f: {  	_ =	shalt  }
0x80: {  	_ =	shalt  }
0x81: {  	_ =	shalt  }
0x82: {  	_ =	shalt  }
0x83: {  	_ =	shalt  }
0x84: {  	_ =	shalt  }
0x85: {  	_ =	shalt  }
0x86: {  	_ =	shalt  }
0x87: {  	_ =	shalt  }
.Lfunc_end0:
.L_simem_size_0:
called_computation.1_lowered:
.L_overlay_start_0:
0x88: {  	s2 =	sld [smem:$0x3FD9]  }
0x89: {  	s3 =	sld [smem:$0x3FFE];
	_ =	sdelay $0x1  }
0x8a: {  	s1 =	srdreg.scid  }
0x8b: {  	s0 =	sand.u32 $0x1, s1  }
0x8c: {  	s14 =	sshll.u32 s0, $0xA;
	s2 =	sadd.s32 s3, s2  }
0x8d: {  	s2 =	sadd.s32 s2, s14  }
0x8e: {  	[smem:$0x3FBF] =	sst s2  }
0x8f: {  	_ = 	snop  }
0x90: {  	s2 =	sld [smem:$0x3FD0];
	_ =	sdelay $0x2  }
0x91: {  	s15 =	simm.s32 $0xA;
	s4 =	simm.s32 $0x10  }
0x92: {  	[smem:s4], [sflag:s15] =	dma.local [hbm:s2], $0x1  }
0x93: {  	_ =	swait.eq [sflag:s15], $0x1  }
0x94: {  	[sflag:s15] =	ssyncset.done $0x0  }
0x95: {  	[sflag:s15] =	ssyncadd.s32 $0xFFFFFFFF  }
0x96: {  	s16 =	sld [smem:$0x10];
	(tm) =	ssettm $0x1  }
0x97: {  	s17 =	sld [smem:$0x3FFB];
	_ =	sdelay $0x3  }
0x98: {  	_ =	strace s17  }
0x99: {  	s3 =	sld [smem:$0x3FFC];
	_ =	sdelay $0x3  }
0x9a: {  	_ =	strace s3  }
0x9b: {  	s3 =	sld [smem:$0x3FFD];
	_ =	sdelay $0x3  }
0x9c: {  	_ =	strace s3  }
0x9d: {  	_ =	strace $0x8FFFFFFF  }
0x9e: {  	s18 =	sld [smem:$0x3FDB];
	_ =	sdelay $0x1  }
0x9f: {  	s19 =	simm.s32 $_scs_section_size  }
0xa0: {  	s5 =	simm.s32 $_size__tile_overlayer_lowered;
	s6 =	simm.s32 $_tile_overlayer_lowered  }
0xa1: {  	s22 =	simm.s32 $0x1BFF;
	s21 =	sshll.u32 s6, $0x1;
	s3 =	sadd.s32 s19, s18  }
0xa2: {  	s7 =	simm.s32 $0x0;
	s20 =	sshll.u32 s5, $0x1;
	s5 =	sadd.s32 s21, s3  }
0xa3: {  	[timem:s7], [sflag:s22] =	dma.local [hbm:s5], s20  }
0xa4: {  	_ =	swait.ge [sflag:s22], s20  }
0xa5: {  	s4 =	ssub.s32 $0x0, s20;
	[sflag:s22] =	ssyncset.done $0x0  }
0xa6: {  	[sflag:s22] =	ssyncadd.s32 s4;
	_ =	sdelay $0x1  }
0xa7: {  	s23 =	simm.s32 $0x1B8B  }
0xa8: {  	_ =	swait.ge [sflag:s23], $0x1  }
0xa9: {  	[sflag:s23] =	ssyncset.done $0x0  }
0xaa: {  	s25 =	simm.s32 $0x1B8E;
	s24 =	sld [smem:$0x3FFE];
	[sflag:s23] =	ssyncadd.s32 $0xFFFFFFFF  }
0xab: {  	s26 =	simm.s32 $execute0_lowered;
	[smem:$0x3FD2] =	sst s25  }
0xac: {  	s5 =	sshll.u32 s26, $0x1;
	_ =	strace $0x80000049;
	[dreg:$0x1] =	wrdreg $0xFFFFFFFF  }
0xad: {  	s28 =	simm.s32 $_size_execute0_lowered;
	s3 =	sadd.s32 s3, s5;
	[dreg:$0x0] =	wrdreg $0x0  }
0xae: {  	s5 =	sshll.u32 s28, $0x1;
	[dreg:$0x2] =	wrdreg s3  }
0xaf: {  	[dreg:$0x3] =	wrdreg s5  }
0xb0: {  	[dreg:$0x4] =	wrdreg $0xC0  }
0xb1: {  	_ =	task [dreg:s7], $0x5FFFF  }
0xb2: {  	[dreg:$0x1] =	wrdreg $0xFFFFFFFF  }
0xb3: {  	[dreg:$0x0] =	wrdreg $0x60  }
0xb4: {  	[dreg:$0x2] =	wrdreg s24  }
0xb5: {  	[dreg:$0x3] =	wrdreg s16  }
0xb6: {  	[dreg:$0x4] =	wrdreg $0x9  }
0xb7: {  	_ =	task.clear_ibuf [dreg:s7], $0x5FFFF;
	_ =	strace $0x90000049  }
0xb8: {  	s29 =	simm.s32 $0x9;
	_ =	strace $0x8000004B  }
0xb9: {  	_ =	swait.ge [sflag:s29], $0x1  }
0xba: {  	[sflag:s29] =	ssyncadd.s32 $0xFFFFFFFF  }
0xbb: {  	_ =	strace $0x9000004B  }
0xbc: {  	_ =	sfence  }
0xbd: {  	s30 =	sld [smem:$0x0];
	_ =	sdelay $0x2  }
0xbe: {  	s31 =	sshll.u32 s1, $0xD;
	s1 =	sshrl.u32 s1, $0x2  }
0xbf: {  	s3 =	sand.u32 $0x4000, s31;
	s1 =	sadd.s32 s1, s30  }
0xc0: {  	s0 =	sor.u32 s3, s0;
	s1 =	sshll.u32 s1, $0x11  }
0xc1: {  	s0 =	sor.u32 s1, s0  }
0xc2: {  	s0 =	sadd.s32 $0x8F2B, s0  }
0xc3: {  	[sflag:s0] =	ssyncadd.remote.s32 $0x1  }
0xc4: {  	_ =	sfence.sel $0xFFFF  }
0xc5: {  	[dreg:$0x0] =	wrdreg $0xFFFFFFFF;
	(pc) =	sbr.abs _section_cstart, $3  }
0xc6: {  	[dreg:$0x1] =	wrdreg $0xFFFFFFFF  }
0xc7: {  	_ =	task.clear_ibuf [dreg:s7], $0x2FFFF;
	_ =	strace $0x9FFFFFFF  }
0xc8: {  	(tm) =	ssettm $0x7FFFFFFF  }
0xc9: {  	_ =	shalt  }
tec
execute0_lowered:
.L_overlay_start_1:
0x0: {  	(tag) =	ssettag $0x1  }
0x1: {  	s0 =	srdreg.scid;
	s1 =	rddreg [dreg:$0x0]  }
0x2: {  	s2 =	stileid.u32;
	s10 =	rddreg [dreg:$0x1];
	s14 =	simm.s32 $0x3  }
0x3: {  	s28 =	simm.s32 $0x17400;
	s29 =	simm.s32 $0x17C00;
	s0 =	sand.u32 $0x1, s0  }
0x4: {  	s30 =	simm.s32 $0x6000;
	s2 =	sshll.u32 s2, $0x7;
	s3 =	sshll.u32 s0, $0x6  }
0x5: {  	s31 =	simm.s32 $0x1;
	s0 =	ssub.s32 $0x2, s0;
	s4 =	sor.u32 s3, s2  }
0x6: {  	s2 =	simm.s32 $0x0;
	s3 =	sadd.s32 $0x12800, s1;
	s6 =	sshrl.u32 s0, $0x1  }
0x7: {  	s8 =	sshrl.u32 s4, $0x3;
	[smem:$0x7FF] =	sst s2;
	s4 =	sshll.u32 s4, $0x4  }
0x8: {  	s0 =	ssub.s32 s0, s6;
	s6 =	sadd.s32 $0x12900, s1;
	s5 =	smul.u32 $0x180, s8  }
0x9: {  	_ =	strace $0x8000004A;
	s25 =	sadd.s32 s8, s1;
	s11 =	smul.u32 $0x1800, s8  }
0xa: {  	s9 =	sadd.s32 s4, s1;
	s26 =	smul.u32 $0x300, s8;
	s12 =	smax.u32 s0, $0x1  }
0xb: {  	s0 =	simm.s32 $0x0;
	s4 =	sadd.s32 $0x2400, s25;
	s8 =	sadd.s32 $0x2800, s9  }
0xc: {  	v2 =	vlaneseq.u32;
	s9 =	sadd.s32 $0xA800, s9;
	s7 =	sadd.s32 s5, s1;
	s11 =	sshrl.u32 s11, $0x3  }
0xd: {  	vm0 =	vmmov $0xffff;
	vm1 =	vmmov $0xff;
	v1 =	vshrl.u32 v2, $0x3;
	s5 =	sadd.s32 $0x2600, s25;
	s1 =	simm.s32 $0x2;
	s11 =	sadd.s32 s10, s11  }
0xe: {  	v0 =	vand.u32 $0x7, v2;
	v2 =	vor.u32 $0x8, v2;
	v1 =	vmul.u32 $0x8, v1;
	s7 =	sadd.s32 $0x72800, s7;
	s10 =	sadd.s32 s10, s26;
	s11 =	sadd.s32 $0xC00, s11  }
.LBB2_1:
0xf: {  	s13 =	simm.s32 $0x18000  }
0x10: {  	[tilespmem:s13], [sflag:$0x3] =	stream.linear.gather [hbm4b:s4+s2], $0x40, $0x38;
	[tilespmem:$0x1C100] =	vst v63  }
0x11: {  	_ =	swait.ge [sflag:s14], $0x40  }
0x12: {  	[sflag:s14] =	ssyncset.done $0x0  }
0x13: {  	s24 =	simm.s32 $0x18080;
	[sflag:s14] =	ssyncadd.s32 $0xFFFFFFC0  }
0x14: {  	[tilespmem:s24], [sflag:$0x3] =	stream.linear.gather [hbm4b:s5+s2], $0x40, $0x38;
	[tilespmem:$0x1C100] =	vst v63  }
0x15: {  	_ =	swait.ge [sflag:s14], $0x40  }
0x16: {  	[sflag:s14] =	ssyncset.done $0x0  }
0x17: {  	[sflag:s14] =	ssyncadd.s32 $0xFFFFFFC0  }
0x18: {  	v3 =	vld [tilespmem:$0x18000];
	_ =	sdelay $0x4  }
0x19: {  	v4 =	vshrl.u32 v3, $0x3  }
0x1a: {  	v4 =	vmul.u32 $0x18, v4  }
0x1b: {  	v3 =	vand.u32 $0x7, v3  }
0x1c: {  	v3 =	vor.u32 v3, v4  }
0x1d: {  	v4 =	vperm.xlane v3, v0;
	_ =	sdelay $0x1  }
0x1e: {  	v4 =	vadd.s32 v1, v4;
	_ =	sdelay $0x1  }
0x1f: {  	v3 =	vperm.xlane v3, v2;
	_ =	sdelay $0x1  }
0x20: {  	s25 =	simm.s32 $0xC000;
	v3 =	vadd.s32 v1, v3  }
0x21: {  	[tilespmem:s25], [sflag:$0x1] =	stream.indirect_vreg.gather [hbm4b:s3+s2], $0x80, v4, vm0, $0xb8;
	[tilespmem:$0x1C100] =	vst v63  }
0x22: {  	s26 =	simm.s32 $0xC800  }
0x23: {  	[tilespmem:s26], [sflag:$0x1] =	stream.indirect_vreg.gather [hbm4b:s6+s2], $0x80, v4, vm1, $0xb8;
	[tilespmem:$0x1C100] =	vst v63  }
0x24: {  	s15 =	simm.s32 $0xCC00  }
0x25: {  	[tilespmem:s15], [sflag:$0x1] =	stream.indirect_vreg.gather [hbm4b:s3+s2], $0x80, v3, vm0, $0xb8;
	[tilespmem:$0x1C100] =	vst v63  }
0x26: {  	s16 =	simm.s32 $0xD400  }
0x27: {  	[tilespmem:s16], [sflag:$0x1] =	stream.indirect_vreg.gather [hbm4b:s6+s2], $0x80, v3, vm1, $0xb8;
	[tilespmem:$0x1C100] =	vst v63  }
0x28: {  	v3 =	vld [tilespmem:$0x18010];
	_ =	sdelay $0x4  }
0x29: {  	v4 =	vshrl.u32 v3, $0x3  }
0x2a: {  	v4 =	vmul.u32 $0x18, v4  }
0x2b: {  	v3 =	vand.u32 $0x7, v3  }
0x2c: {  	v3 =	vor.u32 v3, v4  }
0x2d: {  	v4 =	vperm.xlane v3, v0;
	_ =	sdelay $0x1  }
0x2e: {  	v4 =	vadd.s32 v1, v4;
	_ =	sdelay $0x1  }
0x2f: {  	v3 =	vperm.xlane v3, v2;
	_ =	sdelay $0x1  }
0x30: {  	s17 =	simm.s32 $0xD800;
	v3 =	vadd.s32 v1, v3  }
0x31: {  	[tilespmem:s17], [sflag:$0x1] =	stream.indirect_vreg.gather [hbm4b:s3+s2], $0x80, v4, vm0, $0xb8;
	[tilespmem:$0x1C100] =	vst v63  }
0x32: {  	s18 =	simm.s32 $0xE000  }
0x33: {  	[tilespmem:s18], [sflag:$0x1] =	stream.indirect_vreg.gather [hbm4b:s6+s2], $0x80, v4, vm1, $0xb8;
	[tilespmem:$0x1C100] =	vst v63  }
0x34: {  	s19 =	simm.s32 $0xE400  }
0x35: {  	[tilespmem:s19], [sflag:$0x1] =	stream.indirect_vreg.gather [hbm4b:s3+s2], $0x80, v3, vm0, $0xb8;
	[tilespmem:$0x1C100] =	vst v63  }
0x36: {  	s20 =	simm.s32 $0xEC00  }
0x37: {  	[tilespmem:s20], [sflag:$0x1] =	stream.indirect_vreg.gather [hbm4b:s6+s2], $0x80, v3, vm1, $0xb8;
	[tilespmem:$0x1C100] =	vst v63  }
0x38: {  	v3 =	vld [tilespmem:$0x18020];
	_ =	sdelay $0x4  }
0x39: {  	v4 =	vshrl.u32 v3, $0x3  }
0x3a: {  	v4 =	vmul.u32 $0x18, v4  }
0x3b: {  	v3 =	vand.u32 $0x7, v3  }
0x3c: {  	v3 =	vor.u32 v3, v4  }
0x3d: {  	v4 =	vperm.xlane v3, v0;
	_ =	sdelay $0x1  }
0x3e: {  	v4 =	vadd.s32 v1, v4;
	_ =	sdelay $0x1  }
0x3f: {  	v3 =	vperm.xlane v3, v2;
	_ =	sdelay $0x1  }
0x40: {  	s21 =	simm.s32 $0xF000;
	v3 =	vadd.s32 v1, v3  }
0x41: {  	[tilespmem:s21], [sflag:$0x1] =	stream.indirect_vreg.gather [hbm4b:s3+s2], $0x80, v4, vm0, $0xb8;
	[tilespmem:$0x1C100] =	vst v63  }
0x42: {  	s22 =	simm.s32 $0xF800  }
0x43: {  	[tilespmem:s22], [sflag:$0x1] =	stream.indirect_vreg.gather [hbm4b:s6+s2], $0x80, v4, vm1, $0xb8;
	[tilespmem:$0x1C100] =	vst v63  }
0x44: {  	s23 =	simm.s32 $0xFC00  }
0x45: {  	[tilespmem:s23], [sflag:$0x1] =	stream.indirect_vreg.gather [hbm4b:s3+s2], $0x80, v3, vm0, $0xb8;
	[tilespmem:$0x1C100] =	vst v63  }
0x46: {  	s24 =	simm.s32 $0x10400  }
0x47: {  	[tilespmem:s24], [sflag:$0x1] =	stream.indirect_vreg.gather [hbm4b:s6+s2], $0x80, v3, vm1, $0xb8;
	[tilespmem:$0x1C100] =	vst v63  }
0x48: {  	v3 =	vld [tilespmem:$0x18030];
	_ =	sdelay $0x4  }
0x49: {  	v4 =	vshrl.u32 v3, $0x3  }
0x4a: {  	v4 =	vmul.u32 $0x18, v4  }
0x4b: {  	v3 =	vand.u32 $0x7, v3  }
0x4c: {  	v3 =	vor.u32 v3, v4  }
0x4d: {  	v4 =	vperm.xlane v3, v0;
	_ =	sdelay $0x1  }
0x4e: {  	v4 =	vadd.s32 v1, v4;
	_ =	sdelay $0x1  }
0x4f: {  	v3 =	vperm.xlane v3, v2;
	_ =	sdelay $0x1  }
0x50: {  	s25 =	simm.s32 $0x10800;
	v3 =	vadd.s32 v1, v3  }
0x51: {  	[tilespmem:s25], [sflag:$0x1] =	stream.indirect_vreg.gather [hbm4b:s3+s2], $0x80, v4, vm0, $0xb8;
	[tilespmem:$0x1C100] =	vst v63  }
0x52: {  	s26 =	simm.s32 $0x11000  }
0x53: {  	[tilespmem:s26], [sflag:$0x1] =	stream.indirect_vreg.gather [hbm4b:s6+s2], $0x80, v4, vm1, $0xb8;
	[tilespmem:$0x1C100] =	vst v63  }
0x54: {  	s15 =	simm.s32 $0x11400  }
0x55: {  	[tilespmem:s15], [sflag:$0x1] =	stream.indirect_vreg.gather [hbm4b:s3+s2], $0x80, v3, vm0, $0xb8;
	[tilespmem:$0x1C100] =	vst v63  }
0x56: {  	s16 =	simm.s32 $0x11C00  }
0x57: {  	[tilespmem:s16], [sflag:$0x1] =	stream.indirect_vreg.gather [hbm4b:s6+s2], $0x80, v3, vm1, $0xb8;
	[tilespmem:$0x1C100] =	vst v63  }
0x58: {  	v3 =	vld [tilespmem:$0x18080];
	_ =	sdelay $0x4  }
0x59: {  	v4 =	vshrl.u32 v3, $0x3  }
0x5a: {  	v4 =	vmul.u32 $0x18, v4  }
0x5b: {  	v3 =	vand.u32 $0x7, v3  }
0x5c: {  	v3 =	vor.u32 v3, v4  }
0x5d: {  	v4 =	vperm.xlane v3, v0;
	_ =	sdelay $0x1  }
0x5e: {  	v4 =	vadd.s32 v1, v4;
	_ =	sdelay $0x1  }
0x5f: {  	v3 =	vperm.xlane v3, v2;
	_ =	sdelay $0x1  }
0x60: {  	s17 =	simm.s32 $0x12000;
	v3 =	vadd.s32 v1, v3  }
0x61: {  	[tilespmem:s17], [sflag:$0x2] =	stream.indirect_vreg.gather [hbm4b:s3+s2], $0x80, v4, vm0, $0xb8;
	[tilespmem:$0x1C100] =	vst v63  }
0x62: {  	s18 =	simm.s32 $0x12800  }
0x63: {  	[tilespmem:s18], [sflag:$0x2] =	stream.indirect_vreg.gather [hbm4b:s6+s2], $0x80, v4, vm1, $0xb8;
	[tilespmem:$0x1C100] =	vst v63  }
0x64: {  	s19 =	simm.s32 $0x12C00  }
0x65: {  	[tilespmem:s19], [sflag:$0x2] =	stream.indirect_vreg.gather [hbm4b:s3+s2], $0x80, v3, vm0, $0xb8;
	[tilespmem:$0x1C100] =	vst v63  }
0x66: {  	s20 =	simm.s32 $0x13400  }
0x67: {  	[tilespmem:s20], [sflag:$0x2] =	stream.indirect_vreg.gather [hbm4b:s6+s2], $0x80, v3, vm1, $0xb8;
	[tilespmem:$0x1C100] =	vst v63  }
0x68: {  	v3 =	vld [tilespmem:$0x18090];
	_ =	sdelay $0x4  }
0x69: {  	v4 =	vshrl.u32 v3, $0x3  }
0x6a: {  	v4 =	vmul.u32 $0x18, v4  }
0x6b: {  	v3 =	vand.u32 $0x7, v3  }
0x6c: {  	v3 =	vor.u32 v3, v4  }
0x6d: {  	v4 =	vperm.xlane v3, v0;
	_ =	sdelay $0x1  }
0x6e: {  	v4 =	vadd.s32 v1, v4;
	_ =	sdelay $0x1  }
0x6f: {  	v3 =	vperm.xlane v3, v2;
	_ =	sdelay $0x1  }
0x70: {  	s21 =	simm.s32 $0x13800;
	v3 =	vadd.s32 v1, v3  }
0x71: {  	[tilespmem:s21], [sflag:$0x2] =	stream.indirect_vreg.gather [hbm4b:s3+s2], $0x80, v4, vm0, $0xb8;
	[tilespmem:$0x1C100] =	vst v63  }
0x72: {  	s22 =	simm.s32 $0x14000  }
0x73: {  	[tilespmem:s22], [sflag:$0x2] =	stream.indirect_vreg.gather [hbm4b:s6+s2], $0x80, v4, vm1, $0xb8;
	[tilespmem:$0x1C100] =	vst v63  }
0x74: {  	s23 =	simm.s32 $0x14400  }
0x75: {  	[tilespmem:s23], [sflag:$0x2] =	stream.indirect_vreg.gather [hbm4b:s3+s2], $0x80, v3, vm0, $0xb8;
	[tilespmem:$0x1C100] =	vst v63  }
0x76: {  	s24 =	simm.s32 $0x14C00  }
0x77: {  	[tilespmem:s24], [sflag:$0x2] =	stream.indirect_vreg.gather [hbm4b:s6+s2], $0x80, v3, vm1, $0xb8;
	[tilespmem:$0x1C100] =	vst v63  }
0x78: {  	v3 =	vld [tilespmem:$0x180A0];
	_ =	sdelay $0x4  }
0x79: {  	v4 =	vshrl.u32 v3, $0x3  }
0x7a: {  	v4 =	vmul.u32 $0x18, v4  }
0x7b: {  	v3 =	vand.u32 $0x7, v3  }
0x7c: {  	v3 =	vor.u32 v3, v4  }
0x7d: {  	v4 =	vperm.xlane v3, v0;
	_ =	sdelay $0x1  }
0x7e: {  	v4 =	vadd.s32 v1, v4;
	_ =	sdelay $0x1  }
0x7f: {  	v3 =	vperm.xlane v3, v2;
	_ =	sdelay $0x1  }
0x80: {  	s25 =	simm.s32 $0x15000;
	v3 =	vadd.s32 v1, v3  }
0x81: {  	[tilespmem:s25], [sflag:$0x2] =	stream.indirect_vreg.gather [hbm4b:s3+s2], $0x80, v4, vm0, $0xb8;
	[tilespmem:$0x1C100] =	vst v63  }
0x82: {  	s26 =	simm.s32 $0x15800  }
0x83: {  	[tilespmem:s26], [sflag:$0x2] =	stream.indirect_vreg.gather [hbm4b:s6+s2], $0x80, v4, vm1, $0xb8;
	[tilespmem:$0x1C100] =	vst v63  }
0x84: {  	s15 =	simm.s32 $0x15C00  }
0x85: {  	[tilespmem:s15], [sflag:$0x2] =	stream.indirect_vreg.gather [hbm4b:s3+s2], $0x80, v3, vm0, $0xb8;
	[tilespmem:$0x1C100] =	vst v63  }
0x86: {  	s16 =	simm.s32 $0x16400  }
0x87: {  	[tilespmem:s16], [sflag:$0x2] =	stream.indirect_vreg.gather [hbm4b:s6+s2], $0x80, v3, vm1, $0xb8;
	[tilespmem:$0x1C100] =	vst v63  }
0x88: {  	v3 =	vld [tilespmem:$0x180B0];
	_ =	sdelay $0x4  }
0x89: {  	v4 =	vshrl.u32 v3, $0x3  }
0x8a: {  	v4 =	vmul.u32 $0x18, v4  }
0x8b: {  	v3 =	vand.u32 $0x7, v3  }
0x8c: {  	v3 =	vor.u32 v3, v4  }
0x8d: {  	v4 =	vperm.xlane v3, v0;
	_ =	sdelay $0x1  }
0x8e: {  	v4 =	vadd.s32 v1, v4;
	_ =	sdelay $0x1  }
0x8f: {  	v3 =	vperm.xlane v3, v2;
	_ =	sdelay $0x1  }
0x90: {  	s17 =	simm.s32 $0x16800;
	v3 =	vadd.s32 v1, v3  }
0x91: {  	[tilespmem:s17], [sflag:$0x2] =	stream.indirect_vreg.gather [hbm4b:s3+s2], $0x80, v4, vm0, $0xb8;
	[tilespmem:$0x1C100] =	vst v63  }
0x92: {  	s18 =	simm.s32 $0x17000  }
0x93: {  	[tilespmem:s18], [sflag:$0x2] =	stream.indirect_vreg.gather [hbm4b:s6+s2], $0x80, v4, vm1, $0xb8;
	[tilespmem:$0x1C100] =	vst v63  }
0x94: {  	_ = 	snop  }
0x95: {  	[tilespmem:s28], [sflag:$0x2] =	stream.indirect_vreg.gather [hbm4b:s3+s2], $0x80, v3, vm0, $0xb8;
	[tilespmem:$0x1C100] =	vst v63  }
0x96: {  	_ = 	snop  }
0x97: {  	[tilespmem:s29], [sflag:$0x2] =	stream.indirect_vreg.gather [hbm4b:s6+s2], $0x80, v3, vm1, $0xb8;
	[tilespmem:$0x1C100] =	vst v63  }
0x98: {  	_ = 	snop  }
0x99: {  	[tilespmem:s30], [sflag:$0x3] =	stream.linear.gather [hbm4b:s7+s2], $0x6000, $0x38;
	[tilespmem:$0x1C100] =	vst v63  }
0x9a: {  	_ =	swait.ge [sflag:s14], $0x6000  }
0x9b: {  	[sflag:s14] =	ssyncset.done $0x0  }
0x9c: {  	s19 =	simm.s32 $0x18100;
	[sflag:s14] =	ssyncadd.s32 $0xFFFFA000  }
0x9d: {  	[tilespmem:s19], [sflag:$0x3] =	stream.linear.gather [hbm4b:s8+s2], $0x2000, $0x38;
	[tilespmem:$0x1C100] =	vst v63  }
0x9e: {  	_ =	swait.ge [sflag:s14], $0x2000  }
0x9f: {  	[sflag:s14] =	ssyncset.done $0x0  }
0xa0: {  	s16 =	simm.s32 $0x1A100;
	[sflag:s14] =	ssyncadd.s32 $0xFFFFE000  }
0xa1: {  	[tilespmem:s16], [sflag:$0x3] =	stream.linear.gather [hbm4b:s9+s2], $0x2000, $0x38;
	[tilespmem:$0x1C100] =	vst v63  }
0xa2: {  	_ =	swait.ge [sflag:s14], $0x2000  }
0xa3: {  	[sflag:s14] =	ssyncset.done $0x0  }
0xa4: {  	[sflag:s14] =	ssyncadd.s32 $0xFFFFE000  }
0xa5: {  	_ =	swait.ge [sflag:s31], $0x6000  }
0xa6: {  	[sflag:s31] =	ssyncset.done $0x0  }
0xa7: {  	s17 =	simm.s32 $0x0;
	[sflag:s31] =	ssyncadd.s32 $0xFFFFA000  }
0xa8: {  	s15 =	smul.u32 $0xC00, s17;
	_ =	swait.ge [sflag:s1], $0x6000  }
0xa9: {  	s18 =	sand.u32 $0x380, s2;
	[sflag:s1] =	ssyncset.done $0x0  }
0xaa: {  	s15 =	sor.u32 s18, s15;
	[sflag:s1] =	ssyncadd.s32 $0xFFFFA000  }
0xab: {  	v5 =	vld [tilespmem:s15+$0x12000]  }
0xac: {  	v6 =	vld [tilespmem:s15+$0xC000]  }
0xad: {  	v3 =	vld [tilespmem:s19+$0x0]  }
0xae: {  	v7 =	vld [tilespmem:s15+$0x6000]  }
0xaf: {  	v4 =	vld [tilespmem:s16+$0x0];
	_ =	sdelay $0x1  }
0xb0: {  	v8 =	vshll.u32 v6, $0x10  }
0xb1: {  	v9 =	vshll.u32 v5, $0x10;
	v6 =	vand.u32 $0xFFFF0000, v6;
	v8 =	vmul.f32 v8, v3  }
0xb2: {  	v5 =	vand.u32 $0xFFFF0000, v5;
	v10 =	vshll.u32 v7, $0x10;
	v6 =	vmul.f32 v6, v3  }
0xb3: {  	s20 =	smul.u32 $0x6000, s17;
	v7 =	vand.u32 $0xFFFF0000, v7;
	v9 =	vmul.f32 v9, v4;
	v8 =	vadd.f32 v10, v8  }
0xb4: {  	v5 =	vmul.f32 v5, v4;
	v6 =	vadd.f32 v7, v6  }
0xb5: {  	s13 =	sshra.s32 s20, $0x2;
	v7 =	vadd.f32 v8, v9  }
0xb6: {  	s13 =	sor.u32 s18, s13;
	v5 =	vadd.f32 v6, v5  }
0xb7: {  	[tilespmem:s13+$0x0] =	vst v7  }
0xb8: {  	[tilespmem:s13+$0xC00] =	vst v5  }
0xb9: {  	v5 =	vld [tilespmem:s15+$0xC010]  }
0xba: {  	v6 =	vld [tilespmem:s15+$0x12010]  }
0xbb: {  	v7 =	vld [tilespmem:s15+$0x6010];
	_ =	sdelay $0x2  }
0xbc: {  	v8 =	vshll.u32 v5, $0x10  }
0xbd: {  	v9 =	vshll.u32 v6, $0x10;
	v5 =	vand.u32 $0xFFFF0000, v5;
	v8 =	vmul.f32 v8, v3  }
0xbe: {  	v6 =	vand.u32 $0xFFFF0000, v6;
	v10 =	vshll.u32 v7, $0x10;
	v5 =	vmul.f32 v5, v3  }
0xbf: {  	v7 =	vand.u32 $0xFFFF0000, v7;
	v9 =	vmul.f32 v9, v4;
	v8 =	vadd.f32 v10, v8  }
0xc0: {  	v6 =	vmul.f32 v6, v4;
	v5 =	vadd.f32 v7, v5  }
0xc1: {  	v7 =	vadd.f32 v8, v9  }
0xc2: {  	v5 =	vadd.f32 v5, v6  }
0xc3: {  	[tilespmem:s13+$0x10] =	vst v7  }
0xc4: {  	[tilespmem:s13+$0xC10] =	vst v5  }
0xc5: {  	v5 =	vld [tilespmem:s15+$0xC020]  }
0xc6: {  	v6 =	vld [tilespmem:s15+$0x12020]  }
0xc7: {  	v7 =	vld [tilespmem:s15+$0x6020];
	_ =	sdelay $0x2  }
0xc8: {  	v8 =	vshll.u32 v5, $0x10  }
0xc9: {  	v9 =	vshll.u32 v6, $0x10;
	v5 =	vand.u32 $0xFFFF0000, v5;
	v8 =	vmul.f32 v8, v3  }
0xca: {  	v6 =	vand.u32 $0xFFFF0000, v6;
	v10 =	vshll.u32 v7, $0x10;
	v5 =	vmul.f32 v5, v3  }
0xcb: {  	v7 =	vand.u32 $0xFFFF0000, v7;
	v9 =	vmul.f32 v9, v4;
	v8 =	vadd.f32 v10, v8  }
0xcc: {  	v6 =	vmul.f32 v6, v4;
	v5 =	vadd.f32 v7, v5  }
0xcd: {  	v7 =	vadd.f32 v8, v9  }
0xce: {  	v5 =	vadd.f32 v5, v6  }
0xcf: {  	[tilespmem:s13+$0x20] =	vst v7  }
0xd0: {  	[tilespmem:s13+$0xC20] =	vst v5  }
0xd1: {  	v5 =	vld [tilespmem:s15+$0xC030]  }
0xd2: {  	v6 =	vld [tilespmem:s15+$0x12030]  }
0xd3: {  	v7 =	vld [tilespmem:s15+$0x6030];
	_ =	sdelay $0x2  }
0xd4: {  	v8 =	vshll.u32 v5, $0x10  }
0xd5: {  	v9 =	vshll.u32 v6, $0x10;
	v5 =	vand.u32 $0xFFFF0000, v5;
	v8 =	vmul.f32 v8, v3  }
0xd6: {  	v6 =	vand.u32 $0xFFFF0000, v6;
	v10 =	vshll.u32 v7, $0x10;
	v5 =	vmul.f32 v5, v3  }
0xd7: {  	v7 =	vand.u32 $0xFFFF0000, v7;
	v9 =	vmul.f32 v9, v4;
	v8 =	vadd.f32 v10, v8  }
0xd8: {  	v6 =	vmul.f32 v6, v4;
	v5 =	vadd.f32 v7, v5  }
0xd9: {  	v7 =	vadd.f32 v8, v9  }
0xda: {  	v5 =	vadd.f32 v5, v6  }
0xdb: {  	[tilespmem:s13+$0x30] =	vst v7  }
0xdc: {  	[tilespmem:s13+$0xC30] =	vst v5  }
0xdd: {  	v5 =	vld [tilespmem:s15+$0xC040]  }
0xde: {  	v6 =	vld [tilespmem:s15+$0x12040]  }
0xdf: {  	v7 =	vld [tilespmem:s15+$0x6040];
	_ =	sdelay $0x2  }
0xe0: {  	v8 =	vshll.u32 v5, $0x10  }
0xe1: {  	v9 =	vshll.u32 v6, $0x10;
	v5 =	vand.u32 $0xFFFF0000, v5;
	v8 =	vmul.f32 v8, v3  }
0xe2: {  	v6 =	vand.u32 $0xFFFF0000, v6;
	v10 =	vshll.u32 v7, $0x10;
	v5 =	vmul.f32 v5, v3  }
0xe3: {  	v7 =	vand.u32 $0xFFFF0000, v7;
	v9 =	vmul.f32 v9, v4;
	v8 =	vadd.f32 v10, v8  }
0xe4: {  	v6 =	vmul.f32 v6, v4;
	v5 =	vadd.f32 v7, v5  }
0xe5: {  	v7 =	vadd.f32 v8, v9  }
0xe6: {  	v5 =	vadd.f32 v5, v6  }
0xe7: {  	[tilespmem:s13+$0x40] =	vst v7  }
0xe8: {  	[tilespmem:s13+$0xC40] =	vst v5  }
0xe9: {  	v5 =	vld [tilespmem:s15+$0xC050]  }
0xea: {  	v6 =	vld [tilespmem:s15+$0x12050]  }
0xeb: {  	v7 =	vld [tilespmem:s15+$0x6050];
	_ =	sdelay $0x2  }
0xec: {  	v8 =	vshll.u32 v5, $0x10  }
0xed: {  	v9 =	vshll.u32 v6, $0x10;
	v5 =	vand.u32 $0xFFFF0000, v5;
	v8 =	vmul.f32 v8, v3  }
0xee: {  	v6 =	vand.u32 $0xFFFF0000, v6;
	v10 =	vshll.u32 v7, $0x10;
	v5 =	vmul.f32 v5, v3  }
0xef: {  	v7 =	vand.u32 $0xFFFF0000, v7;
	v9 =	vmul.f32 v9, v4;
	v8 =	vadd.f32 v10, v8  }
0xf0: {  	v6 =	vmul.f32 v6, v4;
	v5 =	vadd.f32 v7, v5  }
0xf1: {  	v7 =	vadd.f32 v8, v9  }
0xf2: {  	v5 =	vadd.f32 v5, v6  }
0xf3: {  	[tilespmem:s13+$0x50] =	vst v7  }
0xf4: {  	[tilespmem:s13+$0xC50] =	vst v5  }
0xf5: {  	v5 =	vld [tilespmem:s15+$0xC060]  }
0xf6: {  	v6 =	vld [tilespmem:s15+$0x12060]  }
0xf7: {  	v7 =	vld [tilespmem:s15+$0x6060];
	_ =	sdelay $0x2  }
0xf8: {  	v8 =	vshll.u32 v5, $0x10  }
0xf9: {  	v9 =	vshll.u32 v6, $0x10;
	v5 =	vand.u32 $0xFFFF0000, v5;
	v8 =	vmul.f32 v8, v3  }
0xfa: {  	v6 =	vand.u32 $0xFFFF0000, v6;
	v10 =	vshll.u32 v7, $0x10;
	v5 =	vmul.f32 v5, v3  }
0xfb: {  	v7 =	vand.u32 $0xFFFF0000, v7;
	v9 =	vmul.f32 v9, v4;
	v8 =	vadd.f32 v10, v8  }
0xfc: {  	v6 =	vmul.f32 v6, v4;
	v5 =	vadd.f32 v7, v5  }
0xfd: {  	v7 =	vadd.f32 v8, v9  }
0xfe: {  	v5 =	vadd.f32 v5, v6  }
0xff: {  	[tilespmem:s13+$0x60] =	vst v7  }
0x100: {  	[tilespmem:s13+$0xC60] =	vst v5  }
0x101: {  	v5 =	vld [tilespmem:s15+$0xC070]  }
0x102: {  	v6 =	vld [tilespmem:s15+$0x12070]  }
0x103: {  	v7 =	vld [tilespmem:s15+$0x6070];
	_ =	sdelay $0x2  }
0x104: {  	v8 =	vshll.u32 v5, $0x10  }
0x105: {  	v5 =	vand.u32 $0xFFFF0000, v5;
	v9 =	vshll.u32 v6, $0x10;
	v8 =	vmul.f32 v8, v3  }
0x106: {  	v6 =	vand.u32 $0xFFFF0000, v6;
	v10 =	vshll.u32 v7, $0x10;
	v5 =	vmul.f32 v5, v3  }
0x107: {  	v7 =	vand.u32 $0xFFFF0000, v7;
	v9 =	vmul.f32 v9, v4;
	v8 =	vadd.f32 v10, v8  }
0x108: {  	v6 =	vmul.f32 v6, v4;
	v5 =	vadd.f32 v7, v5  }
0x109: {  	v7 =	vadd.f32 v8, v9  }
0x10a: {  	v5 =	vadd.f32 v5, v6  }
0x10b: {  	[tilespmem:s13+$0x70] =	vst v7  }
0x10c: {  	[tilespmem:s13+$0xC70] =	vst v5  }
0x10d: {  	v5 =	vld [tilespmem:s15+$0xC400]  }
0x10e: {  	s21 =	simm.s32 $0x0;
	v6 =	vld [tilespmem:s15+$0x12400]  }
0x10f: {  	s22 =	smul.u32 $0xC00, s21;
	s23 =	simm.s32 $0x80;
	v7 =	vld [tilespmem:s15+$0x6400]  }
0x110: {  	s18 =	sand.u32 $0x380, s23  }
0x111: {  	s17 =	sor.u32 s18, s22  }
0x112: {  	v10 =	vld [tilespmem:s17+$0xC000];
	v9 =	vshll.u32 v5, $0x10  }
0x113: {  	s19 =	simm.s32 $0x18180;
	v8 =	vld [tilespmem:s17+$0x12000];
	v11 =	vand.u32 $0xFFFF0000, v5;
	v12 =	vshll.u32 v6, $0x10;
	v9 =	vmul.f32 v9, v3  }
0x114: {  	v5 =	vld [tilespmem:s19+$0x0];
	v13 =	vand.u32 $0xFFFF0000, v6;
	v6 =	vshll.u32 v7, $0x10;
	v11 =	vmul.f32 v11, v3  }
0x115: {  	s24 =	simm.s32 $0x1A180;
	v14 =	vld [tilespmem:s17+$0x6000];
	v7 =	vand.u32 $0xFFFF0000, v7;
	v12 =	vmul.f32 v12, v4;
	v9 =	vadd.f32 v6, v9  }
0x116: {  	v6 =	vld [tilespmem:s24+$0x0];
	v7 =	vadd.f32 v7, v11;
	v11 =	vmul.f32 v13, v4  }
0x117: {  	v9 =	vadd.f32 v9, v12  }
0x118: {  	v12 =	vshll.u32 v10, $0x10;
	v7 =	vadd.f32 v7, v11  }
0x119: {  	v11 =	vshll.u32 v8, $0x10;
	v10 =	vand.u32 $0xFFFF0000, v10;
	v12 =	vmul.f32 v12, v5;
	[tilespmem:s13+$0x400] =	vst v9  }
0x11a: {  	v8 =	vand.u32 $0xFFFF0000, v8;
	v10 =	vmul.f32 v10, v5;
	v9 =	vshll.u32 v14, $0x10;
	[tilespmem:s13+$0x1000] =	vst v7  }
0x11b: {  	s16 =	smul.u32 $0x6000, s21;
	v7 =	vand.u32 $0xFFFF0000, v14;
	v11 =	vmul.f32 v11, v6;
	v9 =	vadd.f32 v9, v12;
	v12 =	vld [tilespmem:s15+$0xC410]  }
0x11c: {  	v8 =	vmul.f32 v8, v6;
	v7 =	vadd.f32 v7, v10;
	v10 =	vld [tilespmem:s15+$0x12410]  }
0x11d: {  	s16 =	sshra.s32 s16, $0x2;
	v9 =	vadd.f32 v9, v11;
	v11 =	vld [tilespmem:s15+$0x6410]  }
0x11e: {  	s16 =	sor.u32 s18, s16;
	v7 =	vadd.f32 v7, v8  }
0x11f: {  	[tilespmem:s16+$0x0] =	vst v9  }
0x120: {  	[tilespmem:s16+$0xC00] =	vst v7;
	v7 =	vshll.u32 v12, $0x10  }
0x121: {  	v8 =	vld [tilespmem:s17+$0xC010];
	v9 =	vand.u32 $0xFFFF0000, v12;
	v12 =	vshll.u32 v10, $0x10;
	v7 =	vmul.f32 v7, v3  }
0x122: {  	v13 =	vld [tilespmem:s17+$0x12010];
	v10 =	vand.u32 $0xFFFF0000, v10;
	v9 =	vmul.f32 v9, v3;
	v14 =	vshll.u32 v11, $0x10  }
0x123: {  	v15 =	vld [tilespmem:s17+$0x6010];
	v12 =	vmul.f32 v12, v4;
	v11 =	vand.u32 $0xFFFF0000, v11;
	v7 =	vadd.f32 v14, v7  }
0x124: {  	v10 =	vmul.f32 v10, v4;
	v9 =	vadd.f32 v11, v9  }
0x125: {  	v7 =	vadd.f32 v7, v12  }
0x126: {  	v11 =	vshll.u32 v8, $0x10;
	v9 =	vadd.f32 v9, v10  }
0x127: {  	v10 =	vshll.u32 v13, $0x10;
	v8 =	vand.u32 $0xFFFF0000, v8;
	v11 =	vmul.f32 v11, v5;
	[tilespmem:s13+$0x410] =	vst v7  }
0x128: {  	v12 =	vshll.u32 v15, $0x10;
	v8 =	vmul.f32 v8, v5;
	v10 =	vmul.f32 v10, v6;
	[tilespmem:s13+$0x1010] =	vst v9  }
0x129: {  	v7 =	vand.u32 $0xFFFF0000, v13;
	v9 =	vand.u32 $0xFFFF0000, v15;
	v11 =	vadd.f32 v12, v11;
	v12 =	vld [tilespmem:s15+$0xC420]  }
0x12a: {  	v8 =	vadd.f32 v9, v8;
	v7 =	vmul.f32 v7, v6;
	v9 =	vld [tilespmem:s15+$0x12420]  }
0x12b: {  	v10 =	vadd.f32 v11, v10;
	v11 =	vld [tilespmem:s15+$0x6420]  }
0x12c: {  	v7 =	vadd.f32 v8, v7  }
0x12d: {  	[tilespmem:s16+$0x10] =	vst v10  }
0x12e: {  	[tilespmem:s16+$0xC10] =	vst v7;
	v7 =	vshll.u32 v12, $0x10  }
0x12f: {  	v8 =	vld [tilespmem:s17+$0xC020];
	v10 =	vand.u32 $0xFFFF0000, v12;
	v12 =	vshll.u32 v9, $0x10;
	v7 =	vmul.f32 v7, v3  }
0x130: {  	v13 =	vld [tilespmem:s17+$0x12020];
	v9 =	vand.u32 $0xFFFF0000, v9;
	v10 =	vmul.f32 v10, v3;
	v14 =	vshll.u32 v11, $0x10  }
0x131: {  	v15 =	vld [tilespmem:s17+$0x6020];
	v12 =	vmul.f32 v12, v4;
	v11 =	vand.u32 $0xFFFF0000, v11;
	v7 =	vadd.f32 v14, v7  }
0x132: {  	v9 =	vmul.f32 v9, v4;
	v10 =	vadd.f32 v11, v10  }
0x133: {  	v7 =	vadd.f32 v7, v12  }
0x134: {  	v11 =	vshll.u32 v8, $0x10;
	v9 =	vadd.f32 v10, v9  }
0x135: {  	v10 =	vshll.u32 v13, $0x10;
	v8 =	vand.u32 $0xFFFF0000, v8;
	v11 =	vmul.f32 v11, v5;
	[tilespmem:s13+$0x420] =	vst v7  }
0x136: {  	v12 =	vshll.u32 v15, $0x10;
	v8 =	vmul.f32 v8, v5;
	v7 =	vand.u32 $0xFFFF0000, v13;
	[tilespmem:s13+$0x1020] =	vst v9  }
0x137: {  	v9 =	vmul.f32 v10, v6;
	v10 =	vadd.f32 v12, v11;
	v11 =	vand.u32 $0xFFFF0000, v15;
	v12 =	vld [tilespmem:s15+$0xC430]  }
0x138: {  	v7 =	vmul.f32 v7, v6;
	v8 =	vadd.f32 v11, v8;
	v11 =	vld [tilespmem:s15+$0x12430]  }
0x139: {  	v9 =	vadd.f32 v10, v9;
	v10 =	vld [tilespmem:s15+$0x6430]  }
0x13a: {  	v7 =	vadd.f32 v8, v7  }
0x13b: {  	[tilespmem:s16+$0x20] =	vst v9  }
0x13c: {  	[tilespmem:s16+$0xC20] =	vst v7;
	v7 =	vshll.u32 v12, $0x10  }
0x13d: {  	v9 =	vand.u32 $0xFFFF0000, v12;
	v8 =	vld [tilespmem:s17+$0xC030];
	v12 =	vshll.u32 v11, $0x10;
	v7 =	vmul.f32 v7, v3  }
0x13e: {  	v13 =	vld [tilespmem:s17+$0x12030];
	v11 =	vand.u32 $0xFFFF0000, v11;
	v9 =	vmul.f32 v9, v3;
	v14 =	vshll.u32 v10, $0x10  }
0x13f: {  	v15 =	vld [tilespmem:s17+$0x6030];
	v10 =	vand.u32 $0xFFFF0000, v10;
	v12 =	vmul.f32 v12, v4;
	v7 =	vadd.f32 v14, v7  }
0x140: {  	v9 =	vadd.f32 v10, v9;
	v10 =	vmul.f32 v11, v4  }
0x141: {  	v7 =	vadd.f32 v7, v12  }
0x142: {  	v9 =	vadd.f32 v9, v10;
	v11 =	vshll.u32 v8, $0x10  }
0x143: {  	v10 =	vshll.u32 v13, $0x10;
	v8 =	vand.u32 $0xFFFF0000, v8;
	v11 =	vmul.f32 v11, v5;
	[tilespmem:s13+$0x430] =	vst v7  }
0x144: {  	s23 =	simm.s32 $0x0;
	v12 =	vshll.u32 v15, $0x10;
	v7 =	vand.u32 $0xFFFF0000, v13;
	v8 =	vmul.f32 v8, v5;
	[tilespmem:s13+$0x1030] =	vst v9  }
0x145: {  	s20 =	simm.s32 $0x100;
	s25 =	smul.u32 $0xC00, s23;
	v9 =	vand.u32 $0xFFFF0000, v15;
	v10 =	vmul.f32 v10, v6;
	v11 =	vadd.f32 v12, v11;
	v12 =	vld [tilespmem:s15+$0xC440]  }
0x146: {  	s26 =	sand.u32 $0x380, s20;
	v7 =	vmul.f32 v7, v6;
	v8 =	vadd.f32 v9, v8;
	v9 =	vld [tilespmem:s15+$0x12440]  }
0x147: {  	s18 =	sor.u32 s26, s25;
	v10 =	vadd.f32 v11, v10;
	v11 =	vld [tilespmem:s15+$0x6440]  }
0x148: {  	v14 =	vld [tilespmem:s18+$0x6000];
	v7 =	vadd.f32 v8, v7  }
0x149: {  	v13 =	vld [tilespmem:s18+$0x12000];
	[tilespmem:s16+$0x30] =	vst v10  }
0x14a: {  	v10 =	vld [tilespmem:s18+$0xC000];
	[tilespmem:s16+$0xC30] =	vst v7;
	v7 =	vshll.u32 v12, $0x10;
	v8 =	vand.u32 $0xFFFF0000, v12  }
0x14b: {  	v15 =	vld [tilespmem:s17+$0xC040];
	v12 =	vshll.u32 v9, $0x10;
	v9 =	vand.u32 $0xFFFF0000, v9;
	v7 =	vmul.f32 v7, v3  }
0x14c: {  	v16 =	vld [tilespmem:s17+$0x12040];
	v8 =	vmul.f32 v8, v3;
	v12 =	vmul.f32 v12, v4;
	v17 =	vshll.u32 v11, $0x10  }
0x14d: {  	v18 =	vld [tilespmem:s17+$0x6040];
	v9 =	vmul.f32 v9, v4;
	v11 =	vand.u32 $0xFFFF0000, v11;
	v17 =	vadd.f32 v17, v7  }
0x14e: {  	s21 =	simm.s32 $0x18200;
	v8 =	vadd.f32 v11, v8;
	v11 =	vshll.u32 v13, $0x10;
	v13 =	vand.u32 $0xFFFF0000, v13  }
0x14f: {  	v7 =	vld [tilespmem:s21+$0x0];
	v20 =	vshll.u32 v10, $0x10;
	v10 =	vand.u32 $0xFFFF0000, v10;
	v12 =	vadd.f32 v17, v12  }
0x150: {  	s22 =	simm.s32 $0x1A200;
	v17 =	vshll.u32 v14, $0x10;
	v19 =	vshll.u32 v15, $0x10;
	v9 =	vadd.f32 v8, v9  }
0x151: {  	v21 =	vshll.u32 v16, $0x10;
	v8 =	vld [tilespmem:s22+$0x0];
	v15 =	vand.u32 $0xFFFF0000, v15;
	v19 =	vmul.f32 v19, v5;
	[tilespmem:s13+$0x440] =	vst v12  }
0x152: {  	v15 =	vmul.f32 v15, v5;
	v12 =	vand.u32 $0xFFFF0000, v16;
	v16 =	vshll.u32 v18, $0x10;
	[tilespmem:s13+$0x1040] =	vst v9  }
0x153: {  	v9 =	vmul.f32 v21, v6;
	v18 =	vand.u32 $0xFFFF0000, v18;
	v16 =	vadd.f32 v16, v19;
	v19 =	vld [tilespmem:s15+$0xC450]  }
0x154: {  	v12 =	vmul.f32 v12, v6;
	v20 =	vmul.f32 v20, v7;
	v57 =	vld [tilespmem:s15+$0x12450];
	v15 =	vadd.f32 v18, v15  }
0x155: {  	v14 =	vand.u32 $0xFFFF0000, v14;
	v10 =	vmul.f32 v10, v7;
	v9 =	vadd.f32 v16, v9;
	v16 =	vld [tilespmem:s15+$0x6450]  }
0x156: {  	v11 =	vmul.f32 v11, v8;
	v17 =	vadd.f32 v17, v20;
	v12 =	vadd.f32 v15, v12  }
0x157: {  	v13 =	vmul.f32 v13, v8;
	[tilespmem:s16+$0x40] =	vst v9;
	v9 =	vadd.f32 v14, v10  }
0x158: {  	v10 =	vadd.f32 v17, v11;
	[tilespmem:s16+$0xC40] =	vst v12;
	v11 =	vshll.u32 v19, $0x10;
	v12 =	vand.u32 $0xFFFF0000, v19  }
0x159: {  	s23 =	smul.u32 $0x6000, s23;
	v14 =	vshll.u32 v57, $0x10;
	v17 =	vand.u32 $0xFFFF0000, v57;
	v11 =	vmul.f32 v11, v3  }
0x15a: {  	v15 =	vld [tilespmem:s17+$0xC050];
	v12 =	vmul.f32 v12, v3;
	v14 =	vmul.f32 v14, v4;
	v18 =	vshll.u32 v16, $0x10  }
0x15b: {  	s23 =	sshra.s32 s23, $0x2;
	v9 =	vadd.f32 v9, v13;
	v13 =	vld [tilespmem:s17+$0x6050];
	v16 =	vand.u32 $0xFFFF0000, v16;
	v11 =	vadd.f32 v18, v11  }
0x15c: {  	s19 =	sor.u32 s26, s23;
	v19 =	vld [tilespmem:s17+$0x12050];
	v12 =	vadd.f32 v16, v12;
	v16 =	vmul.f32 v17, v4  }
0x15d: {  	[tilespmem:s19+$0x0] =	vst v10;
	v10 =	vadd.f32 v11, v14  }
0x15e: {  	[tilespmem:s19+$0xC00] =	vst v9;
	v9 =	vadd.f32 v12, v16  }
0x15f: {  	v11 =	vshll.u32 v15, $0x10;
	[tilespmem:s13+$0x450] =	vst v10  }
0x160: {  	v12 =	vand.u32 $0xFFFF0000, v15;
	v14 =	vld [tilespmem:s18+$0x12010];
	v11 =	vmul.f32 v11, v5;
	v15 =	vshll.u32 v13, $0x10;
	[tilespmem:s13+$0x1050] =	vst v9  }
0x161: {  	v12 =	vmul.f32 v12, v5;
	v13 =	vand.u32 $0xFFFF0000, v13;
	v10 =	vshll.u32 v19, $0x10;
	v16 =	vld [tilespmem:s15+$0xC460]  }
0x162: {  	v9 =	vand.u32 $0xFFFF0000, v19;
	v10 =	vmul.f32 v10, v6;
	v11 =	vadd.f32 v15, v11;
	v15 =	vld [tilespmem:s15+$0x12460]  }
0x163: {  	v12 =	vadd.f32 v13, v12;
	v9 =	vmul.f32 v9, v6  }
0x164: {  	v13 =	vld [tilespmem:s15+$0x6460];
	v10 =	vadd.f32 v11, v10  }
0x165: {  	v9 =	vadd.f32 v12, v9  }
0x166: {  	v17 =	vld [tilespmem:s18+$0xC010];
	v12 =	vshll.u32 v14, $0x10;
	[tilespmem:s16+$0x50] =	vst v10  }
0x167: {  	[tilespmem:s16+$0xC50] =	vst v9;
	v10 =	vshll.u32 v16, $0x10;
	v9 =	vand.u32 $0xFFFF0000, v16;
	v16 =	vshll.u32 v15, $0x10  }
0x168: {  	v18 =	vld [tilespmem:s17+$0xC060];
	v15 =	vand.u32 $0xFFFF0000, v15;
	v10 =	vmul.f32 v10, v3;
	v9 =	vmul.f32 v9, v3  }
0x169: {  	v19 =	vshll.u32 v13, $0x10;
	v13 =	vand.u32 $0xFFFF0000, v13;
	v58 =	vld [tilespmem:s17+$0x6060];
	v16 =	vmul.f32 v16, v4  }
0x16a: {  	v20 =	vld [tilespmem:s17+$0x12060];
	v10 =	vadd.f32 v19, v10;
	v9 =	vadd.f32 v13, v9;
	v13 =	vmul.f32 v15, v4  }
0x16b: {  	v14 =	vand.u32 $0xFFFF0000, v14;
	v12 =	vmul.f32 v12, v8;
	v15 =	vshll.u32 v17, $0x10  }
0x16c: {  	v11 =	vld [tilespmem:s18+$0x6010];
	v10 =	vadd.f32 v10, v16;
	v16 =	vand.u32 $0xFFFF0000, v17;
	v9 =	vadd.f32 v9, v13  }
0x16d: {  	v13 =	vmul.f32 v15, v7;
	v15 =	vmul.f32 v16, v7;
	v16 =	vshll.u32 v18, $0x10  }
0x16e: {  	v17 =	vand.u32 $0xFFFF0000, v18;
	v18 =	vshll.u32 v58, $0x10;
	[tilespmem:s13+$0x460] =	vst v10;
	v16 =	vmul.f32 v16, v5  }
0x16f: {  	v17 =	vmul.f32 v17, v5;
	v10 =	vshll.u32 v20, $0x10;
	[tilespmem:s13+$0x1060] =	vst v9;
	v9 =	vand.u32 $0xFFFF0000, v20  }
0x170: {  	v20 =	vld [tilespmem:s15+$0xC470];
	v10 =	vmul.f32 v10, v6;
	v16 =	vadd.f32 v18, v16;
	v18 =	vand.u32 $0xFFFF0000, v58  }
0x171: {  	v19 =	vshll.u32 v11, $0x10;
	v59 =	vld [tilespmem:s15+$0x12470];
	v9 =	vmul.f32 v9, v6;
	v17 =	vadd.f32 v18, v17  }
0x172: {  	v11 =	vand.u32 $0xFFFF0000, v11;
	v13 =	vadd.f32 v19, v13;
	v18 =	vld [tilespmem:s15+$0x6470];
	v10 =	vadd.f32 v16, v10  }
0x173: {  	v14 =	vmul.f32 v14, v8;
	v11 =	vadd.f32 v11, v15;
	v9 =	vadd.f32 v17, v9  }
0x174: {  	[tilespmem:s16+$0x60] =	vst v10  }
0x175: {  	v11 =	vadd.f32 v11, v14;
	v10 =	vadd.f32 v13, v12;
	v12 =	vshll.u32 v20, $0x10;
	[tilespmem:s16+$0xC60] =	vst v9  }
0x176: {  	v13 =	vshll.u32 v59, $0x10;
	v9 =	vand.u32 $0xFFFF0000, v20;
	v12 =	vmul.f32 v12, v3;
	v14 =	vld [tilespmem:s17+$0xC070]  }
0x177: {  	v15 =	vand.u32 $0xFFFF0000, v59;
	v16 =	vshll.u32 v18, $0x10;
	v9 =	vmul.f32 v9, v3;
	v17 =	vld [tilespmem:s17+$0x12070]  }
0x178: {  	v13 =	vmul.f32 v13, v4;
	v18 =	vand.u32 $0xFFFF0000, v18;
	[tilespmem:s19+$0x10] =	vst v10;
	v10 =	vld [tilespmem:s17+$0x6070];
	v12 =	vadd.f32 v16, v12  }
0x179: {  	v15 =	vmul.f32 v15, v4;
	v9 =	vadd.f32 v18, v9  }
0x17a: {  	[tilespmem:s19+$0xC10] =	vst v11;
	v11 =	vadd.f32 v12, v13  }
0x17b: {  	v12 =	vld [tilespmem:s18+$0x12020];
	v9 =	vadd.f32 v9, v15;
	v15 =	vshll.u32 v14, $0x10  }
0x17c: {  	v13 =	vld [tilespmem:s18+$0x6020];
	[tilespmem:s13+$0x470] =	vst v11;
	v14 =	vand.u32 $0xFFFF0000, v14;
	v16 =	vshll.u32 v17, $0x10;
	v15 =	vmul.f32 v15, v5  }
0x17d: {  	v11 =	vld [tilespmem:s18+$0xC020];
	[tilespmem:s13+$0x1070] =	vst v9;
	v9 =	vand.u32 $0xFFFF0000, v17;
	v17 =	vshll.u32 v10, $0x10;
	v14 =	vmul.f32 v14, v5  }
0x17e: {  	v10 =	vand.u32 $0xFFFF0000, v10;
	v16 =	vmul.f32 v16, v6;
	v18 =	vld [tilespmem:s15+$0xC800];
	v15 =	vadd.f32 v17, v15  }
0x17f: {  	v9 =	vmul.f32 v9, v6;
	v17 =	vld [tilespmem:s15+$0x12800];
	v10 =	vadd.f32 v10, v14  }
0x180: {  	v14 =	vld [tilespmem:s15+$0x6800];
	v19 =	vshll.u32 v12, $0x10;
	v12 =	vand.u32 $0xFFFF0000, v12;
	v15 =	vadd.f32 v15, v16  }
0x181: {  	v20 =	vshll.u32 v13, $0x10;
	v13 =	vand.u32 $0xFFFF0000, v13;
	v9 =	vadd.f32 v10, v9  }
0x182: {  	v19 =	vmul.f32 v19, v8;
	v16 =	vshll.u32 v11, $0x10;
	v10 =	vand.u32 $0xFFFF0000, v11;
	[tilespmem:s16+$0x70] =	vst v15  }
0x183: {  	v11 =	vmul.f32 v16, v7;
	v10 =	vmul.f32 v10, v7;
	v15 =	vshll.u32 v18, $0x10;
	[tilespmem:s16+$0xC70] =	vst v9  }
0x184: {  	v9 =	vand.u32 $0xFFFF0000, v18;
	v16 =	vshll.u32 v17, $0x10;
	v15 =	vmul.f32 v15, v3;
	v18 =	vld [tilespmem:s17+$0xC400]  }
0x185: {  	v17 =	vand.u32 $0xFFFF0000, v17;
	v60 =	vshll.u32 v14, $0x10;
	v9 =	vmul.f32 v9, v3;
	v61 =	vld [tilespmem:s17+$0x6400]  }
0x186: {  	v22 =	vld [tilespmem:s17+$0x12400];
	v14 =	vand.u32 $0xFFFF0000, v14;
	v16 =	vmul.f32 v16, v4;
	v15 =	vadd.f32 v60, v15  }
0x187: {  	v11 =	vadd.f32 v20, v11;
	v9 =	vadd.f32 v14, v9;
	v14 =	vmul.f32 v17, v4  }
0x188: {  	v12 =	vmul.f32 v12, v8;
	v10 =	vadd.f32 v13, v10;
	v15 =	vadd.f32 v15, v16  }
0x189: {  	v11 =	vadd.f32 v11, v19;
	v9 =	vadd.f32 v9, v14;
	v13 =	vshll.u32 v18, $0x10  }
0x18a: {  	v14 =	vand.u32 $0xFFFF0000, v18;
	v16 =	vshll.u32 v61, $0x10;
	[tilespmem:s13+$0x800] =	vst v15;
	v13 =	vmul.f32 v13, v5  }
0x18b: {  	v18 =	vand.u32 $0xFFFF0000, v61;
	v15 =	vshll.u32 v22, $0x10;
	[tilespmem:s13+$0x1400] =	vst v9;
	v14 =	vmul.f32 v14, v5  }
0x18c: {  	v9 =	vand.u32 $0xFFFF0000, v22;
	v17 =	vld [tilespmem:s15+$0xC810];
	v15 =	vmul.f32 v15, v6;
	v13 =	vadd.f32 v16, v13  }
0x18d: {  	v10 =	vadd.f32 v10, v12;
	v9 =	vmul.f32 v9, v6;
	v16 =	vld [tilespmem:s15+$0x12810];
	v12 =	vadd.f32 v18, v14  }
0x18e: {  	[tilespmem:s19+$0x20] =	vst v11;
	v14 =	vld [tilespmem:s15+$0x6810];
	v11 =	vadd.f32 v13, v15  }
0x18f: {  	[tilespmem:s19+$0xC20] =	vst v10;
	v9 =	vadd.f32 v12, v9  }
0x190: {  	[tilespmem:s16+$0x400] =	vst v11  }
0x191: {  	v10 =	vshll.u32 v17, $0x10;
	v11 =	vld [tilespmem:s18+$0x12030];
	[tilespmem:s16+$0x1000] =	vst v9  }
0x192: {  	v9 =	vand.u32 $0xFFFF0000, v17;
	v12 =	vshll.u32 v16, $0x10;
	v10 =	vmul.f32 v10, v3;
	v13 =	vld [tilespmem:s17+$0xC410]  }
0x193: {  	v15 =	vand.u32 $0xFFFF0000, v16;
	v16 =	vshll.u32 v14, $0x10;
	v9 =	vmul.f32 v9, v3;
	v17 =	vld [tilespmem:s17+$0x12410]  }
0x194: {  	v14 =	vand.u32 $0xFFFF0000, v14;
	v12 =	vmul.f32 v12, v4;
	v10 =	vadd.f32 v16, v10  }
0x195: {  	v16 =	vld [tilespmem:s17+$0x6410];
	v9 =	vadd.f32 v14, v9;
	v14 =	vmul.f32 v15, v4  }
0x196: {  	v10 =	vadd.f32 v10, v12  }
0x197: {  	v12 =	vld [tilespmem:s18+$0x6030];
	v9 =	vadd.f32 v9, v14;
	v19 =	vshll.u32 v11, $0x10;
	v14 =	vand.u32 $0xFFFF0000, v11  }
0x198: {  	v11 =	vshll.u32 v13, $0x10;
	[tilespmem:s13+$0x810] =	vst v10;
	v10 =	vand.u32 $0xFFFF0000, v13;
	v13 =	vshll.u32 v17, $0x10  }
0x199: {  	v18 =	vld [tilespmem:s18+$0xC030];
	v15 =	vmul.f32 v11, v5;
	[tilespmem:s13+$0x1410] =	vst v9;
	v9 =	vand.u32 $0xFFFF0000, v17;
	v10 =	vmul.f32 v10, v5  }
0x19a: {  	v17 =	vshll.u32 v16, $0x10;
	v16 =	vand.u32 $0xFFFF0000, v16;
	v13 =	vmul.f32 v13, v6  }
0x19b: {  	v11 =	vld [tilespmem:s15+$0xC820];
	v62 =	vmul.f32 v9, v6;
	v20 =	vadd.f32 v17, v15;
	v10 =	vadd.f32 v16, v10  }
0x19c: {  	v9 =	vld [tilespmem:s15+$0x12820];
	v15 =	vshll.u32 v12, $0x10  }
0x19d: {  	v17 =	vand.u32 $0xFFFF0000, v12;
	v12 =	vadd.f32 v20, v13;
	v13 =	vadd.f32 v10, v62;
	v10 =	vld [tilespmem:s15+$0x6820]  }
0x19e: {  	v63 =	vshll.u32 v18, $0x10;
	v18 =	vand.u32 $0xFFFF0000, v18  }
0x19f: {  	v18 =	vmul.f32 v18, v7  }
0x1a0: {  	s23 =	simm.s32 $0x3;
	v16 =	vmul.f32 v19, v8;
	v19 =	vmul.f32 v63, v7;
	[tilespmem:s16+$0x410] =	vst v12;
	v12 =	vshll.u32 v11, $0x10  }
.LBB2_2:
0x1a1: {  	p0 =	sne.s32 s23, $0x1F;
	[tilespmem:s16+$0x1010] =	vst v13;
	v11 =	vand.u32 $0xFFFF0000, v11;
	v13 =	vshll.u32 v9, $0x10;
	v12 =	vmul.f32 v12, v3  }
0x1a2: {  	v9 =	vand.u32 $0xFFFF0000, v9;
	v20 =	vld [tilespmem:s17+$0xC420];
	v21 =	vshll.u32 v10, $0x10;
	v11 =	vmul.f32 v11, v3  }
0x1a3: {  	s26 =	sshrl.u32 s23, $0x3;
	v10 =	vand.u32 $0xFFFF0000, v10;
	v13 =	vmul.f32 v13, v4;
	v22 =	vld [tilespmem:s17+$0x12420];
	v12 =	vadd.f32 v21, v12  }
0x1a4: {  	s20 =	sadd.s32 $0x80, s20;
	s24 =	smul.u32 $0xC00, s26;
	v15 =	vadd.f32 v15, v19;
	v9 =	vmul.f32 v9, v4;
	v19 =	vld [tilespmem:s17+$0x6420];
	v10 =	vadd.f32 v10, v11  }
0x1a5: {  	v14 =	vmul.f32 v14, v8;
	s25 =	sand.u32 $0x380, s20;
	v11 =	vadd.f32 v17, v18;
	v12 =	vadd.f32 v12, v13  }
0x1a6: {  	s24 =	sor.u32 s25, s24;
	v9 =	vadd.f32 v10, v9  }
0x1a7: {  	v13 =	vadd.f32 v15, v16;
	v11 =	vadd.f32 v11, v14;
	v10 =	vld [tilespmem:s24+$0x12000];
	v14 =	vshll.u32 v20, $0x10;
	[tilespmem:s13+$0x820] =	vst v12  }
0x1a8: {  	v15 =	vand.u32 $0xFFFF0000, v20;
	v12 =	vld [tilespmem:s24+$0x6000];
	v16 =	vshll.u32 v22, $0x10;
	v14 =	vmul.f32 v14, v5;
	[tilespmem:s13+$0x1420] =	vst v9  }
0x1a9: {  	v9 =	vand.u32 $0xFFFF0000, v22;
	v15 =	vmul.f32 v15, v5;
	v17 =	vshll.u32 v19, $0x10;
	v18 =	vld [tilespmem:s15+$0xC830]  }
0x1aa: {  	v19 =	vand.u32 $0xFFFF0000, v19;
	v16 =	vmul.f32 v16, v6;
	v14 =	vadd.f32 v17, v14;
	v17 =	vld [tilespmem:s15+$0x12830]  }
0x1ab: {  	v9 =	vmul.f32 v9, v6;
	[tilespmem:s19+$0x30] =	vst v13;
	v13 =	vadd.f32 v19, v15;
	v15 =	vld [tilespmem:s15+$0x6830]  }
0x1ac: {  	v19 =	vld [tilespmem:s24+$0xC000];
	[tilespmem:s19+$0xC30] =	vst v11;
	v11 =	vadd.f32 v14, v16  }
0x1ad: {  	v14 =	vshll.u32 v10, $0x10;
	v16 =	vand.u32 $0xFFFF0000, v10;
	v10 =	vld [tilespmem:s18+$0x12040];
	v9 =	vadd.f32 v13, v9  }
0x1ae: {  	v13 =	vshll.u32 v12, $0x10;
	v12 =	vand.u32 $0xFFFF0000, v12;
	v20 =	vld [tilespmem:s18+$0x6040];
	[tilespmem:s16+$0x420] =	vst v11;
	v11 =	vshll.u32 v18, $0x10  }
0x1af: {  	v21 =	vld [tilespmem:s18+$0xC040];
	[tilespmem:s16+$0x1020] =	vst v9;
	v9 =	vand.u32 $0xFFFF0000, v18;
	v18 =	vshll.u32 v17, $0x10;
	v11 =	vmul.f32 v11, v3  }
0x1b0: {  	v17 =	vand.u32 $0xFFFF0000, v17;
	v22 =	vld [tilespmem:s17+$0xC430];
	v23 =	vshll.u32 v15, $0x10;
	v9 =	vmul.f32 v9, v3  }
0x1b1: {  	v15 =	vand.u32 $0xFFFF0000, v15;
	v18 =	vmul.f32 v18, v4;
	v24 =	vld [tilespmem:s17+$0x12430];
	v11 =	vadd.f32 v23, v11  }
0x1b2: {  	v23 =	vshll.u32 v19, $0x10;
	v25 =	vld [tilespmem:s17+$0x6430];
	v9 =	vadd.f32 v15, v9;
	v15 =	vmul.f32 v17, v4  }
0x1b3: {  	v17 =	vshll.u32 v10, $0x10;
	v10 =	vand.u32 $0xFFFF0000, v10;
	v11 =	vadd.f32 v11, v18  }
0x1b4: {  	v26 =	vshll.u32 v20, $0x10;
	v18 =	vshll.u32 v21, $0x10;
	v9 =	vadd.f32 v9, v15  }
0x1b5: {  	v15 =	vand.u32 $0xFFFF0000, v21;
	v18 =	vmul.f32 v18, v7;
	v21 =	vshll.u32 v22, $0x10;
	[tilespmem:s13+$0x830] =	vst v11  }
0x1b6: {  	v11 =	vand.u32 $0xFFFF0000, v22;
	v22 =	vshll.u32 v24, $0x10;
	v21 =	vmul.f32 v21, v5;
	[tilespmem:s13+$0x1430] =	vst v9  }
0x1b7: {  	v9 =	vand.u32 $0xFFFF0000, v24;
	v11 =	vmul.f32 v11, v5;
	v24 =	vshll.u32 v25, $0x10;
	v27 =	vld [tilespmem:s15+$0xC840]  }
0x1b8: {  	v25 =	vand.u32 $0xFFFF0000, v25;
	v22 =	vmul.f32 v22, v6;
	v21 =	vadd.f32 v24, v21;
	v24 =	vld [tilespmem:s15+$0x12840]  }
0x1b9: {  	v17 =	vmul.f32 v17, v8;
	v9 =	vmul.f32 v9, v6;
	v11 =	vadd.f32 v25, v11;
	v25 =	vld [tilespmem:s15+$0x6840]  }
0x1ba: {  	v15 =	vmul.f32 v15, v7;
	v18 =	vadd.f32 v26, v18;
	v21 =	vadd.f32 v21, v22  }
0x1bb: {  	s21 =	sadd.s32 $0x80, s21;
	v20 =	vand.u32 $0xFFFF0000, v20;
	v22 =	vmul.f32 v10, v8;
	v11 =	vadd.f32 v11, v9  }
0x1bc: {  	s22 =	sadd.s32 $0x80, s22;
	v15 =	vadd.f32 v20, v15;
	v17 =	vadd.f32 v18, v17;
	v9 =	vld [tilespmem:s21+$0x0];
	[tilespmem:s16+$0x430] =	vst v21;
	v18 =	vshll.u32 v27, $0x10  }
0x1bd: {  	v10 =	vld [tilespmem:s22+$0x0];
	[tilespmem:s16+$0x1030] =	vst v11;
	v11 =	vand.u32 $0xFFFF0000, v27;
	v20 =	vshll.u32 v24, $0x10;
	v18 =	vmul.f32 v18, v3  }
0x1be: {  	v24 =	vand.u32 $0xFFFF0000, v24;
	v21 =	vld [tilespmem:s17+$0xC440];
	v26 =	vshll.u32 v25, $0x10;
	v11 =	vmul.f32 v11, v3  }
0x1bf: {  	v25 =	vand.u32 $0xFFFF0000, v25;
	v20 =	vmul.f32 v20, v4;
	v27 =	vld [tilespmem:s17+$0x12440];
	v18 =	vadd.f32 v26, v18  }
0x1c0: {  	v15 =	vadd.f32 v15, v22;
	v24 =	vmul.f32 v24, v4;
	v22 =	vld [tilespmem:s17+$0x6440];
	v11 =	vadd.f32 v25, v11  }
0x1c1: {  	v19 =	vand.u32 $0xFFFF0000, v19;
	v23 =	vmul.f32 v23, v9;
	[tilespmem:s19+$0x40] =	vst v17;
	v17 =	vadd.f32 v18, v20  }
0x1c2: {  	v14 =	vmul.f32 v14, v10;
	v16 =	vmul.f32 v16, v10;
	[tilespmem:s19+$0xC40] =	vst v15;
	v11 =	vadd.f32 v11, v24  }
0x1c3: {  	v15 =	vmul.f32 v19, v9;
	v13 =	vadd.f32 v13, v23;
	v18 =	vshll.u32 v21, $0x10;
	[tilespmem:s13+$0x840] =	vst v17  }
0x1c4: {  	v19 =	vand.u32 $0xFFFF0000, v21;
	v17 =	vld [tilespmem:s18+$0x12050];
	v20 =	vshll.u32 v27, $0x10;
	v18 =	vmul.f32 v18, v5;
	[tilespmem:s13+$0x1440] =	vst v11  }
0x1c5: {  	v11 =	vand.u32 $0xFFFF0000, v27;
	v19 =	vmul.f32 v19, v5;
	v21 =	vshll.u32 v22, $0x10;
	v23 =	vld [tilespmem:s15+$0xC850]  }
0x1c6: {  	v22 =	vand.u32 $0xFFFF0000, v22;
	v20 =	vmul.f32 v20, v6;
	v18 =	vadd.f32 v21, v18;
	v21 =	vld [tilespmem:s15+$0x12850]  }
0x1c7: {  	v12 =	vadd.f32 v12, v15;
	v11 =	vmul.f32 v11, v6;
	v15 =	vadd.f32 v22, v19;
	v19 =	vld [tilespmem:s15+$0x6850]  }
0x1c8: {  	v13 =	vadd.f32 v13, v14;
	v14 =	vadd.f32 v18, v20  }
0x1c9: {  	v12 =	vadd.f32 v12, v16;
	v11 =	vadd.f32 v15, v11;
	v16 =	vld [tilespmem:s18+$0x6050]  }
0x1ca: {  	v18 =	vshll.u32 v17, $0x10;
	v17 =	vand.u32 $0xFFFF0000, v17;
	v15 =	vld [tilespmem:s18+$0xC050];
	[tilespmem:s16+$0x440] =	vst v14;
	v14 =	vshll.u32 v23, $0x10  }
0x1cb: {  	s26 =	smul.u32 $0x6000, s26;
	[tilespmem:s16+$0x1040] =	vst v11;
	v11 =	vand.u32 $0xFFFF0000, v23;
	v20 =	vshll.u32 v21, $0x10;
	v14 =	vmul.f32 v14, v3  }
0x1cc: {  	v21 =	vand.u32 $0xFFFF0000, v21;
	v22 =	vld [tilespmem:s17+$0xC450];
	v23 =	vshll.u32 v19, $0x10;
	v11 =	vmul.f32 v11, v3  }
0x1cd: {  	s26 =	sshra.s32 s26, $0x2;
	v19 =	vand.u32 $0xFFFF0000, v19;
	v20 =	vmul.f32 v20, v4;
	v24 =	vld [tilespmem:s17+$0x12450];
	v14 =	vadd.f32 v23, v14  }
0x1ce: {  	s25 =	sor.u32 s25, s26;
	v23 =	vshll.u32 v16, $0x10;
	v25 =	vld [tilespmem:s17+$0x6450];
	v11 =	vadd.f32 v19, v11;
	v19 =	vmul.f32 v21, v4  }
0x1cf: {  	v16 =	vand.u32 $0xFFFF0000, v16;
	[tilespmem:s25+$0x0] =	vst v13;
	v13 =	vshll.u32 v15, $0x10;
	v14 =	vadd.f32 v14, v20  }
0x1d0: {  	[tilespmem:s25+$0xC00] =	vst v12;
	v12 =	vand.u32 $0xFFFF0000, v15;
	v15 =	vmul.f32 v18, v8;
	v11 =	vadd.f32 v11, v19  }
0x1d1: {  	v13 =	vmul.f32 v13, v7;
	v12 =	vmul.f32 v12, v7;
	v18 =	vshll.u32 v22, $0x10;
	[tilespmem:s13+$0x850] =	vst v14  }
0x1d2: {  	v19 =	vand.u32 $0xFFFF0000, v22;
	v14 =	vld [tilespmem:s24+$0x12010];
	v20 =	vshll.u32 v24, $0x10;
	v18 =	vmul.f32 v18, v5;
	[tilespmem:s13+$0x1450] =	vst v11  }
0x1d3: {  	v11 =	vand.u32 $0xFFFF0000, v24;
	v19 =	vmul.f32 v19, v5;
	v21 =	vshll.u32 v25, $0x10;
	v22 =	vld [tilespmem:s15+$0xC860]  }
0x1d4: {  	v24 =	vand.u32 $0xFFFF0000, v25;
	v20 =	vmul.f32 v20, v6;
	v18 =	vadd.f32 v21, v18;
	v21 =	vld [tilespmem:s15+$0x12860]  }
0x1d5: {  	v13 =	vadd.f32 v23, v13;
	v11 =	vmul.f32 v11, v6;
	v19 =	vadd.f32 v24, v19;
	v23 =	vld [tilespmem:s15+$0x6860]  }
0x1d6: {  	v12 =	vadd.f32 v16, v12;
	v16 =	vmul.f32 v17, v8;
	v17 =	vadd.f32 v18, v20  }
0x1d7: {  	v11 =	vadd.f32 v19, v11;
	v18 =	vshll.u32 v14, $0x10;
	v14 =	vand.u32 $0xFFFF0000, v14;
	v20 =	vld [tilespmem:s24+$0x6010]  }
0x1d8: {  	v13 =	vadd.f32 v13, v15;
	v12 =	vadd.f32 v12, v16;
	v19 =	vld [tilespmem:s24+$0xC010];
	[tilespmem:s16+$0x450] =	vst v17;
	v15 =	vshll.u32 v22, $0x10  }
0x1d9: {  	[tilespmem:s16+$0x1050] =	vst v11;
	v11 =	vand.u32 $0xFFFF0000, v22;
	v16 =	vshll.u32 v21, $0x10;
	v15 =	vmul.f32 v15, v3  }
0x1da: {  	v21 =	vand.u32 $0xFFFF0000, v21;
	v17 =	vld [tilespmem:s17+$0xC460];
	v22 =	vshll.u32 v23, $0x10;
	v11 =	vmul.f32 v11, v3  }
0x1db: {  	v23 =	vand.u32 $0xFFFF0000, v23;
	v16 =	vmul.f32 v16, v4;
	v24 =	vld [tilespmem:s17+$0x12460];
	v15 =	vadd.f32 v22, v15  }
0x1dc: {  	v21 =	vmul.f32 v21, v4;
	v22 =	vshll.u32 v20, $0x10;
	[tilespmem:s19+$0x50] =	vst v13;
	v13 =	vld [tilespmem:s17+$0x6460];
	v11 =	vadd.f32 v23, v11  }
0x1dd: {  	v20 =	vand.u32 $0xFFFF0000, v20;
	v23 =	vshll.u32 v19, $0x10;
	[tilespmem:s19+$0xC50] =	vst v12;
	v12 =	vadd.f32 v15, v16  }
0x1de: {  	v15 =	vand.u32 $0xFFFF0000, v19;
	v16 =	vmul.f32 v18, v10;
	v18 =	vld [tilespmem:s18+$0x12060];
	v11 =	vadd.f32 v11, v21  }
0x1df: {  	v19 =	vmul.f32 v23, v9;
	v15 =	vmul.f32 v15, v9;
	v21 =	vld [tilespmem:s18+$0x6060];
	v23 =	vshll.u32 v17, $0x10;
	[tilespmem:s13+$0x860] =	vst v12  }
0x1e0: {  	v17 =	vand.u32 $0xFFFF0000, v17;
	v12 =	vld [tilespmem:s18+$0xC060];
	v25 =	vshll.u32 v24, $0x10;
	v23 =	vmul.f32 v23, v5;
	[tilespmem:s13+$0x1460] =	vst v11  }
0x1e1: {  	v11 =	vand.u32 $0xFFFF0000, v24;
	v17 =	vmul.f32 v17, v5;
	v24 =	vshll.u32 v13, $0x10;
	v26 =	vld [tilespmem:s15+$0xC870]  }
0x1e2: {  	v13 =	vand.u32 $0xFFFF0000, v13;
	v23 =	vadd.f32 v24, v23;
	v24 =	vmul.f32 v25, v6;
	v25 =	vld [tilespmem:s15+$0x12870]  }
0x1e3: {  	v19 =	vadd.f32 v22, v19;
	v11 =	vmul.f32 v11, v6;
	v13 =	vadd.f32 v13, v17;
	v17 =	vld [tilespmem:s15+$0x6870];
	s15 =	smov.u32 s17;
	s17 =	smov.u32 s18;
	s18 =	smov.u32 s24  }
0x1e4: {  	v22 =	vshll.u32 v18, $0x10;
	v18 =	vand.u32 $0xFFFF0000, v18;
	v23 =	vadd.f32 v23, v24  }
0x1e5: {  	v11 =	vadd.f32 v13, v11;
	v24 =	vshll.u32 v12, $0x10;
	v12 =	vand.u32 $0xFFFF0000, v12  }
0x1e6: {  	v22 =	vmul.f32 v22, v8;
	v13 =	vmul.f32 v24, v7;
	[tilespmem:s16+$0x460] =	vst v23;
	v23 =	vand.u32 $0xFFFF0000, v26  }
0x1e7: {  	v24 =	vshll.u32 v21, $0x10;
	v12 =	vmul.f32 v12, v7;
	[tilespmem:s16+$0x1060] =	vst v11;
	v11 =	vmul.f32 v23, v3  }
0x1e8: {  	v13 =	vadd.f32 v24, v13;
	v23 =	vld [tilespmem:s15+$0xC470];
	v24 =	vand.u32 $0xFFFF0000, v25;
	v27 =	vand.u32 $0xFFFF0000, v17  }
0x1e9: {  	v21 =	vand.u32 $0xFFFF0000, v21;
	v28 =	vld [tilespmem:s15+$0x12470];
	v11 =	vadd.f32 v27, v11;
	v24 =	vmul.f32 v24, v4  }
0x1ea: {  	v18 =	vmul.f32 v18, v8;
	v12 =	vadd.f32 v21, v12;
	v13 =	vadd.f32 v13, v22;
	v21 =	vld [tilespmem:s15+$0x6470]  }
0x1eb: {  	v14 =	vmul.f32 v14, v10;
	v15 =	vadd.f32 v20, v15;
	v11 =	vadd.f32 v11, v24  }
0x1ec: {  	v12 =	vadd.f32 v12, v18;
	v18 =	vshll.u32 v25, $0x10;
	[tilespmem:s19+$0x60] =	vst v13;
	v13 =	vshll.u32 v26, $0x10  }
0x1ed: {  	v16 =	vadd.f32 v19, v16;
	v14 =	vadd.f32 v15, v14;
	v15 =	vshll.u32 v23, $0x10;
	[tilespmem:s13+$0x1470] =	vst v11  }
0x1ee: {  	v11 =	vand.u32 $0xFFFF0000, v23;
	[tilespmem:s19+$0xC60] =	vst v12;
	v12 =	vshll.u32 v28, $0x10;
	v15 =	vmul.f32 v15, v5  }
0x1ef: {  	v20 =	vand.u32 $0xFFFF0000, v28;
	v11 =	vmul.f32 v11, v5;
	v19 =	vld [tilespmem:s17+$0xC070];
	v22 =	vshll.u32 v21, $0x10  }
0x1f0: {  	v21 =	vand.u32 $0xFFFF0000, v21;
	v12 =	vmul.f32 v12, v6;
	v23 =	vld [tilespmem:s17+$0x12070];
	v15 =	vadd.f32 v22, v15  }
0x1f1: {  	v13 =	vmul.f32 v13, v3;
	v20 =	vmul.f32 v20, v6;
	v11 =	vadd.f32 v21, v11;
	[tilespmem:s25+$0x10] =	vst v16;
	v16 =	vld [tilespmem:s17+$0x6070]  }
0x1f2: {  	v3 =	vmovc v5;
	[tilespmem:s25+$0xC10] =	vst v14;
	v12 =	vadd.f32 v15, v12;
	v14 =	vshll.u32 v17, $0x10;
	v15 =	vmul.f32 v18, v4  }
0x1f3: {  	v5 =	vmovc v7;
	v7 =	vmovc v9;
	v11 =	vadd.f32 v11, v20;
	v4 =	vmov v6;
	v17 =	vld [tilespmem:s18+$0x12020];
	v13 =	vadd.f32 v14, v13  }
0x1f4: {  	v6 =	vmov v8;
	v8 =	vmov v10;
	v9 =	vld [tilespmem:s18+$0x6020];
	v14 =	vshll.u32 v19, $0x10;
	[tilespmem:s16+$0x470] =	vst v12  }
0x1f5: {  	v12 =	vand.u32 $0xFFFF0000, v19;
	v10 =	vld [tilespmem:s18+$0xC020];
	v18 =	vshll.u32 v23, $0x10;
	v14 =	vmul.f32 v14, v5;
	[tilespmem:s16+$0x1070] =	vst v11  }
0x1f6: {  	v11 =	vand.u32 $0xFFFF0000, v23;
	v12 =	vmul.f32 v12, v5;
	v19 =	vshll.u32 v16, $0x10;
	v20 =	vld [tilespmem:s15+$0xC800]  }
0x1f7: {  	v16 =	vand.u32 $0xFFFF0000, v16;
	v18 =	vmul.f32 v18, v6;
	v14 =	vadd.f32 v19, v14;
	v19 =	vld [tilespmem:s15+$0x12800]  }
0x1f8: {  	v13 =	vadd.f32 v13, v15;
	v11 =	vmul.f32 v11, v6;
	v12 =	vadd.f32 v16, v12;
	v16 =	vld [tilespmem:s15+$0x6800]  }
0x1f9: {  	v15 =	vshll.u32 v17, $0x10;
	v17 =	vand.u32 $0xFFFF0000, v17;
	v14 =	vadd.f32 v14, v18  }
0x1fa: {  	v21 =	vshll.u32 v9, $0x10;
	v11 =	vadd.f32 v12, v11;
	v18 =	vshll.u32 v10, $0x10;
	[tilespmem:s13+$0x870] =	vst v13;
	s13 =	smov.u32 s16;
	s16 =	smov.u32 s19;
	s19 =	smov.u32 s25  }
0x1fb: {  	v10 =	vand.u32 $0xFFFF0000, v10;
	v12 =	vmul.f32 v18, v7;
	[tilespmem:s16+$0x70] =	vst v14;
	v13 =	vshll.u32 v20, $0x10  }
0x1fc: {  	[tilespmem:s16+$0xC70] =	vst v11;
	v11 =	vand.u32 $0xFFFF0000, v20;
	v14 =	vshll.u32 v19, $0x10;
	v13 =	vmul.f32 v13, v3  }
0x1fd: {  	v19 =	vand.u32 $0xFFFF0000, v19;
	v18 =	vld [tilespmem:s17+$0xC400];
	v20 =	vshll.u32 v16, $0x10;
	v11 =	vmul.f32 v11, v3  }
0x1fe: {  	v16 =	vand.u32 $0xFFFF0000, v16;
	v14 =	vmul.f32 v14, v4;
	v22 =	vld [tilespmem:s17+$0x12400];
	v13 =	vadd.f32 v20, v13  }
0x1ff: {  	v15 =	vmul.f32 v15, v8;
	v20 =	vld [tilespmem:s17+$0x6400];
	v11 =	vadd.f32 v16, v11;
	v16 =	vmul.f32 v19, v4  }
0x200: {  	v10 =	vmul.f32 v10, v7;
	v12 =	vadd.f32 v21, v12;
	v13 =	vadd.f32 v13, v14  }
0x201: {  	v9 =	vand.u32 $0xFFFF0000, v9;
	v14 =	vmul.f32 v17, v8;
	v11 =	vadd.f32 v11, v16  }
0x202: {  	v9 =	vadd.f32 v9, v10;
	v12 =	vadd.f32 v12, v15;
	v10 =	vshll.u32 v18, $0x10;
	[tilespmem:s13+$0x800] =	vst v13  }
0x203: {  	v13 =	vand.u32 $0xFFFF0000, v18;
	v15 =	vshll.u32 v22, $0x10;
	v10 =	vmul.f32 v10, v5;
	[tilespmem:s13+$0x1400] =	vst v11  }
0x204: {  	v11 =	vand.u32 $0xFFFF0000, v22;
	v13 =	vmul.f32 v13, v5;
	v16 =	vshll.u32 v20, $0x10;
	v17 =	vld [tilespmem:s15+$0xC810]  }
0x205: {  	v18 =	vand.u32 $0xFFFF0000, v20;
	v15 =	vmul.f32 v15, v6;
	v10 =	vadd.f32 v16, v10;
	v16 =	vld [tilespmem:s15+$0x12810]  }
0x206: {  	v9 =	vadd.f32 v9, v14;
	v11 =	vmul.f32 v11, v6;
	v13 =	vadd.f32 v18, v13;
	v14 =	vld [tilespmem:s15+$0x6810]  }
0x207: {  	[tilespmem:s19+$0x20] =	vst v12;
	v10 =	vadd.f32 v10, v15  }
0x208: {  	[tilespmem:s19+$0xC20] =	vst v9;
	v9 =	vadd.f32 v13, v11  }
0x209: {  	[tilespmem:s16+$0x400] =	vst v10;
	v10 =	vshll.u32 v17, $0x10  }
0x20a: {  	v11 =	vld [tilespmem:s18+$0x12030];
	[tilespmem:s16+$0x1000] =	vst v9;
	v9 =	vand.u32 $0xFFFF0000, v17;
	v12 =	vshll.u32 v16, $0x10;
	v10 =	vmul.f32 v10, v3  }
0x20b: {  	v15 =	vand.u32 $0xFFFF0000, v16;
	v13 =	vld [tilespmem:s17+$0xC410];
	v16 =	vshll.u32 v14, $0x10;
	v9 =	vmul.f32 v9, v3  }
0x20c: {  	v14 =	vand.u32 $0xFFFF0000, v14;
	v12 =	vmul.f32 v12, v4;
	v17 =	vld [tilespmem:s17+$0x12410];
	v10 =	vadd.f32 v16, v10  }
0x20d: {  	v16 =	vld [tilespmem:s17+$0x6410];
	v9 =	vadd.f32 v14, v9;
	v14 =	vmul.f32 v15, v4  }
0x20e: {  	v10 =	vadd.f32 v10, v12  }
0x20f: {  	v12 =	vld [tilespmem:s18+$0x6030];
	v9 =	vadd.f32 v9, v14  }
0x210: {  	v19 =	vshll.u32 v11, $0x10;
	v14 =	vand.u32 $0xFFFF0000, v11;
	v18 =	vld [tilespmem:s18+$0xC030];
	v11 =	vshll.u32 v13, $0x10;
	[tilespmem:s13+$0x810] =	vst v10  }
0x211: {  	v10 =	vand.u32 $0xFFFF0000, v13;
	v13 =	vshll.u32 v17, $0x10;
	v15 =	vmul.f32 v11, v5;
	[tilespmem:s13+$0x1410] =	vst v9  }
0x212: {  	v17 =	vand.u32 $0xFFFF0000, v17;
	v10 =	vmul.f32 v10, v5;
	v9 =	vshll.u32 v16, $0x10;
	v11 =	vld [tilespmem:s15+$0xC820]  }
.Ltmp0:
0x213: {  	v16 =	vand.u32 $0xFFFF0000, v16;
	v13 =	vmul.f32 v13, v6;
	v20 =	vadd.f32 v9, v15;
	v9 =	vld [tilespmem:s15+$0x12820];
	(pc) =	sbr.rel @p0 .LBB2_2-.Ltmp0, $4  }
0x214: {  	v22 =	vmul.f32 v17, v6;
	v21 =	vadd.f32 v16, v10;
	v15 =	vshll.u32 v12, $0x10;
	v10 =	vld [tilespmem:s15+$0x6820]  }
0x215: {  	v17 =	vand.u32 $0xFFFF0000, v12;
	v23 =	vshll.u32 v18, $0x10;
	v12 =	vadd.f32 v20, v13  }
0x216: {  	v16 =	vmul.f32 v19, v8;
	v18 =	vand.u32 $0xFFFF0000, v18;
	v13 =	vadd.f32 v21, v22  }
0x217: {  	s23 =	sadd.s32 $0x1, s23;
	v19 =	vmul.f32 v23, v7;
	v18 =	vmul.f32 v18, v7;
	[tilespmem:s16+$0x410] =	vst v12;
	v12 =	vshll.u32 v11, $0x10  }
0x218: {  	_ = 	snop  }
0x219: {  	v15 =	vadd.f32 v15, v19  }
0x21a: {  	v14 =	vmul.f32 v14, v8;
	v17 =	vadd.f32 v17, v18  }
0x21b: {  	v15 =	vadd.f32 v15, v16  }
0x21c: {  	v14 =	vadd.f32 v17, v14  }
0x21d: {  	[tilespmem:s19+$0x30] =	vst v15  }
0x21e: {  	[tilespmem:s19+$0xC30] =	vst v14  }
0x21f: {  	v14 =	vld [tilespmem:s18+$0xC040]  }
0x220: {  	v15 =	vld [tilespmem:s18+$0x12040]  }
0x221: {  	v16 =	vld [tilespmem:s18+$0x6040];
	_ =	sdelay $0x2  }
0x222: {  	v17 =	vshll.u32 v14, $0x10  }
0x223: {  	v18 =	vshll.u32 v15, $0x10;
	v14 =	vand.u32 $0xFFFF0000, v14;
	v17 =	vmul.f32 v17, v7  }
0x224: {  	v15 =	vand.u32 $0xFFFF0000, v15;
	v19 =	vshll.u32 v16, $0x10;
	v14 =	vmul.f32 v14, v7  }
0x225: {  	v16 =	vand.u32 $0xFFFF0000, v16;
	v18 =	vmul.f32 v18, v8;
	v17 =	vadd.f32 v19, v17  }
0x226: {  	v15 =	vmul.f32 v15, v8;
	v14 =	vadd.f32 v16, v14  }
0x227: {  	v16 =	vadd.f32 v17, v18  }
0x228: {  	v14 =	vadd.f32 v14, v15  }
0x229: {  	[tilespmem:s19+$0x40] =	vst v16  }
0x22a: {  	[tilespmem:s19+$0xC40] =	vst v14  }
0x22b: {  	v14 =	vld [tilespmem:s18+$0xC050]  }
0x22c: {  	v15 =	vld [tilespmem:s18+$0x12050]  }
0x22d: {  	v16 =	vld [tilespmem:s18+$0x6050];
	_ =	sdelay $0x2  }
0x22e: {  	v17 =	vshll.u32 v14, $0x10  }
0x22f: {  	v18 =	vshll.u32 v15, $0x10;
	v14 =	vand.u32 $0xFFFF0000, v14;
	v17 =	vmul.f32 v17, v7  }
0x230: {  	v15 =	vand.u32 $0xFFFF0000, v15;
	v19 =	vshll.u32 v16, $0x10;
	v14 =	vmul.f32 v14, v7  }
0x231: {  	v16 =	vand.u32 $0xFFFF0000, v16;
	v18 =	vmul.f32 v18, v8;
	v17 =	vadd.f32 v19, v17  }
0x232: {  	v15 =	vmul.f32 v15, v8;
	v14 =	vadd.f32 v16, v14  }
0x233: {  	v16 =	vadd.f32 v17, v18  }
0x234: {  	v14 =	vadd.f32 v14, v15  }
0x235: {  	[tilespmem:s19+$0x50] =	vst v16  }
0x236: {  	[tilespmem:s19+$0xC50] =	vst v14  }
0x237: {  	v14 =	vld [tilespmem:s18+$0xC060]  }
0x238: {  	v15 =	vld [tilespmem:s18+$0x12060]  }
0x239: {  	v16 =	vld [tilespmem:s18+$0x6060];
	_ =	sdelay $0x2  }
0x23a: {  	v17 =	vshll.u32 v14, $0x10  }
0x23b: {  	v18 =	vshll.u32 v15, $0x10;
	v14 =	vand.u32 $0xFFFF0000, v14;
	v17 =	vmul.f32 v17, v7  }
0x23c: {  	v15 =	vand.u32 $0xFFFF0000, v15;
	v19 =	vshll.u32 v16, $0x10;
	v14 =	vmul.f32 v14, v7  }
0x23d: {  	v16 =	vand.u32 $0xFFFF0000, v16;
	v18 =	vmul.f32 v18, v8;
	v17 =	vadd.f32 v19, v17  }
0x23e: {  	v15 =	vmul.f32 v15, v8;
	v14 =	vadd.f32 v16, v14  }
0x23f: {  	v16 =	vadd.f32 v17, v18  }
0x240: {  	v14 =	vadd.f32 v14, v15  }
0x241: {  	[tilespmem:s19+$0x60] =	vst v16  }
0x242: {  	[tilespmem:s19+$0xC60] =	vst v14  }
0x243: {  	v14 =	vld [tilespmem:s18+$0xC070]  }
0x244: {  	v15 =	vld [tilespmem:s18+$0x12070]  }
0x245: {  	v16 =	vld [tilespmem:s18+$0x6070];
	_ =	sdelay $0x2  }
0x246: {  	v17 =	vshll.u32 v14, $0x10  }
0x247: {  	v14 =	vand.u32 $0xFFFF0000, v14;
	v18 =	vshll.u32 v15, $0x10;
	v17 =	vmul.f32 v17, v7  }
0x248: {  	v15 =	vand.u32 $0xFFFF0000, v15;
	v19 =	vshll.u32 v16, $0x10;
	v14 =	vmul.f32 v14, v7  }
0x249: {  	v16 =	vand.u32 $0xFFFF0000, v16;
	v18 =	vmul.f32 v18, v8;
	v17 =	vadd.f32 v19, v17  }
0x24a: {  	v15 =	vmul.f32 v15, v8;
	v14 =	vadd.f32 v16, v14  }
0x24b: {  	v16 =	vadd.f32 v17, v18  }
0x24c: {  	v14 =	vadd.f32 v14, v15  }
0x24d: {  	[tilespmem:s19+$0x70] =	vst v16  }
0x24e: {  	[tilespmem:s19+$0xC70] =	vst v14  }
0x24f: {  	v14 =	vld [tilespmem:s18+$0xC400]  }
0x250: {  	v15 =	vld [tilespmem:s18+$0x12400]  }
0x251: {  	v16 =	vld [tilespmem:s18+$0x6400];
	_ =	sdelay $0x2  }
0x252: {  	v17 =	vshll.u32 v14, $0x10  }
0x253: {  	v14 =	vand.u32 $0xFFFF0000, v14;
	v18 =	vshll.u32 v15, $0x10;
	v17 =	vmul.f32 v17, v7  }
0x254: {  	v15 =	vand.u32 $0xFFFF0000, v15;
	v19 =	vshll.u32 v16, $0x10;
	v14 =	vmul.f32 v14, v7  }
0x255: {  	v16 =	vand.u32 $0xFFFF0000, v16;
	v18 =	vmul.f32 v18, v8;
	v17 =	vadd.f32 v19, v17  }
0x256: {  	v15 =	vmul.f32 v15, v8;
	v14 =	vadd.f32 v16, v14  }
0x257: {  	v16 =	vadd.f32 v17, v18  }
0x258: {  	v14 =	vadd.f32 v14, v15  }
0x259: {  	[tilespmem:s19+$0x400] =	vst v16  }
0x25a: {  	[tilespmem:s19+$0x1000] =	vst v14  }
0x25b: {  	v14 =	vld [tilespmem:s18+$0xC410]  }
0x25c: {  	v15 =	vld [tilespmem:s18+$0x12410]  }
0x25d: {  	v16 =	vld [tilespmem:s18+$0x6410];
	_ =	sdelay $0x2  }
0x25e: {  	v17 =	vshll.u32 v14, $0x10  }
0x25f: {  	v14 =	vand.u32 $0xFFFF0000, v14;
	v18 =	vshll.u32 v15, $0x10;
	v17 =	vmul.f32 v17, v7  }
0x260: {  	[tilespmem:s16+$0x1010] =	vst v13;
	v13 =	vand.u32 $0xFFFF0000, v15;
	v15 =	vshll.u32 v16, $0x10;
	v14 =	vmul.f32 v14, v7  }
0x261: {  	v19 =	vld [tilespmem:s17+$0xC420];
	v16 =	vand.u32 $0xFFFF0000, v16;
	v15 =	vadd.f32 v15, v17;
	v17 =	vmul.f32 v18, v8  }
0x262: {  	v13 =	vmul.f32 v13, v8;
	v18 =	vld [tilespmem:s17+$0x12420];
	v14 =	vadd.f32 v16, v14  }
0x263: {  	v16 =	vld [tilespmem:s17+$0x6420];
	v15 =	vadd.f32 v15, v17  }
0x264: {  	v13 =	vadd.f32 v14, v13  }
0x265: {  	[tilespmem:s19+$0x410] =	vst v15  }
0x266: {  	v14 =	vshll.u32 v19, $0x10;
	[tilespmem:s19+$0x1010] =	vst v13  }
0x267: {  	v14 =	vmul.f32 v14, v5;
	v13 =	vand.u32 $0xFFFF0000, v19;
	v15 =	vshll.u32 v18, $0x10;
	v17 =	vld [tilespmem:s18+$0xC420]  }
0x268: {  	v18 =	vand.u32 $0xFFFF0000, v18;
	v19 =	vshll.u32 v16, $0x10;
	v13 =	vmul.f32 v13, v5;
	v20 =	vld [tilespmem:s18+$0x12420]  }
0x269: {  	v16 =	vand.u32 $0xFFFF0000, v16;
	v14 =	vadd.f32 v19, v14;
	v15 =	vmul.f32 v15, v6;
	v19 =	vld [tilespmem:s18+$0x6420]  }
0x26a: {  	v13 =	vadd.f32 v16, v13;
	v16 =	vmul.f32 v18, v6  }
0x26b: {  	v14 =	vadd.f32 v14, v15  }
0x26c: {  	v13 =	vadd.f32 v13, v16;
	v15 =	vshll.u32 v17, $0x10  }
0x26d: {  	[tilespmem:s16+$0x420] =	vst v14;
	v14 =	vand.u32 $0xFFFF0000, v17;
	v16 =	vshll.u32 v20, $0x10;
	v15 =	vmul.f32 v15, v7  }
0x26e: {  	[tilespmem:s16+$0x1020] =	vst v13;
	v13 =	vand.u32 $0xFFFF0000, v20;
	v17 =	vshll.u32 v19, $0x10;
	v14 =	vmul.f32 v14, v7  }
0x26f: {  	v19 =	vand.u32 $0xFFFF0000, v19;
	v16 =	vmul.f32 v16, v8;
	v18 =	vld [tilespmem:s17+$0xC430];
	v15 =	vadd.f32 v17, v15  }
0x270: {  	v13 =	vmul.f32 v13, v8;
	v17 =	vld [tilespmem:s17+$0x12430];
	v14 =	vadd.f32 v19, v14  }
0x271: {  	v19 =	vld [tilespmem:s17+$0x6430];
	v15 =	vadd.f32 v15, v16  }
0x272: {  	v13 =	vadd.f32 v14, v13  }
0x273: {  	[tilespmem:s19+$0x420] =	vst v15  }
0x274: {  	v14 =	vshll.u32 v18, $0x10;
	[tilespmem:s19+$0x1020] =	vst v13  }
0x275: {  	v13 =	vand.u32 $0xFFFF0000, v18;
	v15 =	vshll.u32 v17, $0x10;
	v14 =	vmul.f32 v14, v5;
	v16 =	vld [tilespmem:s18+$0xC430]  }
0x276: {  	v17 =	vand.u32 $0xFFFF0000, v17;
	v18 =	vshll.u32 v19, $0x10;
	v13 =	vmul.f32 v13, v5;
	v20 =	vld [tilespmem:s18+$0x12430]  }
0x277: {  	v19 =	vand.u32 $0xFFFF0000, v19;
	v15 =	vmul.f32 v15, v6;
	v14 =	vadd.f32 v18, v14;
	v18 =	vld [tilespmem:s18+$0x6430]  }
0x278: {  	v17 =	vmul.f32 v17, v6;
	v13 =	vadd.f32 v19, v13  }
0x279: {  	v14 =	vadd.f32 v14, v15  }
0x27a: {  	v13 =	vadd.f32 v13, v17;
	v15 =	vshll.u32 v16, $0x10  }
0x27b: {  	[tilespmem:s16+$0x430] =	vst v14;
	v14 =	vand.u32 $0xFFFF0000, v16;
	v16 =	vshll.u32 v20, $0x10;
	v15 =	vmul.f32 v15, v7  }
0x27c: {  	[tilespmem:s16+$0x1030] =	vst v13;
	v13 =	vand.u32 $0xFFFF0000, v20;
	v17 =	vshll.u32 v18, $0x10;
	v14 =	vmul.f32 v14, v7  }
0x27d: {  	v19 =	vld [tilespmem:s17+$0xC440];
	v18 =	vand.u32 $0xFFFF0000, v18;
	v16 =	vmul.f32 v16, v8;
	v15 =	vadd.f32 v17, v15  }
0x27e: {  	v13 =	vmul.f32 v13, v8;
	v17 =	vld [tilespmem:s17+$0x12440];
	v14 =	vadd.f32 v18, v14  }
0x27f: {  	v18 =	vld [tilespmem:s17+$0x6440];
	v15 =	vadd.f32 v15, v16  }
0x280: {  	v13 =	vadd.f32 v14, v13  }
0x281: {  	[tilespmem:s19+$0x430] =	vst v15  }
0x282: {  	v14 =	vshll.u32 v19, $0x10;
	[tilespmem:s19+$0x1030] =	vst v13  }
0x283: {  	v13 =	vand.u32 $0xFFFF0000, v19;
	v15 =	vshll.u32 v17, $0x10;
	v14 =	vmul.f32 v14, v5;
	v16 =	vld [tilespmem:s18+$0xC440]  }
0x284: {  	v17 =	vand.u32 $0xFFFF0000, v17;
	v19 =	vshll.u32 v18, $0x10;
	v13 =	vmul.f32 v13, v5;
	v20 =	vld [tilespmem:s18+$0x12440]  }
0x285: {  	v18 =	vand.u32 $0xFFFF0000, v18;
	v15 =	vmul.f32 v15, v6;
	v14 =	vadd.f32 v19, v14;
	v19 =	vld [tilespmem:s18+$0x6440]  }
0x286: {  	v17 =	vmul.f32 v17, v6;
	v13 =	vadd.f32 v18, v13  }
0x287: {  	v14 =	vadd.f32 v14, v15  }
0x288: {  	v13 =	vadd.f32 v13, v17;
	v15 =	vshll.u32 v16, $0x10  }
0x289: {  	[tilespmem:s16+$0x440] =	vst v14;
	v14 =	vand.u32 $0xFFFF0000, v16;
	v16 =	vshll.u32 v20, $0x10;
	v15 =	vmul.f32 v15, v7  }
0x28a: {  	[tilespmem:s16+$0x1040] =	vst v13;
	v13 =	vand.u32 $0xFFFF0000, v20;
	v17 =	vshll.u32 v19, $0x10;
	v14 =	vmul.f32 v14, v7  }
0x28b: {  	v19 =	vand.u32 $0xFFFF0000, v19;
	v16 =	vmul.f32 v16, v8;
	v18 =	vld [tilespmem:s17+$0xC450];
	v15 =	vadd.f32 v17, v15  }
0x28c: {  	v13 =	vmul.f32 v13, v8;
	v17 =	vld [tilespmem:s17+$0x12450];
	v14 =	vadd.f32 v19, v14  }
0x28d: {  	v19 =	vld [tilespmem:s17+$0x6450];
	v15 =	vadd.f32 v15, v16  }
0x28e: {  	v13 =	vadd.f32 v14, v13  }
0x28f: {  	[tilespmem:s19+$0x440] =	vst v15  }
0x290: {  	v14 =	vshll.u32 v18, $0x10;
	[tilespmem:s19+$0x1040] =	vst v13  }
0x291: {  	v13 =	vand.u32 $0xFFFF0000, v18;
	v15 =	vshll.u32 v17, $0x10;
	v14 =	vmul.f32 v14, v5;
	v16 =	vld [tilespmem:s18+$0xC450]  }
0x292: {  	v17 =	vand.u32 $0xFFFF0000, v17;
	v18 =	vshll.u32 v19, $0x10;
	v13 =	vmul.f32 v13, v5;
	v20 =	vld [tilespmem:s18+$0x12450]  }
0x293: {  	v19 =	vand.u32 $0xFFFF0000, v19;
	v15 =	vmul.f32 v15, v6;
	v14 =	vadd.f32 v18, v14;
	v18 =	vld [tilespmem:s18+$0x6450]  }
0x294: {  	v17 =	vmul.f32 v17, v6;
	v13 =	vadd.f32 v19, v13  }
0x295: {  	v14 =	vadd.f32 v14, v15  }
0x296: {  	v13 =	vadd.f32 v13, v17;
	v15 =	vshll.u32 v16, $0x10  }
0x297: {  	[tilespmem:s16+$0x450] =	vst v14;
	v14 =	vand.u32 $0xFFFF0000, v16;
	v16 =	vshll.u32 v20, $0x10;
	v15 =	vmul.f32 v15, v7  }
0x298: {  	[tilespmem:s16+$0x1050] =	vst v13;
	v13 =	vand.u32 $0xFFFF0000, v20;
	v17 =	vshll.u32 v18, $0x10;
	v14 =	vmul.f32 v14, v7  }
0x299: {  	v19 =	vld [tilespmem:s17+$0xC460];
	v18 =	vand.u32 $0xFFFF0000, v18;
	v16 =	vmul.f32 v16, v8;
	v15 =	vadd.f32 v17, v15  }
0x29a: {  	v13 =	vmul.f32 v13, v8;
	v17 =	vld [tilespmem:s17+$0x12460];
	v14 =	vadd.f32 v18, v14  }
0x29b: {  	v18 =	vld [tilespmem:s17+$0x6460];
	v15 =	vadd.f32 v15, v16  }
0x29c: {  	v13 =	vadd.f32 v14, v13  }
0x29d: {  	[tilespmem:s19+$0x450] =	vst v15  }
0x29e: {  	v14 =	vshll.u32 v19, $0x10;
	[tilespmem:s19+$0x1050] =	vst v13  }
0x29f: {  	v13 =	vand.u32 $0xFFFF0000, v19;
	v15 =	vshll.u32 v17, $0x10;
	v14 =	vmul.f32 v14, v5;
	v16 =	vld [tilespmem:s18+$0xC460]  }
0x2a0: {  	v17 =	vand.u32 $0xFFFF0000, v17;
	v19 =	vshll.u32 v18, $0x10;
	v13 =	vmul.f32 v13, v5;
	v20 =	vld [tilespmem:s18+$0x12460]  }
0x2a1: {  	v18 =	vand.u32 $0xFFFF0000, v18;
	v15 =	vmul.f32 v15, v6;
	v14 =	vadd.f32 v19, v14;
	v19 =	vld [tilespmem:s18+$0x6460]  }
0x2a2: {  	v17 =	vmul.f32 v17, v6;
	v13 =	vadd.f32 v18, v13  }
0x2a3: {  	v11 =	vand.u32 $0xFFFF0000, v11;
	v12 =	vmul.f32 v12, v3;
	v14 =	vadd.f32 v14, v15  }
0x2a4: {  	v11 =	vmul.f32 v11, v3;
	v13 =	vadd.f32 v13, v17;
	v15 =	vshll.u32 v16, $0x10  }
0x2a5: {  	[tilespmem:s16+$0x460] =	vst v14;
	v14 =	vand.u32 $0xFFFF0000, v16;
	v16 =	vshll.u32 v20, $0x10;
	v15 =	vmul.f32 v15, v7  }
0x2a6: {  	[tilespmem:s16+$0x1060] =	vst v13;
	v13 =	vand.u32 $0xFFFF0000, v20;
	v17 =	vshll.u32 v19, $0x10;
	v14 =	vmul.f32 v14, v7  }
0x2a7: {  	v19 =	vand.u32 $0xFFFF0000, v19;
	v16 =	vmul.f32 v16, v8;
	v20 =	vld [tilespmem:s17+$0xC470];
	v15 =	vadd.f32 v17, v15  }
0x2a8: {  	v18 =	vshll.u32 v9, $0x10;
	v21 =	vld [tilespmem:s17+$0x12470];
	v13 =	vmul.f32 v13, v8;
	v14 =	vadd.f32 v19, v14  }
0x2a9: {  	v9 =	vand.u32 $0xFFFF0000, v9;
	v17 =	vshll.u32 v10, $0x10;
	v19 =	vld [tilespmem:s17+$0x6470];
	v15 =	vadd.f32 v15, v16  }
0x2aa: {  	v12 =	vadd.f32 v17, v12;
	v16 =	vmul.f32 v18, v4;
	v13 =	vadd.f32 v14, v13  }
0x2ab: {  	v9 =	vmul.f32 v9, v4;
	v10 =	vand.u32 $0xFFFF0000, v10;
	[tilespmem:s19+$0x460] =	vst v15  }
0x2ac: {  	v10 =	vadd.f32 v10, v11;
	v11 =	vadd.f32 v12, v16;
	v12 =	vshll.u32 v20, $0x10;
	[tilespmem:s19+$0x1060] =	vst v13  }
0x2ad: {  	v13 =	vand.u32 $0xFFFF0000, v20;
	v14 =	vshll.u32 v21, $0x10;
	v12 =	vmul.f32 v12, v5;
	v15 =	vld [tilespmem:s18+$0xC470]  }
0x2ae: {  	v16 =	vand.u32 $0xFFFF0000, v21;
	v17 =	vshll.u32 v19, $0x10;
	v13 =	vmul.f32 v13, v5;
	v18 =	vld [tilespmem:s18+$0x12470]  }
0x2af: {  	v19 =	vand.u32 $0xFFFF0000, v19;
	v14 =	vmul.f32 v14, v6;
	v12 =	vadd.f32 v17, v12;
	v17 =	vld [tilespmem:s18+$0x6470]  }
0x2b0: {  	v9 =	vadd.f32 v10, v9;
	v10 =	vadd.f32 v19, v13;
	v13 =	vmul.f32 v16, v6  }
0x2b1: {  	[tilespmem:s13+$0x820] =	vst v11;
	v11 =	vadd.f32 v12, v14  }
0x2b2: {  	[tilespmem:s13+$0x1420] =	vst v9;
	v9 =	vadd.f32 v10, v13;
	v10 =	vshll.u32 v15, $0x10  }
0x2b3: {  	v12 =	vld [tilespmem:s15+$0xC830];
	v13 =	vshll.u32 v18, $0x10;
	[tilespmem:s16+$0x470] =	vst v11;
	v11 =	vand.u32 $0xFFFF0000, v15;
	v10 =	vmul.f32 v10, v7  }
0x2b4: {  	v14 =	vld [tilespmem:s15+$0x12830];
	[tilespmem:s16+$0x1070] =	vst v9;
	v9 =	vand.u32 $0xFFFF0000, v18;
	v15 =	vshll.u32 v17, $0x10;
	v11 =	vmul.f32 v11, v7  }
0x2b5: {  	v13 =	vmul.f32 v13, v8;
	v16 =	vld [tilespmem:s17+$0xC800];
	v17 =	vand.u32 $0xFFFF0000, v17;
	v10 =	vadd.f32 v15, v10  }
0x2b6: {  	v9 =	vmul.f32 v9, v8;
	v15 =	vld [tilespmem:s17+$0x12800];
	v11 =	vadd.f32 v17, v11  }
0x2b7: {  	v17 =	vld [tilespmem:s17+$0x6800];
	v10 =	vadd.f32 v10, v13  }
0x2b8: {  	v9 =	vadd.f32 v11, v9  }
0x2b9: {  	v13 =	vshll.u32 v14, $0x10;
	[tilespmem:s19+$0x470] =	vst v10  }
0x2ba: {  	v14 =	vand.u32 $0xFFFF0000, v14;
	v11 =	vshll.u32 v12, $0x10;
	v10 =	vld [tilespmem:s15+$0x6830];
	v18 =	vshll.u32 v16, $0x10;
	[tilespmem:s19+$0x1070] =	vst v9  }
0x2bb: {  	v9 =	vand.u32 $0xFFFF0000, v16;
	v16 =	vshll.u32 v15, $0x10;
	v18 =	vmul.f32 v18, v5;
	v19 =	vld [tilespmem:s18+$0xC800]  }
0x2bc: {  	v15 =	vand.u32 $0xFFFF0000, v15;
	v20 =	vshll.u32 v17, $0x10;
	v9 =	vmul.f32 v9, v5;
	v50 =	vld [tilespmem:s18+$0x12800]  }
0x2bd: {  	v17 =	vand.u32 $0xFFFF0000, v17;
	v16 =	vmul.f32 v16, v6;
	v18 =	vadd.f32 v20, v18;
	v20 =	vld [tilespmem:s18+$0x6800]  }
0x2be: {  	v12 =	vand.u32 $0xFFFF0000, v12;
	v15 =	vmul.f32 v15, v6;
	v9 =	vadd.f32 v17, v9  }
0x2bf: {  	v11 =	vmul.f32 v11, v3;
	v12 =	vmul.f32 v12, v3;
	v16 =	vadd.f32 v18, v16  }
0x2c0: {  	v17 =	vshll.u32 v10, $0x10;
	v9 =	vadd.f32 v9, v15;
	v15 =	vshll.u32 v19, $0x10  }
0x2c1: {  	[tilespmem:s16+$0x800] =	vst v16;
	v16 =	vand.u32 $0xFFFF0000, v19;
	v18 =	vshll.u32 v50, $0x10;
	v15 =	vmul.f32 v15, v7  }
0x2c2: {  	[tilespmem:s16+$0x1400] =	vst v9;
	v9 =	vand.u32 $0xFFFF0000, v50;
	v19 =	vshll.u32 v20, $0x10;
	v16 =	vmul.f32 v16, v7  }
0x2c3: {  	v20 =	vand.u32 $0xFFFF0000, v20;
	v18 =	vmul.f32 v18, v8;
	v51 =	vld [tilespmem:s17+$0xC810];
	v15 =	vadd.f32 v19, v15  }
0x2c4: {  	v11 =	vadd.f32 v17, v11;
	v9 =	vmul.f32 v9, v8;
	v17 =	vld [tilespmem:s17+$0x6810];
	v16 =	vadd.f32 v20, v16  }
0x2c5: {  	v13 =	vmul.f32 v13, v4;
	v10 =	vand.u32 $0xFFFF0000, v10;
	v19 =	vld [tilespmem:s17+$0x12810];
	v15 =	vadd.f32 v15, v18  }
0x2c6: {  	v10 =	vadd.f32 v10, v12;
	v12 =	vmul.f32 v14, v4;
	v9 =	vadd.f32 v16, v9  }
0x2c7: {  	[tilespmem:s19+$0x800] =	vst v15  }
0x2c8: {  	v11 =	vadd.f32 v11, v13;
	v10 =	vadd.f32 v10, v12;
	v12 =	vshll.u32 v51, $0x10;
	[tilespmem:s19+$0x1400] =	vst v9  }
0x2c9: {  	v9 =	vand.u32 $0xFFFF0000, v51;
	v16 =	vshll.u32 v17, $0x10;
	v12 =	vmul.f32 v12, v5;
	v14 =	vld [tilespmem:s18+$0xC810]  }
0x2ca: {  	v17 =	vand.u32 $0xFFFF0000, v17;
	v13 =	vshll.u32 v19, $0x10;
	v9 =	vmul.f32 v9, v5;
	v18 =	vld [tilespmem:s18+$0x12810]  }
0x2cb: {  	[tilespmem:s13+$0x830] =	vst v11;
	v15 =	vand.u32 $0xFFFF0000, v19;
	v13 =	vmul.f32 v13, v6;
	v12 =	vadd.f32 v16, v12;
	v16 =	vld [tilespmem:s18+$0x6810]  }
0x2cc: {  	[tilespmem:s13+$0x1430] =	vst v10;
	v11 =	vmul.f32 v15, v6;
	v9 =	vadd.f32 v17, v9  }
0x2cd: {  	v10 =	vadd.f32 v12, v13;
	v12 =	vld [tilespmem:s15+$0xC840]  }
0x2ce: {  	v9 =	vadd.f32 v9, v11;
	v13 =	vld [tilespmem:s15+$0x12840];
	v11 =	vshll.u32 v14, $0x10  }
0x2cf: {  	[tilespmem:s16+$0x810] =	vst v10;
	v10 =	vand.u32 $0xFFFF0000, v14;
	v14 =	vshll.u32 v18, $0x10;
	v11 =	vmul.f32 v11, v7  }
0x2d0: {  	v15 =	vld [tilespmem:s15+$0x6840];
	[tilespmem:s16+$0x1410] =	vst v9;
	v9 =	vand.u32 $0xFFFF0000, v18;
	v17 =	vshll.u32 v16, $0x10;
	v10 =	vmul.f32 v10, v7  }
0x2d1: {  	v18 =	vld [tilespmem:s17+$0xC820];
	v16 =	vand.u32 $0xFFFF0000, v16;
	v14 =	vmul.f32 v14, v8;
	v11 =	vadd.f32 v17, v11  }
0x2d2: {  	v9 =	vmul.f32 v9, v8;
	v19 =	vld [tilespmem:s17+$0x6820];
	v10 =	vadd.f32 v16, v10;
	v16 =	vshll.u32 v12, $0x10  }
0x2d3: {  	v17 =	vld [tilespmem:s17+$0x12820];
	v12 =	vand.u32 $0xFFFF0000, v12;
	v11 =	vadd.f32 v11, v14;
	v14 =	vshll.u32 v13, $0x10  }
0x2d4: {  	v16 =	vmul.f32 v16, v3;
	v12 =	vmul.f32 v12, v3;
	v9 =	vadd.f32 v10, v9  }
0x2d5: {  	v10 =	vand.u32 $0xFFFF0000, v13;
	v13 =	vshll.u32 v15, $0x10;
	v14 =	vmul.f32 v14, v4  }
0x2d6: {  	[tilespmem:s19+$0x810] =	vst v11;
	v11 =	vand.u32 $0xFFFF0000, v15;
	v13 =	vadd.f32 v13, v16;
	v15 =	vshll.u32 v18, $0x10  }
0x2d7: {  	v20 =	vshll.u32 v19, $0x10;
	v19 =	vand.u32 $0xFFFF0000, v19;
	v10 =	vmul.f32 v10, v4;
	[tilespmem:s19+$0x1410] =	vst v9  }
0x2d8: {  	v9 =	vand.u32 $0xFFFF0000, v18;
	v16 =	vshll.u32 v17, $0x10;
	v15 =	vmul.f32 v15, v5;
	v18 =	vld [tilespmem:s18+$0xC820]  }
0x2d9: {  	v17 =	vand.u32 $0xFFFF0000, v17;
	v11 =	vadd.f32 v11, v12;
	v9 =	vmul.f32 v9, v5;
	v52 =	vld [tilespmem:s18+$0x12820]  }
0x2da: {  	v16 =	vmul.f32 v16, v6;
	v13 =	vadd.f32 v13, v14;
	v15 =	vadd.f32 v20, v15;
	v20 =	vld [tilespmem:s18+$0x6820]  }
0x2db: {  	v17 =	vmul.f32 v17, v6;
	v10 =	vadd.f32 v11, v10;
	v9 =	vadd.f32 v19, v9  }
0x2dc: {  	[tilespmem:s13+$0x840] =	vst v13;
	v12 =	vadd.f32 v15, v16  }
0x2dd: {  	[tilespmem:s13+$0x1440] =	vst v10;
	v9 =	vadd.f32 v9, v17;
	v14 =	vshll.u32 v18, $0x10  }
0x2de: {  	[tilespmem:s16+$0x820] =	vst v12;
	v12 =	vand.u32 $0xFFFF0000, v18;
	v15 =	vshll.u32 v52, $0x10;
	v14 =	vmul.f32 v14, v7  }
0x2df: {  	v10 =	vld [tilespmem:s15+$0xC850];
	[tilespmem:s16+$0x1420] =	vst v9;
	v9 =	vand.u32 $0xFFFF0000, v52;
	v16 =	vshll.u32 v20, $0x10;
	v12 =	vmul.f32 v12, v7  }
0x2e0: {  	v18 =	vand.u32 $0xFFFF0000, v20;
	v15 =	vmul.f32 v15, v8;
	v17 =	vld [tilespmem:s17+$0xC830];
	v14 =	vadd.f32 v16, v14  }
0x2e1: {  	v11 =	vld [tilespmem:s17+$0x12830];
	v9 =	vmul.f32 v9, v8;
	v12 =	vadd.f32 v18, v12  }
0x2e2: {  	v13 =	vld [tilespmem:s17+$0x6830];
	v14 =	vadd.f32 v14, v15  }
0x2e3: {  	v9 =	vadd.f32 v12, v9  }
0x2e4: {  	[tilespmem:s19+$0x820] =	vst v14  }
0x2e5: {  	v19 =	vshll.u32 v10, $0x10;
	v14 =	vshll.u32 v17, $0x10;
	[tilespmem:s19+$0x1420] =	vst v9  }
0x2e6: {  	v9 =	vand.u32 $0xFFFF0000, v17;
	v15 =	vshll.u32 v11, $0x10;
	v14 =	vmul.f32 v14, v5;
	v16 =	vld [tilespmem:s18+$0xC830]  }
0x2e7: {  	v11 =	vand.u32 $0xFFFF0000, v11;
	v17 =	vshll.u32 v13, $0x10;
	v9 =	vmul.f32 v9, v5;
	v18 =	vld [tilespmem:s18+$0x12830]  }
0x2e8: {  	v13 =	vand.u32 $0xFFFF0000, v13;
	v15 =	vmul.f32 v15, v6;
	v14 =	vadd.f32 v17, v14;
	v17 =	vld [tilespmem:s18+$0x6830]  }
0x2e9: {  	v10 =	vand.u32 $0xFFFF0000, v10;
	v11 =	vmul.f32 v11, v6;
	v9 =	vadd.f32 v13, v9  }
0x2ea: {  	v12 =	vld [tilespmem:s15+$0x12850];
	v10 =	vmul.f32 v10, v3;
	v14 =	vadd.f32 v14, v15  }
0x2eb: {  	v13 =	vld [tilespmem:s15+$0x6850];
	v15 =	vmul.f32 v19, v3;
	v9 =	vadd.f32 v9, v11;
	v11 =	vshll.u32 v16, $0x10  }
0x2ec: {  	[tilespmem:s16+$0x830] =	vst v14;
	v14 =	vand.u32 $0xFFFF0000, v16;
	v16 =	vshll.u32 v18, $0x10;
	v11 =	vmul.f32 v11, v7  }
0x2ed: {  	[tilespmem:s16+$0x1430] =	vst v9;
	v9 =	vand.u32 $0xFFFF0000, v18;
	v18 =	vshll.u32 v17, $0x10;
	v14 =	vmul.f32 v14, v7  }
0x2ee: {  	v19 =	vld [tilespmem:s17+$0xC840];
	v17 =	vand.u32 $0xFFFF0000, v17;
	v16 =	vmul.f32 v16, v8;
	v11 =	vadd.f32 v18, v11  }
0x2ef: {  	v20 =	vshll.u32 v12, $0x10;
	v53 =	vld [tilespmem:s17+$0x12840];
	v9 =	vmul.f32 v9, v8;
	v14 =	vadd.f32 v17, v14  }
0x2f0: {  	v18 =	vshll.u32 v13, $0x10;
	v13 =	vand.u32 $0xFFFF0000, v13;
	v17 =	vld [tilespmem:s17+$0x6840];
	v11 =	vadd.f32 v11, v16  }
0x2f1: {  	v15 =	vadd.f32 v18, v15;
	v16 =	vmul.f32 v20, v4;
	v9 =	vadd.f32 v14, v9  }
0x2f2: {  	v12 =	vand.u32 $0xFFFF0000, v12;
	v10 =	vadd.f32 v13, v10;
	[tilespmem:s19+$0x830] =	vst v11  }
0x2f3: {  	v11 =	vmul.f32 v12, v4;
	v12 =	vadd.f32 v15, v16;
	v13 =	vshll.u32 v19, $0x10;
	[tilespmem:s19+$0x1430] =	vst v9  }
0x2f4: {  	v14 =	vshll.u32 v53, $0x10;
	v9 =	vand.u32 $0xFFFF0000, v19;
	v13 =	vmul.f32 v13, v5;
	v15 =	vld [tilespmem:s18+$0xC840]  }
0x2f5: {  	v16 =	vand.u32 $0xFFFF0000, v53;
	v18 =	vshll.u32 v17, $0x10;
	v9 =	vmul.f32 v9, v5;
	v19 =	vld [tilespmem:s18+$0x12840]  }
0x2f6: {  	v14 =	vmul.f32 v14, v6;
	v17 =	vand.u32 $0xFFFF0000, v17;
	v13 =	vadd.f32 v18, v13;
	v18 =	vld [tilespmem:s18+$0x6840]  }
0x2f7: {  	v10 =	vadd.f32 v10, v11;
	v11 =	vmul.f32 v16, v6;
	v9 =	vadd.f32 v17, v9  }
0x2f8: {  	[tilespmem:s13+$0x850] =	vst v12;
	v12 =	vadd.f32 v13, v14  }
0x2f9: {  	[tilespmem:s13+$0x1450] =	vst v10;
	v9 =	vadd.f32 v9, v11;
	v10 =	vshll.u32 v15, $0x10  }
0x2fa: {  	v14 =	vld [tilespmem:s15+$0x12860];
	[tilespmem:s16+$0x840] =	vst v12;
	v12 =	vand.u32 $0xFFFF0000, v15;
	v13 =	vshll.u32 v19, $0x10;
	v10 =	vmul.f32 v10, v7  }
0x2fb: {  	v11 =	vld [tilespmem:s15+$0xC860];
	[tilespmem:s16+$0x1440] =	vst v9;
	v9 =	vand.u32 $0xFFFF0000, v19;
	v15 =	vshll.u32 v18, $0x10;
	v12 =	vmul.f32 v12, v7  }
0x2fc: {  	v17 =	vand.u32 $0xFFFF0000, v18;
	v13 =	vmul.f32 v13, v8;
	v16 =	vld [tilespmem:s17+$0xC850];
	v10 =	vadd.f32 v15, v10  }
0x2fd: {  	v9 =	vmul.f32 v9, v8;
	v15 =	vld [tilespmem:s17+$0x12850];
	v12 =	vadd.f32 v17, v12  }
0x2fe: {  	v17 =	vld [tilespmem:s17+$0x6850];
	v10 =	vadd.f32 v10, v13  }
0x2ff: {  	v9 =	vadd.f32 v12, v9  }
0x300: {  	v12 =	vshll.u32 v11, $0x10;
	[tilespmem:s19+$0x840] =	vst v10  }
0x301: {  	v11 =	vand.u32 $0xFFFF0000, v11;
	v13 =	vshll.u32 v14, $0x10;
	v10 =	vld [tilespmem:s15+$0x6860];
	v18 =	vshll.u32 v16, $0x10;
	[tilespmem:s19+$0x1440] =	vst v9  }
0x302: {  	v9 =	vand.u32 $0xFFFF0000, v16;
	v16 =	vshll.u32 v15, $0x10;
	v18 =	vmul.f32 v18, v5;
	v19 =	vld [tilespmem:s18+$0xC850]  }
0x303: {  	v15 =	vand.u32 $0xFFFF0000, v15;
	v20 =	vshll.u32 v17, $0x10;
	v9 =	vmul.f32 v9, v5;
	v54 =	vld [tilespmem:s18+$0x12850]  }
0x304: {  	v17 =	vand.u32 $0xFFFF0000, v17;
	v16 =	vmul.f32 v16, v6;
	v18 =	vadd.f32 v20, v18;
	v20 =	vld [tilespmem:s18+$0x6850]  }
0x305: {  	v14 =	vand.u32 $0xFFFF0000, v14;
	v15 =	vmul.f32 v15, v6;
	v9 =	vadd.f32 v17, v9  }
0x306: {  	v12 =	vmul.f32 v12, v3;
	v11 =	vmul.f32 v11, v3;
	v16 =	vadd.f32 v18, v16  }
0x307: {  	v17 =	vshll.u32 v10, $0x10;
	v9 =	vadd.f32 v9, v15;
	v15 =	vshll.u32 v19, $0x10  }
0x308: {  	v18 =	vshll.u32 v54, $0x10;
	[tilespmem:s16+$0x850] =	vst v16;
	v16 =	vand.u32 $0xFFFF0000, v19;
	v15 =	vmul.f32 v15, v7  }
0x309: {  	[tilespmem:s16+$0x1450] =	vst v9;
	v9 =	vand.u32 $0xFFFF0000, v54;
	v19 =	vshll.u32 v20, $0x10;
	v16 =	vmul.f32 v16, v7  }
0x30a: {  	v18 =	vmul.f32 v18, v8;
	v55 =	vld [tilespmem:s17+$0xC860];
	v20 =	vand.u32 $0xFFFF0000, v20;
	v15 =	vadd.f32 v19, v15  }
0x30b: {  	v12 =	vadd.f32 v17, v12;
	v9 =	vmul.f32 v9, v8;
	v17 =	vld [tilespmem:s17+$0x6860];
	v16 =	vadd.f32 v20, v16  }
0x30c: {  	v13 =	vmul.f32 v13, v4;
	v10 =	vand.u32 $0xFFFF0000, v10;
	v19 =	vld [tilespmem:s17+$0x12860];
	v15 =	vadd.f32 v15, v18  }
0x30d: {  	v10 =	vadd.f32 v10, v11;
	v11 =	vmul.f32 v14, v4;
	v9 =	vadd.f32 v16, v9  }
0x30e: {  	[tilespmem:s19+$0x850] =	vst v15  }
0x30f: {  	v12 =	vadd.f32 v12, v13;
	v10 =	vadd.f32 v10, v11;
	v11 =	vshll.u32 v55, $0x10;
	[tilespmem:s19+$0x1450] =	vst v9  }
0x310: {  	v16 =	vshll.u32 v17, $0x10;
	v9 =	vand.u32 $0xFFFF0000, v55;
	v11 =	vmul.f32 v11, v5;
	v14 =	vld [tilespmem:s18+$0xC860]  }
0x311: {  	[tilespmem:s13+$0x860] =	vst v12;
	v12 =	vand.u32 $0xFFFF0000, v17;
	v13 =	vshll.u32 v19, $0x10;
	v9 =	vmul.f32 v9, v5;
	v18 =	vld [tilespmem:s18+$0x12860]  }
0x312: {  	v15 =	vand.u32 $0xFFFF0000, v19;
	v13 =	vmul.f32 v13, v6;
	v11 =	vadd.f32 v16, v11;
	v16 =	vld [tilespmem:s18+$0x6860]  }
0x313: {  	[tilespmem:s13+$0x1460] =	vst v10;
	v10 =	vmul.f32 v15, v6;
	v9 =	vadd.f32 v12, v9  }
0x314: {  	v12 =	vld [tilespmem:s15+$0xC870];
	v11 =	vadd.f32 v11, v13  }
0x315: {  	v15 =	vld [tilespmem:s15+$0x6870];
	v9 =	vadd.f32 v9, v10;
	v10 =	vshll.u32 v14, $0x10  }
0x316: {  	v13 =	vld [tilespmem:s15+$0x12870];
	[tilespmem:s16+$0x860] =	vst v11;
	v11 =	vand.u32 $0xFFFF0000, v14;
	v14 =	vshll.u32 v18, $0x10;
	v10 =	vmul.f32 v10, v7  }
0x317: {  	[tilespmem:s16+$0x1460] =	vst v9;
	v9 =	vand.u32 $0xFFFF0000, v18;
	v17 =	vshll.u32 v16, $0x10;
	v11 =	vmul.f32 v11, v7  }
0x318: {  	v16 =	vand.u32 $0xFFFF0000, v16;
	v14 =	vmul.f32 v14, v8;
	v18 =	vld [tilespmem:s17+$0xC870];
	v10 =	vadd.f32 v17, v10  }
0x319: {  	v19 =	vld [tilespmem:s17+$0x12870];
	v9 =	vmul.f32 v9, v8;
	v17 =	vand.u32 $0xFFFF0000, v12;
	v11 =	vadd.f32 v16, v11  }
0x31a: {  	v16 =	vmul.f32 v17, v3;
	v17 =	vld [tilespmem:s17+$0x6870];
	v10 =	vadd.f32 v10, v14  }
0x31b: {  	v20 =	vand.u32 $0xFFFF0000, v15;
	v14 =	vand.u32 $0xFFFF0000, v13;
	v9 =	vadd.f32 v11, v9  }
0x31c: {  	v11 =	vadd.f32 v20, v16;
	v14 =	vmul.f32 v14, v4;
	[tilespmem:s19+$0x860] =	vst v10;
	v10 =	vshll.u32 v12, $0x10  }
0x31d: {  	v12 =	vshll.u32 v13, $0x10;
	v13 =	vand.u32 $0xFFFF0000, v18;
	v3 =	vmul.f32 v10, v3  }
0x31e: {  	[tilespmem:s19+$0x1460] =	vst v9;
	v9 =	vshll.u32 v15, $0x10;
	v10 =	vmul.f32 v13, v5;
	v4 =	vmul.f32 v12, v4  }
0x31f: {  	v13 =	vld [tilespmem:s18+$0xC870];
	v12 =	vand.u32 $0xFFFF0000, v19;
	v11 =	vadd.f32 v11, v14;
	v15 =	vand.u32 $0xFFFF0000, v17  }
0x320: {  	v14 =	vld [tilespmem:s18+$0x12870];
	v3 =	vadd.f32 v9, v3;
	v9 =	vadd.f32 v15, v10;
	v10 =	vmul.f32 v12, v6  }
0x321: {  	v12 =	vld [tilespmem:s18+$0x6870]  }
0x322: {  	v3 =	vadd.f32 v3, v4;
	v4 =	vadd.f32 v9, v10;
	v9 =	vshll.u32 v18, $0x10  }
0x323: {  	v15 =	vshll.u32 v17, $0x10;
	v10 =	vshll.u32 v19, $0x10;
	v5 =	vmul.f32 v9, v5  }
0x324: {  	v9 =	vand.u32 $0xFFFF0000, v13;
	v6 =	vmul.f32 v10, v6;
	v13 =	vshll.u32 v13, $0x10  }
0x325: {  	[tilespmem:s13+$0x1470] =	vst v11;
	v11 =	vshll.u32 v14, $0x10;
	v9 =	vmul.f32 v9, v7;
	v7 =	vmul.f32 v13, v7  }
0x326: {  	v5 =	vadd.f32 v15, v5;
	v10 =	vand.u32 $0xFFFF0000, v12;
	v15 =	vand.u32 $0xFFFF0000, v14  }
0x327: {  	v12 =	vshll.u32 v12, $0x10;
	v9 =	vadd.f32 v10, v9;
	v10 =	vmul.f32 v15, v8  }
0x328: {  	[tilespmem:s13+$0x870] =	vst v3;
	v3 =	vadd.f32 v5, v6;
	v5 =	vmul.f32 v11, v8;
	v6 =	vadd.f32 v12, v7  }
0x329: {  	[tilespmem:s16+$0x1470] =	vst v4;
	v4 =	vadd.f32 v9, v10  }
0x32a: {  	[tilespmem:s16+$0x870] =	vst v3;
	v3 =	vadd.f32 v6, v5  }
0x32b: {  	[tilespmem:s19+$0x1470] =	vst v4  }
0x32c: {  	s24 =	simm.s32 $0x0;
	s25 =	simm.s32 $0x4;
	[tilespmem:s19+$0x870] =	vst v3  }
0x32d: {  	[hbm4b:s10+s24] =	stream.linear.scatter [tilespmem:s24], [sflag:$0x3], $0x6000, $0x38;
	[tilespmem:$0x1C100] =	vst v63  }
0x32e: {  	s15 =	smul.u32 $0xC00, s25;
	_ =	swait.ge [sflag:s14], $0x6000  }
0x32f: {  	s13 =	sand.u32 $0x380, s24;
	[sflag:s14] =	ssyncset.done $0x0  }
0x330: {  	s15 =	sor.u32 s13, s15;
	[sflag:s14] =	ssyncadd.s32 $0xFFFFA000  }
0x331: {  	v5 =	vld [tilespmem:s15+$0x12000]  }
0x332: {  	s26 =	simm.s32 $0x19100;
	v6 =	vld [tilespmem:s15+$0xC000]  }
0x333: {  	v3 =	vld [tilespmem:s26+$0x0]  }
0x334: {  	s17 =	simm.s32 $0x1B100;
	v7 =	vld [tilespmem:s15+$0x6000]  }
0x335: {  	v4 =	vld [tilespmem:s17+$0x0];
	_ =	sdelay $0x1  }
0x336: {  	v8 =	vshll.u32 v6, $0x10  }
0x337: {  	v9 =	vshll.u32 v5, $0x10;
	v6 =	vand.u32 $0xFFFF0000, v6;
	v8 =	vmul.f32 v8, v3  }
0x338: {  	s18 =	simm.s32 $0x0;
	v5 =	vand.u32 $0xFFFF0000, v5;
	v10 =	vshll.u32 v7, $0x10;
	v6 =	vmul.f32 v6, v3  }
0x339: {  	s16 =	smul.u32 $0x6000, s18;
	v7 =	vand.u32 $0xFFFF0000, v7;
	v9 =	vmul.f32 v9, v4;
	v8 =	vadd.f32 v10, v8  }
0x33a: {  	v5 =	vmul.f32 v5, v4;
	v6 =	vadd.f32 v7, v6  }
0x33b: {  	s16 =	sshra.s32 s16, $0x2;
	v7 =	vadd.f32 v8, v9  }
0x33c: {  	s13 =	sor.u32 s13, s16;
	v5 =	vadd.f32 v6, v5  }
0x33d: {  	[tilespmem:s13+$0x0] =	vst v7  }
0x33e: {  	[tilespmem:s13+$0xC00] =	vst v5  }
0x33f: {  	v5 =	vld [tilespmem:s15+$0xC010]  }
0x340: {  	v6 =	vld [tilespmem:s15+$0x12010]  }
0x341: {  	v7 =	vld [tilespmem:s15+$0x6010];
	_ =	sdelay $0x2  }
0x342: {  	v8 =	vshll.u32 v5, $0x10  }
0x343: {  	v9 =	vshll.u32 v6, $0x10;
	v5 =	vand.u32 $0xFFFF0000, v5;
	v8 =	vmul.f32 v8, v3  }
0x344: {  	v6 =	vand.u32 $0xFFFF0000, v6;
	v10 =	vshll.u32 v7, $0x10;
	v5 =	vmul.f32 v5, v3  }
0x345: {  	v7 =	vand.u32 $0xFFFF0000, v7;
	v9 =	vmul.f32 v9, v4;
	v8 =	vadd.f32 v10, v8  }
0x346: {  	v6 =	vmul.f32 v6, v4;
	v5 =	vadd.f32 v7, v5  }
0x347: {  	v7 =	vadd.f32 v8, v9  }
0x348: {  	v5 =	vadd.f32 v5, v6  }
0x349: {  	[tilespmem:s13+$0x10] =	vst v7  }
0x34a: {  	[tilespmem:s13+$0xC10] =	vst v5  }
0x34b: {  	v5 =	vld [tilespmem:s15+$0xC020]  }
0x34c: {  	v6 =	vld [tilespmem:s15+$0x12020]  }
0x34d: {  	v7 =	vld [tilespmem:s15+$0x6020];
	_ =	sdelay $0x2  }
0x34e: {  	v8 =	vshll.u32 v5, $0x10  }
0x34f: {  	v9 =	vshll.u32 v6, $0x10;
	v5 =	vand.u32 $0xFFFF0000, v5;
	v8 =	vmul.f32 v8, v3  }
0x350: {  	v6 =	vand.u32 $0xFFFF0000, v6;
	v10 =	vshll.u32 v7, $0x10;
	v5 =	vmul.f32 v5, v3  }
0x351: {  	v7 =	vand.u32 $0xFFFF0000, v7;
	v9 =	vmul.f32 v9, v4;
	v8 =	vadd.f32 v10, v8  }
0x352: {  	v6 =	vmul.f32 v6, v4;
	v5 =	vadd.f32 v7, v5  }
0x353: {  	v7 =	vadd.f32 v8, v9  }
0x354: {  	v5 =	vadd.f32 v5, v6  }
0x355: {  	[tilespmem:s13+$0x20] =	vst v7  }
0x356: {  	[tilespmem:s13+$0xC20] =	vst v5  }
0x357: {  	v5 =	vld [tilespmem:s15+$0xC030]  }
0x358: {  	v6 =	vld [tilespmem:s15+$0x12030]  }
0x359: {  	v7 =	vld [tilespmem:s15+$0x6030];
	_ =	sdelay $0x2  }
0x35a: {  	v8 =	vshll.u32 v5, $0x10  }
0x35b: {  	v9 =	vshll.u32 v6, $0x10;
	v5 =	vand.u32 $0xFFFF0000, v5;
	v8 =	vmul.f32 v8, v3  }
0x35c: {  	v6 =	vand.u32 $0xFFFF0000, v6;
	v10 =	vshll.u32 v7, $0x10;
	v5 =	vmul.f32 v5, v3  }
0x35d: {  	v7 =	vand.u32 $0xFFFF0000, v7;
	v9 =	vmul.f32 v9, v4;
	v8 =	vadd.f32 v10, v8  }
0x35e: {  	v6 =	vmul.f32 v6, v4;
	v5 =	vadd.f32 v7, v5  }
0x35f: {  	v7 =	vadd.f32 v8, v9  }
0x360: {  	v5 =	vadd.f32 v5, v6  }
0x361: {  	[tilespmem:s13+$0x30] =	vst v7  }
0x362: {  	[tilespmem:s13+$0xC30] =	vst v5  }
0x363: {  	v5 =	vld [tilespmem:s15+$0xC040]  }
0x364: {  	v6 =	vld [tilespmem:s15+$0x12040]  }
0x365: {  	v7 =	vld [tilespmem:s15+$0x6040];
	_ =	sdelay $0x2  }
0x366: {  	v8 =	vshll.u32 v5, $0x10  }
0x367: {  	v9 =	vshll.u32 v6, $0x10;
	v5 =	vand.u32 $0xFFFF0000, v5;
	v8 =	vmul.f32 v8, v3  }
0x368: {  	v6 =	vand.u32 $0xFFFF0000, v6;
	v10 =	vshll.u32 v7, $0x10;
	v5 =	vmul.f32 v5, v3  }
0x369: {  	v7 =	vand.u32 $0xFFFF0000, v7;
	v9 =	vmul.f32 v9, v4;
	v8 =	vadd.f32 v10, v8  }
0x36a: {  	v6 =	vmul.f32 v6, v4;
	v5 =	vadd.f32 v7, v5  }
0x36b: {  	v7 =	vadd.f32 v8, v9  }
0x36c: {  	v5 =	vadd.f32 v5, v6  }
0x36d: {  	[tilespmem:s13+$0x40] =	vst v7  }
0x36e: {  	[tilespmem:s13+$0xC40] =	vst v5  }
0x36f: {  	v5 =	vld [tilespmem:s15+$0xC050]  }
0x370: {  	v6 =	vld [tilespmem:s15+$0x12050]  }
0x371: {  	v7 =	vld [tilespmem:s15+$0x6050];
	_ =	sdelay $0x2  }
0x372: {  	v8 =	vshll.u32 v5, $0x10  }
0x373: {  	v9 =	vshll.u32 v6, $0x10;
	v5 =	vand.u32 $0xFFFF0000, v5;
	v8 =	vmul.f32 v8, v3  }
0x374: {  	v6 =	vand.u32 $0xFFFF0000, v6;
	v10 =	vshll.u32 v7, $0x10;
	v5 =	vmul.f32 v5, v3  }
0x375: {  	v7 =	vand.u32 $0xFFFF0000, v7;
	v9 =	vmul.f32 v9, v4;
	v8 =	vadd.f32 v10, v8  }
0x376: {  	v6 =	vmul.f32 v6, v4;
	v5 =	vadd.f32 v7, v5  }
0x377: {  	v7 =	vadd.f32 v8, v9  }
0x378: {  	v5 =	vadd.f32 v5, v6  }
0x379: {  	[tilespmem:s13+$0x50] =	vst v7  }
0x37a: {  	[tilespmem:s13+$0xC50] =	vst v5  }
0x37b: {  	v5 =	vld [tilespmem:s15+$0xC060]  }
0x37c: {  	v6 =	vld [tilespmem:s15+$0x12060]  }
0x37d: {  	v7 =	vld [tilespmem:s15+$0x6060];
	_ =	sdelay $0x2  }
0x37e: {  	v8 =	vshll.u32 v5, $0x10  }
0x37f: {  	v9 =	vshll.u32 v6, $0x10;
	v5 =	vand.u32 $0xFFFF0000, v5;
	v8 =	vmul.f32 v8, v3  }
0x380: {  	v6 =	vand.u32 $0xFFFF0000, v6;
	v10 =	vshll.u32 v7, $0x10;
	v5 =	vmul.f32 v5, v3  }
0x381: {  	v7 =	vand.u32 $0xFFFF0000, v7;
	v9 =	vmul.f32 v9, v4;
	v8 =	vadd.f32 v10, v8  }
0x382: {  	v6 =	vmul.f32 v6, v4;
	v5 =	vadd.f32 v7, v5  }
0x383: {  	v7 =	vadd.f32 v8, v9  }
0x384: {  	v5 =	vadd.f32 v5, v6  }
0x385: {  	[tilespmem:s13+$0x60] =	vst v7  }
0x386: {  	[tilespmem:s13+$0xC60] =	vst v5  }
0x387: {  	v5 =	vld [tilespmem:s15+$0xC070]  }
0x388: {  	v6 =	vld [tilespmem:s15+$0x12070]  }
0x389: {  	v7 =	vld [tilespmem:s15+$0x6070];
	_ =	sdelay $0x2  }
0x38a: {  	v8 =	vshll.u32 v5, $0x10  }
0x38b: {  	v5 =	vand.u32 $0xFFFF0000, v5;
	v9 =	vshll.u32 v6, $0x10;
	v8 =	vmul.f32 v8, v3  }
0x38c: {  	v6 =	vand.u32 $0xFFFF0000, v6;
	v10 =	vshll.u32 v7, $0x10;
	v5 =	vmul.f32 v5, v3  }
0x38d: {  	v7 =	vand.u32 $0xFFFF0000, v7;
	v9 =	vmul.f32 v9, v4;
	v8 =	vadd.f32 v10, v8  }
0x38e: {  	v6 =	vmul.f32 v6, v4;
	v5 =	vadd.f32 v7, v5  }
0x38f: {  	v7 =	vadd.f32 v8, v9  }
0x390: {  	v5 =	vadd.f32 v5, v6  }
0x391: {  	[tilespmem:s13+$0x70] =	vst v7  }
0x392: {  	[tilespmem:s13+$0xC70] =	vst v5  }
0x393: {  	v5 =	vld [tilespmem:s15+$0xC400]  }
0x394: {  	s19 =	simm.s32 $0x4;
	v6 =	vld [tilespmem:s15+$0x12400]  }
0x395: {  	s20 =	simm.s32 $0x80;
	s16 =	smul.u32 $0xC00, s19;
	v7 =	vld [tilespmem:s15+$0x6400]  }
0x396: {  	s21 =	sand.u32 $0x380, s20  }
0x397: {  	s17 =	sor.u32 s21, s16  }
0x398: {  	v10 =	vld [tilespmem:s17+$0xC000];
	v9 =	vshll.u32 v5, $0x10  }
0x399: {  	s22 =	simm.s32 $0x19180;
	v8 =	vld [tilespmem:s17+$0x12000];
	v11 =	vand.u32 $0xFFFF0000, v5;
	v12 =	vshll.u32 v6, $0x10;
	v9 =	vmul.f32 v9, v3  }
0x39a: {  	v5 =	vld [tilespmem:s22+$0x0];
	v13 =	vand.u32 $0xFFFF0000, v6;
	v6 =	vshll.u32 v7, $0x10;
	v11 =	vmul.f32 v11, v3  }
0x39b: {  	s23 =	simm.s32 $0x1B180;
	v14 =	vld [tilespmem:s17+$0x6000];
	v7 =	vand.u32 $0xFFFF0000, v7;
	v12 =	vmul.f32 v12, v4;
	v9 =	vadd.f32 v6, v9  }
0x39c: {  	v6 =	vld [tilespmem:s23+$0x0];
	v7 =	vadd.f32 v7, v11;
	v11 =	vmul.f32 v13, v4  }
0x39d: {  	v9 =	vadd.f32 v9, v12  }
0x39e: {  	v12 =	vshll.u32 v10, $0x10;
	v7 =	vadd.f32 v7, v11  }
0x39f: {  	v11 =	vshll.u32 v8, $0x10;
	v10 =	vand.u32 $0xFFFF0000, v10;
	v12 =	vmul.f32 v12, v5;
	[tilespmem:s13+$0x400] =	vst v9  }
0x3a0: {  	s24 =	simm.s32 $0x0;
	v8 =	vand.u32 $0xFFFF0000, v8;
	v10 =	vmul.f32 v10, v5;
	v9 =	vshll.u32 v14, $0x10;
	[tilespmem:s13+$0x1000] =	vst v7  }
0x3a1: {  	s16 =	smul.u32 $0x6000, s24;
	v7 =	vand.u32 $0xFFFF0000, v14;
	v11 =	vmul.f32 v11, v6;
	v9 =	vadd.f32 v9, v12;
	v12 =	vld [tilespmem:s15+$0xC410]  }
0x3a2: {  	v8 =	vmul.f32 v8, v6;
	v7 =	vadd.f32 v7, v10;
	v10 =	vld [tilespmem:s15+$0x12410]  }
0x3a3: {  	s16 =	sshra.s32 s16, $0x2;
	v9 =	vadd.f32 v9, v11;
	v11 =	vld [tilespmem:s15+$0x6410]  }
0x3a4: {  	s16 =	sor.u32 s21, s16;
	v7 =	vadd.f32 v7, v8  }
0x3a5: {  	[tilespmem:s16+$0x0] =	vst v9  }
0x3a6: {  	[tilespmem:s16+$0xC00] =	vst v7;
	v7 =	vshll.u32 v12, $0x10  }
0x3a7: {  	v8 =	vld [tilespmem:s17+$0xC010];
	v9 =	vand.u32 $0xFFFF0000, v12;
	v12 =	vshll.u32 v10, $0x10;
	v7 =	vmul.f32 v7, v3  }
0x3a8: {  	v13 =	vld [tilespmem:s17+$0x12010];
	v10 =	vand.u32 $0xFFFF0000, v10;
	v9 =	vmul.f32 v9, v3;
	v14 =	vshll.u32 v11, $0x10  }
0x3a9: {  	v15 =	vld [tilespmem:s17+$0x6010];
	v12 =	vmul.f32 v12, v4;
	v11 =	vand.u32 $0xFFFF0000, v11;
	v7 =	vadd.f32 v14, v7  }
0x3aa: {  	v10 =	vmul.f32 v10, v4;
	v9 =	vadd.f32 v11, v9  }
0x3ab: {  	v7 =	vadd.f32 v7, v12  }
0x3ac: {  	v11 =	vshll.u32 v8, $0x10;
	v9 =	vadd.f32 v9, v10  }
0x3ad: {  	v10 =	vshll.u32 v13, $0x10;
	v8 =	vand.u32 $0xFFFF0000, v8;
	v11 =	vmul.f32 v11, v5;
	[tilespmem:s13+$0x410] =	vst v7  }
0x3ae: {  	v12 =	vshll.u32 v15, $0x10;
	v8 =	vmul.f32 v8, v5;
	v10 =	vmul.f32 v10, v6;
	[tilespmem:s13+$0x1010] =	vst v9  }
0x3af: {  	v7 =	vand.u32 $0xFFFF0000, v13;
	v9 =	vand.u32 $0xFFFF0000, v15;
	v11 =	vadd.f32 v12, v11;
	v12 =	vld [tilespmem:s15+$0xC420]  }
0x3b0: {  	v8 =	vadd.f32 v9, v8;
	v7 =	vmul.f32 v7, v6;
	v9 =	vld [tilespmem:s15+$0x12420]  }
0x3b1: {  	v10 =	vadd.f32 v11, v10;
	v11 =	vld [tilespmem:s15+$0x6420]  }
0x3b2: {  	v7 =	vadd.f32 v8, v7  }
0x3b3: {  	[tilespmem:s16+$0x10] =	vst v10  }
0x3b4: {  	[tilespmem:s16+$0xC10] =	vst v7;
	v7 =	vshll.u32 v12, $0x10  }
0x3b5: {  	v8 =	vld [tilespmem:s17+$0xC020];
	v10 =	vand.u32 $0xFFFF0000, v12;
	v12 =	vshll.u32 v9, $0x10;
	v7 =	vmul.f32 v7, v3  }
0x3b6: {  	v13 =	vld [tilespmem:s17+$0x12020];
	v9 =	vand.u32 $0xFFFF0000, v9;
	v10 =	vmul.f32 v10, v3;
	v14 =	vshll.u32 v11, $0x10  }
0x3b7: {  	v15 =	vld [tilespmem:s17+$0x6020];
	v12 =	vmul.f32 v12, v4;
	v11 =	vand.u32 $0xFFFF0000, v11;
	v7 =	vadd.f32 v14, v7  }
0x3b8: {  	v9 =	vmul.f32 v9, v4;
	v10 =	vadd.f32 v11, v10  }
0x3b9: {  	v7 =	vadd.f32 v7, v12  }
0x3ba: {  	v11 =	vshll.u32 v8, $0x10;
	v9 =	vadd.f32 v10, v9  }
0x3bb: {  	v10 =	vshll.u32 v13, $0x10;
	v8 =	vand.u32 $0xFFFF0000, v8;
	v11 =	vmul.f32 v11, v5;
	[tilespmem:s13+$0x420] =	vst v7  }
0x3bc: {  	v12 =	vshll.u32 v15, $0x10;
	v8 =	vmul.f32 v8, v5;
	v7 =	vand.u32 $0xFFFF0000, v13;
	[tilespmem:s13+$0x1020] =	vst v9  }
0x3bd: {  	v9 =	vmul.f32 v10, v6;
	v10 =	vadd.f32 v12, v11;
	v11 =	vand.u32 $0xFFFF0000, v15;
	v12 =	vld [tilespmem:s15+$0xC430]  }
0x3be: {  	v7 =	vmul.f32 v7, v6;
	v8 =	vadd.f32 v11, v8;
	v11 =	vld [tilespmem:s15+$0x12430]  }
0x3bf: {  	v9 =	vadd.f32 v10, v9;
	v10 =	vld [tilespmem:s15+$0x6430]  }
0x3c0: {  	v7 =	vadd.f32 v8, v7  }
0x3c1: {  	[tilespmem:s16+$0x20] =	vst v9  }
0x3c2: {  	[tilespmem:s16+$0xC20] =	vst v7;
	v7 =	vshll.u32 v12, $0x10  }
0x3c3: {  	v9 =	vand.u32 $0xFFFF0000, v12;
	v8 =	vld [tilespmem:s17+$0xC030];
	v12 =	vshll.u32 v11, $0x10;
	v7 =	vmul.f32 v7, v3  }
0x3c4: {  	v13 =	vld [tilespmem:s17+$0x12030];
	v11 =	vand.u32 $0xFFFF0000, v11;
	v9 =	vmul.f32 v9, v3;
	v14 =	vshll.u32 v10, $0x10  }
0x3c5: {  	v15 =	vld [tilespmem:s17+$0x6030];
	v10 =	vand.u32 $0xFFFF0000, v10;
	v12 =	vmul.f32 v12, v4;
	v7 =	vadd.f32 v14, v7  }
0x3c6: {  	v9 =	vadd.f32 v10, v9;
	v10 =	vmul.f32 v11, v4  }
0x3c7: {  	v7 =	vadd.f32 v7, v12  }
0x3c8: {  	v9 =	vadd.f32 v9, v10;
	v11 =	vshll.u32 v8, $0x10  }
0x3c9: {  	v10 =	vshll.u32 v13, $0x10;
	v8 =	vand.u32 $0xFFFF0000, v8;
	v11 =	vmul.f32 v11, v5;
	[tilespmem:s13+$0x430] =	vst v7  }
0x3ca: {  	s25 =	simm.s32 $0x4;
	v12 =	vshll.u32 v15, $0x10;
	v7 =	vand.u32 $0xFFFF0000, v13;
	v8 =	vmul.f32 v8, v5;
	[tilespmem:s13+$0x1030] =	vst v9  }
0x3cb: {  	s20 =	simm.s32 $0x100;
	s18 =	smul.u32 $0xC00, s25;
	v9 =	vand.u32 $0xFFFF0000, v15;
	v10 =	vmul.f32 v10, v6;
	v11 =	vadd.f32 v12, v11;
	v12 =	vld [tilespmem:s15+$0xC440]  }
0x3cc: {  	s26 =	sand.u32 $0x380, s20;
	v7 =	vmul.f32 v7, v6;
	v8 =	vadd.f32 v9, v8;
	v9 =	vld [tilespmem:s15+$0x12440]  }
0x3cd: {  	s18 =	sor.u32 s26, s18;
	v10 =	vadd.f32 v11, v10;
	v11 =	vld [tilespmem:s15+$0x6440]  }
0x3ce: {  	v14 =	vld [tilespmem:s18+$0x6000];
	v7 =	vadd.f32 v8, v7  }
0x3cf: {  	v13 =	vld [tilespmem:s18+$0x12000];
	[tilespmem:s16+$0x30] =	vst v10  }
0x3d0: {  	v10 =	vld [tilespmem:s18+$0xC000];
	[tilespmem:s16+$0xC30] =	vst v7;
	v7 =	vshll.u32 v12, $0x10;
	v8 =	vand.u32 $0xFFFF0000, v12  }
0x3d1: {  	v15 =	vld [tilespmem:s17+$0xC040];
	v12 =	vshll.u32 v9, $0x10;
	v9 =	vand.u32 $0xFFFF0000, v9;
	v7 =	vmul.f32 v7, v3  }
0x3d2: {  	v16 =	vld [tilespmem:s17+$0x12040];
	v8 =	vmul.f32 v8, v3;
	v12 =	vmul.f32 v12, v4;
	v17 =	vshll.u32 v11, $0x10  }
0x3d3: {  	v18 =	vld [tilespmem:s17+$0x6040];
	v9 =	vmul.f32 v9, v4;
	v11 =	vand.u32 $0xFFFF0000, v11;
	v17 =	vadd.f32 v17, v7  }
0x3d4: {  	s21 =	simm.s32 $0x19200;
	v8 =	vadd.f32 v11, v8;
	v11 =	vshll.u32 v13, $0x10;
	v13 =	vand.u32 $0xFFFF0000, v13  }
0x3d5: {  	v7 =	vld [tilespmem:s21+$0x0];
	v20 =	vshll.u32 v10, $0x10;
	v10 =	vand.u32 $0xFFFF0000, v10;
	v12 =	vadd.f32 v17, v12  }
0x3d6: {  	s22 =	simm.s32 $0x1B200;
	v17 =	vshll.u32 v14, $0x10;
	v19 =	vshll.u32 v15, $0x10;
	v9 =	vadd.f32 v8, v9  }
0x3d7: {  	v56 =	vshll.u32 v16, $0x10;
	v8 =	vld [tilespmem:s22+$0x0];
	v15 =	vand.u32 $0xFFFF0000, v15;
	v19 =	vmul.f32 v19, v5;
	[tilespmem:s13+$0x440] =	vst v12  }
0x3d8: {  	v15 =	vmul.f32 v15, v5;
	v12 =	vand.u32 $0xFFFF0000, v16;
	v16 =	vshll.u32 v18, $0x10;
	[tilespmem:s13+$0x1040] =	vst v9  }
0x3d9: {  	v9 =	vmul.f32 v56, v6;
	v18 =	vand.u32 $0xFFFF0000, v18;
	v16 =	vadd.f32 v16, v19;
	v19 =	vld [tilespmem:s15+$0xC450]  }
0x3da: {  	v12 =	vmul.f32 v12, v6;
	v20 =	vmul.f32 v20, v7;
	v57 =	vld [tilespmem:s15+$0x12450];
	v15 =	vadd.f32 v18, v15  }
0x3db: {  	v14 =	vand.u32 $0xFFFF0000, v14;
	v10 =	vmul.f32 v10, v7;
	v9 =	vadd.f32 v16, v9;
	v16 =	vld [tilespmem:s15+$0x6450]  }
0x3dc: {  	v11 =	vmul.f32 v11, v8;
	v17 =	vadd.f32 v17, v20;
	v12 =	vadd.f32 v15, v12  }
0x3dd: {  	v13 =	vmul.f32 v13, v8;
	[tilespmem:s16+$0x40] =	vst v9;
	v9 =	vadd.f32 v14, v10  }
0x3de: {  	s23 =	simm.s32 $0x0;
	v10 =	vadd.f32 v17, v11;
	[tilespmem:s16+$0xC40] =	vst v12;
	v11 =	vshll.u32 v19, $0x10;
	v12 =	vand.u32 $0xFFFF0000, v19  }
0x3df: {  	s23 =	smul.u32 $0x6000, s23;
	v14 =	vshll.u32 v57, $0x10;
	v17 =	vand.u32 $0xFFFF0000, v57;
	v11 =	vmul.f32 v11, v3  }
0x3e0: {  	v15 =	vld [tilespmem:s17+$0xC050];
	v12 =	vmul.f32 v12, v3;
	v14 =	vmul.f32 v14, v4;
	v18 =	vshll.u32 v16, $0x10  }
0x3e1: {  	s23 =	sshra.s32 s23, $0x2;
	v9 =	vadd.f32 v9, v13;
	v13 =	vld [tilespmem:s17+$0x6050];
	v16 =	vand.u32 $0xFFFF0000, v16;
	v11 =	vadd.f32 v18, v11  }
0x3e2: {  	s19 =	sor.u32 s26, s23;
	v19 =	vld [tilespmem:s17+$0x12050];
	v12 =	vadd.f32 v16, v12;
	v16 =	vmul.f32 v17, v4  }
0x3e3: {  	[tilespmem:s19+$0x0] =	vst v10;
	v10 =	vadd.f32 v11, v14  }
0x3e4: {  	[tilespmem:s19+$0xC00] =	vst v9;
	v9 =	vadd.f32 v12, v16  }
0x3e5: {  	v11 =	vshll.u32 v15, $0x10;
	[tilespmem:s13+$0x450] =	vst v10  }
0x3e6: {  	v12 =	vand.u32 $0xFFFF0000, v15;
	v14 =	vld [tilespmem:s18+$0x12010];
	v11 =	vmul.f32 v11, v5;
	v15 =	vshll.u32 v13, $0x10;
	[tilespmem:s13+$0x1050] =	vst v9  }
0x3e7: {  	v12 =	vmul.f32 v12, v5;
	v13 =	vand.u32 $0xFFFF0000, v13;
	v10 =	vshll.u32 v19, $0x10;
	v16 =	vld [tilespmem:s15+$0xC460]  }
0x3e8: {  	v9 =	vand.u32 $0xFFFF0000, v19;
	v10 =	vmul.f32 v10, v6;
	v11 =	vadd.f32 v15, v11;
	v15 =	vld [tilespmem:s15+$0x12460]  }
0x3e9: {  	v12 =	vadd.f32 v13, v12;
	v9 =	vmul.f32 v9, v6;
	v13 =	vld [tilespmem:s15+$0x6460]  }
0x3ea: {  	v10 =	vadd.f32 v11, v10  }
0x3eb: {  	v17 =	vld [tilespmem:s18+$0xC010];
	v9 =	vadd.f32 v12, v9  }
0x3ec: {  	v11 =	vld [tilespmem:s18+$0x6010];
	v12 =	vshll.u32 v14, $0x10;
	v14 =	vand.u32 $0xFFFF0000, v14;
	[tilespmem:s16+$0x50] =	vst v10;
	v10 =	vshll.u32 v16, $0x10  }
0x3ed: {  	[tilespmem:s16+$0xC50] =	vst v9;
	v9 =	vand.u32 $0xFFFF0000, v16;
	v16 =	vshll.u32 v15, $0x10;
	v10 =	vmul.f32 v10, v3  }
0x3ee: {  	v18 =	vld [tilespmem:s17+$0xC060];
	v15 =	vand.u32 $0xFFFF0000, v15;
	v19 =	vshll.u32 v13, $0x10;
	v9 =	vmul.f32 v9, v3  }
0x3ef: {  	v13 =	vand.u32 $0xFFFF0000, v13;
	v58 =	vld [tilespmem:s17+$0x6060];
	v16 =	vmul.f32 v16, v4;
	v10 =	vadd.f32 v19, v10  }
0x3f0: {  	v12 =	vmul.f32 v12, v8;
	v20 =	vld [tilespmem:s17+$0x12060];
	v9 =	vadd.f32 v13, v9;
	v13 =	vmul.f32 v15, v4  }
0x3f1: {  	v19 =	vshll.u32 v11, $0x10;
	v15 =	vshll.u32 v17, $0x10;
	v10 =	vadd.f32 v10, v16  }
0x3f2: {  	v11 =	vand.u32 $0xFFFF0000, v11;
	v16 =	vand.u32 $0xFFFF0000, v17;
	v9 =	vadd.f32 v9, v13  }
0x3f3: {  	v13 =	vmul.f32 v15, v7;
	v15 =	vmul.f32 v16, v7;
	v16 =	vshll.u32 v18, $0x10;
	[tilespmem:s13+$0x460] =	vst v10  }
0x3f4: {  	v17 =	vand.u32 $0xFFFF0000, v18;
	v18 =	vshll.u32 v58, $0x10;
	v16 =	vmul.f32 v16, v5;
	[tilespmem:s13+$0x1060] =	vst v9  }
0x3f5: {  	v17 =	vmul.f32 v17, v5;
	v10 =	vshll.u32 v20, $0x10;
	v9 =	vand.u32 $0xFFFF0000, v20;
	v20 =	vld [tilespmem:s15+$0xC470]  }
0x3f6: {  	v10 =	vmul.f32 v10, v6;
	v59 =	vld [tilespmem:s15+$0x12470];
	v16 =	vadd.f32 v18, v16;
	v18 =	vand.u32 $0xFFFF0000, v58  }
0x3f7: {  	v13 =	vadd.f32 v19, v13;
	v9 =	vmul.f32 v9, v6;
	v17 =	vadd.f32 v18, v17;
	v18 =	vld [tilespmem:s15+$0x6470]  }
0x3f8: {  	v14 =	vmul.f32 v14, v8;
	v11 =	vadd.f32 v11, v15;
	v10 =	vadd.f32 v16, v10  }
0x3f9: {  	v9 =	vadd.f32 v17, v9  }
0x3fa: {  	v11 =	vadd.f32 v11, v14;
	[tilespmem:s16+$0x60] =	vst v10;
	v10 =	vadd.f32 v13, v12;
	v12 =	vshll.u32 v20, $0x10  }
0x3fb: {  	v13 =	vshll.u32 v59, $0x10;
	[tilespmem:s16+$0xC60] =	vst v9;
	v9 =	vand.u32 $0xFFFF0000, v20;
	v12 =	vmul.f32 v12, v3  }
0x3fc: {  	v15 =	vand.u32 $0xFFFF0000, v59;
	v14 =	vld [tilespmem:s17+$0xC070];
	v16 =	vshll.u32 v18, $0x10;
	v9 =	vmul.f32 v9, v3  }
0x3fd: {  	v13 =	vmul.f32 v13, v4;
	v17 =	vld [tilespmem:s17+$0x12070];
	v18 =	vand.u32 $0xFFFF0000, v18;
	v12 =	vadd.f32 v16, v12  }
0x3fe: {  	v15 =	vmul.f32 v15, v4;
	[tilespmem:s19+$0x10] =	vst v10;
	v10 =	vld [tilespmem:s17+$0x6070];
	v9 =	vadd.f32 v18, v9  }
0x3ff: {  	[tilespmem:s19+$0xC10] =	vst v11;
	v11 =	vadd.f32 v12, v13  }
0x400: {  	v12 =	vld [tilespmem:s18+$0x12020];
	v9 =	vadd.f32 v9, v15  }
0x401: {  	v13 =	vld [tilespmem:s18+$0x6020];
	v15 =	vshll.u32 v14, $0x10;
	[tilespmem:s13+$0x470] =	vst v11  }
0x402: {  	v11 =	vld [tilespmem:s18+$0xC020];
	v14 =	vand.u32 $0xFFFF0000, v14;
	v16 =	vshll.u32 v17, $0x10;
	v15 =	vmul.f32 v15, v5;
	[tilespmem:s13+$0x1070] =	vst v9  }
0x403: {  	v9 =	vand.u32 $0xFFFF0000, v17;
	v17 =	vshll.u32 v10, $0x10;
	v14 =	vmul.f32 v14, v5;
	v18 =	vld [tilespmem:s15+$0xC800]  }
0x404: {  	v10 =	vand.u32 $0xFFFF0000, v10;
	v16 =	vmul.f32 v16, v6;
	v15 =	vadd.f32 v17, v15;
	v17 =	vld [tilespmem:s15+$0x12800]  }
0x405: {  	v9 =	vmul.f32 v9, v6;
	v10 =	vadd.f32 v10, v14;
	v14 =	vld [tilespmem:s15+$0x6800]  }
0x406: {  	v19 =	vshll.u32 v12, $0x10;
	v12 =	vand.u32 $0xFFFF0000, v12;
	v15 =	vadd.f32 v15, v16  }
0x407: {  	v20 =	vshll.u32 v13, $0x10;
	v16 =	vshll.u32 v11, $0x10;
	v9 =	vadd.f32 v10, v9  }
0x408: {  	v10 =	vand.u32 $0xFFFF0000, v11;
	v11 =	vmul.f32 v16, v7;
	[tilespmem:s16+$0x70] =	vst v15;
	v15 =	vshll.u32 v18, $0x10  }
0x409: {  	[tilespmem:s16+$0xC70] =	vst v9;
	v9 =	vand.u32 $0xFFFF0000, v18;
	v16 =	vshll.u32 v17, $0x10;
	v15 =	vmul.f32 v15, v3  }
0x40a: {  	v18 =	vld [tilespmem:s17+$0xC400];
	v17 =	vand.u32 $0xFFFF0000, v17;
	v60 =	vshll.u32 v14, $0x10;
	v9 =	vmul.f32 v9, v3  }
0x40b: {  	v14 =	vand.u32 $0xFFFF0000, v14;
	v61 =	vld [tilespmem:s17+$0x6400];
	v16 =	vmul.f32 v16, v4;
	v15 =	vadd.f32 v60, v15  }
0x40c: {  	v19 =	vmul.f32 v19, v8;
	v22 =	vld [tilespmem:s17+$0x12400];
	v9 =	vadd.f32 v14, v9;
	v14 =	vmul.f32 v17, v4  }
0x40d: {  	v10 =	vmul.f32 v10, v7;
	v11 =	vadd.f32 v20, v11;
	v15 =	vadd.f32 v15, v16  }
0x40e: {  	v13 =	vand.u32 $0xFFFF0000, v13;
	v12 =	vmul.f32 v12, v8;
	v9 =	vadd.f32 v9, v14  }
0x40f: {  	v10 =	vadd.f32 v13, v10;
	v11 =	vadd.f32 v11, v19;
	v13 =	vshll.u32 v18, $0x10;
	[tilespmem:s13+$0x800] =	vst v15  }
0x410: {  	v14 =	vand.u32 $0xFFFF0000, v18;
	v16 =	vshll.u32 v61, $0x10;
	v13 =	vmul.f32 v13, v5;
	[tilespmem:s13+$0x1400] =	vst v9  }
0x411: {  	v18 =	vand.u32 $0xFFFF0000, v61;
	v15 =	vshll.u32 v22, $0x10;
	v14 =	vmul.f32 v14, v5;
	v17 =	vld [tilespmem:s15+$0xC810]  }
0x412: {  	v9 =	vand.u32 $0xFFFF0000, v22;
	v15 =	vmul.f32 v15, v6;
	v13 =	vadd.f32 v16, v13;
	v16 =	vld [tilespmem:s15+$0x12810]  }
0x413: {  	v10 =	vadd.f32 v10, v12;
	v9 =	vmul.f32 v9, v6;
	v12 =	vadd.f32 v18, v14;
	v14 =	vld [tilespmem:s15+$0x6810]  }
0x414: {  	[tilespmem:s19+$0x20] =	vst v11;
	v11 =	vadd.f32 v13, v15  }
0x415: {  	[tilespmem:s19+$0xC20] =	vst v10;
	v9 =	vadd.f32 v12, v9  }
0x416: {  	[tilespmem:s16+$0x400] =	vst v11;
	v10 =	vshll.u32 v17, $0x10  }
0x417: {  	v11 =	vld [tilespmem:s18+$0x12030];
	[tilespmem:s16+$0x1000] =	vst v9;
	v9 =	vand.u32 $0xFFFF0000, v17;
	v10 =	vmul.f32 v10, v3  }
0x418: {  	v12 =	vshll.u32 v16, $0x10;
	v13 =	vld [tilespmem:s17+$0xC410];
	v15 =	vshll.u32 v14, $0x10;
	v9 =	vmul.f32 v9, v3  }
0x419: {  	v16 =	vand.u32 $0xFFFF0000, v16;
	v17 =	vld [tilespmem:s17+$0x12410];
	v14 =	vand.u32 $0xFFFF0000, v14;
	v12 =	vmul.f32 v12, v4  }
0x41a: {  	v10 =	vadd.f32 v15, v10;
	v15 =	vld [tilespmem:s17+$0x6410];
	v9 =	vadd.f32 v14, v9;
	v14 =	vmul.f32 v16, v4;
	_ =	sdelay $0x1  }
0x41b: {  	v10 =	vadd.f32 v10, v12;
	v9 =	vadd.f32 v9, v14  }
0x41c: {  	v16 =	vld [tilespmem:s18+$0xC030];
	v20 =	vshll.u32 v11, $0x10;
	v14 =	vand.u32 $0xFFFF0000, v11;
	v11 =	vshll.u32 v13, $0x10  }
0x41d: {  	v12 =	vld [tilespmem:s18+$0x6030];
	v13 =	vand.u32 $0xFFFF0000, v13;
	v18 =	vshll.u32 v17, $0x10;
	v11 =	vmul.f32 v11, v5;
	[tilespmem:s13+$0x810] =	vst v10  }
0x41e: {  	v10 =	vand.u32 $0xFFFF0000, v17;
	v13 =	vmul.f32 v13, v5;
	[tilespmem:s13+$0x1410] =	vst v9;
	v17 =	vshll.u32 v15, $0x10  }
0x41f: {  	v9 =	vand.u32 $0xFFFF0000, v15;
	v19 =	vadd.f32 v17, v11;
	v11 =	vld [tilespmem:s15+$0xC820]  }
0x420: {  	v62 =	vmul.f32 v18, v6;
	v13 =	vadd.f32 v9, v13;
	v9 =	vld [tilespmem:s15+$0x12820]  }
0x421: {  	v63 =	vmul.f32 v10, v6;
	v18 =	vshll.u32 v16, $0x10;
	v10 =	vld [tilespmem:s15+$0x6820]  }
0x422: {  	v15 =	vshll.u32 v12, $0x10;
	v17 =	vand.u32 $0xFFFF0000, v12;
	v12 =	vadd.f32 v19, v62  }
0x423: {  	s23 =	simm.s32 $0x3;
	v19 =	vand.u32 $0xFFFF0000, v16;
	v16 =	vmul.f32 v20, v8;
	v13 =	vadd.f32 v13, v63  }
.LBB2_4:
0x424: {  	p0 =	sne.s32 s23, $0x1F;
	v18 =	vmul.f32 v18, v7;
	v19 =	vmul.f32 v19, v7;
	[tilespmem:s16+$0x410] =	vst v12;
	v12 =	vshll.u32 v11, $0x10  }
0x425: {  	v11 =	vand.u32 $0xFFFF0000, v11;
	[tilespmem:s16+$0x1010] =	vst v13;
	v13 =	vshll.u32 v9, $0x10;
	v12 =	vmul.f32 v12, v3  }
0x426: {  	s24 =	sadd.s32 $0x20, s23;
	v9 =	vand.u32 $0xFFFF0000, v9;
	v11 =	vmul.f32 v11, v3;
	v20 =	vld [tilespmem:s17+$0xC420];
	v21 =	vshll.u32 v10, $0x10  }
0x427: {  	s24 =	sshrl.u32 s24, $0x3;
	v10 =	vand.u32 $0xFFFF0000, v10;
	v13 =	vmul.f32 v13, v4;
	v22 =	vld [tilespmem:s17+$0x12420];
	v12 =	vadd.f32 v21, v12  }
0x428: {  	s20 =	sadd.s32 $0x80, s20;
	s24 =	smul.u32 $0xC00, s24;
	v15 =	vadd.f32 v15, v18;
	v9 =	vmul.f32 v9, v4;
	v10 =	vadd.f32 v10, v11;
	v18 =	vld [tilespmem:s17+$0x6420]  }
0x429: {  	v14 =	vmul.f32 v14, v8;
	s25 =	sand.u32 $0x380, s20;
	v11 =	vadd.f32 v17, v19;
	v12 =	vadd.f32 v12, v13  }
0x42a: {  	s24 =	sor.u32 s25, s24;
	v9 =	vadd.f32 v10, v9  }
0x42b: {  	v13 =	vadd.f32 v15, v16;
	v11 =	vadd.f32 v11, v14;
	v10 =	vld [tilespmem:s24+$0x12000];
	v14 =	vshll.u32 v20, $0x10;
	[tilespmem:s13+$0x820] =	vst v12  }
0x42c: {  	v15 =	vand.u32 $0xFFFF0000, v20;
	v12 =	vld [tilespmem:s24+$0x6000];
	v16 =	vshll.u32 v22, $0x10;
	v14 =	vmul.f32 v14, v5;
	[tilespmem:s13+$0x1420] =	vst v9  }
0x42d: {  	v9 =	vand.u32 $0xFFFF0000, v22;
	v15 =	vmul.f32 v15, v5;
	v17 =	vshll.u32 v18, $0x10;
	v19 =	vld [tilespmem:s15+$0xC830]  }
0x42e: {  	v18 =	vand.u32 $0xFFFF0000, v18;
	v16 =	vmul.f32 v16, v6;
	v14 =	vadd.f32 v17, v14;
	v17 =	vld [tilespmem:s15+$0x12830]  }
0x42f: {  	v9 =	vmul.f32 v9, v6;
	[tilespmem:s19+$0x30] =	vst v13;
	v13 =	vadd.f32 v18, v15;
	v15 =	vld [tilespmem:s15+$0x6830]  }
0x430: {  	v18 =	vld [tilespmem:s24+$0xC000];
	[tilespmem:s19+$0xC30] =	vst v11;
	v11 =	vadd.f32 v14, v16  }
0x431: {  	v14 =	vshll.u32 v10, $0x10;
	v16 =	vand.u32 $0xFFFF0000, v10;
	v10 =	vld [tilespmem:s18+$0x12040];
	v9 =	vadd.f32 v13, v9  }
0x432: {  	v13 =	vshll.u32 v12, $0x10;
	v12 =	vand.u32 $0xFFFF0000, v12;
	v20 =	vld [tilespmem:s18+$0x6040];
	[tilespmem:s16+$0x420] =	vst v11;
	v11 =	vshll.u32 v19, $0x10  }
0x433: {  	v21 =	vld [tilespmem:s18+$0xC040];
	[tilespmem:s16+$0x1020] =	vst v9;
	v9 =	vand.u32 $0xFFFF0000, v19;
	v19 =	vshll.u32 v17, $0x10;
	v11 =	vmul.f32 v11, v3  }
0x434: {  	v17 =	vand.u32 $0xFFFF0000, v17;
	v22 =	vld [tilespmem:s17+$0xC430];
	v23 =	vshll.u32 v15, $0x10;
	v9 =	vmul.f32 v9, v3  }
0x435: {  	v15 =	vand.u32 $0xFFFF0000, v15;
	v19 =	vmul.f32 v19, v4;
	v24 =	vld [tilespmem:s17+$0x12430];
	v11 =	vadd.f32 v23, v11  }
0x436: {  	v23 =	vshll.u32 v18, $0x10;
	v25 =	vld [tilespmem:s17+$0x6430];
	v9 =	vadd.f32 v15, v9;
	v15 =	vmul.f32 v17, v4  }
0x437: {  	v17 =	vshll.u32 v10, $0x10;
	v10 =	vand.u32 $0xFFFF0000, v10;
	v11 =	vadd.f32 v11, v19  }
0x438: {  	v26 =	vshll.u32 v20, $0x10;
	v19 =	vshll.u32 v21, $0x10;
	v9 =	vadd.f32 v9, v15  }
0x439: {  	v15 =	vand.u32 $0xFFFF0000, v21;
	v19 =	vmul.f32 v19, v7;
	v21 =	vshll.u32 v22, $0x10;
	[tilespmem:s13+$0x830] =	vst v11  }
0x43a: {  	v11 =	vand.u32 $0xFFFF0000, v22;
	v22 =	vshll.u32 v24, $0x10;
	v21 =	vmul.f32 v21, v5;
	[tilespmem:s13+$0x1430] =	vst v9  }
0x43b: {  	v9 =	vand.u32 $0xFFFF0000, v24;
	v11 =	vmul.f32 v11, v5;
	v24 =	vshll.u32 v25, $0x10;
	v27 =	vld [tilespmem:s15+$0xC840]  }
0x43c: {  	v25 =	vand.u32 $0xFFFF0000, v25;
	v22 =	vmul.f32 v22, v6;
	v21 =	vadd.f32 v24, v21;
	v24 =	vld [tilespmem:s15+$0x12840]  }
0x43d: {  	v17 =	vmul.f32 v17, v8;
	v9 =	vmul.f32 v9, v6;
	v11 =	vadd.f32 v25, v11;
	v25 =	vld [tilespmem:s15+$0x6840]  }
0x43e: {  	v15 =	vmul.f32 v15, v7;
	v19 =	vadd.f32 v26, v19;
	v21 =	vadd.f32 v21, v22  }
0x43f: {  	s21 =	sadd.s32 $0x80, s21;
	v20 =	vand.u32 $0xFFFF0000, v20;
	v22 =	vmul.f32 v10, v8;
	v11 =	vadd.f32 v11, v9  }
0x440: {  	s22 =	sadd.s32 $0x80, s22;
	v15 =	vadd.f32 v20, v15;
	v17 =	vadd.f32 v19, v17;
	v9 =	vld [tilespmem:s21+$0x0];
	[tilespmem:s16+$0x430] =	vst v21;
	v19 =	vshll.u32 v27, $0x10  }
0x441: {  	v10 =	vld [tilespmem:s22+$0x0];
	[tilespmem:s16+$0x1030] =	vst v11;
	v11 =	vand.u32 $0xFFFF0000, v27;
	v20 =	vshll.u32 v24, $0x10;
	v19 =	vmul.f32 v19, v3  }
0x442: {  	v24 =	vand.u32 $0xFFFF0000, v24;
	v21 =	vld [tilespmem:s17+$0xC440];
	v26 =	vshll.u32 v25, $0x10;
	v11 =	vmul.f32 v11, v3  }
0x443: {  	v25 =	vand.u32 $0xFFFF0000, v25;
	v20 =	vmul.f32 v20, v4;
	v27 =	vld [tilespmem:s17+$0x12440];
	v19 =	vadd.f32 v26, v19  }
0x444: {  	v15 =	vadd.f32 v15, v22;
	v24 =	vmul.f32 v24, v4;
	v22 =	vld [tilespmem:s17+$0x6440];
	v11 =	vadd.f32 v25, v11  }
0x445: {  	v18 =	vand.u32 $0xFFFF0000, v18;
	v23 =	vmul.f32 v23, v9;
	[tilespmem:s19+$0x40] =	vst v17;
	v17 =	vadd.f32 v19, v20  }
0x446: {  	v14 =	vmul.f32 v14, v10;
	v16 =	vmul.f32 v16, v10;
	[tilespmem:s19+$0xC40] =	vst v15;
	v11 =	vadd.f32 v11, v24  }
0x447: {  	v15 =	vmul.f32 v18, v9;
	v13 =	vadd.f32 v13, v23;
	v18 =	vshll.u32 v21, $0x10;
	[tilespmem:s13+$0x840] =	vst v17  }
0x448: {  	v19 =	vand.u32 $0xFFFF0000, v21;
	v17 =	vld [tilespmem:s18+$0x12050];
	v20 =	vshll.u32 v27, $0x10;
	v18 =	vmul.f32 v18, v5;
	[tilespmem:s13+$0x1440] =	vst v11  }
0x449: {  	v11 =	vand.u32 $0xFFFF0000, v27;
	v19 =	vmul.f32 v19, v5;
	v21 =	vshll.u32 v22, $0x10;
	v23 =	vld [tilespmem:s15+$0xC850]  }
0x44a: {  	v22 =	vand.u32 $0xFFFF0000, v22;
	v20 =	vmul.f32 v20, v6;
	v18 =	vadd.f32 v21, v18;
	v21 =	vld [tilespmem:s15+$0x12850]  }
0x44b: {  	v12 =	vadd.f32 v12, v15;
	v11 =	vmul.f32 v11, v6;
	v15 =	vadd.f32 v22, v19;
	v19 =	vld [tilespmem:s15+$0x6850]  }
0x44c: {  	v13 =	vadd.f32 v13, v14;
	v14 =	vadd.f32 v18, v20  }
0x44d: {  	v12 =	vadd.f32 v12, v16;
	v11 =	vadd.f32 v15, v11;
	v16 =	vld [tilespmem:s18+$0x6050]  }
0x44e: {  	s26 =	sshrl.u32 s23, $0x3;
	v18 =	vshll.u32 v17, $0x10;
	v17 =	vand.u32 $0xFFFF0000, v17;
	v15 =	vld [tilespmem:s18+$0xC050];
	[tilespmem:s16+$0x440] =	vst v14;
	v14 =	vshll.u32 v23, $0x10  }
0x44f: {  	s26 =	smul.u32 $0x6000, s26;
	[tilespmem:s16+$0x1040] =	vst v11;
	v11 =	vand.u32 $0xFFFF0000, v23;
	v20 =	vshll.u32 v21, $0x10;
	v14 =	vmul.f32 v14, v3  }
0x450: {  	v21 =	vand.u32 $0xFFFF0000, v21;
	v22 =	vld [tilespmem:s17+$0xC450];
	v23 =	vshll.u32 v19, $0x10;
	v11 =	vmul.f32 v11, v3  }
0x451: {  	s26 =	sshra.s32 s26, $0x2;
	v19 =	vand.u32 $0xFFFF0000, v19;
	v20 =	vmul.f32 v20, v4;
	v24 =	vld [tilespmem:s17+$0x12450];
	v14 =	vadd.f32 v23, v14  }
0x452: {  	s25 =	sor.u32 s25, s26;
	v23 =	vshll.u32 v16, $0x10;
	v25 =	vld [tilespmem:s17+$0x6450];
	v11 =	vadd.f32 v19, v11;
	v19 =	vmul.f32 v21, v4  }
0x453: {  	v16 =	vand.u32 $0xFFFF0000, v16;
	[tilespmem:s25+$0x0] =	vst v13;
	v13 =	vshll.u32 v15, $0x10;
	v14 =	vadd.f32 v14, v20  }
0x454: {  	[tilespmem:s25+$0xC00] =	vst v12;
	v12 =	vand.u32 $0xFFFF0000, v15;
	v15 =	vmul.f32 v18, v8;
	v11 =	vadd.f32 v11, v19  }
0x455: {  	v13 =	vmul.f32 v13, v7;
	v12 =	vmul.f32 v12, v7;
	v18 =	vshll.u32 v22, $0x10;
	[tilespmem:s13+$0x850] =	vst v14  }
0x456: {  	v19 =	vand.u32 $0xFFFF0000, v22;
	v14 =	vld [tilespmem:s24+$0x12010];
	v20 =	vshll.u32 v24, $0x10;
	v18 =	vmul.f32 v18, v5;
	[tilespmem:s13+$0x1450] =	vst v11  }
0x457: {  	v11 =	vand.u32 $0xFFFF0000, v24;
	v19 =	vmul.f32 v19, v5;
	v21 =	vshll.u32 v25, $0x10;
	v22 =	vld [tilespmem:s15+$0xC860]  }
0x458: {  	v24 =	vand.u32 $0xFFFF0000, v25;
	v20 =	vmul.f32 v20, v6;
	v18 =	vadd.f32 v21, v18;
	v21 =	vld [tilespmem:s15+$0x12860]  }
0x459: {  	v13 =	vadd.f32 v23, v13;
	v11 =	vmul.f32 v11, v6;
	v19 =	vadd.f32 v24, v19;
	v23 =	vld [tilespmem:s15+$0x6860]  }
0x45a: {  	v12 =	vadd.f32 v16, v12;
	v16 =	vmul.f32 v17, v8;
	v17 =	vadd.f32 v18, v20  }
0x45b: {  	v11 =	vadd.f32 v19, v11;
	v18 =	vshll.u32 v14, $0x10;
	v14 =	vand.u32 $0xFFFF0000, v14;
	v20 =	vld [tilespmem:s24+$0x6010]  }
0x45c: {  	v13 =	vadd.f32 v13, v15;
	v12 =	vadd.f32 v12, v16;
	v19 =	vld [tilespmem:s24+$0xC010];
	[tilespmem:s16+$0x450] =	vst v17;
	v15 =	vshll.u32 v22, $0x10  }
0x45d: {  	[tilespmem:s16+$0x1050] =	vst v11;
	v11 =	vand.u32 $0xFFFF0000, v22;
	v16 =	vshll.u32 v21, $0x10;
	v15 =	vmul.f32 v15, v3  }
0x45e: {  	v21 =	vand.u32 $0xFFFF0000, v21;
	v17 =	vld [tilespmem:s17+$0xC460];
	v22 =	vshll.u32 v23, $0x10;
	v11 =	vmul.f32 v11, v3  }
0x45f: {  	v23 =	vand.u32 $0xFFFF0000, v23;
	v16 =	vmul.f32 v16, v4;
	v24 =	vld [tilespmem:s17+$0x12460];
	v15 =	vadd.f32 v22, v15  }
0x460: {  	v21 =	vmul.f32 v21, v4;
	v22 =	vshll.u32 v20, $0x10;
	[tilespmem:s19+$0x50] =	vst v13;
	v13 =	vld [tilespmem:s17+$0x6460];
	v11 =	vadd.f32 v23, v11  }
0x461: {  	v20 =	vand.u32 $0xFFFF0000, v20;
	v23 =	vshll.u32 v19, $0x10;
	[tilespmem:s19+$0xC50] =	vst v12;
	v12 =	vadd.f32 v15, v16  }
0x462: {  	v15 =	vand.u32 $0xFFFF0000, v19;
	v16 =	vmul.f32 v18, v10;
	v18 =	vld [tilespmem:s18+$0x12060];
	v11 =	vadd.f32 v11, v21  }
0x463: {  	v19 =	vmul.f32 v23, v9;
	v15 =	vmul.f32 v15, v9;
	v21 =	vld [tilespmem:s18+$0x6060];
	v23 =	vshll.u32 v17, $0x10;
	[tilespmem:s13+$0x860] =	vst v12  }
0x464: {  	v17 =	vand.u32 $0xFFFF0000, v17;
	v12 =	vld [tilespmem:s18+$0xC060];
	v25 =	vshll.u32 v24, $0x10;
	v23 =	vmul.f32 v23, v5;
	[tilespmem:s13+$0x1460] =	vst v11  }
0x465: {  	v11 =	vand.u32 $0xFFFF0000, v24;
	v17 =	vmul.f32 v17, v5;
	v24 =	vshll.u32 v13, $0x10;
	v26 =	vld [tilespmem:s15+$0xC870]  }
0x466: {  	v13 =	vand.u32 $0xFFFF0000, v13;
	v23 =	vadd.f32 v24, v23;
	v24 =	vmul.f32 v25, v6;
	v25 =	vld [tilespmem:s15+$0x12870]  }
0x467: {  	v19 =	vadd.f32 v22, v19;
	v11 =	vmul.f32 v11, v6;
	v13 =	vadd.f32 v13, v17;
	v17 =	vld [tilespmem:s15+$0x6870];
	s15 =	smov.u32 s17;
	s17 =	smov.u32 s18;
	s18 =	smov.u32 s24  }
0x468: {  	v22 =	vshll.u32 v18, $0x10;
	v18 =	vand.u32 $0xFFFF0000, v18;
	v23 =	vadd.f32 v23, v24  }
0x469: {  	v11 =	vadd.f32 v13, v11;
	v24 =	vshll.u32 v12, $0x10;
	v12 =	vand.u32 $0xFFFF0000, v12  }
0x46a: {  	v22 =	vmul.f32 v22, v8;
	v13 =	vmul.f32 v24, v7;
	[tilespmem:s16+$0x460] =	vst v23;
	v23 =	vand.u32 $0xFFFF0000, v26  }
0x46b: {  	v24 =	vshll.u32 v21, $0x10;
	v12 =	vmul.f32 v12, v7;
	[tilespmem:s16+$0x1060] =	vst v11;
	v11 =	vmul.f32 v23, v3  }
0x46c: {  	v13 =	vadd.f32 v24, v13;
	v23 =	vld [tilespmem:s15+$0xC470];
	v24 =	vand.u32 $0xFFFF0000, v25;
	v27 =	vand.u32 $0xFFFF0000, v17  }
0x46d: {  	v21 =	vand.u32 $0xFFFF0000, v21;
	v28 =	vld [tilespmem:s15+$0x12470];
	v11 =	vadd.f32 v27, v11;
	v24 =	vmul.f32 v24, v4  }
0x46e: {  	v18 =	vmul.f32 v18, v8;
	v12 =	vadd.f32 v21, v12;
	v13 =	vadd.f32 v13, v22;
	v21 =	vld [tilespmem:s15+$0x6470]  }
0x46f: {  	v14 =	vmul.f32 v14, v10;
	v15 =	vadd.f32 v20, v15;
	v11 =	vadd.f32 v11, v24  }
0x470: {  	v12 =	vadd.f32 v12, v18;
	v18 =	vshll.u32 v25, $0x10;
	[tilespmem:s19+$0x60] =	vst v13;
	v13 =	vshll.u32 v26, $0x10  }
0x471: {  	v16 =	vadd.f32 v19, v16;
	v14 =	vadd.f32 v15, v14;
	v15 =	vshll.u32 v23, $0x10;
	[tilespmem:s13+$0x1470] =	vst v11  }
0x472: {  	v11 =	vand.u32 $0xFFFF0000, v23;
	[tilespmem:s19+$0xC60] =	vst v12;
	v12 =	vshll.u32 v28, $0x10;
	v15 =	vmul.f32 v15, v5  }
0x473: {  	v20 =	vand.u32 $0xFFFF0000, v28;
	v11 =	vmul.f32 v11, v5;
	v19 =	vld [tilespmem:s17+$0xC070];
	v22 =	vshll.u32 v21, $0x10  }
0x474: {  	v21 =	vand.u32 $0xFFFF0000, v21;
	v12 =	vmul.f32 v12, v6;
	v23 =	vld [tilespmem:s17+$0x12070];
	v15 =	vadd.f32 v22, v15  }
0x475: {  	v13 =	vmul.f32 v13, v3;
	v20 =	vmul.f32 v20, v6;
	v11 =	vadd.f32 v21, v11;
	[tilespmem:s25+$0x10] =	vst v16;
	v16 =	vld [tilespmem:s17+$0x6070]  }
0x476: {  	v3 =	vmovc v5;
	[tilespmem:s25+$0xC10] =	vst v14;
	v12 =	vadd.f32 v15, v12;
	v14 =	vshll.u32 v17, $0x10;
	v15 =	vmul.f32 v18, v4  }
0x477: {  	v5 =	vmovc v7;
	v7 =	vmovc v9;
	v11 =	vadd.f32 v11, v20;
	v4 =	vmov v6;
	v17 =	vld [tilespmem:s18+$0x12020];
	v13 =	vadd.f32 v14, v13  }
0x478: {  	v6 =	vmov v8;
	v8 =	vmov v10;
	v9 =	vld [tilespmem:s18+$0x6020];
	v14 =	vshll.u32 v19, $0x10;
	[tilespmem:s16+$0x470] =	vst v12  }
0x479: {  	v12 =	vand.u32 $0xFFFF0000, v19;
	v10 =	vld [tilespmem:s18+$0xC020];
	v18 =	vshll.u32 v23, $0x10;
	v14 =	vmul.f32 v14, v5;
	[tilespmem:s16+$0x1070] =	vst v11  }
0x47a: {  	v11 =	vand.u32 $0xFFFF0000, v23;
	v12 =	vmul.f32 v12, v5;
	v19 =	vshll.u32 v16, $0x10;
	v20 =	vld [tilespmem:s15+$0xC800]  }
0x47b: {  	v16 =	vand.u32 $0xFFFF0000, v16;
	v18 =	vmul.f32 v18, v6;
	v14 =	vadd.f32 v19, v14;
	v19 =	vld [tilespmem:s15+$0x12800]  }
0x47c: {  	v13 =	vadd.f32 v13, v15;
	v11 =	vmul.f32 v11, v6;
	v12 =	vadd.f32 v16, v12;
	v16 =	vld [tilespmem:s15+$0x6800]  }
0x47d: {  	v15 =	vshll.u32 v17, $0x10;
	v17 =	vand.u32 $0xFFFF0000, v17;
	v14 =	vadd.f32 v14, v18  }
0x47e: {  	v21 =	vshll.u32 v9, $0x10;
	v11 =	vadd.f32 v12, v11;
	v18 =	vshll.u32 v10, $0x10;
	[tilespmem:s13+$0x870] =	vst v13;
	s13 =	smov.u32 s16;
	s16 =	smov.u32 s19;
	s19 =	smov.u32 s25  }
0x47f: {  	v10 =	vand.u32 $0xFFFF0000, v10;
	v12 =	vmul.f32 v18, v7;
	[tilespmem:s16+$0x70] =	vst v14;
	v13 =	vshll.u32 v20, $0x10  }
0x480: {  	[tilespmem:s16+$0xC70] =	vst v11;
	v11 =	vand.u32 $0xFFFF0000, v20;
	v14 =	vshll.u32 v19, $0x10;
	v13 =	vmul.f32 v13, v3  }
0x481: {  	v19 =	vand.u32 $0xFFFF0000, v19;
	v18 =	vld [tilespmem:s17+$0xC400];
	v20 =	vshll.u32 v16, $0x10;
	v11 =	vmul.f32 v11, v3  }
0x482: {  	v16 =	vand.u32 $0xFFFF0000, v16;
	v14 =	vmul.f32 v14, v4;
	v22 =	vld [tilespmem:s17+$0x12400];
	v13 =	vadd.f32 v20, v13  }
0x483: {  	v15 =	vmul.f32 v15, v8;
	v20 =	vld [tilespmem:s17+$0x6400];
	v11 =	vadd.f32 v16, v11;
	v16 =	vmul.f32 v19, v4  }
0x484: {  	v10 =	vmul.f32 v10, v7;
	v12 =	vadd.f32 v21, v12;
	v13 =	vadd.f32 v13, v14  }
0x485: {  	v9 =	vand.u32 $0xFFFF0000, v9;
	v14 =	vmul.f32 v17, v8;
	v11 =	vadd.f32 v11, v16  }
0x486: {  	v9 =	vadd.f32 v9, v10;
	v12 =	vadd.f32 v12, v15;
	v10 =	vshll.u32 v18, $0x10;
	[tilespmem:s13+$0x800] =	vst v13  }
0x487: {  	v13 =	vand.u32 $0xFFFF0000, v18;
	v15 =	vshll.u32 v22, $0x10;
	v10 =	vmul.f32 v10, v5;
	[tilespmem:s13+$0x1400] =	vst v11  }
0x488: {  	v11 =	vand.u32 $0xFFFF0000, v22;
	v13 =	vmul.f32 v13, v5;
	v16 =	vshll.u32 v20, $0x10;
	v17 =	vld [tilespmem:s15+$0xC810]  }
0x489: {  	v18 =	vand.u32 $0xFFFF0000, v20;
	v15 =	vmul.f32 v15, v6;
	v10 =	vadd.f32 v16, v10;
	v16 =	vld [tilespmem:s15+$0x12810]  }
0x48a: {  	v9 =	vadd.f32 v9, v14;
	v11 =	vmul.f32 v11, v6;
	v13 =	vadd.f32 v18, v13;
	v14 =	vld [tilespmem:s15+$0x6810]  }
0x48b: {  	[tilespmem:s19+$0x20] =	vst v12;
	v10 =	vadd.f32 v10, v15  }
0x48c: {  	[tilespmem:s19+$0xC20] =	vst v9;
	v9 =	vadd.f32 v13, v11  }
0x48d: {  	[tilespmem:s16+$0x400] =	vst v10;
	v10 =	vshll.u32 v17, $0x10  }
0x48e: {  	v11 =	vld [tilespmem:s18+$0x12030];
	[tilespmem:s16+$0x1000] =	vst v9;
	v9 =	vand.u32 $0xFFFF0000, v17;
	v12 =	vshll.u32 v16, $0x10;
	v10 =	vmul.f32 v10, v3  }
0x48f: {  	v15 =	vand.u32 $0xFFFF0000, v16;
	v13 =	vld [tilespmem:s17+$0xC410];
	v16 =	vshll.u32 v14, $0x10;
	v9 =	vmul.f32 v9, v3  }
0x490: {  	v14 =	vand.u32 $0xFFFF0000, v14;
	v12 =	vmul.f32 v12, v4;
	v17 =	vld [tilespmem:s17+$0x12410];
	v10 =	vadd.f32 v16, v10  }
0x491: {  	v16 =	vld [tilespmem:s17+$0x6410];
	v9 =	vadd.f32 v14, v9;
	v14 =	vmul.f32 v15, v4  }
0x492: {  	v10 =	vadd.f32 v10, v12  }
0x493: {  	v12 =	vld [tilespmem:s18+$0x6030];
	v9 =	vadd.f32 v9, v14  }
0x494: {  	v20 =	vshll.u32 v11, $0x10;
	v14 =	vand.u32 $0xFFFF0000, v11;
	v19 =	vld [tilespmem:s18+$0xC030];
	v11 =	vshll.u32 v13, $0x10;
	[tilespmem:s13+$0x810] =	vst v10  }
0x495: {  	v10 =	vand.u32 $0xFFFF0000, v13;
	v13 =	vshll.u32 v17, $0x10;
	v15 =	vmul.f32 v11, v5;
	[tilespmem:s13+$0x1410] =	vst v9  }
.Ltmp1:
0x496: {  	v17 =	vand.u32 $0xFFFF0000, v17;
	v10 =	vmul.f32 v10, v5;
	v9 =	vshll.u32 v16, $0x10;
	v11 =	vld [tilespmem:s15+$0xC820];
	(pc) =	sbr.rel @p0 .LBB2_4-.Ltmp1, $4  }
0x497: {  	v16 =	vand.u32 $0xFFFF0000, v16;
	v13 =	vmul.f32 v13, v6;
	v21 =	vadd.f32 v9, v15;
	v9 =	vld [tilespmem:s15+$0x12820]  }
0x498: {  	v23 =	vmul.f32 v17, v6;
	v22 =	vadd.f32 v16, v10;
	v15 =	vshll.u32 v12, $0x10;
	v10 =	vld [tilespmem:s15+$0x6820]  }
0x499: {  	v17 =	vand.u32 $0xFFFF0000, v12;
	v18 =	vshll.u32 v19, $0x10;
	v12 =	vadd.f32 v21, v13  }
0x49a: {  	s23 =	sadd.s32 $0x1, s23;
	v16 =	vmul.f32 v20, v8;
	v19 =	vand.u32 $0xFFFF0000, v19;
	v13 =	vadd.f32 v22, v23  }
0x49b: {  	v18 =	vmul.f32 v18, v7  }
0x49c: {  	v19 =	vmul.f32 v19, v7  }
0x49d: {  	v15 =	vadd.f32 v15, v18  }
0x49e: {  	v14 =	vmul.f32 v14, v8;
	v17 =	vadd.f32 v17, v19  }
0x49f: {  	v15 =	vadd.f32 v15, v16  }
0x4a0: {  	v14 =	vadd.f32 v17, v14  }
0x4a1: {  	[tilespmem:s19+$0x30] =	vst v15  }
0x4a2: {  	[tilespmem:s19+$0xC30] =	vst v14  }
0x4a3: {  	v14 =	vld [tilespmem:s18+$0xC040]  }
0x4a4: {  	v15 =	vld [tilespmem:s18+$0x12040]  }
0x4a5: {  	v38 =	vld [tilespmem:s18+$0x6040];
	_ =	sdelay $0x2  }
0x4a6: {  	v39 =	vshll.u32 v14, $0x10  }
0x4a7: {  	v40 =	vshll.u32 v15, $0x10;
	v14 =	vand.u32 $0xFFFF0000, v14;
	v17 =	vmul.f32 v39, v7  }
0x4a8: {  	v15 =	vand.u32 $0xFFFF0000, v15;
	v41 =	vshll.u32 v38, $0x10;
	v14 =	vmul.f32 v14, v7  }
0x4a9: {  	v16 =	vand.u32 $0xFFFF0000, v38;
	v18 =	vmul.f32 v40, v8;
	v17 =	vadd.f32 v41, v17  }
0x4aa: {  	v15 =	vmul.f32 v15, v8;
	v14 =	vadd.f32 v16, v14  }
0x4ab: {  	v42 =	vadd.f32 v17, v18  }
0x4ac: {  	v14 =	vadd.f32 v14, v15  }
0x4ad: {  	[tilespmem:s19+$0x40] =	vst v42  }
0x4ae: {  	[tilespmem:s19+$0xC40] =	vst v14  }
0x4af: {  	v14 =	vld [tilespmem:s18+$0xC050]  }
0x4b0: {  	v43 =	vld [tilespmem:s18+$0x12050]  }
0x4b1: {  	v16 =	vld [tilespmem:s18+$0x6050];
	_ =	sdelay $0x2  }
0x4b2: {  	v44 =	vshll.u32 v14, $0x10  }
0x4b3: {  	v45 =	vshll.u32 v43, $0x10;
	v14 =	vand.u32 $0xFFFF0000, v14;
	v17 =	vmul.f32 v44, v7  }
0x4b4: {  	v15 =	vand.u32 $0xFFFF0000, v43;
	v46 =	vshll.u32 v16, $0x10;
	v14 =	vmul.f32 v14, v7  }
0x4b5: {  	v16 =	vand.u32 $0xFFFF0000, v16;
	v18 =	vmul.f32 v45, v8;
	v17 =	vadd.f32 v46, v17  }
0x4b6: {  	v15 =	vmul.f32 v15, v8;
	v14 =	vadd.f32 v16, v14  }
0x4b7: {  	v47 =	vadd.f32 v17, v18  }
0x4b8: {  	v14 =	vadd.f32 v14, v15  }
0x4b9: {  	[tilespmem:s19+$0x50] =	vst v47  }
0x4ba: {  	[tilespmem:s19+$0xC50] =	vst v14  }
0x4bb: {  	v14 =	vld [tilespmem:s18+$0xC060]  }
0x4bc: {  	v48 =	vld [tilespmem:s18+$0x12060]  }
0x4bd: {  	v16 =	vld [tilespmem:s18+$0x6060];
	_ =	sdelay $0x2  }
0x4be: {  	v49 =	vshll.u32 v14, $0x10  }
0x4bf: {  	v50 =	vshll.u32 v48, $0x10;
	v14 =	vand.u32 $0xFFFF0000, v14;
	v17 =	vmul.f32 v49, v7  }
0x4c0: {  	v15 =	vand.u32 $0xFFFF0000, v48;
	v51 =	vshll.u32 v16, $0x10;
	v14 =	vmul.f32 v14, v7  }
0x4c1: {  	v16 =	vand.u32 $0xFFFF0000, v16;
	v18 =	vmul.f32 v50, v8;
	v17 =	vadd.f32 v51, v17  }
0x4c2: {  	v15 =	vmul.f32 v15, v8;
	v14 =	vadd.f32 v16, v14  }
0x4c3: {  	v52 =	vadd.f32 v17, v18  }
0x4c4: {  	v14 =	vadd.f32 v14, v15  }
0x4c5: {  	[tilespmem:s19+$0x60] =	vst v52  }
0x4c6: {  	[tilespmem:s19+$0xC60] =	vst v14  }
0x4c7: {  	v14 =	vld [tilespmem:s18+$0xC070]  }
0x4c8: {  	v53 =	vld [tilespmem:s18+$0x12070]  }
0x4c9: {  	v16 =	vld [tilespmem:s18+$0x6070];
	_ =	sdelay $0x2  }
0x4ca: {  	v54 =	vshll.u32 v14, $0x10  }
0x4cb: {  	v14 =	vand.u32 $0xFFFF0000, v14;
	v55 =	vshll.u32 v53, $0x10;
	v17 =	vmul.f32 v54, v7  }
0x4cc: {  	v15 =	vand.u32 $0xFFFF0000, v53;
	v56 =	vshll.u32 v16, $0x10;
	v14 =	vmul.f32 v14, v7  }
0x4cd: {  	v16 =	vand.u32 $0xFFFF0000, v16;
	v18 =	vmul.f32 v55, v8;
	v17 =	vadd.f32 v56, v17  }
0x4ce: {  	v15 =	vmul.f32 v15, v8;
	v14 =	vadd.f32 v16, v14  }
0x4cf: {  	v57 =	vadd.f32 v17, v18  }
0x4d0: {  	v14 =	vadd.f32 v14, v15  }
0x4d1: {  	[tilespmem:s19+$0x70] =	vst v57  }
0x4d2: {  	[tilespmem:s19+$0xC70] =	vst v14  }
0x4d3: {  	v14 =	vld [tilespmem:s18+$0xC400]  }
0x4d4: {  	v58 =	vld [tilespmem:s18+$0x12400]  }
0x4d5: {  	v16 =	vld [tilespmem:s18+$0x6400];
	_ =	sdelay $0x2  }
0x4d6: {  	v59 =	vshll.u32 v14, $0x10  }
0x4d7: {  	v14 =	vand.u32 $0xFFFF0000, v14;
	v60 =	vshll.u32 v58, $0x10;
	v17 =	vmul.f32 v59, v7  }
0x4d8: {  	v15 =	vand.u32 $0xFFFF0000, v58;
	v61 =	vshll.u32 v16, $0x10;
	v14 =	vmul.f32 v14, v7  }
0x4d9: {  	v16 =	vand.u32 $0xFFFF0000, v16;
	v18 =	vmul.f32 v60, v8;
	v17 =	vadd.f32 v61, v17  }
0x4da: {  	v15 =	vmul.f32 v15, v8;
	v14 =	vadd.f32 v16, v14  }
0x4db: {  	v62 =	vadd.f32 v17, v18  }
0x4dc: {  	v14 =	vadd.f32 v14, v15  }
0x4dd: {  	[tilespmem:s19+$0x400] =	vst v62  }
0x4de: {  	[tilespmem:s19+$0x1000] =	vst v14  }
0x4df: {  	v14 =	vld [tilespmem:s18+$0xC410]  }
0x4e0: {  	v63 =	vld [tilespmem:s18+$0x12410]  }
0x4e1: {  	v16 =	vld [tilespmem:s18+$0x6410];
	_ =	sdelay $0x2  }
0x4e2: {  	[tilespmem:s16+$0x410] =	vst v12;
	v20 =	vshll.u32 v14, $0x10  }
0x4e3: {  	[tilespmem:s16+$0x1010] =	vst v13;
	v21 =	vand.u32 $0xFFFF0000, v14;
	v22 =	vshll.u32 v63, $0x10;
	v17 =	vmul.f32 v20, v7  }
0x4e4: {  	v25 =	vld [tilespmem:s17+$0xC420];
	v23 =	vand.u32 $0xFFFF0000, v63;
	v24 =	vshll.u32 v16, $0x10;
	v12 =	vmul.f32 v21, v7  }
0x4e5: {  	v26 =	vld [tilespmem:s17+$0x12420];
	v16 =	vand.u32 $0xFFFF0000, v16;
	v14 =	vmul.f32 v22, v8;
	v15 =	vadd.f32 v24, v17  }
0x4e6: {  	v27 =	vld [tilespmem:s17+$0x6420];
	v13 =	vmul.f32 v23, v8;
	v12 =	vadd.f32 v16, v12  }
0x4e7: {  	v14 =	vadd.f32 v15, v14  }
0x4e8: {  	v12 =	vadd.f32 v12, v13  }
0x4e9: {  	v28 =	vshll.u32 v25, $0x10;
	[tilespmem:s19+$0x410] =	vst v14  }
0x4ea: {  	v29 =	vand.u32 $0xFFFF0000, v25;
	v30 =	vshll.u32 v26, $0x10;
	v13 =	vmul.f32 v28, v5;
	[tilespmem:s19+$0x1010] =	vst v12  }
0x4eb: {  	v32 =	vshll.u32 v27, $0x10;
	v17 =	vand.u32 $0xFFFF0000, v26;
	v12 =	vmul.f32 v29, v5;
	v31 =	vld [tilespmem:s18+$0xC420]  }
0x4ec: {  	v16 =	vand.u32 $0xFFFF0000, v27;
	v13 =	vadd.f32 v32, v13;
	v14 =	vmul.f32 v30, v6;
	v33 =	vld [tilespmem:s18+$0x12420]  }
0x4ed: {  	v35 =	vmul.f32 v17, v6;
	v34 =	vld [tilespmem:s18+$0x6420];
	v12 =	vadd.f32 v16, v12  }
0x4ee: {  	v13 =	vadd.f32 v13, v14  }
0x4ef: {  	v12 =	vadd.f32 v12, v35  }
0x4f0: {  	[tilespmem:s16+$0x420] =	vst v13;
	v36 =	vshll.u32 v31, $0x10  }
0x4f1: {  	v37 =	vand.u32 $0xFFFF0000, v31;
	v38 =	vshll.u32 v33, $0x10;
	[tilespmem:s16+$0x1020] =	vst v12;
	v14 =	vmul.f32 v36, v7  }
0x4f2: {  	v39 =	vand.u32 $0xFFFF0000, v33;
	v40 =	vshll.u32 v34, $0x10;
	v13 =	vmul.f32 v37, v7;
	v41 =	vld [tilespmem:s17+$0xC430]  }
0x4f3: {  	v18 =	vand.u32 $0xFFFF0000, v34;
	v15 =	vmul.f32 v38, v8;
	v42 =	vld [tilespmem:s17+$0x12430];
	v14 =	vadd.f32 v40, v14  }
0x4f4: {  	v12 =	vmul.f32 v39, v8;
	v43 =	vld [tilespmem:s17+$0x6430];
	v13 =	vadd.f32 v18, v13  }
0x4f5: {  	v14 =	vadd.f32 v14, v15  }
0x4f6: {  	v12 =	vadd.f32 v13, v12  }
0x4f7: {  	v44 =	vshll.u32 v41, $0x10;
	[tilespmem:s19+$0x420] =	vst v14  }
0x4f8: {  	v45 =	vand.u32 $0xFFFF0000, v41;
	v46 =	vshll.u32 v42, $0x10;
	[tilespmem:s19+$0x1020] =	vst v12;
	v13 =	vmul.f32 v44, v5  }
0x4f9: {  	v16 =	vand.u32 $0xFFFF0000, v42;
	v48 =	vshll.u32 v43, $0x10;
	v12 =	vmul.f32 v45, v5;
	v47 =	vld [tilespmem:s18+$0xC430]  }
0x4fa: {  	v18 =	vand.u32 $0xFFFF0000, v43;
	v14 =	vmul.f32 v46, v6;
	v49 =	vld [tilespmem:s18+$0x12430];
	v13 =	vadd.f32 v48, v13  }
0x4fb: {  	v16 =	vmul.f32 v16, v6;
	v50 =	vld [tilespmem:s18+$0x6430];
	v12 =	vadd.f32 v18, v12  }
0x4fc: {  	v13 =	vadd.f32 v13, v14  }
0x4fd: {  	v12 =	vadd.f32 v12, v16  }
0x4fe: {  	v51 =	vshll.u32 v47, $0x10;
	[tilespmem:s16+$0x430] =	vst v13  }
0x4ff: {  	v52 =	vand.u32 $0xFFFF0000, v47;
	v53 =	vshll.u32 v49, $0x10;
	[tilespmem:s16+$0x1030] =	vst v12;
	v14 =	vmul.f32 v51, v7  }
0x500: {  	v54 =	vand.u32 $0xFFFF0000, v49;
	v55 =	vshll.u32 v50, $0x10;
	v13 =	vmul.f32 v52, v7;
	v56 =	vld [tilespmem:s17+$0xC440]  }
0x501: {  	v17 =	vand.u32 $0xFFFF0000, v50;
	v15 =	vmul.f32 v53, v8;
	v57 =	vld [tilespmem:s17+$0x12440];
	v14 =	vadd.f32 v55, v14  }
0x502: {  	v12 =	vmul.f32 v54, v8;
	v58 =	vld [tilespmem:s17+$0x6440];
	v13 =	vadd.f32 v17, v13  }
0x503: {  	v14 =	vadd.f32 v14, v15  }
0x504: {  	v12 =	vadd.f32 v13, v12  }
0x505: {  	v59 =	vshll.u32 v56, $0x10;
	[tilespmem:s19+$0x430] =	vst v14  }
0x506: {  	v60 =	vand.u32 $0xFFFF0000, v56;
	v61 =	vshll.u32 v57, $0x10;
	[tilespmem:s19+$0x1030] =	vst v12;
	v13 =	vmul.f32 v59, v5  }
0x507: {  	v16 =	vand.u32 $0xFFFF0000, v57;
	v63 =	vshll.u32 v58, $0x10;
	v12 =	vmul.f32 v60, v5;
	v62 =	vld [tilespmem:s18+$0xC440]  }
0x508: {  	v17 =	vand.u32 $0xFFFF0000, v58;
	v14 =	vmul.f32 v61, v6;
	v21 =	vld [tilespmem:s18+$0x12440];
	v13 =	vadd.f32 v63, v13  }
0x509: {  	v16 =	vmul.f32 v16, v6;
	v22 =	vld [tilespmem:s18+$0x6440];
	v12 =	vadd.f32 v17, v12  }
0x50a: {  	v13 =	vadd.f32 v13, v14  }
0x50b: {  	v12 =	vadd.f32 v12, v16  }
0x50c: {  	v23 =	vshll.u32 v62, $0x10;
	[tilespmem:s16+$0x440] =	vst v13  }
0x50d: {  	v24 =	vand.u32 $0xFFFF0000, v62;
	v25 =	vshll.u32 v21, $0x10;
	[tilespmem:s16+$0x1040] =	vst v12;
	v14 =	vmul.f32 v23, v7  }
0x50e: {  	v26 =	vand.u32 $0xFFFF0000, v21;
	v27 =	vshll.u32 v22, $0x10;
	v13 =	vmul.f32 v24, v7;
	v28 =	vld [tilespmem:s17+$0xC450]  }
0x50f: {  	v18 =	vand.u32 $0xFFFF0000, v22;
	v15 =	vmul.f32 v25, v8;
	v29 =	vld [tilespmem:s17+$0x12450];
	v14 =	vadd.f32 v27, v14  }
0x510: {  	v12 =	vmul.f32 v26, v8;
	v30 =	vld [tilespmem:s17+$0x6450];
	v13 =	vadd.f32 v18, v13  }
0x511: {  	v14 =	vadd.f32 v14, v15  }
0x512: {  	v12 =	vadd.f32 v13, v12  }
0x513: {  	v31 =	vshll.u32 v28, $0x10;
	[tilespmem:s19+$0x440] =	vst v14  }
0x514: {  	v32 =	vand.u32 $0xFFFF0000, v28;
	v33 =	vshll.u32 v29, $0x10;
	[tilespmem:s19+$0x1040] =	vst v12;
	v13 =	vmul.f32 v31, v5  }
0x515: {  	v16 =	vand.u32 $0xFFFF0000, v29;
	v35 =	vshll.u32 v30, $0x10;
	v12 =	vmul.f32 v32, v5;
	v34 =	vld [tilespmem:s18+$0xC450]  }
0x516: {  	v18 =	vand.u32 $0xFFFF0000, v30;
	v14 =	vmul.f32 v33, v6;
	v36 =	vld [tilespmem:s18+$0x12450];
	v13 =	vadd.f32 v35, v13  }
0x517: {  	v16 =	vmul.f32 v16, v6;
	v37 =	vld [tilespmem:s18+$0x6450];
	v12 =	vadd.f32 v18, v12  }
0x518: {  	v13 =	vadd.f32 v13, v14  }
0x519: {  	v12 =	vadd.f32 v12, v16  }
0x51a: {  	v38 =	vshll.u32 v34, $0x10;
	[tilespmem:s16+$0x450] =	vst v13  }
0x51b: {  	v39 =	vand.u32 $0xFFFF0000, v34;
	v40 =	vshll.u32 v36, $0x10;
	[tilespmem:s16+$0x1050] =	vst v12;
	v14 =	vmul.f32 v38, v7  }
0x51c: {  	v41 =	vand.u32 $0xFFFF0000, v36;
	v42 =	vshll.u32 v37, $0x10;
	v13 =	vmul.f32 v39, v7;
	v43 =	vld [tilespmem:s17+$0xC460]  }
0x51d: {  	v17 =	vand.u32 $0xFFFF0000, v37;
	v15 =	vmul.f32 v40, v8;
	v44 =	vld [tilespmem:s17+$0x12460];
	v14 =	vadd.f32 v42, v14  }
0x51e: {  	v12 =	vmul.f32 v41, v8;
	v45 =	vld [tilespmem:s17+$0x6460];
	v13 =	vadd.f32 v17, v13  }
0x51f: {  	v14 =	vadd.f32 v14, v15  }
0x520: {  	v12 =	vadd.f32 v13, v12  }
0x521: {  	v20 =	vshll.u32 v11, $0x10;
	v53 =	vand.u32 $0xFFFF0000, v11;
	v46 =	vshll.u32 v43, $0x10;
	[tilespmem:s19+$0x450] =	vst v14  }
0x522: {  	v47 =	vand.u32 $0xFFFF0000, v43;
	v48 =	vshll.u32 v44, $0x10;
	[tilespmem:s19+$0x1050] =	vst v12;
	v13 =	vmul.f32 v46, v5  }
0x523: {  	v16 =	vand.u32 $0xFFFF0000, v44;
	v50 =	vshll.u32 v45, $0x10;
	v12 =	vmul.f32 v47, v5;
	v49 =	vld [tilespmem:s18+$0xC460]  }
0x524: {  	v17 =	vand.u32 $0xFFFF0000, v45;
	v14 =	vmul.f32 v48, v6;
	v51 =	vld [tilespmem:s18+$0x12460];
	v13 =	vadd.f32 v50, v13  }
0x525: {  	v54 =	vshll.u32 v9, $0x10;
	v16 =	vmul.f32 v16, v6;
	v52 =	vld [tilespmem:s18+$0x6460];
	v12 =	vadd.f32 v17, v12  }
0x526: {  	v11 =	vmul.f32 v53, v3;
	v55 =	vmul.f32 v20, v3;
	v13 =	vadd.f32 v13, v14  }
0x527: {  	v63 =	vand.u32 $0xFFFF0000, v10;
	v62 =	vshll.u32 v10, $0x10;
	v12 =	vadd.f32 v12, v16  }
0x528: {  	v10 =	vadd.f32 v63, v11;
	v23 =	vmul.f32 v54, v4;
	v56 =	vshll.u32 v49, $0x10;
	[tilespmem:s16+$0x460] =	vst v13  }
0x529: {  	v57 =	vand.u32 $0xFFFF0000, v49;
	v58 =	vshll.u32 v51, $0x10;
	[tilespmem:s16+$0x1060] =	vst v12;
	v16 =	vmul.f32 v56, v7  }
0x52a: {  	v59 =	vand.u32 $0xFFFF0000, v51;
	v60 =	vshll.u32 v52, $0x10;
	v13 =	vmul.f32 v57, v7;
	v61 =	vld [tilespmem:s17+$0xC470]  }
0x52b: {  	v18 =	vand.u32 $0xFFFF0000, v52;
	v15 =	vmul.f32 v58, v8;
	v21 =	vld [tilespmem:s17+$0x12470];
	v16 =	vadd.f32 v60, v16  }
0x52c: {  	v24 =	vand.u32 $0xFFFF0000, v9;
	v12 =	vmul.f32 v59, v8;
	v22 =	vld [tilespmem:s17+$0x6470];
	v13 =	vadd.f32 v18, v13  }
0x52d: {  	v9 =	vmul.f32 v24, v4;
	v14 =	vadd.f32 v62, v55;
	v15 =	vadd.f32 v16, v15  }
0x52e: {  	v12 =	vadd.f32 v13, v12  }
0x52f: {  	v9 =	vadd.f32 v10, v9;
	v25 =	vadd.f32 v14, v23;
	v26 =	vshll.u32 v61, $0x10;
	[tilespmem:s19+$0x460] =	vst v15  }
0x530: {  	v27 =	vand.u32 $0xFFFF0000, v61;
	v28 =	vshll.u32 v21, $0x10;
	[tilespmem:s19+$0x1060] =	vst v12;
	v13 =	vmul.f32 v26, v5  }
0x531: {  	v29 =	vand.u32 $0xFFFF0000, v21;
	v30 =	vshll.u32 v22, $0x10;
	v12 =	vmul.f32 v27, v5;
	v15 =	vld [tilespmem:s18+$0xC470]  }
0x532: {  	v18 =	vand.u32 $0xFFFF0000, v22;
	v14 =	vmul.f32 v28, v6;
	v31 =	vld [tilespmem:s18+$0x12470];
	v13 =	vadd.f32 v30, v13  }
0x533: {  	[tilespmem:s13+$0x1420] =	vst v9;
	v34 =	vmul.f32 v29, v6;
	v32 =	vld [tilespmem:s18+$0x6470];
	v33 =	vadd.f32 v18, v12  }
0x534: {  	[tilespmem:s13+$0x820] =	vst v25;
	v35 =	vadd.f32 v13, v14  }
0x535: {  	v38 =	vld [tilespmem:s15+$0xC830];
	v36 =	vadd.f32 v33, v34  }
0x536: {  	v41 =	vld [tilespmem:s15+$0x12830];
	v37 =	vshll.u32 v15, $0x10;
	[tilespmem:s16+$0x470] =	vst v35  }
0x537: {  	v48 =	vld [tilespmem:s15+$0x6830];
	v39 =	vand.u32 $0xFFFF0000, v15;
	v40 =	vshll.u32 v31, $0x10;
	[tilespmem:s16+$0x1070] =	vst v36;
	v10 =	vmul.f32 v37, v7  }
0x538: {  	v42 =	vand.u32 $0xFFFF0000, v31;
	v43 =	vshll.u32 v32, $0x10;
	v11 =	vmul.f32 v39, v7;
	v44 =	vld [tilespmem:s17+$0xC800]  }
0x539: {  	v17 =	vand.u32 $0xFFFF0000, v32;
	v13 =	vmul.f32 v40, v8;
	v45 =	vld [tilespmem:s17+$0x12800];
	v10 =	vadd.f32 v43, v10  }
0x53a: {  	v9 =	vmul.f32 v42, v8;
	v46 =	vld [tilespmem:s17+$0x6800];
	v11 =	vadd.f32 v17, v11  }
0x53b: {  	v47 =	vshll.u32 v38, $0x10;
	v49 =	vshll.u32 v41, $0x10;
	v10 =	vadd.f32 v10, v13  }
0x53c: {  	v57 =	vshll.u32 v48, $0x10;
	v12 =	vand.u32 $0xFFFF0000, v38;
	v9 =	vadd.f32 v11, v9  }
0x53d: {  	v12 =	vmul.f32 v12, v3;
	v11 =	vmul.f32 v47, v3;
	v50 =	vshll.u32 v44, $0x10;
	[tilespmem:s19+$0x470] =	vst v10  }
0x53e: {  	v51 =	vand.u32 $0xFFFF0000, v44;
	v52 =	vshll.u32 v45, $0x10;
	[tilespmem:s19+$0x1070] =	vst v9;
	v18 =	vmul.f32 v50, v5  }
0x53f: {  	v15 =	vand.u32 $0xFFFF0000, v45;
	v54 =	vshll.u32 v46, $0x10;
	v9 =	vmul.f32 v51, v5;
	v53 =	vld [tilespmem:s18+$0xC800]  }
0x540: {  	v17 =	vand.u32 $0xFFFF0000, v46;
	v16 =	vmul.f32 v52, v6;
	v55 =	vld [tilespmem:s18+$0x12800];
	v18 =	vadd.f32 v54, v18  }
0x541: {  	v14 =	vand.u32 $0xFFFF0000, v41;
	v15 =	vmul.f32 v15, v6;
	v56 =	vld [tilespmem:s18+$0x6800];
	v9 =	vadd.f32 v17, v9  }
0x542: {  	v13 =	vmul.f32 v49, v4;
	v11 =	vadd.f32 v57, v11;
	v16 =	vadd.f32 v18, v16  }
0x543: {  	v24 =	vmul.f32 v14, v4;
	v10 =	vand.u32 $0xFFFF0000, v48;
	v9 =	vadd.f32 v9, v15  }
0x544: {  	v10 =	vadd.f32 v10, v12;
	v11 =	vadd.f32 v11, v13;
	v58 =	vshll.u32 v53, $0x10;
	[tilespmem:s16+$0x800] =	vst v16  }
0x545: {  	v59 =	vand.u32 $0xFFFF0000, v53;
	v60 =	vshll.u32 v55, $0x10;
	[tilespmem:s16+$0x1400] =	vst v9;
	v15 =	vmul.f32 v58, v7  }
0x546: {  	v61 =	vand.u32 $0xFFFF0000, v55;
	v62 =	vshll.u32 v56, $0x10;
	v16 =	vmul.f32 v59, v7;
	v63 =	vld [tilespmem:s17+$0xC810]  }
0x547: {  	v20 =	vand.u32 $0xFFFF0000, v56;
	v18 =	vmul.f32 v60, v8;
	v22 =	vld [tilespmem:s17+$0x12810];
	v15 =	vadd.f32 v62, v15  }
0x548: {  	v10 =	vadd.f32 v10, v24;
	v9 =	vmul.f32 v61, v8;
	v23 =	vld [tilespmem:s17+$0x6810];
	v16 =	vadd.f32 v20, v16  }
0x549: {  	[tilespmem:s13+$0x830] =	vst v11;
	v15 =	vadd.f32 v15, v18  }
0x54a: {  	[tilespmem:s13+$0x1430] =	vst v10;
	v9 =	vadd.f32 v16, v9  }
0x54b: {  	v35 =	vld [tilespmem:s15+$0xC840];
	v25 =	vshll.u32 v63, $0x10;
	[tilespmem:s19+$0x800] =	vst v15  }
0x54c: {  	v37 =	vld [tilespmem:s15+$0x12840];
	v26 =	vand.u32 $0xFFFF0000, v63;
	v27 =	vshll.u32 v22, $0x10;
	[tilespmem:s19+$0x1400] =	vst v9;
	v12 =	vmul.f32 v25, v5  }
0x54d: {  	v29 =	vand.u32 $0xFFFF0000, v22;
	v30 =	vshll.u32 v23, $0x10;
	v9 =	vmul.f32 v26, v5;
	v28 =	vld [tilespmem:s18+$0xC810]  }
0x54e: {  	v17 =	vand.u32 $0xFFFF0000, v23;
	v13 =	vmul.f32 v27, v6;
	v31 =	vld [tilespmem:s18+$0x12810];
	v12 =	vadd.f32 v30, v12  }
0x54f: {  	v33 =	vmul.f32 v29, v6;
	v32 =	vld [tilespmem:s18+$0x6810];
	v9 =	vadd.f32 v17, v9  }
0x550: {  	v34 =	vadd.f32 v12, v13  }
0x551: {  	v40 =	vld [tilespmem:s15+$0x6840];
	v45 =	vshll.u32 v35, $0x10;
	v9 =	vadd.f32 v9, v33  }
0x552: {  	v47 =	vshll.u32 v37, $0x10;
	v48 =	vand.u32 $0xFFFF0000, v37;
	v36 =	vshll.u32 v28, $0x10;
	[tilespmem:s16+$0x810] =	vst v34  }
0x553: {  	v38 =	vand.u32 $0xFFFF0000, v28;
	v39 =	vshll.u32 v31, $0x10;
	[tilespmem:s16+$0x1410] =	vst v9;
	v11 =	vmul.f32 v36, v7  }
0x554: {  	v41 =	vand.u32 $0xFFFF0000, v31;
	v42 =	vshll.u32 v32, $0x10;
	v10 =	vmul.f32 v38, v7;
	v43 =	vld [tilespmem:s17+$0xC820]  }
0x555: {  	v16 =	vand.u32 $0xFFFF0000, v32;
	v14 =	vmul.f32 v39, v8;
	v44 =	vld [tilespmem:s17+$0x12820];
	v11 =	vadd.f32 v42, v11  }
0x556: {  	v49 =	vshll.u32 v40, $0x10;
	v9 =	vmul.f32 v41, v8;
	v46 =	vld [tilespmem:s17+$0x6820];
	v10 =	vadd.f32 v16, v10  }
0x557: {  	v12 =	vand.u32 $0xFFFF0000, v35;
	v16 =	vmul.f32 v45, v3;
	v11 =	vadd.f32 v11, v14  }
0x558: {  	v50 =	vand.u32 $0xFFFF0000, v40;
	v12 =	vmul.f32 v12, v3;
	v9 =	vadd.f32 v10, v9  }
0x559: {  	v13 =	vadd.f32 v49, v16;
	v14 =	vmul.f32 v47, v4;
	v10 =	vmul.f32 v48, v4;
	[tilespmem:s19+$0x810] =	vst v11  }
0x55a: {  	v51 =	vshll.u32 v43, $0x10;
	v52 =	vand.u32 $0xFFFF0000, v43;
	v53 =	vshll.u32 v44, $0x10;
	[tilespmem:s19+$0x1410] =	vst v9  }
0x55b: {  	v17 =	vand.u32 $0xFFFF0000, v44;
	v55 =	vshll.u32 v46, $0x10;
	v15 =	vmul.f32 v51, v5;
	v54 =	vld [tilespmem:s18+$0xC820]  }
0x55c: {  	v19 =	vand.u32 $0xFFFF0000, v46;
	v9 =	vmul.f32 v52, v5;
	v11 =	vadd.f32 v50, v12;
	v56 =	vld [tilespmem:s18+$0x12820]  }
0x55d: {  	v16 =	vmul.f32 v53, v6;
	v13 =	vadd.f32 v13, v14;
	v57 =	vld [tilespmem:s18+$0x6820];
	v15 =	vadd.f32 v55, v15  }
0x55e: {  	v17 =	vmul.f32 v17, v6;
	v9 =	vadd.f32 v19, v9;
	v10 =	vadd.f32 v11, v10  }
0x55f: {  	[tilespmem:s13+$0x840] =	vst v13;
	v58 =	vadd.f32 v15, v16  }
0x560: {  	v9 =	vadd.f32 v9, v17;
	[tilespmem:s13+$0x1440] =	vst v10;
	v59 =	vshll.u32 v54, $0x10  }
0x561: {  	v10 =	vld [tilespmem:s15+$0xC850];
	[tilespmem:s16+$0x820] =	vst v58;
	v60 =	vand.u32 $0xFFFF0000, v54;
	v61 =	vshll.u32 v56, $0x10;
	v14 =	vmul.f32 v59, v7  }
0x562: {  	v25 =	vld [tilespmem:s15+$0x12850];
	[tilespmem:s16+$0x1420] =	vst v9;
	v62 =	vand.u32 $0xFFFF0000, v56;
	v63 =	vshll.u32 v57, $0x10;
	v12 =	vmul.f32 v60, v7  }
0x563: {  	v22 =	vand.u32 $0xFFFF0000, v57;
	v21 =	vld [tilespmem:s17+$0xC830];
	v15 =	vmul.f32 v61, v8;
	v14 =	vadd.f32 v63, v14  }
0x564: {  	v23 =	vld [tilespmem:s17+$0x12830];
	v9 =	vmul.f32 v62, v8;
	v12 =	vadd.f32 v22, v12  }
0x565: {  	v24 =	vld [tilespmem:s17+$0x6830];
	v14 =	vadd.f32 v14, v15  }
0x566: {  	v9 =	vadd.f32 v12, v9  }
0x567: {  	v34 =	vld [tilespmem:s15+$0x6850];
	v33 =	vshll.u32 v10, $0x10;
	[tilespmem:s19+$0x820] =	vst v14  }
0x568: {  	v10 =	vand.u32 $0xFFFF0000, v10;
	v35 =	vshll.u32 v25, $0x10;
	v26 =	vshll.u32 v21, $0x10;
	[tilespmem:s19+$0x1420] =	vst v9  }
0x569: {  	v27 =	vand.u32 $0xFFFF0000, v21;
	v28 =	vshll.u32 v23, $0x10;
	v14 =	vmul.f32 v26, v5;
	v29 =	vld [tilespmem:s18+$0xC830]  }
0x56a: {  	v11 =	vand.u32 $0xFFFF0000, v23;
	v30 =	vshll.u32 v24, $0x10;
	v9 =	vmul.f32 v27, v5;
	v31 =	vld [tilespmem:s18+$0x12830]  }
0x56b: {  	v13 =	vand.u32 $0xFFFF0000, v24;
	v15 =	vmul.f32 v28, v6;
	v32 =	vld [tilespmem:s18+$0x6830];
	v14 =	vadd.f32 v30, v14  }
0x56c: {  	v43 =	vshll.u32 v34, $0x10;
	v11 =	vmul.f32 v11, v6;
	v9 =	vadd.f32 v13, v9  }
0x56d: {  	v36 =	vmul.f32 v33, v3;
	v10 =	vmul.f32 v10, v3;
	v14 =	vadd.f32 v14, v15  }
0x56e: {  	v46 =	vmul.f32 v35, v4;
	v9 =	vadd.f32 v9, v11;
	v37 =	vshll.u32 v29, $0x10  }
0x56f: {  	[tilespmem:s16+$0x830] =	vst v14;
	v38 =	vand.u32 $0xFFFF0000, v29;
	v39 =	vshll.u32 v31, $0x10;
	v11 =	vmul.f32 v37, v7  }
0x570: {  	[tilespmem:s16+$0x1430] =	vst v9;
	v40 =	vand.u32 $0xFFFF0000, v31;
	v41 =	vshll.u32 v32, $0x10;
	v14 =	vmul.f32 v38, v7  }
0x571: {  	v17 =	vand.u32 $0xFFFF0000, v32;
	v42 =	vld [tilespmem:s17+$0xC840];
	v16 =	vmul.f32 v39, v8;
	v11 =	vadd.f32 v41, v11  }
0x572: {  	v13 =	vand.u32 $0xFFFF0000, v34;
	v44 =	vld [tilespmem:s17+$0x12840];
	v9 =	vmul.f32 v40, v8;
	v14 =	vadd.f32 v17, v14  }
0x573: {  	v12 =	vand.u32 $0xFFFF0000, v25;
	v10 =	vadd.f32 v13, v10;
	v45 =	vld [tilespmem:s17+$0x6840];
	v11 =	vadd.f32 v11, v16  }
0x574: {  	v47 =	vmul.f32 v12, v4;
	v15 =	vadd.f32 v43, v36;
	v9 =	vadd.f32 v14, v9  }
0x575: {  	[tilespmem:s19+$0x830] =	vst v11  }
0x576: {  	v10 =	vadd.f32 v10, v47;
	v48 =	vadd.f32 v15, v46;
	v49 =	vshll.u32 v42, $0x10;
	[tilespmem:s19+$0x1430] =	vst v9  }
0x577: {  	v50 =	vand.u32 $0xFFFF0000, v42;
	v51 =	vshll.u32 v44, $0x10;
	v13 =	vmul.f32 v49, v5;
	v52 =	vld [tilespmem:s18+$0xC840]  }
0x578: {  	v53 =	vand.u32 $0xFFFF0000, v44;
	v54 =	vshll.u32 v45, $0x10;
	v9 =	vmul.f32 v50, v5;
	v55 =	vld [tilespmem:s18+$0x12840]  }
0x579: {  	[tilespmem:s13+$0x1450] =	vst v10;
	v17 =	vand.u32 $0xFFFF0000, v45;
	v14 =	vmul.f32 v51, v6;
	v56 =	vld [tilespmem:s18+$0x6840];
	v13 =	vadd.f32 v54, v13  }
0x57a: {  	[tilespmem:s13+$0x850] =	vst v48;
	v57 =	vmul.f32 v53, v6;
	v9 =	vadd.f32 v17, v9  }
0x57b: {  	v60 =	vld [tilespmem:s15+$0xC860];
	v58 =	vadd.f32 v13, v14  }
0x57c: {  	v63 =	vld [tilespmem:s15+$0x12860];
	v9 =	vadd.f32 v9, v57;
	v59 =	vshll.u32 v52, $0x10  }
0x57d: {  	v31 =	vld [tilespmem:s15+$0x6860];
	[tilespmem:s16+$0x840] =	vst v58;
	v61 =	vand.u32 $0xFFFF0000, v52;
	v62 =	vshll.u32 v55, $0x10;
	v10 =	vmul.f32 v59, v7  }
0x57e: {  	[tilespmem:s16+$0x1440] =	vst v9;
	v24 =	vand.u32 $0xFFFF0000, v55;
	v25 =	vshll.u32 v56, $0x10;
	v12 =	vmul.f32 v61, v7  }
0x57f: {  	v27 =	vand.u32 $0xFFFF0000, v56;
	v26 =	vld [tilespmem:s17+$0xC850];
	v13 =	vmul.f32 v62, v8;
	v10 =	vadd.f32 v25, v10  }
0x580: {  	v28 =	vld [tilespmem:s17+$0x12850];
	v9 =	vmul.f32 v24, v8;
	v12 =	vadd.f32 v27, v12  }
0x581: {  	v30 =	vshll.u32 v60, $0x10;
	v11 =	vand.u32 $0xFFFF0000, v60;
	v29 =	vld [tilespmem:s17+$0x6850];
	v10 =	vadd.f32 v10, v13  }
0x582: {  	v32 =	vshll.u32 v63, $0x10;
	v40 =	vshll.u32 v31, $0x10;
	v9 =	vadd.f32 v12, v9  }
0x583: {  	v11 =	vmul.f32 v11, v3;
	v14 =	vand.u32 $0xFFFF0000, v63;
	v12 =	vmul.f32 v30, v3;
	[tilespmem:s19+$0x840] =	vst v10  }
0x584: {  	v13 =	vmul.f32 v32, v4;
	v33 =	vshll.u32 v26, $0x10;
	v34 =	vand.u32 $0xFFFF0000, v26;
	[tilespmem:s19+$0x1440] =	vst v9  }
0x585: {  	v35 =	vshll.u32 v28, $0x10;
	v15 =	vand.u32 $0xFFFF0000, v28;
	v18 =	vmul.f32 v33, v5;
	v36 =	vld [tilespmem:s18+$0xC850]  }
0x586: {  	v37 =	vshll.u32 v29, $0x10;
	v17 =	vand.u32 $0xFFFF0000, v29;
	v9 =	vmul.f32 v34, v5;
	v38 =	vld [tilespmem:s18+$0x12850]  }
0x587: {  	v16 =	vmul.f32 v35, v6;
	v15 =	vmul.f32 v15, v6;
	v39 =	vld [tilespmem:s18+$0x6850];
	v18 =	vadd.f32 v37, v18  }
0x588: {  	v10 =	vand.u32 $0xFFFF0000, v31;
	v12 =	vadd.f32 v40, v12;
	v9 =	vadd.f32 v17, v9  }
0x589: {  	v49 =	vmul.f32 v14, v4;
	v10 =	vadd.f32 v10, v11;
	v16 =	vadd.f32 v18, v16  }
0x58a: {  	v12 =	vadd.f32 v12, v13;
	v9 =	vadd.f32 v9, v15;
	v41 =	vshll.u32 v36, $0x10  }
0x58b: {  	[tilespmem:s16+$0x850] =	vst v16;
	v42 =	vand.u32 $0xFFFF0000, v36;
	v43 =	vshll.u32 v38, $0x10;
	v15 =	vmul.f32 v41, v7  }
0x58c: {  	[tilespmem:s16+$0x1450] =	vst v9;
	v44 =	vand.u32 $0xFFFF0000, v38;
	v45 =	vshll.u32 v39, $0x10;
	v16 =	vmul.f32 v42, v7  }
0x58d: {  	v20 =	vand.u32 $0xFFFF0000, v39;
	v46 =	vld [tilespmem:s17+$0xC860];
	v18 =	vmul.f32 v43, v8;
	v15 =	vadd.f32 v45, v15  }
0x58e: {  	v10 =	vadd.f32 v10, v49;
	v47 =	vld [tilespmem:s17+$0x12860];
	v9 =	vmul.f32 v44, v8;
	v16 =	vadd.f32 v20, v16  }
0x58f: {  	[tilespmem:s13+$0x860] =	vst v12;
	v15 =	vadd.f32 v15, v18  }
0x590: {  	[tilespmem:s13+$0x1460] =	vst v10;
	v48 =	vld [tilespmem:s17+$0x6860];
	v9 =	vadd.f32 v16, v9  }
0x591: {  	[tilespmem:s19+$0x850] =	vst v15  }
0x592: {  	v60 =	vld [tilespmem:s15+$0xC870];
	[tilespmem:s19+$0x1450] =	vst v9  }
0x593: {  	v50 =	vshll.u32 v46, $0x10;
	v51 =	vand.u32 $0xFFFF0000, v46;
	v52 =	vshll.u32 v47, $0x10;
	v53 =	vld [tilespmem:s18+$0xC860]  }
0x594: {  	v54 =	vand.u32 $0xFFFF0000, v47;
	v11 =	vmul.f32 v50, v5;
	v9 =	vmul.f32 v51, v5;
	v56 =	vld [tilespmem:s18+$0x12860]  }
0x595: {  	v55 =	vshll.u32 v48, $0x10;
	v57 =	vand.u32 $0xFFFF0000, v48;
	v13 =	vmul.f32 v52, v6;
	v58 =	vld [tilespmem:s18+$0x6860]  }
0x596: {  	v59 =	vmul.f32 v54, v6;
	v11 =	vadd.f32 v55, v11;
	v9 =	vadd.f32 v57, v9  }
0x597: {  	v29 =	vand.u32 $0xFFFF0000, v60  }
0x598: {  	v61 =	vld [tilespmem:s15+$0x12870];
	v11 =	vadd.f32 v11, v13;
	v9 =	vadd.f32 v9, v59;
	v62 =	vshll.u32 v53, $0x10  }
0x599: {  	v63 =	vld [tilespmem:s15+$0x6870];
	v24 =	vand.u32 $0xFFFF0000, v53;
	v25 =	vshll.u32 v56, $0x10;
	v10 =	vmul.f32 v62, v7  }
0x59a: {  	[tilespmem:s16+$0x860] =	vst v11;
	v26 =	vand.u32 $0xFFFF0000, v56;
	v27 =	vshll.u32 v58, $0x10;
	v11 =	vmul.f32 v24, v7  }
0x59b: {  	[tilespmem:s16+$0x1460] =	vst v9;
	v16 =	vand.u32 $0xFFFF0000, v58;
	v14 =	vmul.f32 v25, v8;
	v10 =	vadd.f32 v27, v10  }
0x59c: {  	v36 =	vshll.u32 v60, $0x10;
	v28 =	vld [tilespmem:s17+$0xC870];
	v9 =	vmul.f32 v26, v8;
	v11 =	vadd.f32 v16, v11  }
0x59d: {  	v31 =	vmul.f32 v29, v3;
	v3 =	vmul.f32 v36, v3;
	v30 =	vld [tilespmem:s17+$0x12870];
	v10 =	vadd.f32 v10, v14  }
0x59e: {  	v37 =	vshll.u32 v61, $0x10;
	v39 =	vshll.u32 v63, $0x10;
	v32 =	vld [tilespmem:s17+$0x6870];
	v9 =	vadd.f32 v11, v9  }
0x59f: {  	v42 =	vmul.f32 v37, v4;
	v3 =	vadd.f32 v39, v3;
	[tilespmem:s19+$0x860] =	vst v10  }
0x5a0: {  	v33 =	vand.u32 $0xFFFF0000, v61;
	v34 =	vand.u32 $0xFFFF0000, v63;
	[tilespmem:s19+$0x1460] =	vst v9  }
0x5a1: {  	v35 =	vadd.f32 v34, v31;
	v3 =	vadd.f32 v3, v42;
	v38 =	vand.u32 $0xFFFF0000, v28;
	v41 =	vld [tilespmem:s18+$0xC870]  }
0x5a2: {  	v14 =	vmul.f32 v33, v4;
	v43 =	vand.u32 $0xFFFF0000, v30;
	v40 =	vmul.f32 v38, v5;
	v47 =	vld [tilespmem:s18+$0x6870]  }
0x5a3: {  	v44 =	vand.u32 $0xFFFF0000, v32;
	v50 =	vshll.u32 v28, $0x10;
	v51 =	vshll.u32 v30, $0x10;
	v48 =	vld [tilespmem:s18+$0x12870]  }
0x5a4: {  	v46 =	vmul.f32 v43, v6;
	v52 =	vmul.f32 v50, v5;
	v45 =	vadd.f32 v44, v40  }
0x5a5: {  	v54 =	vshll.u32 v32, $0x10;
	v11 =	vadd.f32 v35, v14;
	v55 =	vmul.f32 v51, v6  }
0x5a6: {  	v5 =	vadd.f32 v54, v52;
	v49 =	vadd.f32 v45, v46;
	v53 =	vand.u32 $0xFFFF0000, v41  }
0x5a7: {  	v56 =	vand.u32 $0xFFFF0000, v47;
	v13 =	vshll.u32 v41, $0x10;
	v9 =	vmul.f32 v53, v7  }
0x5a8: {  	v57 =	vand.u32 $0xFFFF0000, v48;
	v60 =	vshll.u32 v48, $0x10;
	v58 =	vmul.f32 v13, v7  }
0x5a9: {  	[tilespmem:s13+$0x870] =	vst v3;
	v12 =	vshll.u32 v47, $0x10;
	v59 =	vmul.f32 v57, v8;
	v9 =	vadd.f32 v56, v9  }
0x5aa: {  	[tilespmem:s13+$0x1470] =	vst v11;
	v3 =	vadd.f32 v5, v55;
	v61 =	vmul.f32 v60, v8;
	v62 =	vadd.f32 v12, v58  }
0x5ab: {  	[tilespmem:s16+$0x1470] =	vst v49;
	v63 =	vadd.f32 v9, v59  }
0x5ac: {  	s0 =	sadd.s32 $0x1, s0;
	[tilespmem:s16+$0x870] =	vst v3;
	v3 =	vadd.f32 v62, v61  }
0x5ad: {  	p0 =	sne.s32 s0, s12;
	[tilespmem:s19+$0x1470] =	vst v63  }
.Ltmp2:
0x5ae: {  	[tilespmem:s19+$0x870] =	vst v3;
	(pc) =	sbr.rel @p0 .LBB2_1-.Ltmp2, $4  }
0x5af: {  	[hbm4b:s11+s2] =	stream.linear.scatter [tilespmem:s2], [sflag:$0x3], $0x6000, $0x38;
	[tilespmem:$0x1C100] =	vst v63  }
0x5b0: {  	_ =	swait.ge [sflag:s14], $0x6000  }
0x5b1: {  	[sflag:s14] =	ssyncset.done $0x0  }
0x5b2: {  	[sflag:s14] =	ssyncadd.s32 $0xFFFFA000  }
0x5b3: {  	_ =	sfence.sel $0x180000  }
0x5b4: {  	[bflag:$0x0] =	sbarrier.arrive $0xFFFF  }
0x5b5: {  	_ =	strace $0x9000004A  }
0x5b6: {  	s0 =	stileid.u32;
	[bflag:$0x2] =	sbarrier.arrive $0xFFFF  }
0x5b7: {  	p0 =	sne.s32 s0, $0x0;
	s0 =	rddreg [dreg:$0x2]  }
0x5b8: {  	s0 =	sadd.s32 @!p0 $0x100000, s0  }
0x5b9: {  	[sflag:s0] =	ssyncadd.tile.s32 @!p0 $0x1;
	_ =	shalt  }
.Lfunc_end2:
_tile_overlayer_lowered:
.L_overlay_start_2:
0x5ba: {  	(tag) =	ssettag $0x2  }
0x5bb: {  	s0 =	rddreg [dreg:$0x0];
	s2 =	stileid.u32  }
0x5bc: {  	s1 =	rddreg [dreg:$0x1];
	p0 =	sne.s32 s2, $0x0  }
0x5bd: {  	s3 =	rddreg [dreg:$0x2];
	[bflag:$0x3] =	sbarrier.arrive $0xFFFF;
	s2 =	simm.s32 @!p0 $0x1C03  }
0x5be: {  	[timem:s3], [sflag:s2] =	dma.local @!p0 [hbm:s0], s1  }
0x5bf: {  	s0 =	simm.s32 @!p0 $0x3  }
0x5c0: {  	_ =	swait.ge @!p0 [sflag:s0], s1  }
0x5c1: {  	s1 =	ssub.s32 @!p0 $0x0, s1;
	[sflag:s0] =	ssyncset.done @!p0 $0x0  }
0x5c2: {  	[sflag:s0] =	ssyncadd.s32 @!p0 s1  }
0x5c3: {  	[bflag:$0x3] =	sbarrier.arrive $0xFFFF  }
0x5c4: {  	_ =	shalt  }

// kernel: kernel.7.cloned.1.call-start
scs
__scs_entry_jumppad:
0x0: {  	(pc) =	sbr.rel $0x88, $3  }
0x1: {  	(tag) =	ssettag $0x0;
	lr =	simm.s32 $0x1  }
0x2: {  	[smem:$0x3F98] =	sst lr;
	_ =	strace $0xD0000000  }
0x3: {  	_ = 	snop  }
0x4: {  	_ = 	snop  }
0x5: {  	_ = 	snop  }
0x6: {  	_ = 	snop  }
0x7: {  	_ = 	snop  }
__scs_overlays_trampoline_lowered:
0x8: {  	[smem:$0x3FA7] =	sst s0  }
0x9: {  	[smem:$0x3FA8] =	sst s1  }
0xa: {  	[smem:$0x3FA9] =	sst s2  }
0xb: {  	[smem:$0x3FAA] =	sst s3  }
0xc: {  	[smem:$0x3FAB] =	sst s4  }
0xd: {  	[smem:$0x3FAC] =	sst s5  }
0xe: {  	[smem:$0x3FAD] =	sst s6  }
0xf: {  	[smem:$0x3FAE] =	sst s7  }
0x10: {  	[smem:$0x3FAF] =	sst s8  }
0x11: {  	[smem:$0x3FB0] =	sst s9;
	s0 =	simm.s32 @!p0 $0x0  }
0x12: {  	s1 =	sld [smem:$0x3F96];
	s0 =	simm.s32 @p0 $0x1  }
0x13: {  	[smem:$0x3FB1] =	sst s0;
	s0 =	simm.s32 @!p1 $0x0  }
0x14: {  	s2 =	sld [smem:$0x3F95];
	s0 =	simm.s32 @p1 $0x1  }
0x15: {  	[smem:$0x3FB2] =	sst s0;
	s0 =	simm.s32 @!p2 $0x0  }
0x16: {  	s3 =	sld [smem:$0x3FDB];
	s0 =	simm.s32 @p2 $0x1  }
0x17: {  	s4 =	simm.s32 $0x1BF5;
	[smem:$0x3FB4] =	sst s0  }
0x18: {  	s0 =	sld [smem:$0x3F97];
	_ =	swait.ge [sflag:s4], $0x0  }
0x19: {  	s7 =	sld [smem:$0x3F98]  }
0x1a: {  	s8 =	sadd.s32 $0xFFFFE003, lr  }
0x1b: {  	s9 =	sadd.s32 $0xFFFFFEF7, lr;
	s5 =	simm.s32 $0xFFFFFFFF;
	p2 =	slt.u32 s8, $0xFFFFF086  }
0x1c: {  	p1 =	slt.u32 s9, $0xF7A;
	s5 =	simm.s32 @!p2 $0x0  }
0x1d: {  	s5 =	simm.s32 @p1 $0x1;
	p0 =	seq.s32 s7, s2  }
0x1e: {  	s7 =	smul.u32 @!p0 $0xF7A, s2;
	p2 =	seq.s32 @!p0 s5, $0x0  }
0x1f: {  	s9 =	smul.u32 $0xF7A, s1;
	s8 =	simm.s32 @!p0 $0x1BF5;
	p2 =	por !p2, p0  }
0x20: {  	[sflag:s8] =	ssyncset.s32 @!p0 $0xFFFFF086;
	s6 =	sadd.s32 @!p0 s3, s7;
	s7 =	simm.s32 @!p0 $0x108  }
0x21: {  	s3 =	sadd.s32 s3, s9;
	s6 =	sadd.s32 @!p0 $0x88, s6;
	s7 =	simm.s32 @p2 $0x1082  }
0x22: {  	[simem:s7], [sflag:s8] =	dma.local @!p0 [hbm:s6], $0xF7A  }
0x23: {  	s9 =	sor.u32 $0xD0000000, s2;
	s6 =	simm.s32 $0x108;
	_ =	swait.ge @!p0 [sflag:s8], $0x0  }
0x24: {  	s3 =	sadd.s32 $0x88, s3;
	s6 =	simm.s32 @!p1 $0x1082;
	[sflag:s4] =	ssyncset.s32 $0xFFFFF086  }
0x25: {  	[simem:s6], [sflag:s4] =	dma.local [hbm:s3], $0xF7A  }
0x26: {  	[smem:$0x3F98] =	sst s1;
	(tag) =	ssettag s2;
	_ =	strace s9  }
0x27: {  	s1 =	sld [smem:$0x3FA8]  }
0x28: {  	s2 =	sld [smem:$0x3FA9]  }
0x29: {  	s4 =	sld [smem:$0x3FAB]  }
0x2a: {  	p0 =	seq.s32 s5, $0x0;
	s5 =	sld [smem:$0x3FAC]  }
0x2b: {  	s6 =	sld [smem:$0x3FAD]  }
0x2c: {  	s7 =	sld [smem:$0x3FAE]  }
0x2d: {  	s3 =	simm.s32 $0x108;
	s8 =	sld [smem:$0x3FAF]  }
0x2e: {  	s3 =	simm.s32 @!p0 $0x1082;
	s9 =	sld [smem:$0x3FB0]  }
0x2f: {  	lr =	sadd.s32 s0, s3;
	s0 =	sld [smem:$0x3FA7]  }
0x30: {  	s3 =	sld [smem:$0x3FAA]  }
0x31: {  	[smem:$0x3FB3] =	sst s10  }
0x32: {  	s10 =	sld [smem:$0x3FB1];
	_ =	sdelay $0x3  }
0x33: {  	p0 =	seq.s32 s10, $0x1;
	s10 =	sld [smem:$0x3FB3];
	_ =	sdelay $0x3  }
0x34: {  	[smem:$0x3FB3] =	sst s10  }
0x35: {  	s10 =	sld [smem:$0x3FB2];
	_ =	sdelay $0x3  }
0x36: {  	p1 =	seq.s32 s10, $0x1;
	s10 =	sld [smem:$0x3FB3];
	_ =	sdelay $0x3  }
0x37: {  	[smem:$0x3FB3] =	sst s10  }
0x38: {  	s10 =	sld [smem:$0x3FB4]  }
0x39: {  	_ = 	snop;
	(pc) =	sbr.ind lr, $3  }
0x3a: {  	_ = 	snop  }
0x3b: {  	_ = 	snop  }
0x3c: {  	p2 =	seq.s32 s10, $0x1;
	s10 =	sld [smem:$0x3FB3]  }
0x3d: {  	_ =	shalt  }
0x3e: {  	_ =	shalt  }
0x3f: {  	_ =	shalt  }
0x40: {  	_ =	shalt  }
0x41: {  	_ =	shalt  }
0x42: {  	_ =	shalt  }
0x43: {  	_ =	shalt  }
0x44: {  	_ =	shalt  }
0x45: {  	_ =	shalt  }
0x46: {  	_ =	shalt  }
0x47: {  	_ =	shalt  }
0x48: {  	_ =	shalt  }
0x49: {  	_ =	shalt  }
0x4a: {  	_ =	shalt  }
0x4b: {  	_ =	shalt  }
0x4c: {  	_ =	shalt  }
0x4d: {  	_ =	shalt  }
0x4e: {  	_ =	shalt  }
0x4f: {  	_ =	shalt  }
0x50: {  	_ =	shalt  }
0x51: {  	_ =	shalt  }
0x52: {  	_ =	shalt  }
0x53: {  	_ =	shalt  }
0x54: {  	_ =	shalt  }
0x55: {  	_ =	shalt  }
0x56: {  	_ =	shalt  }
0x57: {  	_ =	shalt  }
0x58: {  	_ =	shalt  }
0x59: {  	_ =	shalt  }
0x5a: {  	_ =	shalt  }
0x5b: {  	_ =	shalt  }
0x5c: {  	_ =	shalt  }
0x5d: {  	_ =	shalt  }
0x5e: {  	_ =	shalt  }
0x5f: {  	_ =	shalt  }
0x60: {  	_ =	shalt  }
0x61: {  	_ =	shalt  }
0x62: {  	_ =	shalt  }
0x63: {  	_ =	shalt  }
0x64: {  	_ =	shalt  }
0x65: {  	_ =	shalt  }
0x66: {  	_ =	shalt  }
0x67: {  	_ =	shalt  }
0x68: {  	_ =	shalt  }
0x69: {  	_ =	shalt  }
0x6a: {  	_ =	shalt  }
0x6b: {  	_ =	shalt  }
0x6c: {  	_ =	shalt  }
0x6d: {  	_ =	shalt  }
0x6e: {  	_ =	shalt  }
0x6f: {  	_ =	shalt  }
0x70: {  	_ =	shalt  }
0x71: {  	_ =	shalt  }
0x72: {  	_ =	shalt  }
0x73: {  	_ =	shalt  }
0x74: {  	_ =	shalt  }
0x75: {  	_ =	shalt  }
0x76: {  	_ =	shalt  }
0x77: {  	_ =	shalt  }
0x78: {  	_ =	shalt  }
0x79: {  	_ =	shalt  }
0x7a: {  	_ =	shalt  }
0x7b: {  	_ =	shalt  }
0x7c: {  	_ =	shalt  }
0x7d: {  	_ =	shalt  }
0x7e: {  	_ =	shalt  }
0x7f: {  	_ =	shalt  }
0x80: {  	_ =	shalt  }
0x81: {  	_ =	shalt  }
0x82: {  	_ =	shalt  }
0x83: {  	_ =	shalt  }
0x84: {  	_ =	shalt  }
0x85: {  	_ =	shalt  }
0x86: {  	_ =	shalt  }
0x87: {  	_ =	shalt  }
.Lfunc_end0:
.L_simem_size_0:
called_computation_lowered:
.L_overlay_start_0:
0x88: {  	s2 =	sld [smem:$0x3FD9]  }
0x89: {  	s3 =	sld [smem:$0x3FFE];
	_ =	sdelay $0x1  }
0x8a: {  	s1 =	srdreg.scid  }
0x8b: {  	s0 =	sand.u32 $0x1, s1  }
0x8c: {  	s14 =	sshll.u32 s0, $0xA;
	s2 =	sadd.s32 s3, s2  }
0x8d: {  	s2 =	sadd.s32 s2, s14  }
0x8e: {  	[smem:$0x3FBF] =	sst s2  }
0x8f: {  	_ = 	snop  }
0x90: {  	s2 =	sld [smem:$0x3FD0];
	_ =	sdelay $0x2  }
0x91: {  	s15 =	simm.s32 $0xA;
	s4 =	simm.s32 $0x10  }
0x92: {  	[smem:s4], [sflag:s15] =	dma.local [hbm:s2], $0x1  }
0x93: {  	_ =	swait.eq [sflag:s15], $0x1  }
0x94: {  	[sflag:s15] =	ssyncset.done $0x0  }
0x95: {  	[sflag:s15] =	ssyncadd.s32 $0xFFFFFFFF  }
0x96: {  	s16 =	sld [smem:$0x10];
	(tm) =	ssettm $0x1  }
0x97: {  	s17 =	sld [smem:$0x3FFB];
	_ =	sdelay $0x3  }
0x98: {  	_ =	strace s17  }
0x99: {  	s3 =	sld [smem:$0x3FFC];
	_ =	sdelay $0x3  }
0x9a: {  	_ =	strace s3  }
0x9b: {  	s3 =	sld [smem:$0x3FFD];
	_ =	sdelay $0x3  }
0x9c: {  	_ =	strace s3  }
0x9d: {  	_ =	strace $0x8FFFFFFF  }
0x9e: {  	s18 =	sld [smem:$0x3FDB];
	_ =	sdelay $0x1  }
0x9f: {  	s19 =	simm.s32 $_scs_section_size  }
0xa0: {  	s5 =	simm.s32 $_size__tile_overlayer_lowered;
	s6 =	simm.s32 $_tile_overlayer_lowered  }
0xa1: {  	s22 =	simm.s32 $0x1BFF;
	s21 =	sshll.u32 s6, $0x1;
	s3 =	sadd.s32 s19, s18  }
0xa2: {  	s7 =	simm.s32 $0x0;
	s20 =	sshll.u32 s5, $0x1;
	s5 =	sadd.s32 s21, s3  }
0xa3: {  	[timem:s7], [sflag:s22] =	dma.local [hbm:s5], s20  }
0xa4: {  	_ =	swait.ge [sflag:s22], s20  }
0xa5: {  	s4 =	ssub.s32 $0x0, s20;
	[sflag:s22] =	ssyncset.done $0x0  }
0xa6: {  	[sflag:s22] =	ssyncadd.s32 s4;
	_ =	sdelay $0x1  }
0xa7: {  	s23 =	simm.s32 $0x1B8B  }
0xa8: {  	_ =	swait.ge [sflag:s23], $0x1  }
0xa9: {  	[sflag:s23] =	ssyncset.done $0x0  }
0xaa: {  	s25 =	simm.s32 $0x1B8E;
	s24 =	sld [smem:$0x3FFE];
	[sflag:s23] =	ssyncadd.s32 $0xFFFFFFFF  }
0xab: {  	s26 =	simm.s32 $execute0_lowered;
	[smem:$0x3FD2] =	sst s25  }
0xac: {  	s5 =	sshll.u32 s26, $0x1;
	_ =	strace $0x80000046;
	[dreg:$0x1] =	wrdreg $0xFFFFFFFF  }
0xad: {  	s28 =	simm.s32 $_size_execute0_lowered;
	s3 =	sadd.s32 s3, s5;
	[dreg:$0x0] =	wrdreg $0x0  }
0xae: {  	s5 =	sshll.u32 s28, $0x1;
	[dreg:$0x2] =	wrdreg s3  }
0xaf: {  	[dreg:$0x3] =	wrdreg s5  }
0xb0: {  	[dreg:$0x4] =	wrdreg $0xC0  }
0xb1: {  	_ =	task [dreg:s7], $0x5FFFF  }
0xb2: {  	[dreg:$0x1] =	wrdreg $0xFFFFFFFF  }
0xb3: {  	[dreg:$0x0] =	wrdreg $0x60  }
0xb4: {  	[dreg:$0x2] =	wrdreg s16  }
0xb5: {  	[dreg:$0x3] =	wrdreg s24  }
0xb6: {  	[dreg:$0x4] =	wrdreg $0x9  }
0xb7: {  	_ =	task.clear_ibuf [dreg:s7], $0x5FFFF;
	_ =	strace $0x90000046  }
0xb8: {  	s29 =	simm.s32 $0x9;
	_ =	strace $0x80000048  }
0xb9: {  	_ =	swait.ge [sflag:s29], $0x1  }
0xba: {  	[sflag:s29] =	ssyncadd.s32 $0xFFFFFFFF  }
0xbb: {  	_ =	strace $0x90000048  }
0xbc: {  	_ =	sfence  }
0xbd: {  	s30 =	sld [smem:$0x0];
	_ =	sdelay $0x2  }
0xbe: {  	s31 =	sshll.u32 s1, $0xD;
	s1 =	sshrl.u32 s1, $0x2  }
0xbf: {  	s3 =	sand.u32 $0x4000, s31;
	s1 =	sadd.s32 s1, s30  }
0xc0: {  	s0 =	sor.u32 s3, s0;
	s1 =	sshll.u32 s1, $0x11  }
0xc1: {  	s0 =	sor.u32 s1, s0  }
0xc2: {  	s0 =	sadd.s32 $0x8F2B, s0  }
0xc3: {  	[sflag:s0] =	ssyncadd.remote.s32 $0x1  }
0xc4: {  	_ =	sfence.sel $0xFFFF  }
0xc5: {  	[dreg:$0x0] =	wrdreg $0xFFFFFFFF;
	(pc) =	sbr.abs _section_cstart, $3  }
0xc6: {  	[dreg:$0x1] =	wrdreg $0xFFFFFFFF  }
0xc7: {  	_ =	task.clear_ibuf [dreg:s7], $0x2FFFF;
	_ =	strace $0x9FFFFFFF  }
0xc8: {  	(tm) =	ssettm $0x7FFFFFFF  }
0xc9: {  	_ =	shalt  }
tec
execute0_lowered:
.L_overlay_start_1:
0x0: {  	(tag) =	ssettag $0x1  }
0x1: {  	s1 =	srdreg.scid;
	s4 =	rddreg [dreg:$0x0]  }
0x2: {  	s0 =	stileid.u32;
	s7 =	rddreg [dreg:$0x1]  }
0x3: {  	s2 =	simm.s32 $0x0;
	s11 =	simm.s32 $0x6080;
	s12 =	simm.s32 $0x800  }
0x4: {  	s13 =	simm.s32 $0xC00;
	s14 =	simm.s32 $0x1400;
	s15 =	simm.s32 $0x1800  }
0x5: {  	s16 =	simm.s32 $0x2000;
	s17 =	simm.s32 $0x2400;
	s18 =	simm.s32 $0x2C00  }
0x6: {  	s19 =	simm.s32 $0x3000;
	s20 =	simm.s32 $0x3800;
	s21 =	simm.s32 $0x3C00  }
0x7: {  	s22 =	simm.s32 $0x4400;
	s23 =	simm.s32 $0x4800;
	s24 =	simm.s32 $0x5000  }
0x8: {  	s25 =	simm.s32 $0x5400;
	s26 =	simm.s32 $0x5C00;
	s28 =	simm.s32 $0x1  }
0x9: {  	s29 =	simm.s32 $0x2;
	s3 =	sand.u32 $0x1, s1;
	s1 =	rddreg [dreg:$0x2]  }
0xa: {  	s5 =	sshll.u32 s0, $0x4;
	[smem:$0x7FF] =	sst s2;
	s6 =	sshll.u32 s3, $0x3  }
0xb: {  	s30 =	ssub.s32 $0x2, s3;
	_ =	strace $0x80000047;
	s5 =	sor.u32 s6, s5  }
0xc: {  	s3 =	sadd.s32 $0x12800, s7;
	s31 =	sshrl.u32 s30, $0x1;
	s8 =	smul.u32 $0x180, s5  }
0xd: {  	v2 =	vlaneseq.u32;
	s9 =	sadd.s32 s5, s7;
	s10 =	ssub.s32 s30, s31;
	s7 =	sadd.s32 $0x12900, s7  }
0xe: {  	vm0 =	vmmov $0xffff;
	vm1 =	vmmov $0xff;
	v1 =	vshrl.u32 v2, $0x3;
	s5 =	sadd.s32 $0x2400, s9;
	s6 =	sadd.s32 $0x2600, s9;
	s9 =	simm.s32 $0x3  }
0xf: {  	v0 =	vand.u32 $0x7, v2;
	v2 =	vor.u32 $0x8, v2;
	v1 =	vmul.u32 $0x8, v1;
	s4 =	sadd.s32 s4, s8;
	s8 =	smax.u32 s10, $0x1;
	s10 =	simm.s32 $0x6000  }
.LBB2_1:
0x10: {  	[tilespmem:s2], [sflag:$0x3] =	stream.linear.gather [hbm4b:s4+s2], $0x6000, $0x38;
	[tilespmem:$0x6100] =	vst v63  }
0x11: {  	_ =	swait.ge [sflag:s9], $0x6000  }
0x12: {  	[sflag:s9] =	ssyncset.done $0x0  }
0x13: {  	[sflag:s9] =	ssyncadd.s32 $0xFFFFA000  }
0x14: {  	[tilespmem:s10], [sflag:$0x3] =	stream.linear.gather [hbm4b:s5+s2], $0x40, $0x38;
	[tilespmem:$0x6100] =	vst v63  }
0x15: {  	_ =	swait.ge [sflag:s9], $0x40  }
0x16: {  	[sflag:s9] =	ssyncset.done $0x0  }
0x17: {  	[sflag:s9] =	ssyncadd.s32 $0xFFFFFFC0  }
0x18: {  	[tilespmem:s11], [sflag:$0x3] =	stream.linear.gather [hbm4b:s6+s2], $0x40, $0x38;
	[tilespmem:$0x6100] =	vst v63  }
0x19: {  	_ =	swait.ge [sflag:s9], $0x40  }
0x1a: {  	[sflag:s9] =	ssyncset.done $0x0  }
0x1b: {  	[sflag:s9] =	ssyncadd.s32 $0xFFFFFFC0  }
0x1c: {  	v3 =	vld [tilespmem:$0x6000];
	_ =	sdelay $0x4  }
0x1d: {  	v4 =	vshrl.u32 v3, $0x3  }
0x1e: {  	v4 =	vmul.u32 $0x18, v4  }
0x1f: {  	v3 =	vand.u32 $0x7, v3  }
0x20: {  	v3 =	vor.u32 v3, v4  }
0x21: {  	v4 =	vperm.xlane v3, v0;
	_ =	sdelay $0x1  }
0x22: {  	v4 =	vadd.s32 v1, v4;
	_ =	sdelay $0x1  }
0x23: {  	v3 =	vperm.xlane v3, v2;
	_ =	sdelay $0x1  }
0x24: {  	v3 =	vadd.s32 v1, v3  }
0x25: {  	[hbm4b:s3+s2] =	stream.indirect_vreg.scatter [tilespmem:s2], [sflag:$0x1], $0x80, v4, vm0, $0xb8;
	[tilespmem:$0x6100] =	vst v63  }
0x26: {  	_ = 	snop  }
0x27: {  	[hbm4b:s7+s2] =	stream.indirect_vreg.scatter [tilespmem:s12], [sflag:$0x1], $0x80, v4, vm1, $0xb8;
	[tilespmem:$0x6100] =	vst v63  }
0x28: {  	_ = 	snop  }
0x29: {  	[hbm4b:s3+s2] =	stream.indirect_vreg.scatter [tilespmem:s13], [sflag:$0x1], $0x80, v3, vm0, $0xb8;
	[tilespmem:$0x6100] =	vst v63  }
0x2a: {  	_ = 	snop  }
0x2b: {  	[hbm4b:s7+s2] =	stream.indirect_vreg.scatter [tilespmem:s14], [sflag:$0x1], $0x80, v3, vm1, $0xb8;
	[tilespmem:$0x6100] =	vst v63  }
0x2c: {  	v3 =	vld [tilespmem:$0x6010];
	_ =	sdelay $0x4  }
0x2d: {  	v57 =	vshrl.u32 v3, $0x3  }
0x2e: {  	v4 =	vmul.u32 $0x18, v57  }
0x2f: {  	v3 =	vand.u32 $0x7, v3  }
0x30: {  	v3 =	vor.u32 v3, v4  }
0x31: {  	v4 =	vperm.xlane v3, v0;
	_ =	sdelay $0x1  }
0x32: {  	v4 =	vadd.s32 v1, v4;
	_ =	sdelay $0x1  }
0x33: {  	v3 =	vperm.xlane v3, v2;
	_ =	sdelay $0x1  }
0x34: {  	v3 =	vadd.s32 v1, v3  }
0x35: {  	[hbm4b:s3+s2] =	stream.indirect_vreg.scatter [tilespmem:s15], [sflag:$0x1], $0x80, v4, vm0, $0xb8;
	[tilespmem:$0x6100] =	vst v63  }
0x36: {  	_ = 	snop  }
0x37: {  	[hbm4b:s7+s2] =	stream.indirect_vreg.scatter [tilespmem:s16], [sflag:$0x1], $0x80, v4, vm1, $0xb8;
	[tilespmem:$0x6100] =	vst v63  }
0x38: {  	_ = 	snop  }
0x39: {  	[hbm4b:s3+s2] =	stream.indirect_vreg.scatter [tilespmem:s17], [sflag:$0x1], $0x80, v3, vm0, $0xb8;
	[tilespmem:$0x6100] =	vst v63  }
0x3a: {  	_ = 	snop  }
0x3b: {  	[hbm4b:s7+s2] =	stream.indirect_vreg.scatter [tilespmem:s18], [sflag:$0x1], $0x80, v3, vm1, $0xb8;
	[tilespmem:$0x6100] =	vst v63  }
0x3c: {  	v3 =	vld [tilespmem:$0x6020];
	_ =	sdelay $0x4  }
0x3d: {  	v58 =	vshrl.u32 v3, $0x3  }
0x3e: {  	v4 =	vmul.u32 $0x18, v58  }
0x3f: {  	v3 =	vand.u32 $0x7, v3  }
0x40: {  	v3 =	vor.u32 v3, v4  }
0x41: {  	v4 =	vperm.xlane v3, v0;
	_ =	sdelay $0x1  }
0x42: {  	v4 =	vadd.s32 v1, v4;
	_ =	sdelay $0x1  }
0x43: {  	v3 =	vperm.xlane v3, v2;
	_ =	sdelay $0x1  }
0x44: {  	v3 =	vadd.s32 v1, v3  }
0x45: {  	[hbm4b:s3+s2] =	stream.indirect_vreg.scatter [tilespmem:s19], [sflag:$0x1], $0x80, v4, vm0, $0xb8;
	[tilespmem:$0x6100] =	vst v63  }
0x46: {  	_ = 	snop  }
0x47: {  	[hbm4b:s7+s2] =	stream.indirect_vreg.scatter [tilespmem:s20], [sflag:$0x1], $0x80, v4, vm1, $0xb8;
	[tilespmem:$0x6100] =	vst v63  }
0x48: {  	_ = 	snop  }
0x49: {  	[hbm4b:s3+s2] =	stream.indirect_vreg.scatter [tilespmem:s21], [sflag:$0x1], $0x80, v3, vm0, $0xb8;
	[tilespmem:$0x6100] =	vst v63  }
0x4a: {  	_ = 	snop  }
0x4b: {  	[hbm4b:s7+s2] =	stream.indirect_vreg.scatter [tilespmem:s22], [sflag:$0x1], $0x80, v3, vm1, $0xb8;
	[tilespmem:$0x6100] =	vst v63  }
0x4c: {  	v3 =	vld [tilespmem:$0x6030];
	_ =	sdelay $0x4  }
0x4d: {  	v59 =	vshrl.u32 v3, $0x3  }
0x4e: {  	v4 =	vmul.u32 $0x18, v59  }
0x4f: {  	v3 =	vand.u32 $0x7, v3  }
0x50: {  	v3 =	vor.u32 v3, v4  }
0x51: {  	v4 =	vperm.xlane v3, v0;
	_ =	sdelay $0x1  }
0x52: {  	v4 =	vadd.s32 v1, v4;
	_ =	sdelay $0x1  }
0x53: {  	v3 =	vperm.xlane v3, v2;
	_ =	sdelay $0x1  }
0x54: {  	v3 =	vadd.s32 v1, v3  }
0x55: {  	[hbm4b:s3+s2] =	stream.indirect_vreg.scatter [tilespmem:s23], [sflag:$0x1], $0x80, v4, vm0, $0xb8;
	[tilespmem:$0x6100] =	vst v63  }
0x56: {  	_ = 	snop  }
0x57: {  	[hbm4b:s7+s2] =	stream.indirect_vreg.scatter [tilespmem:s24], [sflag:$0x1], $0x80, v4, vm1, $0xb8;
	[tilespmem:$0x6100] =	vst v63  }
0x58: {  	_ = 	snop  }
0x59: {  	[hbm4b:s3+s2] =	stream.indirect_vreg.scatter [tilespmem:s25], [sflag:$0x1], $0x80, v3, vm0, $0xb8;
	[tilespmem:$0x6100] =	vst v63  }
0x5a: {  	_ = 	snop  }
0x5b: {  	[hbm4b:s7+s2] =	stream.indirect_vreg.scatter [tilespmem:s26], [sflag:$0x1], $0x80, v3, vm1, $0xb8;
	[tilespmem:$0x6100] =	vst v63  }
0x5c: {  	v3 =	vld [tilespmem:$0x6080];
	_ =	sdelay $0x4  }
0x5d: {  	v60 =	vshrl.u32 v3, $0x3  }
0x5e: {  	v4 =	vmul.u32 $0x18, v60  }
0x5f: {  	v3 =	vand.u32 $0x7, v3  }
0x60: {  	v3 =	vor.u32 v3, v4  }
0x61: {  	v4 =	vperm.xlane v3, v0;
	_ =	sdelay $0x1  }
0x62: {  	v4 =	vadd.s32 v1, v4;
	_ =	sdelay $0x1  }
0x63: {  	v3 =	vperm.xlane v3, v2;
	_ =	sdelay $0x1  }
0x64: {  	v3 =	vadd.s32 v1, v3  }
0x65: {  	[hbm4b:s3+s2] =	stream.indirect_vreg.scatter [tilespmem:s2], [sflag:$0x2], $0x80, v4, vm0, $0xb8;
	[tilespmem:$0x6100] =	vst v63  }
0x66: {  	_ = 	snop  }
0x67: {  	[hbm4b:s7+s2] =	stream.indirect_vreg.scatter [tilespmem:s12], [sflag:$0x2], $0x80, v4, vm1, $0xb8;
	[tilespmem:$0x6100] =	vst v63  }
0x68: {  	_ = 	snop  }
0x69: {  	[hbm4b:s3+s2] =	stream.indirect_vreg.scatter [tilespmem:s13], [sflag:$0x2], $0x80, v3, vm0, $0xb8;
	[tilespmem:$0x6100] =	vst v63  }
0x6a: {  	_ = 	snop  }
0x6b: {  	[hbm4b:s7+s2] =	stream.indirect_vreg.scatter [tilespmem:s14], [sflag:$0x2], $0x80, v3, vm1, $0xb8;
	[tilespmem:$0x6100] =	vst v63  }
0x6c: {  	v3 =	vld [tilespmem:$0x6090];
	_ =	sdelay $0x4  }
0x6d: {  	v61 =	vshrl.u32 v3, $0x3  }
0x6e: {  	v4 =	vmul.u32 $0x18, v61  }
0x6f: {  	v3 =	vand.u32 $0x7, v3  }
0x70: {  	v3 =	vor.u32 v3, v4  }
0x71: {  	v4 =	vperm.xlane v3, v0;
	_ =	sdelay $0x1  }
0x72: {  	v4 =	vadd.s32 v1, v4;
	_ =	sdelay $0x1  }
0x73: {  	v3 =	vperm.xlane v3, v2;
	_ =	sdelay $0x1  }
0x74: {  	v3 =	vadd.s32 v1, v3  }
0x75: {  	[hbm4b:s3+s2] =	stream.indirect_vreg.scatter [tilespmem:s15], [sflag:$0x2], $0x80, v4, vm0, $0xb8;
	[tilespmem:$0x6100] =	vst v63  }
0x76: {  	_ = 	snop  }
0x77: {  	[hbm4b:s7+s2] =	stream.indirect_vreg.scatter [tilespmem:s16], [sflag:$0x2], $0x80, v4, vm1, $0xb8;
	[tilespmem:$0x6100] =	vst v63  }
0x78: {  	_ = 	snop  }
0x79: {  	[hbm4b:s3+s2] =	stream.indirect_vreg.scatter [tilespmem:s17], [sflag:$0x2], $0x80, v3, vm0, $0xb8;
	[tilespmem:$0x6100] =	vst v63  }
0x7a: {  	_ = 	snop  }
0x7b: {  	[hbm4b:s7+s2] =	stream.indirect_vreg.scatter [tilespmem:s18], [sflag:$0x2], $0x80, v3, vm1, $0xb8;
	[tilespmem:$0x6100] =	vst v63  }
0x7c: {  	v3 =	vld [tilespmem:$0x60A0];
	_ =	sdelay $0x4  }
0x7d: {  	v62 =	vshrl.u32 v3, $0x3  }
0x7e: {  	v4 =	vmul.u32 $0x18, v62  }
0x7f: {  	v3 =	vand.u32 $0x7, v3  }
0x80: {  	v3 =	vor.u32 v3, v4  }
0x81: {  	v4 =	vperm.xlane v3, v0;
	_ =	sdelay $0x1  }
0x82: {  	v4 =	vadd.s32 v1, v4;
	_ =	sdelay $0x1  }
0x83: {  	v3 =	vperm.xlane v3, v2;
	_ =	sdelay $0x1  }
0x84: {  	v3 =	vadd.s32 v1, v3  }
0x85: {  	[hbm4b:s3+s2] =	stream.indirect_vreg.scatter [tilespmem:s19], [sflag:$0x2], $0x80, v4, vm0, $0xb8;
	[tilespmem:$0x6100] =	vst v63  }
0x86: {  	_ = 	snop  }
0x87: {  	[hbm4b:s7+s2] =	stream.indirect_vreg.scatter [tilespmem:s20], [sflag:$0x2], $0x80, v4, vm1, $0xb8;
	[tilespmem:$0x6100] =	vst v63  }
0x88: {  	_ = 	snop  }
0x89: {  	[hbm4b:s3+s2] =	stream.indirect_vreg.scatter [tilespmem:s21], [sflag:$0x2], $0x80, v3, vm0, $0xb8;
	[tilespmem:$0x6100] =	vst v63  }
0x8a: {  	_ = 	snop  }
0x8b: {  	[hbm4b:s7+s2] =	stream.indirect_vreg.scatter [tilespmem:s22], [sflag:$0x2], $0x80, v3, vm1, $0xb8;
	[tilespmem:$0x6100] =	vst v63  }
0x8c: {  	v3 =	vld [tilespmem:$0x60B0];
	_ =	sdelay $0x4  }
0x8d: {  	v63 =	vshrl.u32 v3, $0x3  }
0x8e: {  	v4 =	vmul.u32 $0x18, v63  }
0x8f: {  	v3 =	vand.u32 $0x7, v3  }
0x90: {  	v3 =	vor.u32 v3, v4  }
0x91: {  	v4 =	vperm.xlane v3, v0;
	_ =	sdelay $0x1  }
0x92: {  	v4 =	vadd.s32 v1, v4;
	_ =	sdelay $0x1  }
0x93: {  	v3 =	vperm.xlane v3, v2;
	_ =	sdelay $0x1  }
0x94: {  	v3 =	vadd.s32 v1, v3  }
0x95: {  	[hbm4b:s3+s2] =	stream.indirect_vreg.scatter [tilespmem:s23], [sflag:$0x2], $0x80, v4, vm0, $0xb8;
	[tilespmem:$0x6100] =	vst v63  }
0x96: {  	_ = 	snop  }
0x97: {  	[hbm4b:s7+s2] =	stream.indirect_vreg.scatter [tilespmem:s24], [sflag:$0x2], $0x80, v4, vm1, $0xb8;
	[tilespmem:$0x6100] =	vst v63  }
0x98: {  	_ = 	snop  }
0x99: {  	[hbm4b:s3+s2] =	stream.indirect_vreg.scatter [tilespmem:s25], [sflag:$0x2], $0x80, v3, vm0, $0xb8;
	[tilespmem:$0x6100] =	vst v63  }
0x9a: {  	_ = 	snop  }
0x9b: {  	[hbm4b:s7+s2] =	stream.indirect_vreg.scatter [tilespmem:s26], [sflag:$0x2], $0x80, v3, vm1, $0xb8;
	[tilespmem:$0x6100] =	vst v63  }
0x9c: {  	p0 =	sne.s32 s8, $0x1;
	_ =	swait.ge [sflag:s28], $0x6000  }
.Ltmp0:
0x9d: {  	[sflag:s28] =	ssyncset.done $0x0;
	(pc) =	sbr.rel @p0 .LBB2_1-.Ltmp0, $4  }
0x9e: {  	[sflag:s28] =	ssyncadd.s32 $0xFFFFA000  }
0x9f: {  	_ =	swait.ge [sflag:s29], $0x6000  }
0xa0: {  	[sflag:s29] =	ssyncset.done $0x0  }
0xa1: {  	s8 =	sadd.s32 $0xFFFFFFFF, s8;
	[sflag:s29] =	ssyncadd.s32 $0xFFFFA000  }
0xa2: {  	_ =	sfence.sel $0x180000  }
0xa3: {  	[bflag:$0x0] =	sbarrier.arrive $0xFFFF  }
0xa4: {  	p0 =	sne.s32 s0, $0x0;
	_ =	strace $0x90000047  }
0xa5: {  	s0 =	sadd.s32 @!p0 $0x100000, s1;
	[bflag:$0x2] =	sbarrier.arrive $0xFFFF  }
0xa6: {  	[sflag:s0] =	ssyncadd.tile.s32 @!p0 $0x1;
	_ =	shalt  }
.Lfunc_end2:
_tile_overlayer_lowered:
.L_overlay_start_2:
0xa7: {  	(tag) =	ssettag $0x2  }
0xa8: {  	s0 =	rddreg [dreg:$0x0];
	s2 =	stileid.u32  }
0xa9: {  	s1 =	rddreg [dreg:$0x1];
	p0 =	sne.s32 s2, $0x0  }
0xaa: {  	s3 =	rddreg [dreg:$0x2];
	[bflag:$0x3] =	sbarrier.arrive $0xFFFF;
	s2 =	simm.s32 @!p0 $0x1C03  }
0xab: {  	[timem:s3], [sflag:s2] =	dma.local @!p0 [hbm:s0], s1  }
0xac: {  	s0 =	simm.s32 @!p0 $0x3  }
0xad: {  	_ =	swait.ge @!p0 [sflag:s0], s1  }
0xae: {  	s1 =	ssub.s32 @!p0 $0x0, s1;
	[sflag:s0] =	ssyncset.done @!p0 $0x0  }
0xaf: {  	[sflag:s0] =	ssyncadd.s32 @!p0 s1  }
0xb0: {  	[bflag:$0x3] =	sbarrier.arrive $0xFFFF  }
0xb1: {  	_ =	shalt  }

</sc_bundles>
